<compile_context>
chip_gen: v7x
topology: tpu7x:2x2x1
jax: 0.10.2.dev20260603
libtpu: 0.0.44.dev20260713+nightly
codegen_flags: <defaults>
</compile_context>

<pallas_src>
import functools

import jax
import jax.numpy as jnp
from jax import lax
from jax.experimental import pallas as pl
from jax.experimental.pallas import tpu as pltpu
from jax.experimental.pallas import tpu_sc as plsc

N = 10000
E = 320000
H = 128
IN_DIM = 32
NB = 100
LAYERS = 4

NC = 2
NS = 16
NW = NC * NS

K = 128
CW = 80
C_TOT = CW * NW
E_PAD = C_TOT * K
N_ACC = 10240
RPT = N_ACC // NS

_mesh = plsc.VectorSubcoreMesh(
    core_axis_name="c", subcore_axis_name="s", num_cores=NC, num_subcores=NS
)


def _zero_buf(buf, rows, width):
    def zrow(i, carry):
        for j in range(width // 16):
            buf[i, pl.ds(j * 16, 16)] = jnp.zeros((16,), jnp.float32)
        return carry
    lax.fori_loop(0, rows, zrow, 0)


def _fill_ones(buf, rows, width):
    def frow(i, carry):
        for j in range(width // 16):
            buf[i, pl.ds(j * 16, 16)] = jnp.ones((16,), jnp.float32)
        return carry
    lax.fori_loop(0, rows, frow, 0)


@functools.partial(
    pl.kernel,
    out_type=jax.ShapeDtypeStruct((NC, N_ACC, 16), jnp.float32),
    mesh=_mesh,
    scratch_types=[
        pltpu.VMEM((CW, K), jnp.int32),
        pltpu.VMEM((K, 16), jnp.float32),
        pltpu.VMEM_SHARED((N_ACC, 16), jnp.float32),
    ],
)
def _deg_kernel(dsts_hbm, out_hbm, dst_v, ones_v, acc):
    c = lax.axis_index("c")
    s = lax.axis_index("s")
    base = (c * NS + s) * CW
    pltpu.sync_copy(dsts_hbm.at[pl.ds(base, CW)], dst_v)
    _zero_buf(ones_v, K, 16)
    r0 = s * RPT
    for w in range(RPT // K):
        pltpu.sync_copy(ones_v, acc.at[pl.ds(r0 + w * K, K)])
    _fill_ones(ones_v, K, 16)
    plsc.subcore_barrier()

    def body(t, carry):
        pltpu.sync_copy(ones_v, acc.at[dst_v.at[t]], add=True)
        return carry

    lax.fori_loop(0, CW, body, 0)
    plsc.subcore_barrier()
    for w in range(RPT // K):
        sl = pl.ds(r0 + w * K, K)
        pltpu.sync_copy(acc.at[sl], out_hbm.at[c].at[sl])


IW = CW // 2


@functools.partial(
    pl.kernel,
    out_type=jax.ShapeDtypeStruct((NC, N_ACC, H), jnp.float32),
    mesh=_mesh,
    scratch_types=[
        pltpu.VMEM((IW, K), jnp.int32),
        pltpu.VMEM((IW, K), jnp.int32),
        pltpu.VMEM((K, H), jnp.float32),
        pltpu.VMEM((K, H), jnp.float32),
        pltpu.VMEM_SHARED((N_ACC, H), jnp.float32),
        pltpu.SemaphoreType.DMA,
        pltpu.SemaphoreType.DMA,
        pltpu.SemaphoreType.DMA,
        pltpu.SemaphoreType.DMA,
    ],
)
def _agg_kernel(hw_hbm, srcs_hbm, dsts_hbm, out_hbm, src_v, dst_v,
                rows0, rows1, acc, gsem0, gsem1, ssem0, ssem1):
    c = lax.axis_index("c")
    s = lax.axis_index("s")
    base = (c * NS + s) * CW
    rows = (rows0, rows1)
    gsems = (gsem0, gsem1)
    ssems = (ssem0, ssem1)

    _zero_buf(rows0, K, H)
    r0 = s * RPT
    for w in range(RPT // K):
        pltpu.sync_copy(rows0, acc.at[pl.ds(r0 + w * K, K)])
    plsc.subcore_barrier()

    for phase in range(2):
        if phase == 1:
            pltpu.make_async_copy(rows1, acc.at[dst_v.at[IW - 1]], ssem1).wait()
        pltpu.sync_copy(srcs_hbm.at[pl.ds(base + phase * IW, IW)], src_v)
        pltpu.sync_copy(dsts_hbm.at[pl.ds(base + phase * IW, IW)], dst_v)
        pltpu.async_copy(hw_hbm.at[src_v.at[0]], rows0, gsem0)

        pltpu.make_async_copy(hw_hbm.at[src_v.at[0]], rows0, gsem0).wait()
        pltpu.async_copy(rows0, acc.at[dst_v.at[0]], ssem0, add=True)
        pltpu.async_copy(hw_hbm.at[src_v.at[1]], rows1, gsem1)

        def body(u, carry):
            for off in (1, 2):
                t = 2 * u + off
                par = off % 2
                pltpu.make_async_copy(
                    hw_hbm.at[src_v.at[t]], rows[par], gsems[par]).wait()
                pltpu.make_async_copy(
                    rows[1 - par], acc.at[dst_v.at[t - 1]], ssems[1 - par]).wait()
                pltpu.async_copy(rows[par], acc.at[dst_v.at[t]], ssems[par],
                                 add=True)
                pltpu.async_copy(
                    hw_hbm.at[src_v.at[t + 1]], rows[1 - par], gsems[1 - par])
            return carry

        lax.fori_loop(0, (IW - 2) // 2, body, 0)

        pltpu.make_async_copy(hw_hbm.at[src_v.at[IW - 1]], rows1, gsem1).wait()
        pltpu.make_async_copy(rows0, acc.at[dst_v.at[IW - 2]], ssem0).wait()
        pltpu.async_copy(rows1, acc.at[dst_v.at[IW - 1]], ssem1, add=True)

    pltpu.make_async_copy(rows1, acc.at[dst_v.at[IW - 1]], ssem1).wait()
    plsc.subcore_barrier()
    for w in range(RPT // K):
        sl = pl.ds(r0 + w * K, K)
        pltpu.sync_copy(acc.at[sl], out_hbm.at[c].at[sl])


R = 1000
GRID = N // R


def _embed_body(x0_ref, x1_ref, ce_ref, ne_ref, h_ref):
    x0 = x0_ref[...]
    x1 = x1_ref[...]
    oh0 = (x0 == lax.broadcasted_iota(jnp.int32, (R, IN_DIM), 1)).astype(jnp.float32)
    oh1 = (x1 == lax.broadcasted_iota(jnp.int32, (R, IN_DIM + 1), 1)).astype(jnp.float32)
    h_ref[...] = (jnp.dot(oh0, ce_ref[...], preferred_element_type=jnp.float32)
                  + jnp.dot(oh1, ne_ref[...], preferred_element_type=jnp.float32))


_embed_call = pl.pallas_call(
    _embed_body,
    grid=(GRID,),
    in_specs=[
        pl.BlockSpec((R, 1), lambda i: (i, 0)),
        pl.BlockSpec((R, 1), lambda i: (i, 0)),
        pl.BlockSpec((IN_DIM, H), lambda i: (0, 0)),
        pl.BlockSpec((IN_DIM + 1, H), lambda i: (0, 0)),
    ],
    out_specs=pl.BlockSpec((R, H), lambda i: (i, 0)),
    out_shape=jax.ShapeDtypeStruct((N, H), jnp.float32),
)


def _pre_body(h_ref, degp_ref, w0_ref, dinv_ref, hw_ref):
    deg = degp_ref[0, :, 0:1] + degp_ref[1, :, 0:1] + 1.0
    dinv = lax.rsqrt(deg)
    dinv_ref[...] = dinv
    hw_ref[...] = dinv * jnp.dot(h_ref[...], w0_ref[...],
                                 preferred_element_type=jnp.float32)


_pre_call = pl.pallas_call(
    _pre_body,
    grid=(GRID,),
    in_specs=[
        pl.BlockSpec((R, H), lambda i: (i, 0)),
        pl.BlockSpec((NC, R, 16), lambda i: (0, i, 0)),
        pl.BlockSpec((H, H), lambda i: (0, 0)),
    ],
    out_specs=[
        pl.BlockSpec((R, 1), lambda i: (i, 0)),
        pl.BlockSpec((R, H), lambda i: (i, 0)),
    ],
    out_shape=[
        jax.ShapeDtypeStruct((N, 1), jnp.float32),
        jax.ShapeDtypeStruct((N, H), jnp.float32),
    ],
)


def _ln_block(h_ref, hw_ref, p_ref, dinv_ref, b_ref, g_ref, be_ref):
    dinv = dinv_ref[...]
    agg = p_ref[0] + p_ref[1] + hw_ref[...]
    conv = dinv * agg + b_ref[...]
    hn = jnp.maximum(conv, 0.0)
    sres = h_ref[...] + hn
    m = jnp.mean(sres, axis=-1, keepdims=True)
    d = sres - m
    v = jnp.mean(d * d, axis=-1, keepdims=True)
    return d * lax.rsqrt(v + 1e-5) * g_ref[...] + be_ref[...]


def _layer_body(h_ref, hw_ref, p_ref, dinv_ref, b_ref, g_ref, be_ref, wn_ref,
                ho_ref, hwo_ref):
    hnew = _ln_block(h_ref, hw_ref, p_ref, dinv_ref, b_ref, g_ref, be_ref)
    ho_ref[...] = hnew
    hwo_ref[...] = dinv_ref[...] * jnp.dot(hnew, wn_ref[...],
                                           preferred_element_type=jnp.float32)


_layer_call = pl.pallas_call(
    _layer_body,
    grid=(GRID,),
    in_specs=[
        pl.BlockSpec((R, H), lambda i: (i, 0)),
        pl.BlockSpec((R, H), lambda i: (i, 0)),
        pl.BlockSpec((NC, R, H), lambda i: (0, i, 0)),
        pl.BlockSpec((R, 1), lambda i: (i, 0)),
        pl.BlockSpec((1, H), lambda i: (0, 0)),
        pl.BlockSpec((1, H), lambda i: (0, 0)),
        pl.BlockSpec((1, H), lambda i: (0, 0)),
        pl.BlockSpec((H, H), lambda i: (0, 0)),
    ],
    out_specs=[
        pl.BlockSpec((R, H), lambda i: (i, 0)),
        pl.BlockSpec((R, H), lambda i: (i, 0)),
    ],
    out_shape=[
        jax.ShapeDtypeStruct((N, H), jnp.float32),
        jax.ShapeDtypeStruct((N, H), jnp.float32),
    ],
)


def _last_body(h_ref, hw_ref, p_ref, dinv_ref, b_ref, g_ref, be_ref, ho_ref):
    ho_ref[...] = _ln_block(h_ref, hw_ref, p_ref, dinv_ref, b_ref, g_ref, be_ref)


_last_call = pl.pallas_call(
    _last_body,
    grid=(GRID,),
    in_specs=[
        pl.BlockSpec((R, H), lambda i: (i, 0)),
        pl.BlockSpec((R, H), lambda i: (i, 0)),
        pl.BlockSpec((NC, R, H), lambda i: (0, i, 0)),
        pl.BlockSpec((R, 1), lambda i: (i, 0)),
        pl.BlockSpec((1, H), lambda i: (0, 0)),
        pl.BlockSpec((1, H), lambda i: (0, 0)),
        pl.BlockSpec((1, H), lambda i: (0, 0)),
    ],
    out_specs=[pl.BlockSpec((R, H), lambda i: (i, 0))],
    out_shape=[jax.ShapeDtypeStruct((N, H), jnp.float32)],
)


def _logits_body(roots_ref, wout_ref, bz_ref, out_ref):
    out_ref[...] = (
        jnp.dot(roots_ref[...], wout_ref[...], preferred_element_type=jnp.float32)
        + bz_ref[...]
    )


_logits_call = pl.pallas_call(
    _logits_body,
    out_shape=jax.ShapeDtypeStruct((NB, IN_DIM), jnp.float32),
)


def kernel(x, edge_index, batch, classes_emb, neigh_emb, Ws, bs, gammas, betas, Wout):
    src = edge_index[0]
    dst = edge_index[1]
    pad = E_PAD - E
    pad_src = jnp.arange(pad, dtype=jnp.int32) % jnp.int32(N)
    pad_dst = N + jnp.arange(pad, dtype=jnp.int32) % jnp.int32(N_ACC - N)
    srcs = jnp.concatenate([src, pad_src]).reshape(C_TOT, K)
    dsts = jnp.concatenate([dst, pad_dst]).reshape(C_TOT, K)

    degp = _deg_kernel(dsts)
    h = _embed_call(x[:, 0:1], x[:, 1:2], classes_emb, neigh_emb)
    dinv, hw = _pre_call(h, degp, Ws[0])

    for i in range(LAYERS - 1):
        part = _agg_kernel(hw, srcs, dsts)
        h, hw = _layer_call(h, hw, part, dinv,
                            bs[i].reshape(1, H), gammas[i].reshape(1, H),
                            betas[i].reshape(1, H), Ws[i + 1])

    part = _agg_kernel(hw, srcs, dsts)
    (h,) = _last_call(h, hw, part, dinv,
                      bs[3].reshape(1, H), gammas[3].reshape(1, H),
                      betas[3].reshape(1, H))

    roots = h.reshape(NB, N // NB, H)[:, 0, :]
    bz = (batch[-1] + 1 - NB).astype(jnp.float32).reshape(1, 1)
    return _logits_call(roots, Wout, bz)

# --- scband reference (transcript-rebuilt; emitter-appended) ---
"""Pipeline reference for scband-gcn-23124103922300 (READ-ONLY COPY).

The authoritative reference and input builder live on the scoring server;
editing this copy changes nothing except your own understanding.
"""

import jax, jax.numpy as jnp
import numpy as np

INPUT_DIM = 32
HIDDEN = 128
OUTPUT = 32
LAYERS = 4
N = 10000
E = 320000
NB = 100


def setup_inputs(seed: int = 0) -> dict:
    key = jax.random.key(seed)
    ks = jax.random.split(key, 8)
    x = jax.random.randint(ks[0], (N, 2), 0, INPUT_DIM, dtype=jnp.int32)
    edge_index = jax.random.randint(ks[1], (2, E), 0, N, dtype=jnp.int32)
    batch = jnp.repeat(jnp.arange(NB, dtype=jnp.int32), N // NB)
    classes_emb = jax.random.normal(ks[2], (INPUT_DIM, HIDDEN), dtype=jnp.float32)
    neigh_emb = jax.random.normal(ks[3], (INPUT_DIM + 1, HIDDEN), dtype=jnp.float32)
    Ws = jax.random.normal(ks[4], (LAYERS, HIDDEN, HIDDEN), dtype=jnp.float32) * (1.0 / np.sqrt(HIDDEN))
    bs = jnp.zeros((LAYERS, HIDDEN), dtype=jnp.float32)
    gammas = jnp.ones((LAYERS, HIDDEN), dtype=jnp.float32)
    betas = jnp.zeros((LAYERS, HIDDEN), dtype=jnp.float32)
    Wout = jax.random.normal(ks[5], (HIDDEN, OUTPUT), dtype=jnp.float32) * (1.0 / np.sqrt(HIDDEN))
    return {"x": x, "edge_index": edge_index, "batch": batch,
            "classes_emb": classes_emb, "neigh_emb": neigh_emb,
            "Ws": Ws, "bs": bs, "gammas": gammas, "betas": betas, "Wout": Wout}


def _gcn_conv(h, src, dst, W, b):
    # PyG GCNConv: x @ W, add self loops, symmetric D^-1/2 (A+I) D^-1/2 aggregation, + bias
    n = h.shape[0]
    hw = h @ W
    deg = jnp.zeros((n,), dtype=h.dtype).at[dst].add(1.0)
    dinv = jnp.where(deg > 0, 1.0 / jnp.sqrt(deg), 0.0)
    norm = dinv[src] * dinv[dst]
    out = jnp.zeros_like(hw).at[dst].add(hw[src] * norm[:, None])
    return out + b


def _layer_norm(x, g, b, eps=1e-5):
    m = x.mean(-1, keepdims=True)
    v = ((x - m) ** 2).mean(-1, keepdims=True)
    return (x - m) / jnp.sqrt(v + eps) * g + b


def reference(x, edge_index, batch, classes_emb, neigh_emb, Ws, bs, gammas, betas, Wout):
    n = x.shape[0]
    num_batches = NB
    num_nodes = n // num_batches
    self_loop = jnp.arange(n, dtype=edge_index.dtype)
    src = jnp.concatenate([edge_index[0], self_loop])
    dst = jnp.concatenate([edge_index[1], self_loop])
    h = classes_emb[x[:, 0]] + neigh_emb[x[:, 1]]
    for i in range(LAYERS):
        h_new = jax.nn.relu(_gcn_conv(h, src, dst, Ws[i], bs[i]))
        h = _layer_norm(h + h_new, gammas[i], betas[i])
    roots = h[::num_nodes]  # root node (index 0) of each graph
    logits = roots @ Wout
    batch_zero = (batch[-1] + 1 - num_batches).astype(logits.dtype)
    logits = logits + batch_zero
    return logits

if __name__ == "__main__":
    import jax
    _d = setup_inputs()
    print(jax.jit(kernel)(*tuple(_d.values())))

</pallas_src>

<mosaic_0001>
#map = affine_map<(d0, d1) -> (0, 0)>
#map1 = affine_map<(d0, d1) -> (0, 0, 0)>
module attributes {stable_mosaic.version = 14 : i64} {
  func.func @_deg_kernel(%arg0: i32, %arg1: i32, %arg2: memref<2560x128xi32, #tpu.memory_space<hbm>>, %arg3: memref<2x10240x16xf32, #tpu.memory_space<hbm>>, %arg4: memref<80x128xi32, #tpu.memory_space<vmem>>, %arg5: memref<128x16xf32, #tpu.memory_space<vmem>>, %arg6: memref<10240x16xf32, #tpu.memory_space<vmem_shared>>) attributes {dimension_semantics = [#tpu.dimension_semantics<core_parallel>, #tpu.dimension_semantics<subcore_parallel>], iteration_bounds = array<i64: 2, 16>, scalar_prefetch = 0 : i64, scratch_operands = 3 : i64, tpu.core_type = #tpu.core_type<sc_vector_subcore>, window_params = [{transform_indices = #map}, {transform_indices = #map1}]} {
    %mul3A = arith.constant 16 : i32
    %mul3A_0 = arith.muli %arg0, %mul3A : i32
    %add3A = arith.addi %mul3A_0, %arg1 : i32
    %mul3A_1 = arith.constant 80 : i32
    %mul3A_2 = arith.muli %add3A, %mul3A_1 : i32
    "tpu.region"() ({
      %run_scoped3A = tpu.sem_alloc : memref<!tpu.dma_semaphore, #tpu.memory_space<semaphore_mem>>
      %dma_start3A = arith.constant 0 : i32
      %dma_start3A_43 = tpu.memref_slice %arg2[%mul3A_2, %dma_start3A] : memref<2560x128xi32, #tpu.memory_space<hbm>> -> memref<80x128xi32, #tpu.memory_space<hbm>>
      %dma_start3A_44 = arith.constant 0 : i32
      %dma_start3A_45 = tpu.memref_slice %arg2[%mul3A_2, %dma_start3A_44] : memref<2560x128xi32, #tpu.memory_space<hbm>> -> memref<80x128xi32, #tpu.memory_space<hbm>>
      tpu.enqueue_dma source(%dma_start3A_45 : memref<80x128xi32, #tpu.memory_space<hbm>>) target(%arg4 : memref<80x128xi32, #tpu.memory_space<vmem>>) target_semaphore(%run_scoped3A : memref<!tpu.dma_semaphore, #tpu.memory_space<semaphore_mem>>)
      %dma_wait3A = arith.constant 0 : i32
      %dma_wait3A_46 = tpu.memref_slice %arg2[%mul3A_2, %dma_wait3A] : memref<2560x128xi32, #tpu.memory_space<hbm>> -> memref<80x128xi32, #tpu.memory_space<hbm>>
      %dma_wait3A_47 = arith.constant 0 : i32
      %dma_wait3A_48 = tpu.memref_slice %arg2[%mul3A_2, %dma_wait3A_47] : memref<2560x128xi32, #tpu.memory_space<hbm>> -> memref<80x128xi32, #tpu.memory_space<hbm>>
      tpu.wait_dma2 semaphore(%run_scoped3A : memref<!tpu.dma_semaphore, #tpu.memory_space<semaphore_mem>>) src(%dma_wait3A_48 : memref<80x128xi32, #tpu.memory_space<hbm>>) dst(%arg4 : memref<80x128xi32, #tpu.memory_space<vmem>>)
      tpu.yield
    }) : () -> ()
    %scan3A = arith.constant 0 : i32
    %scan3A_3 = arith.constant 0 : i32
    %scan3A_4 = arith.constant 128 : i32
    %scan3A_5 = arith.addi %scan3A_3, %scan3A_4 : i32
    %scan3A_6 = arith.constant 1 : i32
    scf.for %scan3A_43 = %scan3A_3 to %scan3A_5 step %scan3A_6  : i32 {
      %broadcast_in_dim3A = arith.constant 0.000000e+00 : f32
      %broadcast_in_dim3A_44 = vector.broadcast %broadcast_in_dim3A : f32 to vector<16xf32>
      %swap3A = arith.index_cast %scan3A_43 : i32 to index
      %swap3A_45 = arith.constant 0 : index
      %swap3A_46 = tpu.vector_load %arg5[%swap3A, %swap3A_45] {strides = array<i32>} : memref<128x16xf32, #tpu.memory_space<vmem>>, vector<1x16xf32>,
      %swap3A_47 = vector.shape_cast %swap3A_46 : vector<1x16xf32> to vector<16xf32>
      %swap3A_48 = vector.shape_cast %broadcast_in_dim3A_44 : vector<16xf32> to vector<1x16xf32>
      tpu.vector_store %arg5[%swap3A, %swap3A_45], %swap3A_48 {strides = array<i32>} : memref<128x16xf32, #tpu.memory_space<vmem>>, vector<1x16xf32>,
    }
    %scan3A_7 = arith.constant 128 : i32
    %mul3A_8 = arith.constant 640 : i32
    %mul3A_9 = arith.muli %arg1, %mul3A_8 : i32
    %add3A_10 = arith.constant 0 : i32
    %add3A_11 = arith.addi %mul3A_9, %add3A_10 : i32
    "tpu.region"() ({
      %run_scoped3A = tpu.sem_alloc : memref<!tpu.dma_semaphore, #tpu.memory_space<semaphore_mem>>
      %dma_start3A = arith.constant 0 : i32
      %dma_start3A_43 = tpu.memref_slice %arg6[%add3A_11, %dma_start3A] : memref<10240x16xf32, #tpu.memory_space<vmem_shared>> -> memref<128x16xf32, #tpu.memory_space<vmem_shared>>
      %dma_start3A_44 = arith.constant 0 : i32
      %dma_start3A_45 = tpu.memref_slice %arg6[%add3A_11, %dma_start3A_44] : memref<10240x16xf32, #tpu.memory_space<vmem_shared>> -> memref<128x16xf32, #tpu.memory_space<vmem_shared>>
      tpu.enqueue_dma source(%arg5 : memref<128x16xf32, #tpu.memory_space<vmem>>) target(%dma_start3A_45 : memref<128x16xf32, #tpu.memory_space<vmem_shared>>) target_semaphore(%run_scoped3A : memref<!tpu.dma_semaphore, #tpu.memory_space<semaphore_mem>>)
      %dma_wait3A = arith.constant 0 : i32
      %dma_wait3A_46 = tpu.memref_slice %arg6[%add3A_11, %dma_wait3A] : memref<10240x16xf32, #tpu.memory_space<vmem_shared>> -> memref<128x16xf32, #tpu.memory_space<vmem_shared>>
      %dma_wait3A_47 = arith.constant 0 : i32
      %dma_wait3A_48 = tpu.memref_slice %arg6[%add3A_11, %dma_wait3A_47] : memref<10240x16xf32, #tpu.memory_space<vmem_shared>> -> memref<128x16xf32, #tpu.memory_space<vmem_shared>>
      tpu.wait_dma2 semaphore(%run_scoped3A : memref<!tpu.dma_semaphore, #tpu.memory_space<semaphore_mem>>) src(%arg5 : memref<128x16xf32, #tpu.memory_space<vmem>>) dst(%dma_wait3A_48 : memref<128x16xf32, #tpu.memory_space<vmem_shared>>)
      tpu.yield
    }) : () -> ()
    %add3A_12 = arith.constant 128 : i32
    %add3A_13 = arith.addi %mul3A_9, %add3A_12 : i32
    "tpu.region"() ({
      %run_scoped3A = tpu.sem_alloc : memref<!tpu.dma_semaphore, #tpu.memory_space<semaphore_mem>>
      %dma_start3A = arith.constant 0 : i32
      %dma_start3A_43 = tpu.memref_slice %arg6[%add3A_13, %dma_start3A] : memref<10240x16xf32, #tpu.memory_space<vmem_shared>> -> memref<128x16xf32, #tpu.memory_space<vmem_shared>>
      %dma_start3A_44 = arith.constant 0 : i32
      %dma_start3A_45 = tpu.memref_slice %arg6[%add3A_13, %dma_start3A_44] : memref<10240x16xf32, #tpu.memory_space<vmem_shared>> -> memref<128x16xf32, #tpu.memory_space<vmem_shared>>
      tpu.enqueue_dma source(%arg5 : memref<128x16xf32, #tpu.memory_space<vmem>>) target(%dma_start3A_45 : memref<128x16xf32, #tpu.memory_space<vmem_shared>>) target_semaphore(%run_scoped3A : memref<!tpu.dma_semaphore, #tpu.memory_space<semaphore_mem>>)
      %dma_wait3A = arith.constant 0 : i32
      %dma_wait3A_46 = tpu.memref_slice %arg6[%add3A_13, %dma_wait3A] : memref<10240x16xf32, #tpu.memory_space<vmem_shared>> -> memref<128x16xf32, #tpu.memory_space<vmem_shared>>
      %dma_wait3A_47 = arith.constant 0 : i32
      %dma_wait3A_48 = tpu.memref_slice %arg6[%add3A_13, %dma_wait3A_47] : memref<10240x16xf32, #tpu.memory_space<vmem_shared>> -> memref<128x16xf32, #tpu.memory_space<vmem_shared>>
      tpu.wait_dma2 semaphore(%run_scoped3A : memref<!tpu.dma_semaphore, #tpu.memory_space<semaphore_mem>>) src(%arg5 : memref<128x16xf32, #tpu.memory_space<vmem>>) dst(%dma_wait3A_48 : memref<128x16xf32, #tpu.memory_space<vmem_shared>>)
      tpu.yield
    }) : () -> ()
    %add3A_14 = arith.constant 256 : i32
    %add3A_15 = arith.addi %mul3A_9, %add3A_14 : i32
    "tpu.region"() ({
      %run_scoped3A = tpu.sem_alloc : memref<!tpu.dma_semaphore, #tpu.memory_space<semaphore_mem>>
      %dma_start3A = arith.constant 0 : i32
      %dma_start3A_43 = tpu.memref_slice %arg6[%add3A_15, %dma_start3A] : memref<10240x16xf32, #tpu.memory_space<vmem_shared>> -> memref<128x16xf32, #tpu.memory_space<vmem_shared>>
      %dma_start3A_44 = arith.constant 0 : i32
      %dma_start3A_45 = tpu.memref_slice %arg6[%add3A_15, %dma_start3A_44] : memref<10240x16xf32, #tpu.memory_space<vmem_shared>> -> memref<128x16xf32, #tpu.memory_space<vmem_shared>>
      tpu.enqueue_dma source(%arg5 : memref<128x16xf32, #tpu.memory_space<vmem>>) target(%dma_start3A_45 : memref<128x16xf32, #tpu.memory_space<vmem_shared>>) target_semaphore(%run_scoped3A : memref<!tpu.dma_semaphore, #tpu.memory_space<semaphore_mem>>)
      %dma_wait3A = arith.constant 0 : i32
      %dma_wait3A_46 = tpu.memref_slice %arg6[%add3A_15, %dma_wait3A] : memref<10240x16xf32, #tpu.memory_space<vmem_shared>> -> memref<128x16xf32, #tpu.memory_space<vmem_shared>>
      %dma_wait3A_47 = arith.constant 0 : i32
      %dma_wait3A_48 = tpu.memref_slice %arg6[%add3A_15, %dma_wait3A_47] : memref<10240x16xf32, #tpu.memory_space<vmem_shared>> -> memref<128x16xf32, #tpu.memory_space<vmem_shared>>
      tpu.wait_dma2 semaphore(%run_scoped3A : memref<!tpu.dma_semaphore, #tpu.memory_space<semaphore_mem>>) src(%arg5 : memref<128x16xf32, #tpu.memory_space<vmem>>) dst(%dma_wait3A_48 : memref<128x16xf32, #tpu.memory_space<vmem_shared>>)
      tpu.yield
    }) : () -> ()
    %add3A_16 = arith.constant 384 : i32
    %add3A_17 = arith.addi %mul3A_9, %add3A_16 : i32
    "tpu.region"() ({
      %run_scoped3A = tpu.sem_alloc : memref<!tpu.dma_semaphore, #tpu.memory_space<semaphore_mem>>
      %dma_start3A = arith.constant 0 : i32
      %dma_start3A_43 = tpu.memref_slice %arg6[%add3A_17, %dma_start3A] : memref<10240x16xf32, #tpu.memory_space<vmem_shared>> -> memref<128x16xf32, #tpu.memory_space<vmem_shared>>
      %dma_start3A_44 = arith.constant 0 : i32
      %dma_start3A_45 = tpu.memref_slice %arg6[%add3A_17, %dma_start3A_44] : memref<10240x16xf32, #tpu.memory_space<vmem_shared>> -> memref<128x16xf32, #tpu.memory_space<vmem_shared>>
      tpu.enqueue_dma source(%arg5 : memref<128x16xf32, #tpu.memory_space<vmem>>) target(%dma_start3A_45 : memref<128x16xf32, #tpu.memory_space<vmem_shared>>) target_semaphore(%run_scoped3A : memref<!tpu.dma_semaphore, #tpu.memory_space<semaphore_mem>>)
      %dma_wait3A = arith.constant 0 : i32
      %dma_wait3A_46 = tpu.memref_slice %arg6[%add3A_17, %dma_wait3A] : memref<10240x16xf32, #tpu.memory_space<vmem_shared>> -> memref<128x16xf32, #tpu.memory_space<vmem_shared>>
      %dma_wait3A_47 = arith.constant 0 : i32
      %dma_wait3A_48 = tpu.memref_slice %arg6[%add3A_17, %dma_wait3A_47] : memref<10240x16xf32, #tpu.memory_space<vmem_shared>> -> memref<128x16xf32, #tpu.memory_space<vmem_shared>>
      tpu.wait_dma2 semaphore(%run_scoped3A : memref<!tpu.dma_semaphore, #tpu.memory_space<semaphore_mem>>) src(%arg5 : memref<128x16xf32, #tpu.memory_space<vmem>>) dst(%dma_wait3A_48 : memref<128x16xf32, #tpu.memory_space<vmem_shared>>)
      tpu.yield
    }) : () -> ()
    %add3A_18 = arith.constant 512 : i32
    %add3A_19 = arith.addi %mul3A_9, %add3A_18 : i32
    "tpu.region"() ({
      %run_scoped3A = tpu.sem_alloc : memref<!tpu.dma_semaphore, #tpu.memory_space<semaphore_mem>>
      %dma_start3A = arith.constant 0 : i32
      %dma_start3A_43 = tpu.memref_slice %arg6[%add3A_19, %dma_start3A] : memref<10240x16xf32, #tpu.memory_space<vmem_shared>> -> memref<128x16xf32, #tpu.memory_space<vmem_shared>>
      %dma_start3A_44 = arith.constant 0 : i32
      %dma_start3A_45 = tpu.memref_slice %arg6[%add3A_19, %dma_start3A_44] : memref<10240x16xf32, #tpu.memory_space<vmem_shared>> -> memref<128x16xf32, #tpu.memory_space<vmem_shared>>
      tpu.enqueue_dma source(%arg5 : memref<128x16xf32, #tpu.memory_space<vmem>>) target(%dma_start3A_45 : memref<128x16xf32, #tpu.memory_space<vmem_shared>>) target_semaphore(%run_scoped3A : memref<!tpu.dma_semaphore, #tpu.memory_space<semaphore_mem>>)
      %dma_wait3A = arith.constant 0 : i32
      %dma_wait3A_46 = tpu.memref_slice %arg6[%add3A_19, %dma_wait3A] : memref<10240x16xf32, #tpu.memory_space<vmem_shared>> -> memref<128x16xf32, #tpu.memory_space<vmem_shared>>
      %dma_wait3A_47 = arith.constant 0 : i32
      %dma_wait3A_48 = tpu.memref_slice %arg6[%add3A_19, %dma_wait3A_47] : memref<10240x16xf32, #tpu.memory_space<vmem_shared>> -> memref<128x16xf32, #tpu.memory_space<vmem_shared>>
      tpu.wait_dma2 semaphore(%run_scoped3A : memref<!tpu.dma_semaphore, #tpu.memory_space<semaphore_mem>>) src(%arg5 : memref<128x16xf32, #tpu.memory_space<vmem>>) dst(%dma_wait3A_48 : memref<128x16xf32, #tpu.memory_space<vmem_shared>>)
      tpu.yield
    }) : () -> ()
    %scan3A_20 = arith.constant 0 : i32
    %scan3A_21 = arith.constant 0 : i32
    %scan3A_22 = arith.constant 128 : i32
    %scan3A_23 = arith.addi %scan3A_21, %scan3A_22 : i32
    %scan3A_24 = arith.constant 1 : i32
    scf.for %scan3A_43 = %scan3A_21 to %scan3A_23 step %scan3A_24  : i32 {
      %broadcast_in_dim3A = arith.constant 1.000000e+00 : f32
      %broadcast_in_dim3A_44 = vector.broadcast %broadcast_in_dim3A : f32 to vector<16xf32>
      %swap3A = arith.index_cast %scan3A_43 : i32 to index
      %swap3A_45 = arith.constant 0 : index
      %swap3A_46 = tpu.vector_load %arg5[%swap3A, %swap3A_45] {strides = array<i32>} : memref<128x16xf32, #tpu.memory_space<vmem>>, vector<1x16xf32>,
      %swap3A_47 = vector.shape_cast %swap3A_46 : vector<1x16xf32> to vector<16xf32>
      %swap3A_48 = vector.shape_cast %broadcast_in_dim3A_44 : vector<16xf32> to vector<1x16xf32>
      tpu.vector_store %arg5[%swap3A, %swap3A_45], %swap3A_48 {strides = array<i32>} : memref<128x16xf32, #tpu.memory_space<vmem>>, vector<1x16xf32>,
    }
    %scan3A_25 = arith.constant 128 : i32
    %barrier3A = arith.constant 0 : index
    tpu.barrier barrier_id(%barrier3A)
    %scan3A_26 = arith.constant 0 : i32
    %scan3A_27 = arith.constant 0 : i32
    %scan3A_28 = arith.constant 80 : i32
    %scan3A_29 = arith.addi %scan3A_27, %scan3A_28 : i32
    %scan3A_30 = arith.constant 1 : i32
    scf.for %scan3A_43 = %scan3A_27 to %scan3A_29 step %scan3A_30  : i32 {
      "tpu.region"() ({
        %run_scoped3A = tpu.sem_alloc : memref<!tpu.dma_semaphore, #tpu.memory_space<semaphore_mem>>
        %dma_start3A = arith.constant 0 : i32
        %dma_start3A_44 = tpu.memref_slice %arg4[%scan3A_43, %dma_start3A] : memref<80x128xi32, #tpu.memory_space<vmem>> -> memref<1x128xi32, #tpu.memory_space<vmem>>
        %dma_start3A_45 = tpu.memref_squeeze %dma_start3A_44 : memref<1x128xi32, #tpu.memory_space<vmem>> -> memref<128xi32, #tpu.memory_space<vmem>>
        %dma_start3A_46 = arith.constant 0 : i32
        %dma_start3A_47 = arith.constant 0 : i32
        %dma_start3A_48 = tpu.memref_slice %arg6[%dma_start3A_46, %dma_start3A_47] : memref<10240x16xf32, #tpu.memory_space<vmem_shared>> -> memref<10240x16xf32, #tpu.memory_space<vmem_shared>>
        tpu.enqueue_indirect_dma source(%arg5 : memref<128x16xf32, #tpu.memory_space<vmem>>) target(%dma_start3A_48 : memref<10240x16xf32, #tpu.memory_space<vmem_shared>>) offsets(%dma_start3A_45 : memref<128xi32, #tpu.memory_space<vmem>>) semaphore(%run_scoped3A : memref<!tpu.dma_semaphore, #tpu.memory_space<semaphore_mem>>) {add = true}
        %dma_wait3A = arith.constant 0 : i32
        %dma_wait3A_49 = tpu.memref_slice %arg4[%scan3A_43, %dma_wait3A] : memref<80x128xi32, #tpu.memory_space<vmem>> -> memref<1x128xi32, #tpu.memory_space<vmem>>
        %dma_wait3A_50 = tpu.memref_squeeze %dma_wait3A_49 : memref<1x128xi32, #tpu.memory_space<vmem>> -> memref<128xi32, #tpu.memory_space<vmem>>
        %dma_wait3A_51 = arith.constant 0 : i32
        %dma_wait3A_52 = arith.constant 0 : i32
        %dma_wait3A_53 = tpu.memref_slice %arg6[%dma_wait3A_51, %dma_wait3A_52] : memref<10240x16xf32, #tpu.memory_space<vmem_shared>> -> memref<10240x16xf32, #tpu.memory_space<vmem_shared>>
        tpu.wait_indirect_dma semaphore(%run_scoped3A : memref<!tpu.dma_semaphore, #tpu.memory_space<semaphore_mem>>) src(%arg5 : memref<128x16xf32, #tpu.memory_space<vmem>>) dst(%dma_wait3A_53 : memref<10240x16xf32, #tpu.memory_space<vmem_shared>>)
        tpu.yield
      }) : () -> ()
    }
    %scan3A_31 = arith.constant 80 : i32
    %barrier3A_32 = arith.constant 0 : index
    tpu.barrier barrier_id(%barrier3A_32)
    %add3A_33 = arith.constant 0 : i32
    %add3A_34 = arith.addi %mul3A_9, %add3A_33 : i32
    "tpu.region"() ({
      %run_scoped3A = tpu.sem_alloc : memref<!tpu.dma_semaphore, #tpu.memory_space<semaphore_mem>>
      %dma_start3A = arith.constant 0 : i32
      %dma_start3A_43 = arith.constant 0 : i32
      %dma_start3A_44 = tpu.memref_slice %arg3[%arg0, %dma_start3A, %dma_start3A_43] : memref<2x10240x16xf32, #tpu.memory_space<hbm>> -> memref<1x10240x16xf32, #tpu.memory_space<hbm>>
      %dma_start3A_45 = tpu.memref_squeeze %dma_start3A_44 : memref<1x10240x16xf32, #tpu.memory_space<hbm>> -> memref<10240x16xf32, #tpu.memory_space<hbm>>
      %dma_start3A_46 = arith.constant 0 : i32
      %dma_start3A_47 = tpu.memref_slice %dma_start3A_45[%add3A_34, %dma_start3A_46] : memref<10240x16xf32, #tpu.memory_space<hbm>> -> memref<128x16xf32, #tpu.memory_space<hbm>>
      %dma_start3A_48 = arith.constant 0 : i32
      %dma_start3A_49 = tpu.memref_slice %arg6[%add3A_34, %dma_start3A_48] : memref<10240x16xf32, #tpu.memory_space<vmem_shared>> -> memref<128x16xf32, #tpu.memory_space<vmem_shared>>
      tpu.enqueue_dma source(%dma_start3A_49 : memref<128x16xf32, #tpu.memory_space<vmem_shared>>) target(%dma_start3A_47 : memref<128x16xf32, #tpu.memory_space<hbm>>) target_semaphore(%run_scoped3A : memref<!tpu.dma_semaphore, #tpu.memory_space<semaphore_mem>>)
      %dma_wait3A = arith.constant 0 : i32
      %dma_wait3A_50 = arith.constant 0 : i32
      %dma_wait3A_51 = tpu.memref_slice %arg3[%arg0, %dma_wait3A, %dma_wait3A_50] : memref<2x10240x16xf32, #tpu.memory_space<hbm>> -> memref<1x10240x16xf32, #tpu.memory_space<hbm>>
      %dma_wait3A_52 = tpu.memref_squeeze %dma_wait3A_51 : memref<1x10240x16xf32, #tpu.memory_space<hbm>> -> memref<10240x16xf32, #tpu.memory_space<hbm>>
      %dma_wait3A_53 = arith.constant 0 : i32
      %dma_wait3A_54 = tpu.memref_slice %dma_wait3A_52[%add3A_34, %dma_wait3A_53] : memref<10240x16xf32, #tpu.memory_space<hbm>> -> memref<128x16xf32, #tpu.memory_space<hbm>>
      %dma_wait3A_55 = arith.constant 0 : i32
      %dma_wait3A_56 = tpu.memref_slice %arg6[%add3A_34, %dma_wait3A_55] : memref<10240x16xf32, #tpu.memory_space<vmem_shared>> -> memref<128x16xf32, #tpu.memory_space<vmem_shared>>
      tpu.wait_dma2 semaphore(%run_scoped3A : memref<!tpu.dma_semaphore, #tpu.memory_space<semaphore_mem>>) src(%dma_wait3A_56 : memref<128x16xf32, #tpu.memory_space<vmem_shared>>) dst(%dma_wait3A_54 : memref<128x16xf32, #tpu.memory_space<hbm>>)
      tpu.yield
    }) : () -> ()
    %add3A_35 = arith.constant 128 : i32
    %add3A_36 = arith.addi %mul3A_9, %add3A_35 : i32
    "tpu.region"() ({
      %run_scoped3A = tpu.sem_alloc : memref<!tpu.dma_semaphore, #tpu.memory_space<semaphore_mem>>
      %dma_start3A = arith.constant 0 : i32
      %dma_start3A_43 = arith.constant 0 : i32
      %dma_start3A_44 = tpu.memref_slice %arg3[%arg0, %dma_start3A, %dma_start3A_43] : memref<2x10240x16xf32, #tpu.memory_space<hbm>> -> memref<1x10240x16xf32, #tpu.memory_space<hbm>>
      %dma_start3A_45 = tpu.memref_squeeze %dma_start3A_44 : memref<1x10240x16xf32, #tpu.memory_space<hbm>> -> memref<10240x16xf32, #tpu.memory_space<hbm>>
      %dma_start3A_46 = arith.constant 0 : i32
      %dma_start3A_47 = tpu.memref_slice %dma_start3A_45[%add3A_36, %dma_start3A_46] : memref<10240x16xf32, #tpu.memory_space<hbm>> -> memref<128x16xf32, #tpu.memory_space<hbm>>
      %dma_start3A_48 = arith.constant 0 : i32
      %dma_start3A_49 = tpu.memref_slice %arg6[%add3A_36, %dma_start3A_48] : memref<10240x16xf32, #tpu.memory_space<vmem_shared>> -> memref<128x16xf32, #tpu.memory_space<vmem_shared>>
      tpu.enqueue_dma source(%dma_start3A_49 : memref<128x16xf32, #tpu.memory_space<vmem_shared>>) target(%dma_start3A_47 : memref<128x16xf32, #tpu.memory_space<hbm>>) target_semaphore(%run_scoped3A : memref<!tpu.dma_semaphore, #tpu.memory_space<semaphore_mem>>)
      %dma_wait3A = arith.constant 0 : i32
      %dma_wait3A_50 = arith.constant 0 : i32
      %dma_wait3A_51 = tpu.memref_slice %arg3[%arg0, %dma_wait3A, %dma_wait3A_50] : memref<2x10240x16xf32, #tpu.memory_space<hbm>> -> memref<1x10240x16xf32, #tpu.memory_space<hbm>>
      %dma_wait3A_52 = tpu.memref_squeeze %dma_wait3A_51 : memref<1x10240x16xf32, #tpu.memory_space<hbm>> -> memref<10240x16xf32, #tpu.memory_space<hbm>>
      %dma_wait3A_53 = arith.constant 0 : i32
      %dma_wait3A_54 = tpu.memref_slice %dma_wait3A_52[%add3A_36, %dma_wait3A_53] : memref<10240x16xf32, #tpu.memory_space<hbm>> -> memref<128x16xf32, #tpu.memory_space<hbm>>
      %dma_wait3A_55 = arith.constant 0 : i32
      %dma_wait3A_56 = tpu.memref_slice %arg6[%add3A_36, %dma_wait3A_55] : memref<10240x16xf32, #tpu.memory_space<vmem_shared>> -> memref<128x16xf32, #tpu.memory_space<vmem_shared>>
      tpu.wait_dma2 semaphore(%run_scoped3A : memref<!tpu.dma_semaphore, #tpu.memory_space<semaphore_mem>>) src(%dma_wait3A_56 : memref<128x16xf32, #tpu.memory_space<vmem_shared>>) dst(%dma_wait3A_54 : memref<128x16xf32, #tpu.memory_space<hbm>>)
      tpu.yield
    }) : () -> ()
    %add3A_37 = arith.constant 256 : i32
    %add3A_38 = arith.addi %mul3A_9, %add3A_37 : i32
    "tpu.region"() ({
      %run_scoped3A = tpu.sem_alloc : memref<!tpu.dma_semaphore, #tpu.memory_space<semaphore_mem>>
      %dma_start3A = arith.constant 0 : i32
      %dma_start3A_43 = arith.constant 0 : i32
      %dma_start3A_44 = tpu.memref_slice %arg3[%arg0, %dma_start3A, %dma_start3A_43] : memref<2x10240x16xf32, #tpu.memory_space<hbm>> -> memref<1x10240x16xf32, #tpu.memory_space<hbm>>
      %dma_start3A_45 = tpu.memref_squeeze %dma_start3A_44 : memref<1x10240x16xf32, #tpu.memory_space<hbm>> -> memref<10240x16xf32, #tpu.memory_space<hbm>>
      %dma_start3A_46 = arith.constant 0 : i32
      %dma_start3A_47 = tpu.memref_slice %dma_start3A_45[%add3A_38, %dma_start3A_46] : memref<10240x16xf32, #tpu.memory_space<hbm>> -> memref<128x16xf32, #tpu.memory_space<hbm>>
      %dma_start3A_48 = arith.constant 0 : i32
      %dma_start3A_49 = tpu.memref_slice %arg6[%add3A_38, %dma_start3A_48] : memref<10240x16xf32, #tpu.memory_space<vmem_shared>> -> memref<128x16xf32, #tpu.memory_space<vmem_shared>>
      tpu.enqueue_dma source(%dma_start3A_49 : memref<128x16xf32, #tpu.memory_space<vmem_shared>>) target(%dma_start3A_47 : memref<128x16xf32, #tpu.memory_space<hbm>>) target_semaphore(%run_scoped3A : memref<!tpu.dma_semaphore, #tpu.memory_space<semaphore_mem>>)
      %dma_wait3A = arith.constant 0 : i32
      %dma_wait3A_50 = arith.constant 0 : i32
      %dma_wait3A_51 = tpu.memref_slice %arg3[%arg0, %dma_wait3A, %dma_wait3A_50] : memref<2x10240x16xf32, #tpu.memory_space<hbm>> -> memref<1x10240x16xf32, #tpu.memory_space<hbm>>
      %dma_wait3A_52 = tpu.memref_squeeze %dma_wait3A_51 : memref<1x10240x16xf32, #tpu.memory_space<hbm>> -> memref<10240x16xf32, #tpu.memory_space<hbm>>
      %dma_wait3A_53 = arith.constant 0 : i32
      %dma_wait3A_54 = tpu.memref_slice %dma_wait3A_52[%add3A_38, %dma_wait3A_53] : memref<10240x16xf32, #tpu.memory_space<hbm>> -> memref<128x16xf32, #tpu.memory_space<hbm>>
      %dma_wait3A_55 = arith.constant 0 : i32
      %dma_wait3A_56 = tpu.memref_slice %arg6[%add3A_38, %dma_wait3A_55] : memref<10240x16xf32, #tpu.memory_space<vmem_shared>> -> memref<128x16xf32, #tpu.memory_space<vmem_shared>>
      tpu.wait_dma2 semaphore(%run_scoped3A : memref<!tpu.dma_semaphore, #tpu.memory_space<semaphore_mem>>) src(%dma_wait3A_56 : memref<128x16xf32, #tpu.memory_space<vmem_shared>>) dst(%dma_wait3A_54 : memref<128x16xf32, #tpu.memory_space<hbm>>)
      tpu.yield
    }) : () -> ()
    %add3A_39 = arith.constant 384 : i32
    %add3A_40 = arith.addi %mul3A_9, %add3A_39 : i32
    "tpu.region"() ({
      %run_scoped3A = tpu.sem_alloc : memref<!tpu.dma_semaphore, #tpu.memory_space<semaphore_mem>>
      %dma_start3A = arith.constant 0 : i32
      %dma_start3A_43 = arith.constant 0 : i32
      %dma_start3A_44 = tpu.memref_slice %arg3[%arg0, %dma_start3A, %dma_start3A_43] : memref<2x10240x16xf32, #tpu.memory_space<hbm>> -> memref<1x10240x16xf32, #tpu.memory_space<hbm>>
      %dma_start3A_45 = tpu.memref_squeeze %dma_start3A_44 : memref<1x10240x16xf32, #tpu.memory_space<hbm>> -> memref<10240x16xf32, #tpu.memory_space<hbm>>
      %dma_start3A_46 = arith.constant 0 : i32
      %dma_start3A_47 = tpu.memref_slice %dma_start3A_45[%add3A_40, %dma_start3A_46] : memref<10240x16xf32, #tpu.memory_space<hbm>> -> memref<128x16xf32, #tpu.memory_space<hbm>>
      %dma_start3A_48 = arith.constant 0 : i32
      %dma_start3A_49 = tpu.memref_slice %arg6[%add3A_40, %dma_start3A_48] : memref<10240x16xf32, #tpu.memory_space<vmem_shared>> -> memref<128x16xf32, #tpu.memory_space<vmem_shared>>
      tpu.enqueue_dma source(%dma_start3A_49 : memref<128x16xf32, #tpu.memory_space<vmem_shared>>) target(%dma_start3A_47 : memref<128x16xf32, #tpu.memory_space<hbm>>) target_semaphore(%run_scoped3A : memref<!tpu.dma_semaphore, #tpu.memory_space<semaphore_mem>>)
      %dma_wait3A = arith.constant 0 : i32
      %dma_wait3A_50 = arith.constant 0 : i32
      %dma_wait3A_51 = tpu.memref_slice %arg3[%arg0, %dma_wait3A, %dma_wait3A_50] : memref<2x10240x16xf32, #tpu.memory_space<hbm>> -> memref<1x10240x16xf32, #tpu.memory_space<hbm>>
      %dma_wait3A_52 = tpu.memref_squeeze %dma_wait3A_51 : memref<1x10240x16xf32, #tpu.memory_space<hbm>> -> memref<10240x16xf32, #tpu.memory_space<hbm>>
      %dma_wait3A_53 = arith.constant 0 : i32
      %dma_wait3A_54 = tpu.memref_slice %dma_wait3A_52[%add3A_40, %dma_wait3A_53] : memref<10240x16xf32, #tpu.memory_space<hbm>> -> memref<128x16xf32, #tpu.memory_space<hbm>>
      %dma_wait3A_55 = arith.constant 0 : i32
      %dma_wait3A_56 = tpu.memref_slice %arg6[%add3A_40, %dma_wait3A_55] : memref<10240x16xf32, #tpu.memory_space<vmem_shared>> -> memref<128x16xf32, #tpu.memory_space<vmem_shared>>
      tpu.wait_dma2 semaphore(%run_scoped3A : memref<!tpu.dma_semaphore, #tpu.memory_space<semaphore_mem>>) src(%dma_wait3A_56 : memref<128x16xf32, #tpu.memory_space<vmem_shared>>) dst(%dma_wait3A_54 : memref<128x16xf32, #tpu.memory_space<hbm>>)
      tpu.yield
    }) : () -> ()
    %add3A_41 = arith.constant 512 : i32
    %add3A_42 = arith.addi %mul3A_9, %add3A_41 : i32
    "tpu.region"() ({
      %run_scoped3A = tpu.sem_alloc : memref<!tpu.dma_semaphore, #tpu.memory_space<semaphore_mem>>
      %dma_start3A = arith.constant 0 : i32
      %dma_start3A_43 = arith.constant 0 : i32
      %dma_start3A_44 = tpu.memref_slice %arg3[%arg0, %dma_start3A, %dma_start3A_43] : memref<2x10240x16xf32, #tpu.memory_space<hbm>> -> memref<1x10240x16xf32, #tpu.memory_space<hbm>>
      %dma_start3A_45 = tpu.memref_squeeze %dma_start3A_44 : memref<1x10240x16xf32, #tpu.memory_space<hbm>> -> memref<10240x16xf32, #tpu.memory_space<hbm>>
      %dma_start3A_46 = arith.constant 0 : i32
      %dma_start3A_47 = tpu.memref_slice %dma_start3A_45[%add3A_42, %dma_start3A_46] : memref<10240x16xf32, #tpu.memory_space<hbm>> -> memref<128x16xf32, #tpu.memory_space<hbm>>
      %dma_start3A_48 = arith.constant 0 : i32
      %dma_start3A_49 = tpu.memref_slice %arg6[%add3A_42, %dma_start3A_48] : memref<10240x16xf32, #tpu.memory_space<vmem_shared>> -> memref<128x16xf32, #tpu.memory_space<vmem_shared>>
      tpu.enqueue_dma source(%dma_start3A_49 : memref<128x16xf32, #tpu.memory_space<vmem_shared>>) target(%dma_start3A_47 : memref<128x16xf32, #tpu.memory_space<hbm>>) target_semaphore(%run_scoped3A : memref<!tpu.dma_semaphore, #tpu.memory_space<semaphore_mem>>)
      %dma_wait3A = arith.constant 0 : i32
      %dma_wait3A_50 = arith.constant 0 : i32
      %dma_wait3A_51 = tpu.memref_slice %arg3[%arg0, %dma_wait3A, %dma_wait3A_50] : memref<2x10240x16xf32, #tpu.memory_space<hbm>> -> memref<1x10240x16xf32, #tpu.memory_space<hbm>>
      %dma_wait3A_52 = tpu.memref_squeeze %dma_wait3A_51 : memref<1x10240x16xf32, #tpu.memory_space<hbm>> -> memref<10240x16xf32, #tpu.memory_space<hbm>>
      %dma_wait3A_53 = arith.constant 0 : i32
      %dma_wait3A_54 = tpu.memref_slice %dma_wait3A_52[%add3A_42, %dma_wait3A_53] : memref<10240x16xf32, #tpu.memory_space<hbm>> -> memref<128x16xf32, #tpu.memory_space<hbm>>
      %dma_wait3A_55 = arith.constant 0 : i32
      %dma_wait3A_56 = tpu.memref_slice %arg6[%add3A_42, %dma_wait3A_55] : memref<10240x16xf32, #tpu.memory_space<vmem_shared>> -> memref<128x16xf32, #tpu.memory_space<vmem_shared>>
      tpu.wait_dma2 semaphore(%run_scoped3A : memref<!tpu.dma_semaphore, #tpu.memory_space<semaphore_mem>>) src(%dma_wait3A_56 : memref<128x16xf32, #tpu.memory_space<vmem_shared>>) dst(%dma_wait3A_54 : memref<128x16xf32, #tpu.memory_space<hbm>>)
      tpu.yield
    }) : () -> ()
    return
  }
}

#map = affine_map<(d0, d1) -> (0, 0)>
#map1 = affine_map<(d0, d1) -> (0, 0, 0)>
module attributes {stable_mosaic.version = 14 : i64} {
  func.func @_agg_kernel(%arg0: i32, %arg1: i32, %arg2: memref<10000x128xf32, #tpu.memory_space<hbm>>, %arg3: memref<2560x128xi32, #tpu.memory_space<hbm>>, %arg4: memref<2560x128xi32, #tpu.memory_space<hbm>>, %arg5: memref<2x10240x128xf32, #tpu.memory_space<hbm>>, %arg6: memref<40x128xi32, #tpu.memory_space<vmem>>, %arg7: memref<40x128xi32, #tpu.memory_space<vmem>>, %arg8: memref<128x128xf32, #tpu.memory_space<vmem>>, %arg9: memref<128x128xf32, #tpu.memory_space<vmem>>, %arg10: memref<10240x128xf32, #tpu.memory_space<vmem_shared>>, %arg11: memref<!tpu.dma_semaphore, #tpu.memory_space<semaphore_mem>>, %arg12: memref<!tpu.dma_semaphore, #tpu.memory_space<semaphore_mem>>, %arg13: memref<!tpu.dma_semaphore, #tpu.memory_space<semaphore_mem>>, %arg14: memref<!tpu.dma_semaphore, #tpu.memory_space<semaphore_mem>>) attributes {dimension_semantics = [#tpu.dimension_semantics<core_parallel>, #tpu.dimension_semantics<subcore_parallel>], iteration_bounds = array<i64: 2, 16>, scalar_prefetch = 0 : i64, scratch_operands = 9 : i64, tpu.core_type = #tpu.core_type<sc_vector_subcore>, window_params = [{transform_indices = #map}, {transform_indices = #map}, {transform_indices = #map}, {transform_indices = #map1}]} {
    %mul3A = arith.constant 16 : i32
    %mul3A_0 = arith.muli %arg0, %mul3A : i32
    %add3A = arith.addi %mul3A_0, %arg1 : i32
    %mul3A_1 = arith.constant 80 : i32
    %mul3A_2 = arith.muli %add3A, %mul3A_1 : i32
    %scan3A = arith.constant 0 : i32
    %scan3A_3 = arith.constant 0 : i32
    %scan3A_4 = arith.constant 128 : i32
    %scan3A_5 = arith.addi %scan3A_3, %scan3A_4 : i32
    %scan3A_6 = arith.constant 1 : i32
    scf.for %scan3A_161 = %scan3A_3 to %scan3A_5 step %scan3A_6  : i32 {
      %broadcast_in_dim3A = arith.constant 0.000000e+00 : f32
      %broadcast_in_dim3A_162 = vector.broadcast %broadcast_in_dim3A : f32 to vector<16xf32>
      %swap3A = arith.index_cast %scan3A_161 : i32 to index
      %swap3A_163 = arith.constant 0 : index
      %swap3A_164 = tpu.vector_load %arg8[%swap3A, %swap3A_163] {strides = array<i32>} : memref<128x128xf32, #tpu.memory_space<vmem>>, vector<1x16xf32>,
      %swap3A_165 = vector.shape_cast %swap3A_164 : vector<1x16xf32> to vector<16xf32>
      %swap3A_166 = vector.shape_cast %broadcast_in_dim3A_162 : vector<16xf32> to vector<1x16xf32>
      tpu.vector_store %arg8[%swap3A, %swap3A_163], %swap3A_166 {strides = array<i32>} : memref<128x128xf32, #tpu.memory_space<vmem>>, vector<1x16xf32>,
      %broadcast_in_dim3A_167 = arith.constant 0.000000e+00 : f32
      %broadcast_in_dim3A_168 = vector.broadcast %broadcast_in_dim3A_167 : f32 to vector<16xf32>
      %swap3A_169 = arith.index_cast %scan3A_161 : i32 to index
      %swap3A_170 = arith.constant 16 : index
      %swap3A_171 = tpu.vector_load %arg8[%swap3A_169, %swap3A_170] {strides = array<i32>} : memref<128x128xf32, #tpu.memory_space<vmem>>, vector<1x16xf32>,
      %swap3A_172 = vector.shape_cast %swap3A_171 : vector<1x16xf32> to vector<16xf32>
      %swap3A_173 = vector.shape_cast %broadcast_in_dim3A_168 : vector<16xf32> to vector<1x16xf32>
      tpu.vector_store %arg8[%swap3A_169, %swap3A_170], %swap3A_173 {strides = array<i32>} : memref<128x128xf32, #tpu.memory_space<vmem>>, vector<1x16xf32>,
      %broadcast_in_dim3A_174 = arith.constant 0.000000e+00 : f32
      %broadcast_in_dim3A_175 = vector.broadcast %broadcast_in_dim3A_174 : f32 to vector<16xf32>
      %swap3A_176 = arith.index_cast %scan3A_161 : i32 to index
      %swap3A_177 = arith.constant 32 : index
      %swap3A_178 = tpu.vector_load %arg8[%swap3A_176, %swap3A_177] {strides = array<i32>} : memref<128x128xf32, #tpu.memory_space<vmem>>, vector<1x16xf32>,
      %swap3A_179 = vector.shape_cast %swap3A_178 : vector<1x16xf32> to vector<16xf32>
      %swap3A_180 = vector.shape_cast %broadcast_in_dim3A_175 : vector<16xf32> to vector<1x16xf32>
      tpu.vector_store %arg8[%swap3A_176, %swap3A_177], %swap3A_180 {strides = array<i32>} : memref<128x128xf32, #tpu.memory_space<vmem>>, vector<1x16xf32>,
      %broadcast_in_dim3A_181 = arith.constant 0.000000e+00 : f32
      %broadcast_in_dim3A_182 = vector.broadcast %broadcast_in_dim3A_181 : f32 to vector<16xf32>
      %swap3A_183 = arith.index_cast %scan3A_161 : i32 to index
      %swap3A_184 = arith.constant 48 : index
      %swap3A_185 = tpu.vector_load %arg8[%swap3A_183, %swap3A_184] {strides = array<i32>} : memref<128x128xf32, #tpu.memory_space<vmem>>, vector<1x16xf32>,
      %swap3A_186 = vector.shape_cast %swap3A_185 : vector<1x16xf32> to vector<16xf32>
      %swap3A_187 = vector.shape_cast %broadcast_in_dim3A_182 : vector<16xf32> to vector<1x16xf32>
      tpu.vector_store %arg8[%swap3A_183, %swap3A_184], %swap3A_187 {strides = array<i32>} : memref<128x128xf32, #tpu.memory_space<vmem>>, vector<1x16xf32>,
      %broadcast_in_dim3A_188 = arith.constant 0.000000e+00 : f32
      %broadcast_in_dim3A_189 = vector.broadcast %broadcast_in_dim3A_188 : f32 to vector<16xf32>
      %swap3A_190 = arith.index_cast %scan3A_161 : i32 to index
      %swap3A_191 = arith.constant 64 : index
      %swap3A_192 = tpu.vector_load %arg8[%swap3A_190, %swap3A_191] {strides = array<i32>} : memref<128x128xf32, #tpu.memory_space<vmem>>, vector<1x16xf32>,
      %swap3A_193 = vector.shape_cast %swap3A_192 : vector<1x16xf32> to vector<16xf32>
      %swap3A_194 = vector.shape_cast %broadcast_in_dim3A_189 : vector<16xf32> to vector<1x16xf32>
      tpu.vector_store %arg8[%swap3A_190, %swap3A_191], %swap3A_194 {strides = array<i32>} : memref<128x128xf32, #tpu.memory_space<vmem>>, vector<1x16xf32>,
      %broadcast_in_dim3A_195 = arith.constant 0.000000e+00 : f32
      %broadcast_in_dim3A_196 = vector.broadcast %broadcast_in_dim3A_195 : f32 to vector<16xf32>
      %swap3A_197 = arith.index_cast %scan3A_161 : i32 to index
      %swap3A_198 = arith.constant 80 : index
      %swap3A_199 = tpu.vector_load %arg8[%swap3A_197, %swap3A_198] {strides = array<i32>} : memref<128x128xf32, #tpu.memory_space<vmem>>, vector<1x16xf32>,
      %swap3A_200 = vector.shape_cast %swap3A_199 : vector<1x16xf32> to vector<16xf32>
      %swap3A_201 = vector.shape_cast %broadcast_in_dim3A_196 : vector<16xf32> to vector<1x16xf32>
      tpu.vector_store %arg8[%swap3A_197, %swap3A_198], %swap3A_201 {strides = array<i32>} : memref<128x128xf32, #tpu.memory_space<vmem>>, vector<1x16xf32>,
      %broadcast_in_dim3A_202 = arith.constant 0.000000e+00 : f32
      %broadcast_in_dim3A_203 = vector.broadcast %broadcast_in_dim3A_202 : f32 to vector<16xf32>
      %swap3A_204 = arith.index_cast %scan3A_161 : i32 to index
      %swap3A_205 = arith.constant 96 : index
      %swap3A_206 = tpu.vector_load %arg8[%swap3A_204, %swap3A_205] {strides = array<i32>} : memref<128x128xf32, #tpu.memory_space<vmem>>, vector<1x16xf32>,
      %swap3A_207 = vector.shape_cast %swap3A_206 : vector<1x16xf32> to vector<16xf32>
      %swap3A_208 = vector.shape_cast %broadcast_in_dim3A_203 : vector<16xf32> to vector<1x16xf32>
      tpu.vector_store %arg8[%swap3A_204, %swap3A_205], %swap3A_208 {strides = array<i32>} : memref<128x128xf32, #tpu.memory_space<vmem>>, vector<1x16xf32>,
      %broadcast_in_dim3A_209 = arith.constant 0.000000e+00 : f32
      %broadcast_in_dim3A_210 = vector.broadcast %broadcast_in_dim3A_209 : f32 to vector<16xf32>
      %swap3A_211 = arith.index_cast %scan3A_161 : i32 to index
      %swap3A_212 = arith.constant 112 : index
      %swap3A_213 = tpu.vector_load %arg8[%swap3A_211, %swap3A_212] {strides = array<i32>} : memref<128x128xf32, #tpu.memory_space<vmem>>, vector<1x16xf32>,
      %swap3A_214 = vector.shape_cast %swap3A_213 : vector<1x16xf32> to vector<16xf32>
      %swap3A_215 = vector.shape_cast %broadcast_in_dim3A_210 : vector<16xf32> to vector<1x16xf32>
      tpu.vector_store %arg8[%swap3A_211, %swap3A_212], %swap3A_215 {strides = array<i32>} : memref<128x128xf32, #tpu.memory_space<vmem>>, vector<1x16xf32>,
    }
    %scan3A_7 = arith.constant 128 : i32
    %mul3A_8 = arith.constant 640 : i32
    %mul3A_9 = arith.muli %arg1, %mul3A_8 : i32
    %add3A_10 = arith.constant 0 : i32
    %add3A_11 = arith.addi %mul3A_9, %add3A_10 : i32
    "tpu.region"() ({
      %run_scoped3A = tpu.sem_alloc : memref<!tpu.dma_semaphore, #tpu.memory_space<semaphore_mem>>
      %dma_start3A_161 = arith.constant 0 : i32
      %dma_start3A_162 = tpu.memref_slice %arg10[%add3A_11, %dma_start3A_161] : memref<10240x128xf32, #tpu.memory_space<vmem_shared>> -> memref<128x128xf32, #tpu.memory_space<vmem_shared>>
      %dma_start3A_163 = arith.constant 0 : i32
      %dma_start3A_164 = tpu.memref_slice %arg10[%add3A_11, %dma_start3A_163] : memref<10240x128xf32, #tpu.memory_space<vmem_shared>> -> memref<128x128xf32, #tpu.memory_space<vmem_shared>>
      tpu.enqueue_dma source(%arg8 : memref<128x128xf32, #tpu.memory_space<vmem>>) target(%dma_start3A_164 : memref<128x128xf32, #tpu.memory_space<vmem_shared>>) target_semaphore(%run_scoped3A : memref<!tpu.dma_semaphore, #tpu.memory_space<semaphore_mem>>)
      %dma_wait3A_165 = arith.constant 0 : i32
      %dma_wait3A_166 = tpu.memref_slice %arg10[%add3A_11, %dma_wait3A_165] : memref<10240x128xf32, #tpu.memory_space<vmem_shared>> -> memref<128x128xf32, #tpu.memory_space<vmem_shared>>
      %dma_wait3A_167 = arith.constant 0 : i32
      %dma_wait3A_168 = tpu.memref_slice %arg10[%add3A_11, %dma_wait3A_167] : memref<10240x128xf32, #tpu.memory_space<vmem_shared>> -> memref<128x128xf32, #tpu.memory_space<vmem_shared>>
      tpu.wait_dma2 semaphore(%run_scoped3A : memref<!tpu.dma_semaphore, #tpu.memory_space<semaphore_mem>>) src(%arg8 : memref<128x128xf32, #tpu.memory_space<vmem>>) dst(%dma_wait3A_168 : memref<128x128xf32, #tpu.memory_space<vmem_shared>>)
      tpu.yield
    }) : () -> ()
    %add3A_12 = arith.constant 128 : i32
    %add3A_13 = arith.addi %mul3A_9, %add3A_12 : i32
    "tpu.region"() ({
      %run_scoped3A = tpu.sem_alloc : memref<!tpu.dma_semaphore, #tpu.memory_space<semaphore_mem>>
      %dma_start3A_161 = arith.constant 0 : i32
      %dma_start3A_162 = tpu.memref_slice %arg10[%add3A_13, %dma_start3A_161] : memref<10240x128xf32, #tpu.memory_space<vmem_shared>> -> memref<128x128xf32, #tpu.memory_space<vmem_shared>>
      %dma_start3A_163 = arith.constant 0 : i32
      %dma_start3A_164 = tpu.memref_slice %arg10[%add3A_13, %dma_start3A_163] : memref<10240x128xf32, #tpu.memory_space<vmem_shared>> -> memref<128x128xf32, #tpu.memory_space<vmem_shared>>
      tpu.enqueue_dma source(%arg8 : memref<128x128xf32, #tpu.memory_space<vmem>>) target(%dma_start3A_164 : memref<128x128xf32, #tpu.memory_space<vmem_shared>>) target_semaphore(%run_scoped3A : memref<!tpu.dma_semaphore, #tpu.memory_space<semaphore_mem>>)
      %dma_wait3A_165 = arith.constant 0 : i32
      %dma_wait3A_166 = tpu.memref_slice %arg10[%add3A_13, %dma_wait3A_165] : memref<10240x128xf32, #tpu.memory_space<vmem_shared>> -> memref<128x128xf32, #tpu.memory_space<vmem_shared>>
      %dma_wait3A_167 = arith.constant 0 : i32
      %dma_wait3A_168 = tpu.memref_slice %arg10[%add3A_13, %dma_wait3A_167] : memref<10240x128xf32, #tpu.memory_space<vmem_shared>> -> memref<128x128xf32, #tpu.memory_space<vmem_shared>>
      tpu.wait_dma2 semaphore(%run_scoped3A : memref<!tpu.dma_semaphore, #tpu.memory_space<semaphore_mem>>) src(%arg8 : memref<128x128xf32, #tpu.memory_space<vmem>>) dst(%dma_wait3A_168 : memref<128x128xf32, #tpu.memory_space<vmem_shared>>)
      tpu.yield
    }) : () -> ()
    %add3A_14 = arith.constant 256 : i32
    %add3A_15 = arith.addi %mul3A_9, %add3A_14 : i32
    "tpu.region"() ({
      %run_scoped3A = tpu.sem_alloc : memref<!tpu.dma_semaphore, #tpu.memory_space<semaphore_mem>>
      %dma_start3A_161 = arith.constant 0 : i32
      %dma_start3A_162 = tpu.memref_slice %arg10[%add3A_15, %dma_start3A_161] : memref<10240x128xf32, #tpu.memory_space<vmem_shared>> -> memref<128x128xf32, #tpu.memory_space<vmem_shared>>
      %dma_start3A_163 = arith.constant 0 : i32
      %dma_start3A_164 = tpu.memref_slice %arg10[%add3A_15, %dma_start3A_163] : memref<10240x128xf32, #tpu.memory_space<vmem_shared>> -> memref<128x128xf32, #tpu.memory_space<vmem_shared>>
      tpu.enqueue_dma source(%arg8 : memref<128x128xf32, #tpu.memory_space<vmem>>) target(%dma_start3A_164 : memref<128x128xf32, #tpu.memory_space<vmem_shared>>) target_semaphore(%run_scoped3A : memref<!tpu.dma_semaphore, #tpu.memory_space<semaphore_mem>>)
      %dma_wait3A_165 = arith.constant 0 : i32
      %dma_wait3A_166 = tpu.memref_slice %arg10[%add3A_15, %dma_wait3A_165] : memref<10240x128xf32, #tpu.memory_space<vmem_shared>> -> memref<128x128xf32, #tpu.memory_space<vmem_shared>>
      %dma_wait3A_167 = arith.constant 0 : i32
      %dma_wait3A_168 = tpu.memref_slice %arg10[%add3A_15, %dma_wait3A_167] : memref<10240x128xf32, #tpu.memory_space<vmem_shared>> -> memref<128x128xf32, #tpu.memory_space<vmem_shared>>
      tpu.wait_dma2 semaphore(%run_scoped3A : memref<!tpu.dma_semaphore, #tpu.memory_space<semaphore_mem>>) src(%arg8 : memref<128x128xf32, #tpu.memory_space<vmem>>) dst(%dma_wait3A_168 : memref<128x128xf32, #tpu.memory_space<vmem_shared>>)
      tpu.yield
    }) : () -> ()
    %add3A_16 = arith.constant 384 : i32
    %add3A_17 = arith.addi %mul3A_9, %add3A_16 : i32
    "tpu.region"() ({
      %run_scoped3A = tpu.sem_alloc : memref<!tpu.dma_semaphore, #tpu.memory_space<semaphore_mem>>
      %dma_start3A_161 = arith.constant 0 : i32
      %dma_start3A_162 = tpu.memref_slice %arg10[%add3A_17, %dma_start3A_161] : memref<10240x128xf32, #tpu.memory_space<vmem_shared>> -> memref<128x128xf32, #tpu.memory_space<vmem_shared>>
      %dma_start3A_163 = arith.constant 0 : i32
      %dma_start3A_164 = tpu.memref_slice %arg10[%add3A_17, %dma_start3A_163] : memref<10240x128xf32, #tpu.memory_space<vmem_shared>> -> memref<128x128xf32, #tpu.memory_space<vmem_shared>>
      tpu.enqueue_dma source(%arg8 : memref<128x128xf32, #tpu.memory_space<vmem>>) target(%dma_start3A_164 : memref<128x128xf32, #tpu.memory_space<vmem_shared>>) target_semaphore(%run_scoped3A : memref<!tpu.dma_semaphore, #tpu.memory_space<semaphore_mem>>)
      %dma_wait3A_165 = arith.constant 0 : i32
      %dma_wait3A_166 = tpu.memref_slice %arg10[%add3A_17, %dma_wait3A_165] : memref<10240x128xf32, #tpu.memory_space<vmem_shared>> -> memref<128x128xf32, #tpu.memory_space<vmem_shared>>
      %dma_wait3A_167 = arith.constant 0 : i32
      %dma_wait3A_168 = tpu.memref_slice %arg10[%add3A_17, %dma_wait3A_167] : memref<10240x128xf32, #tpu.memory_space<vmem_shared>> -> memref<128x128xf32, #tpu.memory_space<vmem_shared>>
      tpu.wait_dma2 semaphore(%run_scoped3A : memref<!tpu.dma_semaphore, #tpu.memory_space<semaphore_mem>>) src(%arg8 : memref<128x128xf32, #tpu.memory_space<vmem>>) dst(%dma_wait3A_168 : memref<128x128xf32, #tpu.memory_space<vmem_shared>>)
      tpu.yield
    }) : () -> ()
    %add3A_18 = arith.constant 512 : i32
    %add3A_19 = arith.addi %mul3A_9, %add3A_18 : i32
    "tpu.region"() ({
      %run_scoped3A = tpu.sem_alloc : memref<!tpu.dma_semaphore, #tpu.memory_space<semaphore_mem>>
      %dma_start3A_161 = arith.constant 0 : i32
      %dma_start3A_162 = tpu.memref_slice %arg10[%add3A_19, %dma_start3A_161] : memref<10240x128xf32, #tpu.memory_space<vmem_shared>> -> memref<128x128xf32, #tpu.memory_space<vmem_shared>>
      %dma_start3A_163 = arith.constant 0 : i32
      %dma_start3A_164 = tpu.memref_slice %arg10[%add3A_19, %dma_start3A_163] : memref<10240x128xf32, #tpu.memory_space<vmem_shared>> -> memref<128x128xf32, #tpu.memory_space<vmem_shared>>
      tpu.enqueue_dma source(%arg8 : memref<128x128xf32, #tpu.memory_space<vmem>>) target(%dma_start3A_164 : memref<128x128xf32, #tpu.memory_space<vmem_shared>>) target_semaphore(%run_scoped3A : memref<!tpu.dma_semaphore, #tpu.memory_space<semaphore_mem>>)
      %dma_wait3A_165 = arith.constant 0 : i32
      %dma_wait3A_166 = tpu.memref_slice %arg10[%add3A_19, %dma_wait3A_165] : memref<10240x128xf32, #tpu.memory_space<vmem_shared>> -> memref<128x128xf32, #tpu.memory_space<vmem_shared>>
      %dma_wait3A_167 = arith.constant 0 : i32
      %dma_wait3A_168 = tpu.memref_slice %arg10[%add3A_19, %dma_wait3A_167] : memref<10240x128xf32, #tpu.memory_space<vmem_shared>> -> memref<128x128xf32, #tpu.memory_space<vmem_shared>>
      tpu.wait_dma2 semaphore(%run_scoped3A : memref<!tpu.dma_semaphore, #tpu.memory_space<semaphore_mem>>) src(%arg8 : memref<128x128xf32, #tpu.memory_space<vmem>>) dst(%dma_wait3A_168 : memref<128x128xf32, #tpu.memory_space<vmem_shared>>)
      tpu.yield
    }) : () -> ()
    %barrier3A = arith.constant 0 : index
    tpu.barrier barrier_id(%barrier3A)
    %add3A_20 = arith.constant 0 : i32
    %add3A_21 = arith.addi %mul3A_2, %add3A_20 : i32
    "tpu.region"() ({
      %run_scoped3A = tpu.sem_alloc : memref<!tpu.dma_semaphore, #tpu.memory_space<semaphore_mem>>
      %dma_start3A_161 = arith.constant 0 : i32
      %dma_start3A_162 = tpu.memref_slice %arg3[%add3A_21, %dma_start3A_161] : memref<2560x128xi32, #tpu.memory_space<hbm>> -> memref<40x128xi32, #tpu.memory_space<hbm>>
      %dma_start3A_163 = arith.constant 0 : i32
      %dma_start3A_164 = tpu.memref_slice %arg3[%add3A_21, %dma_start3A_163] : memref<2560x128xi32, #tpu.memory_space<hbm>> -> memref<40x128xi32, #tpu.memory_space<hbm>>
      tpu.enqueue_dma source(%dma_start3A_164 : memref<40x128xi32, #tpu.memory_space<hbm>>) target(%arg6 : memref<40x128xi32, #tpu.memory_space<vmem>>) target_semaphore(%run_scoped3A : memref<!tpu.dma_semaphore, #tpu.memory_space<semaphore_mem>>)
      %dma_wait3A_165 = arith.constant 0 : i32
      %dma_wait3A_166 = tpu.memref_slice %arg3[%add3A_21, %dma_wait3A_165] : memref<2560x128xi32, #tpu.memory_space<hbm>> -> memref<40x128xi32, #tpu.memory_space<hbm>>
      %dma_wait3A_167 = arith.constant 0 : i32
      %dma_wait3A_168 = tpu.memref_slice %arg3[%add3A_21, %dma_wait3A_167] : memref<2560x128xi32, #tpu.memory_space<hbm>> -> memref<40x128xi32, #tpu.memory_space<hbm>>
      tpu.wait_dma2 semaphore(%run_scoped3A : memref<!tpu.dma_semaphore, #tpu.memory_space<semaphore_mem>>) src(%dma_wait3A_168 : memref<40x128xi32, #tpu.memory_space<hbm>>) dst(%arg6 : memref<40x128xi32, #tpu.memory_space<vmem>>)
      tpu.yield
    }) : () -> ()
    %add3A_22 = arith.constant 0 : i32
    %add3A_23 = arith.addi %mul3A_2, %add3A_22 : i32
    "tpu.region"() ({
      %run_scoped3A = tpu.sem_alloc : memref<!tpu.dma_semaphore, #tpu.memory_space<semaphore_mem>>
      %dma_start3A_161 = arith.constant 0 : i32
      %dma_start3A_162 = tpu.memref_slice %arg4[%add3A_23, %dma_start3A_161] : memref<2560x128xi32, #tpu.memory_space<hbm>> -> memref<40x128xi32, #tpu.memory_space<hbm>>
      %dma_start3A_163 = arith.constant 0 : i32
      %dma_start3A_164 = tpu.memref_slice %arg4[%add3A_23, %dma_start3A_163] : memref<2560x128xi32, #tpu.memory_space<hbm>> -> memref<40x128xi32, #tpu.memory_space<hbm>>
      tpu.enqueue_dma source(%dma_start3A_164 : memref<40x128xi32, #tpu.memory_space<hbm>>) target(%arg7 : memref<40x128xi32, #tpu.memory_space<vmem>>) target_semaphore(%run_scoped3A : memref<!tpu.dma_semaphore, #tpu.memory_space<semaphore_mem>>)
      %dma_wait3A_165 = arith.constant 0 : i32
      %dma_wait3A_166 = tpu.memref_slice %arg4[%add3A_23, %dma_wait3A_165] : memref<2560x128xi32, #tpu.memory_space<hbm>> -> memref<40x128xi32, #tpu.memory_space<hbm>>
      %dma_wait3A_167 = arith.constant 0 : i32
      %dma_wait3A_168 = tpu.memref_slice %arg4[%add3A_23, %dma_wait3A_167] : memref<2560x128xi32, #tpu.memory_space<hbm>> -> memref<40x128xi32, #tpu.memory_space<hbm>>
      tpu.wait_dma2 semaphore(%run_scoped3A : memref<!tpu.dma_semaphore, #tpu.memory_space<semaphore_mem>>) src(%dma_wait3A_168 : memref<40x128xi32, #tpu.memory_space<hbm>>) dst(%arg7 : memref<40x128xi32, #tpu.memory_space<vmem>>)
      tpu.yield
    }) : () -> ()
    %dma_start3A = arith.constant 0 : i32
    %dma_start3A_24 = arith.constant 0 : i32
    %dma_start3A_25 = tpu.memref_slice %arg6[%dma_start3A, %dma_start3A_24] : memref<40x128xi32, #tpu.memory_space<vmem>> -> memref<1x128xi32, #tpu.memory_space<vmem>>
    %dma_start3A_26 = tpu.memref_squeeze %dma_start3A_25 : memref<1x128xi32, #tpu.memory_space<vmem>> -> memref<128xi32, #tpu.memory_space<vmem>>
    %dma_start3A_27 = arith.constant 0 : i32
    %dma_start3A_28 = arith.constant 0 : i32
    %dma_start3A_29 = tpu.memref_slice %arg2[%dma_start3A_27, %dma_start3A_28] : memref<10000x128xf32, #tpu.memory_space<hbm>> -> memref<10000x128xf32, #tpu.memory_space<hbm>>
    tpu.enqueue_indirect_dma source(%dma_start3A_29 : memref<10000x128xf32, #tpu.memory_space<hbm>>) target(%arg8 : memref<128x128xf32, #tpu.memory_space<vmem>>) offsets(%dma_start3A_26 : memref<128xi32, #tpu.memory_space<vmem>>) semaphore(%arg11 : memref<!tpu.dma_semaphore, #tpu.memory_space<semaphore_mem>>)
    %dma_wait3A = arith.constant 0 : i32
    %dma_wait3A_30 = arith.constant 0 : i32
    %dma_wait3A_31 = tpu.memref_slice %arg6[%dma_wait3A, %dma_wait3A_30] : memref<40x128xi32, #tpu.memory_space<vmem>> -> memref<1x128xi32, #tpu.memory_space<vmem>>
    %dma_wait3A_32 = tpu.memref_squeeze %dma_wait3A_31 : memref<1x128xi32, #tpu.memory_space<vmem>> -> memref<128xi32, #tpu.memory_space<vmem>>
    %dma_wait3A_33 = arith.constant 0 : i32
    %dma_wait3A_34 = arith.constant 0 : i32
    %dma_wait3A_35 = tpu.memref_slice %arg2[%dma_wait3A_33, %dma_wait3A_34] : memref<10000x128xf32, #tpu.memory_space<hbm>> -> memref<10000x128xf32, #tpu.memory_space<hbm>>
    tpu.wait_indirect_dma semaphore(%arg11 : memref<!tpu.dma_semaphore, #tpu.memory_space<semaphore_mem>>) src(%dma_wait3A_35 : memref<10000x128xf32, #tpu.memory_space<hbm>>) dst(%arg8 : memref<128x128xf32, #tpu.memory_space<vmem>>)
    %dma_start3A_36 = arith.constant 0 : i32
    %dma_start3A_37 = arith.constant 0 : i32
    %dma_start3A_38 = tpu.memref_slice %arg7[%dma_start3A_36, %dma_start3A_37] : memref<40x128xi32, #tpu.memory_space<vmem>> -> memref<1x128xi32, #tpu.memory_space<vmem>>
    %dma_start3A_39 = tpu.memref_squeeze %dma_start3A_38 : memref<1x128xi32, #tpu.memory_space<vmem>> -> memref<128xi32, #tpu.memory_space<vmem>>
    %dma_start3A_40 = arith.constant 0 : i32
    %dma_start3A_41 = arith.constant 0 : i32
    %dma_start3A_42 = tpu.memref_slice %arg10[%dma_start3A_40, %dma_start3A_41] : memref<10240x128xf32, #tpu.memory_space<vmem_shared>> -> memref<10240x128xf32, #tpu.memory_space<vmem_shared>>
    tpu.enqueue_indirect_dma source(%arg8 : memref<128x128xf32, #tpu.memory_space<vmem>>) target(%dma_start3A_42 : memref<10240x128xf32, #tpu.memory_space<vmem_shared>>) offsets(%dma_start3A_39 : memref<128xi32, #tpu.memory_space<vmem>>) semaphore(%arg13 : memref<!tpu.dma_semaphore, #tpu.memory_space<semaphore_mem>>) {add = true}
    %dma_start3A_43 = arith.constant 1 : i32
    %dma_start3A_44 = arith.constant 0 : i32
    %dma_start3A_45 = tpu.memref_slice %arg6[%dma_start3A_43, %dma_start3A_44] : memref<40x128xi32, #tpu.memory_space<vmem>> -> memref<1x128xi32, #tpu.memory_space<vmem>>
    %dma_start3A_46 = tpu.memref_squeeze %dma_start3A_45 : memref<1x128xi32, #tpu.memory_space<vmem>> -> memref<128xi32, #tpu.memory_space<vmem>>
    %dma_start3A_47 = arith.constant 0 : i32
    %dma_start3A_48 = arith.constant 0 : i32
    %dma_start3A_49 = tpu.memref_slice %arg2[%dma_start3A_47, %dma_start3A_48] : memref<10000x128xf32, #tpu.memory_space<hbm>> -> memref<10000x128xf32, #tpu.memory_space<hbm>>
    tpu.enqueue_indirect_dma source(%dma_start3A_49 : memref<10000x128xf32, #tpu.memory_space<hbm>>) target(%arg9 : memref<128x128xf32, #tpu.memory_space<vmem>>) offsets(%dma_start3A_46 : memref<128xi32, #tpu.memory_space<vmem>>) semaphore(%arg12 : memref<!tpu.dma_semaphore, #tpu.memory_space<semaphore_mem>>)
    %scan3A_50 = arith.constant 0 : i32
    %scan3A_51 = arith.constant 0 : i32
    %scan3A_52 = arith.constant 19 : i32
    %scan3A_53 = arith.addi %scan3A_51, %scan3A_52 : i32
    %scan3A_54 = arith.constant 1 : i32
    scf.for %scan3A_161 = %scan3A_51 to %scan3A_53 step %scan3A_54  : i32 {
      %mul3A_162 = arith.constant 2 : i32
      %mul3A_163 = arith.muli %mul3A_162, %scan3A_161 : i32
      %add3A_164 = arith.constant 1 : i32
      %add3A_165 = arith.addi %mul3A_163, %add3A_164 : i32
      %dma_wait3A_166 = arith.constant 0 : i32
      %dma_wait3A_167 = tpu.memref_slice %arg6[%add3A_165, %dma_wait3A_166] : memref<40x128xi32, #tpu.memory_space<vmem>> -> memref<1x128xi32, #tpu.memory_space<vmem>>
      %dma_wait3A_168 = tpu.memref_squeeze %dma_wait3A_167 : memref<1x128xi32, #tpu.memory_space<vmem>> -> memref<128xi32, #tpu.memory_space<vmem>>
      %dma_wait3A_169 = arith.constant 0 : i32
      %dma_wait3A_170 = arith.constant 0 : i32
      %dma_wait3A_171 = tpu.memref_slice %arg2[%dma_wait3A_169, %dma_wait3A_170] : memref<10000x128xf32, #tpu.memory_space<hbm>> -> memref<10000x128xf32, #tpu.memory_space<hbm>>
      tpu.wait_indirect_dma semaphore(%arg12 : memref<!tpu.dma_semaphore, #tpu.memory_space<semaphore_mem>>) src(%dma_wait3A_171 : memref<10000x128xf32, #tpu.memory_space<hbm>>) dst(%arg9 : memref<128x128xf32, #tpu.memory_space<vmem>>)
      %sub3A = arith.constant 1 : i32
      %sub3A_172 = arith.subi %add3A_165, %sub3A : i32
      %dma_wait3A_173 = arith.constant 0 : i32
      %dma_wait3A_174 = tpu.memref_slice %arg7[%sub3A_172, %dma_wait3A_173] : memref<40x128xi32, #tpu.memory_space<vmem>> -> memref<1x128xi32, #tpu.memory_space<vmem>>
      %dma_wait3A_175 = tpu.memref_squeeze %dma_wait3A_174 : memref<1x128xi32, #tpu.memory_space<vmem>> -> memref<128xi32, #tpu.memory_space<vmem>>
      %dma_wait3A_176 = arith.constant 0 : i32
      %dma_wait3A_177 = arith.constant 0 : i32
      %dma_wait3A_178 = tpu.memref_slice %arg10[%dma_wait3A_176, %dma_wait3A_177] : memref<10240x128xf32, #tpu.memory_space<vmem_shared>> -> memref<10240x128xf32, #tpu.memory_space<vmem_shared>>
      tpu.wait_indirect_dma semaphore(%arg13 : memref<!tpu.dma_semaphore, #tpu.memory_space<semaphore_mem>>) src(%arg8 : memref<128x128xf32, #tpu.memory_space<vmem>>) dst(%dma_wait3A_178 : memref<10240x128xf32, #tpu.memory_space<vmem_shared>>)
      %dma_start3A_179 = arith.constant 0 : i32
      %dma_start3A_180 = tpu.memref_slice %arg7[%add3A_165, %dma_start3A_179] : memref<40x128xi32, #tpu.memory_space<vmem>> -> memref<1x128xi32, #tpu.memory_space<vmem>>
      %dma_start3A_181 = tpu.memref_squeeze %dma_start3A_180 : memref<1x128xi32, #tpu.memory_space<vmem>> -> memref<128xi32, #tpu.memory_space<vmem>>
      %dma_start3A_182 = arith.constant 0 : i32
      %dma_start3A_183 = arith.constant 0 : i32
      %dma_start3A_184 = tpu.memref_slice %arg10[%dma_start3A_182, %dma_start3A_183] : memref<10240x128xf32, #tpu.memory_space<vmem_shared>> -> memref<10240x128xf32, #tpu.memory_space<vmem_shared>>
      tpu.enqueue_indirect_dma source(%arg9 : memref<128x128xf32, #tpu.memory_space<vmem>>) target(%dma_start3A_184 : memref<10240x128xf32, #tpu.memory_space<vmem_shared>>) offsets(%dma_start3A_181 : memref<128xi32, #tpu.memory_space<vmem>>) semaphore(%arg14 : memref<!tpu.dma_semaphore, #tpu.memory_space<semaphore_mem>>) {add = true}
      %add3A_185 = arith.constant 1 : i32
      %add3A_186 = arith.addi %add3A_165, %add3A_185 : i32
      %dma_start3A_187 = arith.constant 0 : i32
      %dma_start3A_188 = tpu.memref_slice %arg6[%add3A_186, %dma_start3A_187] : memref<40x128xi32, #tpu.memory_space<vmem>> -> memref<1x128xi32, #tpu.memory_space<vmem>>
      %dma_start3A_189 = tpu.memref_squeeze %dma_start3A_188 : memref<1x128xi32, #tpu.memory_space<vmem>> -> memref<128xi32, #tpu.memory_space<vmem>>
      %dma_start3A_190 = arith.constant 0 : i32
      %dma_start3A_191 = arith.constant 0 : i32
      %dma_start3A_192 = tpu.memref_slice %arg2[%dma_start3A_190, %dma_start3A_191] : memref<10000x128xf32, #tpu.memory_space<hbm>> -> memref<10000x128xf32, #tpu.memory_space<hbm>>
      tpu.enqueue_indirect_dma source(%dma_start3A_192 : memref<10000x128xf32, #tpu.memory_space<hbm>>) target(%arg8 : memref<128x128xf32, #tpu.memory_space<vmem>>) offsets(%dma_start3A_189 : memref<128xi32, #tpu.memory_space<vmem>>) semaphore(%arg11 : memref<!tpu.dma_semaphore, #tpu.memory_space<semaphore_mem>>)
      %mul3A_193 = arith.constant 2 : i32
      %mul3A_194 = arith.muli %mul3A_193, %scan3A_161 : i32
      %add3A_195 = arith.constant 2 : i32
      %add3A_196 = arith.addi %mul3A_194, %add3A_195 : i32
      %dma_wait3A_197 = arith.constant 0 : i32
      %dma_wait3A_198 = tpu.memref_slice %arg6[%add3A_196, %dma_wait3A_197] : memref<40x128xi32, #tpu.memory_space<vmem>> -> memref<1x128xi32, #tpu.memory_space<vmem>>
      %dma_wait3A_199 = tpu.memref_squeeze %dma_wait3A_198 : memref<1x128xi32, #tpu.memory_space<vmem>> -> memref<128xi32, #tpu.memory_space<vmem>>
      %dma_wait3A_200 = arith.constant 0 : i32
      %dma_wait3A_201 = arith.constant 0 : i32
      %dma_wait3A_202 = tpu.memref_slice %arg2[%dma_wait3A_200, %dma_wait3A_201] : memref<10000x128xf32, #tpu.memory_space<hbm>> -> memref<10000x128xf32, #tpu.memory_space<hbm>>
      tpu.wait_indirect_dma semaphore(%arg11 : memref<!tpu.dma_semaphore, #tpu.memory_space<semaphore_mem>>) src(%dma_wait3A_202 : memref<10000x128xf32, #tpu.memory_space<hbm>>) dst(%arg8 : memref<128x128xf32, #tpu.memory_space<vmem>>)
      %sub3A_203 = arith.constant 1 : i32
      %sub3A_204 = arith.subi %add3A_196, %sub3A_203 : i32
      %dma_wait3A_205 = arith.constant 0 : i32
      %dma_wait3A_206 = tpu.memref_slice %arg7[%sub3A_204, %dma_wait3A_205] : memref<40x128xi32, #tpu.memory_space<vmem>> -> memref<1x128xi32, #tpu.memory_space<vmem>>
      %dma_wait3A_207 = tpu.memref_squeeze %dma_wait3A_206 : memref<1x128xi32, #tpu.memory_space<vmem>> -> memref<128xi32, #tpu.memory_space<vmem>>
      %dma_wait3A_208 = arith.constant 0 : i32
      %dma_wait3A_209 = arith.constant 0 : i32
      %dma_wait3A_210 = tpu.memref_slice %arg10[%dma_wait3A_208, %dma_wait3A_209] : memref<10240x128xf32, #tpu.memory_space<vmem_shared>> -> memref<10240x128xf32, #tpu.memory_space<vmem_shared>>
      tpu.wait_indirect_dma semaphore(%arg14 : memref<!tpu.dma_semaphore, #tpu.memory_space<semaphore_mem>>) src(%arg9 : memref<128x128xf32, #tpu.memory_space<vmem>>) dst(%dma_wait3A_210 : memref<10240x128xf32, #tpu.memory_space<vmem_shared>>)
      %dma_start3A_211 = arith.constant 0 : i32
      %dma_start3A_212 = tpu.memref_slice %arg7[%add3A_196, %dma_start3A_211] : memref<40x128xi32, #tpu.memory_space<vmem>> -> memref<1x128xi32, #tpu.memory_space<vmem>>
      %dma_start3A_213 = tpu.memref_squeeze %dma_start3A_212 : memref<1x128xi32, #tpu.memory_space<vmem>> -> memref<128xi32, #tpu.memory_space<vmem>>
      %dma_start3A_214 = arith.constant 0 : i32
      %dma_start3A_215 = arith.constant 0 : i32
      %dma_start3A_216 = tpu.memref_slice %arg10[%dma_start3A_214, %dma_start3A_215] : memref<10240x128xf32, #tpu.memory_space<vmem_shared>> -> memref<10240x128xf32, #tpu.memory_space<vmem_shared>>
      tpu.enqueue_indirect_dma source(%arg8 : memref<128x128xf32, #tpu.memory_space<vmem>>) target(%dma_start3A_216 : memref<10240x128xf32, #tpu.memory_space<vmem_shared>>) offsets(%dma_start3A_213 : memref<128xi32, #tpu.memory_space<vmem>>) semaphore(%arg13 : memref<!tpu.dma_semaphore, #tpu.memory_space<semaphore_mem>>) {add = true}
      %add3A_217 = arith.constant 1 : i32
      %add3A_218 = arith.addi %add3A_196, %add3A_217 : i32
      %dma_start3A_219 = arith.constant 0 : i32
      %dma_start3A_220 = tpu.memref_slice %arg6[%add3A_218, %dma_start3A_219] : memref<40x128xi32, #tpu.memory_space<vmem>> -> memref<1x128xi32, #tpu.memory_space<vmem>>
      %dma_start3A_221 = tpu.memref_squeeze %dma_start3A_220 : memref<1x128xi32, #tpu.memory_space<vmem>> -> memref<128xi32, #tpu.memory_space<vmem>>
      %dma_start3A_222 = arith.constant 0 : i32
      %dma_start3A_223 = arith.constant 0 : i32
      %dma_start3A_224 = tpu.memref_slice %arg2[%dma_start3A_222, %dma_start3A_223] : memref<10000x128xf32, #tpu.memory_space<hbm>> -> memref<10000x128xf32, #tpu.memory_space<hbm>>
      tpu.enqueue_indirect_dma source(%dma_start3A_224 : memref<10000x128xf32, #tpu.memory_space<hbm>>) target(%arg9 : memref<128x128xf32, #tpu.memory_space<vmem>>) offsets(%dma_start3A_221 : memref<128xi32, #tpu.memory_space<vmem>>) semaphore(%arg12 : memref<!tpu.dma_semaphore, #tpu.memory_space<semaphore_mem>>)
    }
    %scan3A_55 = arith.constant 19 : i32
    %dma_wait3A_56 = arith.constant 39 : i32
    %dma_wait3A_57 = arith.constant 0 : i32
    %dma_wait3A_58 = tpu.memref_slice %arg6[%dma_wait3A_56, %dma_wait3A_57] : memref<40x128xi32, #tpu.memory_space<vmem>> -> memref<1x128xi32, #tpu.memory_space<vmem>>
    %dma_wait3A_59 = tpu.memref_squeeze %dma_wait3A_58 : memref<1x128xi32, #tpu.memory_space<vmem>> -> memref<128xi32, #tpu.memory_space<vmem>>
    %dma_wait3A_60 = arith.constant 0 : i32
    %dma_wait3A_61 = arith.constant 0 : i32
    %dma_wait3A_62 = tpu.memref_slice %arg2[%dma_wait3A_60, %dma_wait3A_61] : memref<10000x128xf32, #tpu.memory_space<hbm>> -> memref<10000x128xf32, #tpu.memory_space<hbm>>
    tpu.wait_indirect_dma semaphore(%arg12 : memref<!tpu.dma_semaphore, #tpu.memory_space<semaphore_mem>>) src(%dma_wait3A_62 : memref<10000x128xf32, #tpu.memory_space<hbm>>) dst(%arg9 : memref<128x128xf32, #tpu.memory_space<vmem>>)
    %dma_wait3A_63 = arith.constant 38 : i32
    %dma_wait3A_64 = arith.constant 0 : i32
    %dma_wait3A_65 = tpu.memref_slice %arg7[%dma_wait3A_63, %dma_wait3A_64] : memref<40x128xi32, #tpu.memory_space<vmem>> -> memref<1x128xi32, #tpu.memory_space<vmem>>
    %dma_wait3A_66 = tpu.memref_squeeze %dma_wait3A_65 : memref<1x128xi32, #tpu.memory_space<vmem>> -> memref<128xi32, #tpu.memory_space<vmem>>
    %dma_wait3A_67 = arith.constant 0 : i32
    %dma_wait3A_68 = arith.constant 0 : i32
    %dma_wait3A_69 = tpu.memref_slice %arg10[%dma_wait3A_67, %dma_wait3A_68] : memref<10240x128xf32, #tpu.memory_space<vmem_shared>> -> memref<10240x128xf32, #tpu.memory_space<vmem_shared>>
    tpu.wait_indirect_dma semaphore(%arg13 : memref<!tpu.dma_semaphore, #tpu.memory_space<semaphore_mem>>) src(%arg8 : memref<128x128xf32, #tpu.memory_space<vmem>>) dst(%dma_wait3A_69 : memref<10240x128xf32, #tpu.memory_space<vmem_shared>>)
    %dma_start3A_70 = arith.constant 39 : i32
    %dma_start3A_71 = arith.constant 0 : i32
    %dma_start3A_72 = tpu.memref_slice %arg7[%dma_start3A_70, %dma_start3A_71] : memref<40x128xi32, #tpu.memory_space<vmem>> -> memref<1x128xi32, #tpu.memory_space<vmem>>
    %dma_start3A_73 = tpu.memref_squeeze %dma_start3A_72 : memref<1x128xi32, #tpu.memory_space<vmem>> -> memref<128xi32, #tpu.memory_space<vmem>>
    %dma_start3A_74 = arith.constant 0 : i32
    %dma_start3A_75 = arith.constant 0 : i32
    %dma_start3A_76 = tpu.memref_slice %arg10[%dma_start3A_74, %dma_start3A_75] : memref<10240x128xf32, #tpu.memory_space<vmem_shared>> -> memref<10240x128xf32, #tpu.memory_space<vmem_shared>>
    tpu.enqueue_indirect_dma source(%arg9 : memref<128x128xf32, #tpu.memory_space<vmem>>) target(%dma_start3A_76 : memref<10240x128xf32, #tpu.memory_space<vmem_shared>>) offsets(%dma_start3A_73 : memref<128xi32, #tpu.memory_space<vmem>>) semaphore(%arg14 : memref<!tpu.dma_semaphore, #tpu.memory_space<semaphore_mem>>) {add = true}
    %dma_wait3A_77 = arith.constant 39 : i32
    %dma_wait3A_78 = arith.constant 0 : i32
    %dma_wait3A_79 = tpu.memref_slice %arg7[%dma_wait3A_77, %dma_wait3A_78] : memref<40x128xi32, #tpu.memory_space<vmem>> -> memref<1x128xi32, #tpu.memory_space<vmem>>
    %dma_wait3A_80 = tpu.memref_squeeze %dma_wait3A_79 : memref<1x128xi32, #tpu.memory_space<vmem>> -> memref<128xi32, #tpu.memory_space<vmem>>
    %dma_wait3A_81 = arith.constant 0 : i32
    %dma_wait3A_82 = arith.constant 0 : i32
    %dma_wait3A_83 = tpu.memref_slice %arg10[%dma_wait3A_81, %dma_wait3A_82] : memref<10240x128xf32, #tpu.memory_space<vmem_shared>> -> memref<10240x128xf32, #tpu.memory_space<vmem_shared>>
    tpu.wait_indirect_dma semaphore(%arg14 : memref<!tpu.dma_semaphore, #tpu.memory_space<semaphore_mem>>) src(%arg9 : memref<128x128xf32, #tpu.memory_space<vmem>>) dst(%dma_wait3A_83 : memref<10240x128xf32, #tpu.memory_space<vmem_shared>>)
    %add3A_84 = arith.constant 40 : i32
    %add3A_85 = arith.addi %mul3A_2, %add3A_84 : i32
    "tpu.region"() ({
      %run_scoped3A = tpu.sem_alloc : memref<!tpu.dma_semaphore, #tpu.memory_space<semaphore_mem>>
      %dma_start3A_161 = arith.constant 0 : i32
      %dma_start3A_162 = tpu.memref_slice %arg3[%add3A_85, %dma_start3A_161] : memref<2560x128xi32, #tpu.memory_space<hbm>> -> memref<40x128xi32, #tpu.memory_space<hbm>>
      %dma_start3A_163 = arith.constant 0 : i32
      %dma_start3A_164 = tpu.memref_slice %arg3[%add3A_85, %dma_start3A_163] : memref<2560x128xi32, #tpu.memory_space<hbm>> -> memref<40x128xi32, #tpu.memory_space<hbm>>
      tpu.enqueue_dma source(%dma_start3A_164 : memref<40x128xi32, #tpu.memory_space<hbm>>) target(%arg6 : memref<40x128xi32, #tpu.memory_space<vmem>>) target_semaphore(%run_scoped3A : memref<!tpu.dma_semaphore, #tpu.memory_space<semaphore_mem>>)
      %dma_wait3A_165 = arith.constant 0 : i32
      %dma_wait3A_166 = tpu.memref_slice %arg3[%add3A_85, %dma_wait3A_165] : memref<2560x128xi32, #tpu.memory_space<hbm>> -> memref<40x128xi32, #tpu.memory_space<hbm>>
      %dma_wait3A_167 = arith.constant 0 : i32
      %dma_wait3A_168 = tpu.memref_slice %arg3[%add3A_85, %dma_wait3A_167] : memref<2560x128xi32, #tpu.memory_space<hbm>> -> memref<40x128xi32, #tpu.memory_space<hbm>>
      tpu.wait_dma2 semaphore(%run_scoped3A : memref<!tpu.dma_semaphore, #tpu.memory_space<semaphore_mem>>) src(%dma_wait3A_168 : memref<40x128xi32, #tpu.memory_space<hbm>>) dst(%arg6 : memref<40x128xi32, #tpu.memory_space<vmem>>)
      tpu.yield
    }) : () -> ()
    %add3A_86 = arith.constant 40 : i32
    %add3A_87 = arith.addi %mul3A_2, %add3A_86 : i32
    "tpu.region"() ({
      %run_scoped3A = tpu.sem_alloc : memref<!tpu.dma_semaphore, #tpu.memory_space<semaphore_mem>>
      %dma_start3A_161 = arith.constant 0 : i32
      %dma_start3A_162 = tpu.memref_slice %arg4[%add3A_87, %dma_start3A_161] : memref<2560x128xi32, #tpu.memory_space<hbm>> -> memref<40x128xi32, #tpu.memory_space<hbm>>
      %dma_start3A_163 = arith.constant 0 : i32
      %dma_start3A_164 = tpu.memref_slice %arg4[%add3A_87, %dma_start3A_163] : memref<2560x128xi32, #tpu.memory_space<hbm>> -> memref<40x128xi32, #tpu.memory_space<hbm>>
      tpu.enqueue_dma source(%dma_start3A_164 : memref<40x128xi32, #tpu.memory_space<hbm>>) target(%arg7 : memref<40x128xi32, #tpu.memory_space<vmem>>) target_semaphore(%run_scoped3A : memref<!tpu.dma_semaphore, #tpu.memory_space<semaphore_mem>>)
      %dma_wait3A_165 = arith.constant 0 : i32
      %dma_wait3A_166 = tpu.memref_slice %arg4[%add3A_87, %dma_wait3A_165] : memref<2560x128xi32, #tpu.memory_space<hbm>> -> memref<40x128xi32, #tpu.memory_space<hbm>>
      %dma_wait3A_167 = arith.constant 0 : i32
      %dma_wait3A_168 = tpu.memref_slice %arg4[%add3A_87, %dma_wait3A_167] : memref<2560x128xi32, #tpu.memory_space<hbm>> -> memref<40x128xi32, #tpu.memory_space<hbm>>
      tpu.wait_dma2 semaphore(%run_scoped3A : memref<!tpu.dma_semaphore, #tpu.memory_space<semaphore_mem>>) src(%dma_wait3A_168 : memref<40x128xi32, #tpu.memory_space<hbm>>) dst(%arg7 : memref<40x128xi32, #tpu.memory_space<vmem>>)
      tpu.yield
    }) : () -> ()
    %dma_start3A_88 = arith.constant 0 : i32
    %dma_start3A_89 = arith.constant 0 : i32
    %dma_start3A_90 = tpu.memref_slice %arg6[%dma_start3A_88, %dma_start3A_89] : memref<40x128xi32, #tpu.memory_space<vmem>> -> memref<1x128xi32, #tpu.memory_space<vmem>>
    %dma_start3A_91 = tpu.memref_squeeze %dma_start3A_90 : memref<1x128xi32, #tpu.memory_space<vmem>> -> memref<128xi32, #tpu.memory_space<vmem>>
    %dma_start3A_92 = arith.constant 0 : i32
    %dma_start3A_93 = arith.constant 0 : i32
    %dma_start3A_94 = tpu.memref_slice %arg2[%dma_start3A_92, %dma_start3A_93] : memref<10000x128xf32, #tpu.memory_space<hbm>> -> memref<10000x128xf32, #tpu.memory_space<hbm>>
    tpu.enqueue_indirect_dma source(%dma_start3A_94 : memref<10000x128xf32, #tpu.memory_space<hbm>>) target(%arg8 : memref<128x128xf32, #tpu.memory_space<vmem>>) offsets(%dma_start3A_91 : memref<128xi32, #tpu.memory_space<vmem>>) semaphore(%arg11 : memref<!tpu.dma_semaphore, #tpu.memory_space<semaphore_mem>>)
    %dma_wait3A_95 = arith.constant 0 : i32
    %dma_wait3A_96 = arith.constant 0 : i32
    %dma_wait3A_97 = tpu.memref_slice %arg6[%dma_wait3A_95, %dma_wait3A_96] : memref<40x128xi32, #tpu.memory_space<vmem>> -> memref<1x128xi32, #tpu.memory_space<vmem>>
    %dma_wait3A_98 = tpu.memref_squeeze %dma_wait3A_97 : memref<1x128xi32, #tpu.memory_space<vmem>> -> memref<128xi32, #tpu.memory_space<vmem>>
    %dma_wait3A_99 = arith.constant 0 : i32
    %dma_wait3A_100 = arith.constant 0 : i32
    %dma_wait3A_101 = tpu.memref_slice %arg2[%dma_wait3A_99, %dma_wait3A_100] : memref<10000x128xf32, #tpu.memory_space<hbm>> -> memref<10000x128xf32, #tpu.memory_space<hbm>>
    tpu.wait_indirect_dma semaphore(%arg11 : memref<!tpu.dma_semaphore, #tpu.memory_space<semaphore_mem>>) src(%dma_wait3A_101 : memref<10000x128xf32, #tpu.memory_space<hbm>>) dst(%arg8 : memref<128x128xf32, #tpu.memory_space<vmem>>)
    %dma_start3A_102 = arith.constant 0 : i32
    %dma_start3A_103 = arith.constant 0 : i32
    %dma_start3A_104 = tpu.memref_slice %arg7[%dma_start3A_102, %dma_start3A_103] : memref<40x128xi32, #tpu.memory_space<vmem>> -> memref<1x128xi32, #tpu.memory_space<vmem>>
    %dma_start3A_105 = tpu.memref_squeeze %dma_start3A_104 : memref<1x128xi32, #tpu.memory_space<vmem>> -> memref<128xi32, #tpu.memory_space<vmem>>
    %dma_start3A_106 = arith.constant 0 : i32
    %dma_start3A_107 = arith.constant 0 : i32
    %dma_start3A_108 = tpu.memref_slice %arg10[%dma_start3A_106, %dma_start3A_107] : memref<10240x128xf32, #tpu.memory_space<vmem_shared>> -> memref<10240x128xf32, #tpu.memory_space<vmem_shared>>
    tpu.enqueue_indirect_dma source(%arg8 : memref<128x128xf32, #tpu.memory_space<vmem>>) target(%dma_start3A_108 : memref<10240x128xf32, #tpu.memory_space<vmem_shared>>) offsets(%dma_start3A_105 : memref<128xi32, #tpu.memory_space<vmem>>) semaphore(%arg13 : memref<!tpu.dma_semaphore, #tpu.memory_space<semaphore_mem>>) {add = true}
    %dma_start3A_109 = arith.constant 1 : i32
    %dma_start3A_110 = arith.constant 0 : i32
    %dma_start3A_111 = tpu.memref_slice %arg6[%dma_start3A_109, %dma_start3A_110] : memref<40x128xi32, #tpu.memory_space<vmem>> -> memref<1x128xi32, #tpu.memory_space<vmem>>
    %dma_start3A_112 = tpu.memref_squeeze %dma_start3A_111 : memref<1x128xi32, #tpu.memory_space<vmem>> -> memref<128xi32, #tpu.memory_space<vmem>>
    %dma_start3A_113 = arith.constant 0 : i32
    %dma_start3A_114 = arith.constant 0 : i32
    %dma_start3A_115 = tpu.memref_slice %arg2[%dma_start3A_113, %dma_start3A_114] : memref<10000x128xf32, #tpu.memory_space<hbm>> -> memref<10000x128xf32, #tpu.memory_space<hbm>>
    tpu.enqueue_indirect_dma source(%dma_start3A_115 : memref<10000x128xf32, #tpu.memory_space<hbm>>) target(%arg9 : memref<128x128xf32, #tpu.memory_space<vmem>>) offsets(%dma_start3A_112 : memref<128xi32, #tpu.memory_space<vmem>>) semaphore(%arg12 : memref<!tpu.dma_semaphore, #tpu.memory_space<semaphore_mem>>)
    %scan3A_116 = arith.constant 0 : i32
    %scan3A_117 = arith.constant 0 : i32
    %scan3A_118 = arith.constant 19 : i32
    %scan3A_119 = arith.addi %scan3A_117, %scan3A_118 : i32
    %scan3A_120 = arith.constant 1 : i32
    scf.for %scan3A_161 = %scan3A_117 to %scan3A_119 step %scan3A_120  : i32 {
      %mul3A_162 = arith.constant 2 : i32
      %mul3A_163 = arith.muli %mul3A_162, %scan3A_161 : i32
      %add3A_164 = arith.constant 1 : i32
      %add3A_165 = arith.addi %mul3A_163, %add3A_164 : i32
      %dma_wait3A_166 = arith.constant 0 : i32
      %dma_wait3A_167 = tpu.memref_slice %arg6[%add3A_165, %dma_wait3A_166] : memref<40x128xi32, #tpu.memory_space<vmem>> -> memref<1x128xi32, #tpu.memory_space<vmem>>
      %dma_wait3A_168 = tpu.memref_squeeze %dma_wait3A_167 : memref<1x128xi32, #tpu.memory_space<vmem>> -> memref<128xi32, #tpu.memory_space<vmem>>
      %dma_wait3A_169 = arith.constant 0 : i32
      %dma_wait3A_170 = arith.constant 0 : i32
      %dma_wait3A_171 = tpu.memref_slice %arg2[%dma_wait3A_169, %dma_wait3A_170] : memref<10000x128xf32, #tpu.memory_space<hbm>> -> memref<10000x128xf32, #tpu.memory_space<hbm>>
      tpu.wait_indirect_dma semaphore(%arg12 : memref<!tpu.dma_semaphore, #tpu.memory_space<semaphore_mem>>) src(%dma_wait3A_171 : memref<10000x128xf32, #tpu.memory_space<hbm>>) dst(%arg9 : memref<128x128xf32, #tpu.memory_space<vmem>>)
      %sub3A = arith.constant 1 : i32
      %sub3A_172 = arith.subi %add3A_165, %sub3A : i32
      %dma_wait3A_173 = arith.constant 0 : i32
      %dma_wait3A_174 = tpu.memref_slice %arg7[%sub3A_172, %dma_wait3A_173] : memref<40x128xi32, #tpu.memory_space<vmem>> -> memref<1x128xi32, #tpu.memory_space<vmem>>
      %dma_wait3A_175 = tpu.memref_squeeze %dma_wait3A_174 : memref<1x128xi32, #tpu.memory_space<vmem>> -> memref<128xi32, #tpu.memory_space<vmem>>
      %dma_wait3A_176 = arith.constant 0 : i32
      %dma_wait3A_177 = arith.constant 0 : i32
      %dma_wait3A_178 = tpu.memref_slice %arg10[%dma_wait3A_176, %dma_wait3A_177] : memref<10240x128xf32, #tpu.memory_space<vmem_shared>> -> memref<10240x128xf32, #tpu.memory_space<vmem_shared>>
      tpu.wait_indirect_dma semaphore(%arg13 : memref<!tpu.dma_semaphore, #tpu.memory_space<semaphore_mem>>) src(%arg8 : memref<128x128xf32, #tpu.memory_space<vmem>>) dst(%dma_wait3A_178 : memref<10240x128xf32, #tpu.memory_space<vmem_shared>>)
      %dma_start3A_179 = arith.constant 0 : i32
      %dma_start3A_180 = tpu.memref_slice %arg7[%add3A_165, %dma_start3A_179] : memref<40x128xi32, #tpu.memory_space<vmem>> -> memref<1x128xi32, #tpu.memory_space<vmem>>
      %dma_start3A_181 = tpu.memref_squeeze %dma_start3A_180 : memref<1x128xi32, #tpu.memory_space<vmem>> -> memref<128xi32, #tpu.memory_space<vmem>>
      %dma_start3A_182 = arith.constant 0 : i32
      %dma_start3A_183 = arith.constant 0 : i32
      %dma_start3A_184 = tpu.memref_slice %arg10[%dma_start3A_182, %dma_start3A_183] : memref<10240x128xf32, #tpu.memory_space<vmem_shared>> -> memref<10240x128xf32, #tpu.memory_space<vmem_shared>>
      tpu.enqueue_indirect_dma source(%arg9 : memref<128x128xf32, #tpu.memory_space<vmem>>) target(%dma_start3A_184 : memref<10240x128xf32, #tpu.memory_space<vmem_shared>>) offsets(%dma_start3A_181 : memref<128xi32, #tpu.memory_space<vmem>>) semaphore(%arg14 : memref<!tpu.dma_semaphore, #tpu.memory_space<semaphore_mem>>) {add = true}
      %add3A_185 = arith.constant 1 : i32
      %add3A_186 = arith.addi %add3A_165, %add3A_185 : i32
      %dma_start3A_187 = arith.constant 0 : i32
      %dma_start3A_188 = tpu.memref_slice %arg6[%add3A_186, %dma_start3A_187] : memref<40x128xi32, #tpu.memory_space<vmem>> -> memref<1x128xi32, #tpu.memory_space<vmem>>
      %dma_start3A_189 = tpu.memref_squeeze %dma_start3A_188 : memref<1x128xi32, #tpu.memory_space<vmem>> -> memref<128xi32, #tpu.memory_space<vmem>>
      %dma_start3A_190 = arith.constant 0 : i32
      %dma_start3A_191 = arith.constant 0 : i32
      %dma_start3A_192 = tpu.memref_slice %arg2[%dma_start3A_190, %dma_start3A_191] : memref<10000x128xf32, #tpu.memory_space<hbm>> -> memref<10000x128xf32, #tpu.memory_space<hbm>>
      tpu.enqueue_indirect_dma source(%dma_start3A_192 : memref<10000x128xf32, #tpu.memory_space<hbm>>) target(%arg8 : memref<128x128xf32, #tpu.memory_space<vmem>>) offsets(%dma_start3A_189 : memref<128xi32, #tpu.memory_space<vmem>>) semaphore(%arg11 : memref<!tpu.dma_semaphore, #tpu.memory_space<semaphore_mem>>)
      %mul3A_193 = arith.constant 2 : i32
      %mul3A_194 = arith.muli %mul3A_193, %scan3A_161 : i32
      %add3A_195 = arith.constant 2 : i32
      %add3A_196 = arith.addi %mul3A_194, %add3A_195 : i32
      %dma_wait3A_197 = arith.constant 0 : i32
      %dma_wait3A_198 = tpu.memref_slice %arg6[%add3A_196, %dma_wait3A_197] : memref<40x128xi32, #tpu.memory_space<vmem>> -> memref<1x128xi32, #tpu.memory_space<vmem>>
      %dma_wait3A_199 = tpu.memref_squeeze %dma_wait3A_198 : memref<1x128xi32, #tpu.memory_space<vmem>> -> memref<128xi32, #tpu.memory_space<vmem>>
      %dma_wait3A_200 = arith.constant 0 : i32
      %dma_wait3A_201 = arith.constant 0 : i32
      %dma_wait3A_202 = tpu.memref_slice %arg2[%dma_wait3A_200, %dma_wait3A_201] : memref<10000x128xf32, #tpu.memory_space<hbm>> -> memref<10000x128xf32, #tpu.memory_space<hbm>>
      tpu.wait_indirect_dma semaphore(%arg11 : memref<!tpu.dma_semaphore, #tpu.memory_space<semaphore_mem>>) src(%dma_wait3A_202 : memref<10000x128xf32, #tpu.memory_space<hbm>>) dst(%arg8 : memref<128x128xf32, #tpu.memory_space<vmem>>)
      %sub3A_203 = arith.constant 1 : i32
      %sub3A_204 = arith.subi %add3A_196, %sub3A_203 : i32
      %dma_wait3A_205 = arith.constant 0 : i32
      %dma_wait3A_206 = tpu.memref_slice %arg7[%sub3A_204, %dma_wait3A_205] : memref<40x128xi32, #tpu.memory_space<vmem>> -> memref<1x128xi32, #tpu.memory_space<vmem>>
      %dma_wait3A_207 = tpu.memref_squeeze %dma_wait3A_206 : memref<1x128xi32, #tpu.memory_space<vmem>> -> memref<128xi32, #tpu.memory_space<vmem>>
      %dma_wait3A_208 = arith.constant 0 : i32
      %dma_wait3A_209 = arith.constant 0 : i32
      %dma_wait3A_210 = tpu.memref_slice %arg10[%dma_wait3A_208, %dma_wait3A_209] : memref<10240x128xf32, #tpu.memory_space<vmem_shared>> -> memref<10240x128xf32, #tpu.memory_space<vmem_shared>>
      tpu.wait_indirect_dma semaphore(%arg14 : memref<!tpu.dma_semaphore, #tpu.memory_space<semaphore_mem>>) src(%arg9 : memref<128x128xf32, #tpu.memory_space<vmem>>) dst(%dma_wait3A_210 : memref<10240x128xf32, #tpu.memory_space<vmem_shared>>)
      %dma_start3A_211 = arith.constant 0 : i32
      %dma_start3A_212 = tpu.memref_slice %arg7[%add3A_196, %dma_start3A_211] : memref<40x128xi32, #tpu.memory_space<vmem>> -> memref<1x128xi32, #tpu.memory_space<vmem>>
      %dma_start3A_213 = tpu.memref_squeeze %dma_start3A_212 : memref<1x128xi32, #tpu.memory_space<vmem>> -> memref<128xi32, #tpu.memory_space<vmem>>
      %dma_start3A_214 = arith.constant 0 : i32
      %dma_start3A_215 = arith.constant 0 : i32
      %dma_start3A_216 = tpu.memref_slice %arg10[%dma_start3A_214, %dma_start3A_215] : memref<10240x128xf32, #tpu.memory_space<vmem_shared>> -> memref<10240x128xf32, #tpu.memory_space<vmem_shared>>
      tpu.enqueue_indirect_dma source(%arg8 : memref<128x128xf32, #tpu.memory_space<vmem>>) target(%dma_start3A_216 : memref<10240x128xf32, #tpu.memory_space<vmem_shared>>) offsets(%dma_start3A_213 : memref<128xi32, #tpu.memory_space<vmem>>) semaphore(%arg13 : memref<!tpu.dma_semaphore, #tpu.memory_space<semaphore_mem>>) {add = true}
      %add3A_217 = arith.constant 1 : i32
      %add3A_218 = arith.addi %add3A_196, %add3A_217 : i32
      %dma_start3A_219 = arith.constant 0 : i32
      %dma_start3A_220 = tpu.memref_slice %arg6[%add3A_218, %dma_start3A_219] : memref<40x128xi32, #tpu.memory_space<vmem>> -> memref<1x128xi32, #tpu.memory_space<vmem>>
      %dma_start3A_221 = tpu.memref_squeeze %dma_start3A_220 : memref<1x128xi32, #tpu.memory_space<vmem>> -> memref<128xi32, #tpu.memory_space<vmem>>
      %dma_start3A_222 = arith.constant 0 : i32
      %dma_start3A_223 = arith.constant 0 : i32
      %dma_start3A_224 = tpu.memref_slice %arg2[%dma_start3A_222, %dma_start3A_223] : memref<10000x128xf32, #tpu.memory_space<hbm>> -> memref<10000x128xf32, #tpu.memory_space<hbm>>
      tpu.enqueue_indirect_dma source(%dma_start3A_224 : memref<10000x128xf32, #tpu.memory_space<hbm>>) target(%arg9 : memref<128x128xf32, #tpu.memory_space<vmem>>) offsets(%dma_start3A_221 : memref<128xi32, #tpu.memory_space<vmem>>) semaphore(%arg12 : memref<!tpu.dma_semaphore, #tpu.memory_space<semaphore_mem>>)
    }
    %scan3A_121 = arith.constant 19 : i32
    %dma_wait3A_122 = arith.constant 39 : i32
    %dma_wait3A_123 = arith.constant 0 : i32
    %dma_wait3A_124 = tpu.memref_slice %arg6[%dma_wait3A_122, %dma_wait3A_123] : memref<40x128xi32, #tpu.memory_space<vmem>> -> memref<1x128xi32, #tpu.memory_space<vmem>>
    %dma_wait3A_125 = tpu.memref_squeeze %dma_wait3A_124 : memref<1x128xi32, #tpu.memory_space<vmem>> -> memref<128xi32, #tpu.memory_space<vmem>>
    %dma_wait3A_126 = arith.constant 0 : i32
    %dma_wait3A_127 = arith.constant 0 : i32
    %dma_wait3A_128 = tpu.memref_slice %arg2[%dma_wait3A_126, %dma_wait3A_127] : memref<10000x128xf32, #tpu.memory_space<hbm>> -> memref<10000x128xf32, #tpu.memory_space<hbm>>
    tpu.wait_indirect_dma semaphore(%arg12 : memref<!tpu.dma_semaphore, #tpu.memory_space<semaphore_mem>>) src(%dma_wait3A_128 : memref<10000x128xf32, #tpu.memory_space<hbm>>) dst(%arg9 : memref<128x128xf32, #tpu.memory_space<vmem>>)
    %dma_wait3A_129 = arith.constant 38 : i32
    %dma_wait3A_130 = arith.constant 0 : i32
    %dma_wait3A_131 = tpu.memref_slice %arg7[%dma_wait3A_129, %dma_wait3A_130] : memref<40x128xi32, #tpu.memory_space<vmem>> -> memref<1x128xi32, #tpu.memory_space<vmem>>
    %dma_wait3A_132 = tpu.memref_squeeze %dma_wait3A_131 : memref<1x128xi32, #tpu.memory_space<vmem>> -> memref<128xi32, #tpu.memory_space<vmem>>
    %dma_wait3A_133 = arith.constant 0 : i32
    %dma_wait3A_134 = arith.constant 0 : i32
    %dma_wait3A_135 = tpu.memref_slice %arg10[%dma_wait3A_133, %dma_wait3A_134] : memref<10240x128xf32, #tpu.memory_space<vmem_shared>> -> memref<10240x128xf32, #tpu.memory_space<vmem_shared>>
    tpu.wait_indirect_dma semaphore(%arg13 : memref<!tpu.dma_semaphore, #tpu.memory_space<semaphore_mem>>) src(%arg8 : memref<128x128xf32, #tpu.memory_space<vmem>>) dst(%dma_wait3A_135 : memref<10240x128xf32, #tpu.memory_space<vmem_shared>>)
    %dma_start3A_136 = arith.constant 39 : i32
    %dma_start3A_137 = arith.constant 0 : i32
    %dma_start3A_138 = tpu.memref_slice %arg7[%dma_start3A_136, %dma_start3A_137] : memref<40x128xi32, #tpu.memory_space<vmem>> -> memref<1x128xi32, #tpu.memory_space<vmem>>
    %dma_start3A_139 = tpu.memref_squeeze %dma_start3A_138 : memref<1x128xi32, #tpu.memory_space<vmem>> -> memref<128xi32, #tpu.memory_space<vmem>>
    %dma_start3A_140 = arith.constant 0 : i32
    %dma_start3A_141 = arith.constant 0 : i32
    %dma_start3A_142 = tpu.memref_slice %arg10[%dma_start3A_140, %dma_start3A_141] : memref<10240x128xf32, #tpu.memory_space<vmem_shared>> -> memref<10240x128xf32, #tpu.memory_space<vmem_shared>>
    tpu.enqueue_indirect_dma source(%arg9 : memref<128x128xf32, #tpu.memory_space<vmem>>) target(%dma_start3A_142 : memref<10240x128xf32, #tpu.memory_space<vmem_shared>>) offsets(%dma_start3A_139 : memref<128xi32, #tpu.memory_space<vmem>>) semaphore(%arg14 : memref<!tpu.dma_semaphore, #tpu.memory_space<semaphore_mem>>) {add = true}
    %dma_wait3A_143 = arith.constant 39 : i32
    %dma_wait3A_144 = arith.constant 0 : i32
    %dma_wait3A_145 = tpu.memref_slice %arg7[%dma_wait3A_143, %dma_wait3A_144] : memref<40x128xi32, #tpu.memory_space<vmem>> -> memref<1x128xi32, #tpu.memory_space<vmem>>
    %dma_wait3A_146 = tpu.memref_squeeze %dma_wait3A_145 : memref<1x128xi32, #tpu.memory_space<vmem>> -> memref<128xi32, #tpu.memory_space<vmem>>
    %dma_wait3A_147 = arith.constant 0 : i32
    %dma_wait3A_148 = arith.constant 0 : i32
    %dma_wait3A_149 = tpu.memref_slice %arg10[%dma_wait3A_147, %dma_wait3A_148] : memref<10240x128xf32, #tpu.memory_space<vmem_shared>> -> memref<10240x128xf32, #tpu.memory_space<vmem_shared>>
    tpu.wait_indirect_dma semaphore(%arg14 : memref<!tpu.dma_semaphore, #tpu.memory_space<semaphore_mem>>) src(%arg9 : memref<128x128xf32, #tpu.memory_space<vmem>>) dst(%dma_wait3A_149 : memref<10240x128xf32, #tpu.memory_space<vmem_shared>>)
    %barrier3A_150 = arith.constant 0 : index
    tpu.barrier barrier_id(%barrier3A_150)
    %add3A_151 = arith.constant 0 : i32
    %add3A_152 = arith.addi %mul3A_9, %add3A_151 : i32
    "tpu.region"() ({
      %run_scoped3A = tpu.sem_alloc : memref<!tpu.dma_semaphore, #tpu.memory_space<semaphore_mem>>
      %dma_start3A_161 = arith.constant 0 : i32
      %dma_start3A_162 = arith.constant 0 : i32
      %dma_start3A_163 = tpu.memref_slice %arg5[%arg0, %dma_start3A_161, %dma_start3A_162] : memref<2x10240x128xf32, #tpu.memory_space<hbm>> -> memref<1x10240x128xf32, #tpu.memory_space<hbm>>
      %dma_start3A_164 = tpu.memref_squeeze %dma_start3A_163 : memref<1x10240x128xf32, #tpu.memory_space<hbm>> -> memref<10240x128xf32, #tpu.memory_space<hbm>>
      %dma_start3A_165 = arith.constant 0 : i32
      %dma_start3A_166 = tpu.memref_slice %dma_start3A_164[%add3A_152, %dma_start3A_165] : memref<10240x128xf32, #tpu.memory_space<hbm>> -> memref<128x128xf32, #tpu.memory_space<hbm>>
      %dma_start3A_167 = arith.constant 0 : i32
      %dma_start3A_168 = tpu.memref_slice %arg10[%add3A_152, %dma_start3A_167] : memref<10240x128xf32, #tpu.memory_space<vmem_shared>> -> memref<128x128xf32, #tpu.memory_space<vmem_shared>>
      tpu.enqueue_dma source(%dma_start3A_168 : memref<128x128xf32, #tpu.memory_space<vmem_shared>>) target(%dma_start3A_166 : memref<128x128xf32, #tpu.memory_space<hbm>>) target_semaphore(%run_scoped3A : memref<!tpu.dma_semaphore, #tpu.memory_space<semaphore_mem>>)
      %dma_wait3A_169 = arith.constant 0 : i32
      %dma_wait3A_170 = arith.constant 0 : i32
      %dma_wait3A_171 = tpu.memref_slice %arg5[%arg0, %dma_wait3A_169, %dma_wait3A_170] : memref<2x10240x128xf32, #tpu.memory_space<hbm>> -> memref<1x10240x128xf32, #tpu.memory_space<hbm>>
      %dma_wait3A_172 = tpu.memref_squeeze %dma_wait3A_171 : memref<1x10240x128xf32, #tpu.memory_space<hbm>> -> memref<10240x128xf32, #tpu.memory_space<hbm>>
      %dma_wait3A_173 = arith.constant 0 : i32
      %dma_wait3A_174 = tpu.memref_slice %dma_wait3A_172[%add3A_152, %dma_wait3A_173] : memref<10240x128xf32, #tpu.memory_space<hbm>> -> memref<128x128xf32, #tpu.memory_space<hbm>>
      %dma_wait3A_175 = arith.constant 0 : i32
      %dma_wait3A_176 = tpu.memref_slice %arg10[%add3A_152, %dma_wait3A_175] : memref<10240x128xf32, #tpu.memory_space<vmem_shared>> -> memref<128x128xf32, #tpu.memory_space<vmem_shared>>
      tpu.wait_dma2 semaphore(%run_scoped3A : memref<!tpu.dma_semaphore, #tpu.memory_space<semaphore_mem>>) src(%dma_wait3A_176 : memref<128x128xf32, #tpu.memory_space<vmem_shared>>) dst(%dma_wait3A_174 : memref<128x128xf32, #tpu.memory_space<hbm>>)
      tpu.yield
    }) : () -> ()
    %add3A_153 = arith.constant 128 : i32
    %add3A_154 = arith.addi %mul3A_9, %add3A_153 : i32
    "tpu.region"() ({
      %run_scoped3A = tpu.sem_alloc : memref<!tpu.dma_semaphore, #tpu.memory_space<semaphore_mem>>
      %dma_start3A_161 = arith.constant 0 : i32
      %dma_start3A_162 = arith.constant 0 : i32
      %dma_start3A_163 = tpu.memref_slice %arg5[%arg0, %dma_start3A_161, %dma_start3A_162] : memref<2x10240x128xf32, #tpu.memory_space<hbm>> -> memref<1x10240x128xf32, #tpu.memory_space<hbm>>
      %dma_start3A_164 = tpu.memref_squeeze %dma_start3A_163 : memref<1x10240x128xf32, #tpu.memory_space<hbm>> -> memref<10240x128xf32, #tpu.memory_space<hbm>>
      %dma_start3A_165 = arith.constant 0 : i32
      %dma_start3A_166 = tpu.memref_slice %dma_start3A_164[%add3A_154, %dma_start3A_165] : memref<10240x128xf32, #tpu.memory_space<hbm>> -> memref<128x128xf32, #tpu.memory_space<hbm>>
      %dma_start3A_167 = arith.constant 0 : i32
      %dma_start3A_168 = tpu.memref_slice %arg10[%add3A_154, %dma_start3A_167] : memref<10240x128xf32, #tpu.memory_space<vmem_shared>> -> memref<128x128xf32, #tpu.memory_space<vmem_shared>>
      tpu.enqueue_dma source(%dma_start3A_168 : memref<128x128xf32, #tpu.memory_space<vmem_shared>>) target(%dma_start3A_166 : memref<128x128xf32, #tpu.memory_space<hbm>>) target_semaphore(%run_scoped3A : memref<!tpu.dma_semaphore, #tpu.memory_space<semaphore_mem>>)
      %dma_wait3A_169 = arith.constant 0 : i32
      %dma_wait3A_170 = arith.constant 0 : i32
      %dma_wait3A_171 = tpu.memref_slice %arg5[%arg0, %dma_wait3A_169, %dma_wait3A_170] : memref<2x10240x128xf32, #tpu.memory_space<hbm>> -> memref<1x10240x128xf32, #tpu.memory_space<hbm>>
      %dma_wait3A_172 = tpu.memref_squeeze %dma_wait3A_171 : memref<1x10240x128xf32, #tpu.memory_space<hbm>> -> memref<10240x128xf32, #tpu.memory_space<hbm>>
      %dma_wait3A_173 = arith.constant 0 : i32
      %dma_wait3A_174 = tpu.memref_slice %dma_wait3A_172[%add3A_154, %dma_wait3A_173] : memref<10240x128xf32, #tpu.memory_space<hbm>> -> memref<128x128xf32, #tpu.memory_space<hbm>>
      %dma_wait3A_175 = arith.constant 0 : i32
      %dma_wait3A_176 = tpu.memref_slice %arg10[%add3A_154, %dma_wait3A_175] : memref<10240x128xf32, #tpu.memory_space<vmem_shared>> -> memref<128x128xf32, #tpu.memory_space<vmem_shared>>
      tpu.wait_dma2 semaphore(%run_scoped3A : memref<!tpu.dma_semaphore, #tpu.memory_space<semaphore_mem>>) src(%dma_wait3A_176 : memref<128x128xf32, #tpu.memory_space<vmem_shared>>) dst(%dma_wait3A_174 : memref<128x128xf32, #tpu.memory_space<hbm>>)
      tpu.yield
    }) : () -> ()
    %add3A_155 = arith.constant 256 : i32
    %add3A_156 = arith.addi %mul3A_9, %add3A_155 : i32
    "tpu.region"() ({
      %run_scoped3A = tpu.sem_alloc : memref<!tpu.dma_semaphore, #tpu.memory_space<semaphore_mem>>
      %dma_start3A_161 = arith.constant 0 : i32
      %dma_start3A_162 = arith.constant 0 : i32
      %dma_start3A_163 = tpu.memref_slice %arg5[%arg0, %dma_start3A_161, %dma_start3A_162] : memref<2x10240x128xf32, #tpu.memory_space<hbm>> -> memref<1x10240x128xf32, #tpu.memory_space<hbm>>
      %dma_start3A_164 = tpu.memref_squeeze %dma_start3A_163 : memref<1x10240x128xf32, #tpu.memory_space<hbm>> -> memref<10240x128xf32, #tpu.memory_space<hbm>>
      %dma_start3A_165 = arith.constant 0 : i32
      %dma_start3A_166 = tpu.memref_slice %dma_start3A_164[%add3A_156, %dma_start3A_165] : memref<10240x128xf32, #tpu.memory_space<hbm>> -> memref<128x128xf32, #tpu.memory_space<hbm>>
      %dma_start3A_167 = arith.constant 0 : i32
      %dma_start3A_168 = tpu.memref_slice %arg10[%add3A_156, %dma_start3A_167] : memref<10240x128xf32, #tpu.memory_space<vmem_shared>> -> memref<128x128xf32, #tpu.memory_space<vmem_shared>>
      tpu.enqueue_dma source(%dma_start3A_168 : memref<128x128xf32, #tpu.memory_space<vmem_shared>>) target(%dma_start3A_166 : memref<128x128xf32, #tpu.memory_space<hbm>>) target_semaphore(%run_scoped3A : memref<!tpu.dma_semaphore, #tpu.memory_space<semaphore_mem>>)
      %dma_wait3A_169 = arith.constant 0 : i32
      %dma_wait3A_170 = arith.constant 0 : i32
      %dma_wait3A_171 = tpu.memref_slice %arg5[%arg0, %dma_wait3A_169, %dma_wait3A_170] : memref<2x10240x128xf32, #tpu.memory_space<hbm>> -> memref<1x10240x128xf32, #tpu.memory_space<hbm>>
      %dma_wait3A_172 = tpu.memref_squeeze %dma_wait3A_171 : memref<1x10240x128xf32, #tpu.memory_space<hbm>> -> memref<10240x128xf32, #tpu.memory_space<hbm>>
      %dma_wait3A_173 = arith.constant 0 : i32
      %dma_wait3A_174 = tpu.memref_slice %dma_wait3A_172[%add3A_156, %dma_wait3A_173] : memref<10240x128xf32, #tpu.memory_space<hbm>> -> memref<128x128xf32, #tpu.memory_space<hbm>>
      %dma_wait3A_175 = arith.constant 0 : i32
      %dma_wait3A_176 = tpu.memref_slice %arg10[%add3A_156, %dma_wait3A_175] : memref<10240x128xf32, #tpu.memory_space<vmem_shared>> -> memref<128x128xf32, #tpu.memory_space<vmem_shared>>
      tpu.wait_dma2 semaphore(%run_scoped3A : memref<!tpu.dma_semaphore, #tpu.memory_space<semaphore_mem>>) src(%dma_wait3A_176 : memref<128x128xf32, #tpu.memory_space<vmem_shared>>) dst(%dma_wait3A_174 : memref<128x128xf32, #tpu.memory_space<hbm>>)
      tpu.yield
    }) : () -> ()
    %add3A_157 = arith.constant 384 : i32
    %add3A_158 = arith.addi %mul3A_9, %add3A_157 : i32
    "tpu.region"() ({
      %run_scoped3A = tpu.sem_alloc : memref<!tpu.dma_semaphore, #tpu.memory_space<semaphore_mem>>
      %dma_start3A_161 = arith.constant 0 : i32
      %dma_start3A_162 = arith.constant 0 : i32
      %dma_start3A_163 = tpu.memref_slice %arg5[%arg0, %dma_start3A_161, %dma_start3A_162] : memref<2x10240x128xf32, #tpu.memory_space<hbm>> -> memref<1x10240x128xf32, #tpu.memory_space<hbm>>
      %dma_start3A_164 = tpu.memref_squeeze %dma_start3A_163 : memref<1x10240x128xf32, #tpu.memory_space<hbm>> -> memref<10240x128xf32, #tpu.memory_space<hbm>>
      %dma_start3A_165 = arith.constant 0 : i32
      %dma_start3A_166 = tpu.memref_slice %dma_start3A_164[%add3A_158, %dma_start3A_165] : memref<10240x128xf32, #tpu.memory_space<hbm>> -> memref<128x128xf32, #tpu.memory_space<hbm>>
      %dma_start3A_167 = arith.constant 0 : i32
      %dma_start3A_168 = tpu.memref_slice %arg10[%add3A_158, %dma_start3A_167] : memref<10240x128xf32, #tpu.memory_space<vmem_shared>> -> memref<128x128xf32, #tpu.memory_space<vmem_shared>>
      tpu.enqueue_dma source(%dma_start3A_168 : memref<128x128xf32, #tpu.memory_space<vmem_shared>>) target(%dma_start3A_166 : memref<128x128xf32, #tpu.memory_space<hbm>>) target_semaphore(%run_scoped3A : memref<!tpu.dma_semaphore, #tpu.memory_space<semaphore_mem>>)
      %dma_wait3A_169 = arith.constant 0 : i32
      %dma_wait3A_170 = arith.constant 0 : i32
      %dma_wait3A_171 = tpu.memref_slice %arg5[%arg0, %dma_wait3A_169, %dma_wait3A_170] : memref<2x10240x128xf32, #tpu.memory_space<hbm>> -> memref<1x10240x128xf32, #tpu.memory_space<hbm>>
      %dma_wait3A_172 = tpu.memref_squeeze %dma_wait3A_171 : memref<1x10240x128xf32, #tpu.memory_space<hbm>> -> memref<10240x128xf32, #tpu.memory_space<hbm>>
      %dma_wait3A_173 = arith.constant 0 : i32
      %dma_wait3A_174 = tpu.memref_slice %dma_wait3A_172[%add3A_158, %dma_wait3A_173] : memref<10240x128xf32, #tpu.memory_space<hbm>> -> memref<128x128xf32, #tpu.memory_space<hbm>>
      %dma_wait3A_175 = arith.constant 0 : i32
      %dma_wait3A_176 = tpu.memref_slice %arg10[%add3A_158, %dma_wait3A_175] : memref<10240x128xf32, #tpu.memory_space<vmem_shared>> -> memref<128x128xf32, #tpu.memory_space<vmem_shared>>
      tpu.wait_dma2 semaphore(%run_scoped3A : memref<!tpu.dma_semaphore, #tpu.memory_space<semaphore_mem>>) src(%dma_wait3A_176 : memref<128x128xf32, #tpu.memory_space<vmem_shared>>) dst(%dma_wait3A_174 : memref<128x128xf32, #tpu.memory_space<hbm>>)
      tpu.yield
    }) : () -> ()
    %add3A_159 = arith.constant 512 : i32
    %add3A_160 = arith.addi %mul3A_9, %add3A_159 : i32
    "tpu.region"() ({
      %run_scoped3A = tpu.sem_alloc : memref<!tpu.dma_semaphore, #tpu.memory_space<semaphore_mem>>
      %dma_start3A_161 = arith.constant 0 : i32
      %dma_start3A_162 = arith.constant 0 : i32
      %dma_start3A_163 = tpu.memref_slice %arg5[%arg0, %dma_start3A_161, %dma_start3A_162] : memref<2x10240x128xf32, #tpu.memory_space<hbm>> -> memref<1x10240x128xf32, #tpu.memory_space<hbm>>
      %dma_start3A_164 = tpu.memref_squeeze %dma_start3A_163 : memref<1x10240x128xf32, #tpu.memory_space<hbm>> -> memref<10240x128xf32, #tpu.memory_space<hbm>>
      %dma_start3A_165 = arith.constant 0 : i32
      %dma_start3A_166 = tpu.memref_slice %dma_start3A_164[%add3A_160, %dma_start3A_165] : memref<10240x128xf32, #tpu.memory_space<hbm>> -> memref<128x128xf32, #tpu.memory_space<hbm>>
      %dma_start3A_167 = arith.constant 0 : i32
      %dma_start3A_168 = tpu.memref_slice %arg10[%add3A_160, %dma_start3A_167] : memref<10240x128xf32, #tpu.memory_space<vmem_shared>> -> memref<128x128xf32, #tpu.memory_space<vmem_shared>>
      tpu.enqueue_dma source(%dma_start3A_168 : memref<128x128xf32, #tpu.memory_space<vmem_shared>>) target(%dma_start3A_166 : memref<128x128xf32, #tpu.memory_space<hbm>>) target_semaphore(%run_scoped3A : memref<!tpu.dma_semaphore, #tpu.memory_space<semaphore_mem>>)
      %dma_wait3A_169 = arith.constant 0 : i32
      %dma_wait3A_170 = arith.constant 0 : i32
      %dma_wait3A_171 = tpu.memref_slice %arg5[%arg0, %dma_wait3A_169, %dma_wait3A_170] : memref<2x10240x128xf32, #tpu.memory_space<hbm>> -> memref<1x10240x128xf32, #tpu.memory_space<hbm>>
      %dma_wait3A_172 = tpu.memref_squeeze %dma_wait3A_171 : memref<1x10240x128xf32, #tpu.memory_space<hbm>> -> memref<10240x128xf32, #tpu.memory_space<hbm>>
      %dma_wait3A_173 = arith.constant 0 : i32
      %dma_wait3A_174 = tpu.memref_slice %dma_wait3A_172[%add3A_160, %dma_wait3A_173] : memref<10240x128xf32, #tpu.memory_space<hbm>> -> memref<128x128xf32, #tpu.memory_space<hbm>>
      %dma_wait3A_175 = arith.constant 0 : i32
      %dma_wait3A_176 = tpu.memref_slice %arg10[%add3A_160, %dma_wait3A_175] : memref<10240x128xf32, #tpu.memory_space<vmem_shared>> -> memref<128x128xf32, #tpu.memory_space<vmem_shared>>
      tpu.wait_dma2 semaphore(%run_scoped3A : memref<!tpu.dma_semaphore, #tpu.memory_space<semaphore_mem>>) src(%dma_wait3A_176 : memref<128x128xf32, #tpu.memory_space<vmem_shared>>) dst(%dma_wait3A_174 : memref<128x128xf32, #tpu.memory_space<hbm>>)
      tpu.yield
    }) : () -> ()
    return
  }
}

#map = affine_map<(d0, d1) -> (0, 0)>
#map1 = affine_map<(d0, d1) -> (0, 0, 0)>
module attributes {stable_mosaic.version = 14 : i64} {
  func.func @_agg_kernel(%arg0: i32, %arg1: i32, %arg2: memref<10000x128xf32, #tpu.memory_space<hbm>>, %arg3: memref<2560x128xi32, #tpu.memory_space<hbm>>, %arg4: memref<2560x128xi32, #tpu.memory_space<hbm>>, %arg5: memref<2x10240x128xf32, #tpu.memory_space<hbm>>, %arg6: memref<40x128xi32, #tpu.memory_space<vmem>>, %arg7: memref<40x128xi32, #tpu.memory_space<vmem>>, %arg8: memref<128x128xf32, #tpu.memory_space<vmem>>, %arg9: memref<128x128xf32, #tpu.memory_space<vmem>>, %arg10: memref<10240x128xf32, #tpu.memory_space<vmem_shared>>, %arg11: memref<!tpu.dma_semaphore, #tpu.memory_space<semaphore_mem>>, %arg12: memref<!tpu.dma_semaphore, #tpu.memory_space<semaphore_mem>>, %arg13: memref<!tpu.dma_semaphore, #tpu.memory_space<semaphore_mem>>, %arg14: memref<!tpu.dma_semaphore, #tpu.memory_space<semaphore_mem>>) attributes {dimension_semantics = [#tpu.dimension_semantics<core_parallel>, #tpu.dimension_semantics<subcore_parallel>], iteration_bounds = array<i64: 2, 16>, scalar_prefetch = 0 : i64, scratch_operands = 9 : i64, tpu.core_type = #tpu.core_type<sc_vector_subcore>, window_params = [{transform_indices = #map}, {transform_indices = #map}, {transform_indices = #map}, {transform_indices = #map1}]} {
    %mul3A = arith.constant 16 : i32
    %mul3A_0 = arith.muli %arg0, %mul3A : i32
    %add3A = arith.addi %mul3A_0, %arg1 : i32
    %mul3A_1 = arith.constant 80 : i32
    %mul3A_2 = arith.muli %add3A, %mul3A_1 : i32
    %scan3A = arith.constant 0 : i32
    %scan3A_3 = arith.constant 0 : i32
    %scan3A_4 = arith.constant 128 : i32
    %scan3A_5 = arith.addi %scan3A_3, %scan3A_4 : i32
    %scan3A_6 = arith.constant 1 : i32
    scf.for %scan3A_161 = %scan3A_3 to %scan3A_5 step %scan3A_6  : i32 {
      %broadcast_in_dim3A = arith.constant 0.000000e+00 : f32
      %broadcast_in_dim3A_162 = vector.broadcast %broadcast_in_dim3A : f32 to vector<16xf32>
      %swap3A = arith.index_cast %scan3A_161 : i32 to index
      %swap3A_163 = arith.constant 0 : index
      %swap3A_164 = tpu.vector_load %arg8[%swap3A, %swap3A_163] {strides = array<i32>} : memref<128x128xf32, #tpu.memory_space<vmem>>, vector<1x16xf32>,
      %swap3A_165 = vector.shape_cast %swap3A_164 : vector<1x16xf32> to vector<16xf32>
      %swap3A_166 = vector.shape_cast %broadcast_in_dim3A_162 : vector<16xf32> to vector<1x16xf32>
      tpu.vector_store %arg8[%swap3A, %swap3A_163], %swap3A_166 {strides = array<i32>} : memref<128x128xf32, #tpu.memory_space<vmem>>, vector<1x16xf32>,
      %broadcast_in_dim3A_167 = arith.constant 0.000000e+00 : f32
      %broadcast_in_dim3A_168 = vector.broadcast %broadcast_in_dim3A_167 : f32 to vector<16xf32>
      %swap3A_169 = arith.index_cast %scan3A_161 : i32 to index
      %swap3A_170 = arith.constant 16 : index
      %swap3A_171 = tpu.vector_load %arg8[%swap3A_169, %swap3A_170] {strides = array<i32>} : memref<128x128xf32, #tpu.memory_space<vmem>>, vector<1x16xf32>,
      %swap3A_172 = vector.shape_cast %swap3A_171 : vector<1x16xf32> to vector<16xf32>
      %swap3A_173 = vector.shape_cast %broadcast_in_dim3A_168 : vector<16xf32> to vector<1x16xf32>
      tpu.vector_store %arg8[%swap3A_169, %swap3A_170], %swap3A_173 {strides = array<i32>} : memref<128x128xf32, #tpu.memory_space<vmem>>, vector<1x16xf32>,
      %broadcast_in_dim3A_174 = arith.constant 0.000000e+00 : f32
      %broadcast_in_dim3A_175 = vector.broadcast %broadcast_in_dim3A_174 : f32 to vector<16xf32>
      %swap3A_176 = arith.index_cast %scan3A_161 : i32 to index
      %swap3A_177 = arith.constant 32 : index
      %swap3A_178 = tpu.vector_load %arg8[%swap3A_176, %swap3A_177] {strides = array<i32>} : memref<128x128xf32, #tpu.memory_space<vmem>>, vector<1x16xf32>,
      %swap3A_179 = vector.shape_cast %swap3A_178 : vector<1x16xf32> to vector<16xf32>
      %swap3A_180 = vector.shape_cast %broadcast_in_dim3A_175 : vector<16xf32> to vector<1x16xf32>
      tpu.vector_store %arg8[%swap3A_176, %swap3A_177], %swap3A_180 {strides = array<i32>} : memref<128x128xf32, #tpu.memory_space<vmem>>, vector<1x16xf32>,
      %broadcast_in_dim3A_181 = arith.constant 0.000000e+00 : f32
      %broadcast_in_dim3A_182 = vector.broadcast %broadcast_in_dim3A_181 : f32 to vector<16xf32>
      %swap3A_183 = arith.index_cast %scan3A_161 : i32 to index
      %swap3A_184 = arith.constant 48 : index
      %swap3A_185 = tpu.vector_load %arg8[%swap3A_183, %swap3A_184] {strides = array<i32>} : memref<128x128xf32, #tpu.memory_space<vmem>>, vector<1x16xf32>,
      %swap3A_186 = vector.shape_cast %swap3A_185 : vector<1x16xf32> to vector<16xf32>
      %swap3A_187 = vector.shape_cast %broadcast_in_dim3A_182 : vector<16xf32> to vector<1x16xf32>
      tpu.vector_store %arg8[%swap3A_183, %swap3A_184], %swap3A_187 {strides = array<i32>} : memref<128x128xf32, #tpu.memory_space<vmem>>, vector<1x16xf32>,
      %broadcast_in_dim3A_188 = arith.constant 0.000000e+00 : f32
      %broadcast_in_dim3A_189 = vector.broadcast %broadcast_in_dim3A_188 : f32 to vector<16xf32>
      %swap3A_190 = arith.index_cast %scan3A_161 : i32 to index
      %swap3A_191 = arith.constant 64 : index
      %swap3A_192 = tpu.vector_load %arg8[%swap3A_190, %swap3A_191] {strides = array<i32>} : memref<128x128xf32, #tpu.memory_space<vmem>>, vector<1x16xf32>,
      %swap3A_193 = vector.shape_cast %swap3A_192 : vector<1x16xf32> to vector<16xf32>
      %swap3A_194 = vector.shape_cast %broadcast_in_dim3A_189 : vector<16xf32> to vector<1x16xf32>
      tpu.vector_store %arg8[%swap3A_190, %swap3A_191], %swap3A_194 {strides = array<i32>} : memref<128x128xf32, #tpu.memory_space<vmem>>, vector<1x16xf32>,
      %broadcast_in_dim3A_195 = arith.constant 0.000000e+00 : f32
      %broadcast_in_dim3A_196 = vector.broadcast %broadcast_in_dim3A_195 : f32 to vector<16xf32>
      %swap3A_197 = arith.index_cast %scan3A_161 : i32 to index
      %swap3A_198 = arith.constant 80 : index
      %swap3A_199 = tpu.vector_load %arg8[%swap3A_197, %swap3A_198] {strides = array<i32>} : memref<128x128xf32, #tpu.memory_space<vmem>>, vector<1x16xf32>,
      %swap3A_200 = vector.shape_cast %swap3A_199 : vector<1x16xf32> to vector<16xf32>
      %swap3A_201 = vector.shape_cast %broadcast_in_dim3A_196 : vector<16xf32> to vector<1x16xf32>
      tpu.vector_store %arg8[%swap3A_197, %swap3A_198], %swap3A_201 {strides = array<i32>} : memref<128x128xf32, #tpu.memory_space<vmem>>, vector<1x16xf32>,
      %broadcast_in_dim3A_202 = arith.constant 0.000000e+00 : f32
      %broadcast_in_dim3A_203 = vector.broadcast %broadcast_in_dim3A_202 : f32 to vector<16xf32>
      %swap3A_204 = arith.index_cast %scan3A_161 : i32 to index
      %swap3A_205 = arith.constant 96 : index
      %swap3A_206 = tpu.vector_load %arg8[%swap3A_204, %swap3A_205] {strides = array<i32>} : memref<128x128xf32, #tpu.memory_space<vmem>>, vector<1x16xf32>,
      %swap3A_207 = vector.shape_cast %swap3A_206 : vector<1x16xf32> to vector<16xf32>
      %swap3A_208 = vector.shape_cast %broadcast_in_dim3A_203 : vector<16xf32> to vector<1x16xf32>
      tpu.vector_store %arg8[%swap3A_204, %swap3A_205], %swap3A_208 {strides = array<i32>} : memref<128x128xf32, #tpu.memory_space<vmem>>, vector<1x16xf32>,
      %broadcast_in_dim3A_209 = arith.constant 0.000000e+00 : f32
      %broadcast_in_dim3A_210 = vector.broadcast %broadcast_in_dim3A_209 : f32 to vector<16xf32>
      %swap3A_211 = arith.index_cast %scan3A_161 : i32 to index
      %swap3A_212 = arith.constant 112 : index
      %swap3A_213 = tpu.vector_load %arg8[%swap3A_211, %swap3A_212] {strides = array<i32>} : memref<128x128xf32, #tpu.memory_space<vmem>>, vector<1x16xf32>,
      %swap3A_214 = vector.shape_cast %swap3A_213 : vector<1x16xf32> to vector<16xf32>
      %swap3A_215 = vector.shape_cast %broadcast_in_dim3A_210 : vector<16xf32> to vector<1x16xf32>
      tpu.vector_store %arg8[%swap3A_211, %swap3A_212], %swap3A_215 {strides = array<i32>} : memref<128x128xf32, #tpu.memory_space<vmem>>, vector<1x16xf32>,
    }
    %scan3A_7 = arith.constant 128 : i32
    %mul3A_8 = arith.constant 640 : i32
    %mul3A_9 = arith.muli %arg1, %mul3A_8 : i32
    %add3A_10 = arith.constant 0 : i32
    %add3A_11 = arith.addi %mul3A_9, %add3A_10 : i32
    "tpu.region"() ({
      %run_scoped3A = tpu.sem_alloc : memref<!tpu.dma_semaphore, #tpu.memory_space<semaphore_mem>>
      %dma_start3A_161 = arith.constant 0 : i32
      %dma_start3A_162 = tpu.memref_slice %arg10[%add3A_11, %dma_start3A_161] : memref<10240x128xf32, #tpu.memory_space<vmem_shared>> -> memref<128x128xf32, #tpu.memory_space<vmem_shared>>
      %dma_start3A_163 = arith.constant 0 : i32
      %dma_start3A_164 = tpu.memref_slice %arg10[%add3A_11, %dma_start3A_163] : memref<10240x128xf32, #tpu.memory_space<vmem_shared>> -> memref<128x128xf32, #tpu.memory_space<vmem_shared>>
      tpu.enqueue_dma source(%arg8 : memref<128x128xf32, #tpu.memory_space<vmem>>) target(%dma_start3A_164 : memref<128x128xf32, #tpu.memory_space<vmem_shared>>) target_semaphore(%run_scoped3A : memref<!tpu.dma_semaphore, #tpu.memory_space<semaphore_mem>>)
      %dma_wait3A_165 = arith.constant 0 : i32
      %dma_wait3A_166 = tpu.memref_slice %arg10[%add3A_11, %dma_wait3A_165] : memref<10240x128xf32, #tpu.memory_space<vmem_shared>> -> memref<128x128xf32, #tpu.memory_space<vmem_shared>>
      %dma_wait3A_167 = arith.constant 0 : i32
      %dma_wait3A_168 = tpu.memref_slice %arg10[%add3A_11, %dma_wait3A_167] : memref<10240x128xf32, #tpu.memory_space<vmem_shared>> -> memref<128x128xf32, #tpu.memory_space<vmem_shared>>
      tpu.wait_dma2 semaphore(%run_scoped3A : memref<!tpu.dma_semaphore, #tpu.memory_space<semaphore_mem>>) src(%arg8 : memref<128x128xf32, #tpu.memory_space<vmem>>) dst(%dma_wait3A_168 : memref<128x128xf32, #tpu.memory_space<vmem_shared>>)
      tpu.yield
    }) : () -> ()
    %add3A_12 = arith.constant 128 : i32
    %add3A_13 = arith.addi %mul3A_9, %add3A_12 : i32
    "tpu.region"() ({
      %run_scoped3A = tpu.sem_alloc : memref<!tpu.dma_semaphore, #tpu.memory_space<semaphore_mem>>
      %dma_start3A_161 = arith.constant 0 : i32
      %dma_start3A_162 = tpu.memref_slice %arg10[%add3A_13, %dma_start3A_161] : memref<10240x128xf32, #tpu.memory_space<vmem_shared>> -> memref<128x128xf32, #tpu.memory_space<vmem_shared>>
      %dma_start3A_163 = arith.constant 0 : i32
      %dma_start3A_164 = tpu.memref_slice %arg10[%add3A_13, %dma_start3A_163] : memref<10240x128xf32, #tpu.memory_space<vmem_shared>> -> memref<128x128xf32, #tpu.memory_space<vmem_shared>>
      tpu.enqueue_dma source(%arg8 : memref<128x128xf32, #tpu.memory_space<vmem>>) target(%dma_start3A_164 : memref<128x128xf32, #tpu.memory_space<vmem_shared>>) target_semaphore(%run_scoped3A : memref<!tpu.dma_semaphore, #tpu.memory_space<semaphore_mem>>)
      %dma_wait3A_165 = arith.constant 0 : i32
      %dma_wait3A_166 = tpu.memref_slice %arg10[%add3A_13, %dma_wait3A_165] : memref<10240x128xf32, #tpu.memory_space<vmem_shared>> -> memref<128x128xf32, #tpu.memory_space<vmem_shared>>
      %dma_wait3A_167 = arith.constant 0 : i32
      %dma_wait3A_168 = tpu.memref_slice %arg10[%add3A_13, %dma_wait3A_167] : memref<10240x128xf32, #tpu.memory_space<vmem_shared>> -> memref<128x128xf32, #tpu.memory_space<vmem_shared>>
      tpu.wait_dma2 semaphore(%run_scoped3A : memref<!tpu.dma_semaphore, #tpu.memory_space<semaphore_mem>>) src(%arg8 : memref<128x128xf32, #tpu.memory_space<vmem>>) dst(%dma_wait3A_168 : memref<128x128xf32, #tpu.memory_space<vmem_shared>>)
      tpu.yield
    }) : () -> ()
    %add3A_14 = arith.constant 256 : i32
    %add3A_15 = arith.addi %mul3A_9, %add3A_14 : i32
    "tpu.region"() ({
      %run_scoped3A = tpu.sem_alloc : memref<!tpu.dma_semaphore, #tpu.memory_space<semaphore_mem>>
      %dma_start3A_161 = arith.constant 0 : i32
      %dma_start3A_162 = tpu.memref_slice %arg10[%add3A_15, %dma_start3A_161] : memref<10240x128xf32, #tpu.memory_space<vmem_shared>> -> memref<128x128xf32, #tpu.memory_space<vmem_shared>>
      %dma_start3A_163 = arith.constant 0 : i32
      %dma_start3A_164 = tpu.memref_slice %arg10[%add3A_15, %dma_start3A_163] : memref<10240x128xf32, #tpu.memory_space<vmem_shared>> -> memref<128x128xf32, #tpu.memory_space<vmem_shared>>
      tpu.enqueue_dma source(%arg8 : memref<128x128xf32, #tpu.memory_space<vmem>>) target(%dma_start3A_164 : memref<128x128xf32, #tpu.memory_space<vmem_shared>>) target_semaphore(%run_scoped3A : memref<!tpu.dma_semaphore, #tpu.memory_space<semaphore_mem>>)
      %dma_wait3A_165 = arith.constant 0 : i32
      %dma_wait3A_166 = tpu.memref_slice %arg10[%add3A_15, %dma_wait3A_165] : memref<10240x128xf32, #tpu.memory_space<vmem_shared>> -> memref<128x128xf32, #tpu.memory_space<vmem_shared>>
      %dma_wait3A_167 = arith.constant 0 : i32
      %dma_wait3A_168 = tpu.memref_slice %arg10[%add3A_15, %dma_wait3A_167] : memref<10240x128xf32, #tpu.memory_space<vmem_shared>> -> memref<128x128xf32, #tpu.memory_space<vmem_shared>>
      tpu.wait_dma2 semaphore(%run_scoped3A : memref<!tpu.dma_semaphore, #tpu.memory_space<semaphore_mem>>) src(%arg8 : memref<128x128xf32, #tpu.memory_space<vmem>>) dst(%dma_wait3A_168 : memref<128x128xf32, #tpu.memory_space<vmem_shared>>)
      tpu.yield
    }) : () -> ()
    %add3A_16 = arith.constant 384 : i32
    %add3A_17 = arith.addi %mul3A_9, %add3A_16 : i32
    "tpu.region"() ({
      %run_scoped3A = tpu.sem_alloc : memref<!tpu.dma_semaphore, #tpu.memory_space<semaphore_mem>>
      %dma_start3A_161 = arith.constant 0 : i32
      %dma_start3A_162 = tpu.memref_slice %arg10[%add3A_17, %dma_start3A_161] : memref<10240x128xf32, #tpu.memory_space<vmem_shared>> -> memref<128x128xf32, #tpu.memory_space<vmem_shared>>
      %dma_start3A_163 = arith.constant 0 : i32
      %dma_start3A_164 = tpu.memref_slice %arg10[%add3A_17, %dma_start3A_163] : memref<10240x128xf32, #tpu.memory_space<vmem_shared>> -> memref<128x128xf32, #tpu.memory_space<vmem_shared>>
      tpu.enqueue_dma source(%arg8 : memref<128x128xf32, #tpu.memory_space<vmem>>) target(%dma_start3A_164 : memref<128x128xf32, #tpu.memory_space<vmem_shared>>) target_semaphore(%run_scoped3A : memref<!tpu.dma_semaphore, #tpu.memory_space<semaphore_mem>>)
      %dma_wait3A_165 = arith.constant 0 : i32
      %dma_wait3A_166 = tpu.memref_slice %arg10[%add3A_17, %dma_wait3A_165] : memref<10240x128xf32, #tpu.memory_space<vmem_shared>> -> memref<128x128xf32, #tpu.memory_space<vmem_shared>>
      %dma_wait3A_167 = arith.constant 0 : i32
      %dma_wait3A_168 = tpu.memref_slice %arg10[%add3A_17, %dma_wait3A_167] : memref<10240x128xf32, #tpu.memory_space<vmem_shared>> -> memref<128x128xf32, #tpu.memory_space<vmem_shared>>
      tpu.wait_dma2 semaphore(%run_scoped3A : memref<!tpu.dma_semaphore, #tpu.memory_space<semaphore_mem>>) src(%arg8 : memref<128x128xf32, #tpu.memory_space<vmem>>) dst(%dma_wait3A_168 : memref<128x128xf32, #tpu.memory_space<vmem_shared>>)
      tpu.yield
    }) : () -> ()
    %add3A_18 = arith.constant 512 : i32
    %add3A_19 = arith.addi %mul3A_9, %add3A_18 : i32
    "tpu.region"() ({
      %run_scoped3A = tpu.sem_alloc : memref<!tpu.dma_semaphore, #tpu.memory_space<semaphore_mem>>
      %dma_start3A_161 = arith.constant 0 : i32
      %dma_start3A_162 = tpu.memref_slice %arg10[%add3A_19, %dma_start3A_161] : memref<10240x128xf32, #tpu.memory_space<vmem_shared>> -> memref<128x128xf32, #tpu.memory_space<vmem_shared>>
      %dma_start3A_163 = arith.constant 0 : i32
      %dma_start3A_164 = tpu.memref_slice %arg10[%add3A_19, %dma_start3A_163] : memref<10240x128xf32, #tpu.memory_space<vmem_shared>> -> memref<128x128xf32, #tpu.memory_space<vmem_shared>>
      tpu.enqueue_dma source(%arg8 : memref<128x128xf32, #tpu.memory_space<vmem>>) target(%dma_start3A_164 : memref<128x128xf32, #tpu.memory_space<vmem_shared>>) target_semaphore(%run_scoped3A : memref<!tpu.dma_semaphore, #tpu.memory_space<semaphore_mem>>)
      %dma_wait3A_165 = arith.constant 0 : i32
      %dma_wait3A_166 = tpu.memref_slice %arg10[%add3A_19, %dma_wait3A_165] : memref<10240x128xf32, #tpu.memory_space<vmem_shared>> -> memref<128x128xf32, #tpu.memory_space<vmem_shared>>
      %dma_wait3A_167 = arith.constant 0 : i32
      %dma_wait3A_168 = tpu.memref_slice %arg10[%add3A_19, %dma_wait3A_167] : memref<10240x128xf32, #tpu.memory_space<vmem_shared>> -> memref<128x128xf32, #tpu.memory_space<vmem_shared>>
      tpu.wait_dma2 semaphore(%run_scoped3A : memref<!tpu.dma_semaphore, #tpu.memory_space<semaphore_mem>>) src(%arg8 : memref<128x128xf32, #tpu.memory_space<vmem>>) dst(%dma_wait3A_168 : memref<128x128xf32, #tpu.memory_space<vmem_shared>>)
      tpu.yield
    }) : () -> ()
    %barrier3A = arith.constant 0 : index
    tpu.barrier barrier_id(%barrier3A)
    %add3A_20 = arith.constant 0 : i32
    %add3A_21 = arith.addi %mul3A_2, %add3A_20 : i32
    "tpu.region"() ({
      %run_scoped3A = tpu.sem_alloc : memref<!tpu.dma_semaphore, #tpu.memory_space<semaphore_mem>>
      %dma_start3A_161 = arith.constant 0 : i32
      %dma_start3A_162 = tpu.memref_slice %arg3[%add3A_21, %dma_start3A_161] : memref<2560x128xi32, #tpu.memory_space<hbm>> -> memref<40x128xi32, #tpu.memory_space<hbm>>
      %dma_start3A_163 = arith.constant 0 : i32
      %dma_start3A_164 = tpu.memref_slice %arg3[%add3A_21, %dma_start3A_163] : memref<2560x128xi32, #tpu.memory_space<hbm>> -> memref<40x128xi32, #tpu.memory_space<hbm>>
      tpu.enqueue_dma source(%dma_start3A_164 : memref<40x128xi32, #tpu.memory_space<hbm>>) target(%arg6 : memref<40x128xi32, #tpu.memory_space<vmem>>) target_semaphore(%run_scoped3A : memref<!tpu.dma_semaphore, #tpu.memory_space<semaphore_mem>>)
      %dma_wait3A_165 = arith.constant 0 : i32
      %dma_wait3A_166 = tpu.memref_slice %arg3[%add3A_21, %dma_wait3A_165] : memref<2560x128xi32, #tpu.memory_space<hbm>> -> memref<40x128xi32, #tpu.memory_space<hbm>>
      %dma_wait3A_167 = arith.constant 0 : i32
      %dma_wait3A_168 = tpu.memref_slice %arg3[%add3A_21, %dma_wait3A_167] : memref<2560x128xi32, #tpu.memory_space<hbm>> -> memref<40x128xi32, #tpu.memory_space<hbm>>
      tpu.wait_dma2 semaphore(%run_scoped3A : memref<!tpu.dma_semaphore, #tpu.memory_space<semaphore_mem>>) src(%dma_wait3A_168 : memref<40x128xi32, #tpu.memory_space<hbm>>) dst(%arg6 : memref<40x128xi32, #tpu.memory_space<vmem>>)
      tpu.yield
    }) : () -> ()
    %add3A_22 = arith.constant 0 : i32
    %add3A_23 = arith.addi %mul3A_2, %add3A_22 : i32
    "tpu.region"() ({
      %run_scoped3A = tpu.sem_alloc : memref<!tpu.dma_semaphore, #tpu.memory_space<semaphore_mem>>
      %dma_start3A_161 = arith.constant 0 : i32
      %dma_start3A_162 = tpu.memref_slice %arg4[%add3A_23, %dma_start3A_161] : memref<2560x128xi32, #tpu.memory_space<hbm>> -> memref<40x128xi32, #tpu.memory_space<hbm>>
      %dma_start3A_163 = arith.constant 0 : i32
      %dma_start3A_164 = tpu.memref_slice %arg4[%add3A_23, %dma_start3A_163] : memref<2560x128xi32, #tpu.memory_space<hbm>> -> memref<40x128xi32, #tpu.memory_space<hbm>>
      tpu.enqueue_dma source(%dma_start3A_164 : memref<40x128xi32, #tpu.memory_space<hbm>>) target(%arg7 : memref<40x128xi32, #tpu.memory_space<vmem>>) target_semaphore(%run_scoped3A : memref<!tpu.dma_semaphore, #tpu.memory_space<semaphore_mem>>)
      %dma_wait3A_165 = arith.constant 0 : i32
      %dma_wait3A_166 = tpu.memref_slice %arg4[%add3A_23, %dma_wait3A_165] : memref<2560x128xi32, #tpu.memory_space<hbm>> -> memref<40x128xi32, #tpu.memory_space<hbm>>
      %dma_wait3A_167 = arith.constant 0 : i32
      %dma_wait3A_168 = tpu.memref_slice %arg4[%add3A_23, %dma_wait3A_167] : memref<2560x128xi32, #tpu.memory_space<hbm>> -> memref<40x128xi32, #tpu.memory_space<hbm>>
      tpu.wait_dma2 semaphore(%run_scoped3A : memref<!tpu.dma_semaphore, #tpu.memory_space<semaphore_mem>>) src(%dma_wait3A_168 : memref<40x128xi32, #tpu.memory_space<hbm>>) dst(%arg7 : memref<40x128xi32, #tpu.memory_space<vmem>>)
      tpu.yield
    }) : () -> ()
    %dma_start3A = arith.constant 0 : i32
    %dma_start3A_24 = arith.constant 0 : i32
    %dma_start3A_25 = tpu.memref_slice %arg6[%dma_start3A, %dma_start3A_24] : memref<40x128xi32, #tpu.memory_space<vmem>> -> memref<1x128xi32, #tpu.memory_space<vmem>>
    %dma_start3A_26 = tpu.memref_squeeze %dma_start3A_25 : memref<1x128xi32, #tpu.memory_space<vmem>> -> memref<128xi32, #tpu.memory_space<vmem>>
    %dma_start3A_27 = arith.constant 0 : i32
    %dma_start3A_28 = arith.constant 0 : i32
    %dma_start3A_29 = tpu.memref_slice %arg2[%dma_start3A_27, %dma_start3A_28] : memref<10000x128xf32, #tpu.memory_space<hbm>> -> memref<10000x128xf32, #tpu.memory_space<hbm>>
    tpu.enqueue_indirect_dma source(%dma_start3A_29 : memref<10000x128xf32, #tpu.memory_space<hbm>>) target(%arg8 : memref<128x128xf32, #tpu.memory_space<vmem>>) offsets(%dma_start3A_26 : memref<128xi32, #tpu.memory_space<vmem>>) semaphore(%arg11 : memref<!tpu.dma_semaphore, #tpu.memory_space<semaphore_mem>>)
    %dma_wait3A = arith.constant 0 : i32
    %dma_wait3A_30 = arith.constant 0 : i32
    %dma_wait3A_31 = tpu.memref_slice %arg6[%dma_wait3A, %dma_wait3A_30] : memref<40x128xi32, #tpu.memory_space<vmem>> -> memref<1x128xi32, #tpu.memory_space<vmem>>
    %dma_wait3A_32 = tpu.memref_squeeze %dma_wait3A_31 : memref<1x128xi32, #tpu.memory_space<vmem>> -> memref<128xi32, #tpu.memory_space<vmem>>
    %dma_wait3A_33 = arith.constant 0 : i32
    %dma_wait3A_34 = arith.constant 0 : i32
    %dma_wait3A_35 = tpu.memref_slice %arg2[%dma_wait3A_33, %dma_wait3A_34] : memref<10000x128xf32, #tpu.memory_space<hbm>> -> memref<10000x128xf32, #tpu.memory_space<hbm>>
    tpu.wait_indirect_dma semaphore(%arg11 : memref<!tpu.dma_semaphore, #tpu.memory_space<semaphore_mem>>) src(%dma_wait3A_35 : memref<10000x128xf32, #tpu.memory_space<hbm>>) dst(%arg8 : memref<128x128xf32, #tpu.memory_space<vmem>>)
    %dma_start3A_36 = arith.constant 0 : i32
    %dma_start3A_37 = arith.constant 0 : i32
    %dma_start3A_38 = tpu.memref_slice %arg7[%dma_start3A_36, %dma_start3A_37] : memref<40x128xi32, #tpu.memory_space<vmem>> -> memref<1x128xi32, #tpu.memory_space<vmem>>
    %dma_start3A_39 = tpu.memref_squeeze %dma_start3A_38 : memref<1x128xi32, #tpu.memory_space<vmem>> -> memref<128xi32, #tpu.memory_space<vmem>>
    %dma_start3A_40 = arith.constant 0 : i32
    %dma_start3A_41 = arith.constant 0 : i32
    %dma_start3A_42 = tpu.memref_slice %arg10[%dma_start3A_40, %dma_start3A_41] : memref<10240x128xf32, #tpu.memory_space<vmem_shared>> -> memref<10240x128xf32, #tpu.memory_space<vmem_shared>>
    tpu.enqueue_indirect_dma source(%arg8 : memref<128x128xf32, #tpu.memory_space<vmem>>) target(%dma_start3A_42 : memref<10240x128xf32, #tpu.memory_space<vmem_shared>>) offsets(%dma_start3A_39 : memref<128xi32, #tpu.memory_space<vmem>>) semaphore(%arg13 : memref<!tpu.dma_semaphore, #tpu.memory_space<semaphore_mem>>) {add = true}
    %dma_start3A_43 = arith.constant 1 : i32
    %dma_start3A_44 = arith.constant 0 : i32
    %dma_start3A_45 = tpu.memref_slice %arg6[%dma_start3A_43, %dma_start3A_44] : memref<40x128xi32, #tpu.memory_space<vmem>> -> memref<1x128xi32, #tpu.memory_space<vmem>>
    %dma_start3A_46 = tpu.memref_squeeze %dma_start3A_45 : memref<1x128xi32, #tpu.memory_space<vmem>> -> memref<128xi32, #tpu.memory_space<vmem>>
    %dma_start3A_47 = arith.constant 0 : i32
    %dma_start3A_48 = arith.constant 0 : i32
    %dma_start3A_49 = tpu.memref_slice %arg2[%dma_start3A_47, %dma_start3A_48] : memref<10000x128xf32, #tpu.memory_space<hbm>> -> memref<10000x128xf32, #tpu.memory_space<hbm>>
    tpu.enqueue_indirect_dma source(%dma_start3A_49 : memref<10000x128xf32, #tpu.memory_space<hbm>>) target(%arg9 : memref<128x128xf32, #tpu.memory_space<vmem>>) offsets(%dma_start3A_46 : memref<128xi32, #tpu.memory_space<vmem>>) semaphore(%arg12 : memref<!tpu.dma_semaphore, #tpu.memory_space<semaphore_mem>>)
    %scan3A_50 = arith.constant 0 : i32
    %scan3A_51 = arith.constant 0 : i32
    %scan3A_52 = arith.constant 19 : i32
    %scan3A_53 = arith.addi %scan3A_51, %scan3A_52 : i32
    %scan3A_54 = arith.constant 1 : i32
    scf.for %scan3A_161 = %scan3A_51 to %scan3A_53 step %scan3A_54  : i32 {
      %mul3A_162 = arith.constant 2 : i32
      %mul3A_163 = arith.muli %mul3A_162, %scan3A_161 : i32
      %add3A_164 = arith.constant 1 : i32
      %add3A_165 = arith.addi %mul3A_163, %add3A_164 : i32
      %dma_wait3A_166 = arith.constant 0 : i32
      %dma_wait3A_167 = tpu.memref_slice %arg6[%add3A_165, %dma_wait3A_166] : memref<40x128xi32, #tpu.memory_space<vmem>> -> memref<1x128xi32, #tpu.memory_space<vmem>>
      %dma_wait3A_168 = tpu.memref_squeeze %dma_wait3A_167 : memref<1x128xi32, #tpu.memory_space<vmem>> -> memref<128xi32, #tpu.memory_space<vmem>>
      %dma_wait3A_169 = arith.constant 0 : i32
      %dma_wait3A_170 = arith.constant 0 : i32
      %dma_wait3A_171 = tpu.memref_slice %arg2[%dma_wait3A_169, %dma_wait3A_170] : memref<10000x128xf32, #tpu.memory_space<hbm>> -> memref<10000x128xf32, #tpu.memory_space<hbm>>
      tpu.wait_indirect_dma semaphore(%arg12 : memref<!tpu.dma_semaphore, #tpu.memory_space<semaphore_mem>>) src(%dma_wait3A_171 : memref<10000x128xf32, #tpu.memory_space<hbm>>) dst(%arg9 : memref<128x128xf32, #tpu.memory_space<vmem>>)
      %sub3A = arith.constant 1 : i32
      %sub3A_172 = arith.subi %add3A_165, %sub3A : i32
      %dma_wait3A_173 = arith.constant 0 : i32
      %dma_wait3A_174 = tpu.memref_slice %arg7[%sub3A_172, %dma_wait3A_173] : memref<40x128xi32, #tpu.memory_space<vmem>> -> memref<1x128xi32, #tpu.memory_space<vmem>>
      %dma_wait3A_175 = tpu.memref_squeeze %dma_wait3A_174 : memref<1x128xi32, #tpu.memory_space<vmem>> -> memref<128xi32, #tpu.memory_space<vmem>>
      %dma_wait3A_176 = arith.constant 0 : i32
      %dma_wait3A_177 = arith.constant 0 : i32
      %dma_wait3A_178 = tpu.memref_slice %arg10[%dma_wait3A_176, %dma_wait3A_177] : memref<10240x128xf32, #tpu.memory_space<vmem_shared>> -> memref<10240x128xf32, #tpu.memory_space<vmem_shared>>
      tpu.wait_indirect_dma semaphore(%arg13 : memref<!tpu.dma_semaphore, #tpu.memory_space<semaphore_mem>>) src(%arg8 : memref<128x128xf32, #tpu.memory_space<vmem>>) dst(%dma_wait3A_178 : memref<10240x128xf32, #tpu.memory_space<vmem_shared>>)
      %dma_start3A_179 = arith.constant 0 : i32
      %dma_start3A_180 = tpu.memref_slice %arg7[%add3A_165, %dma_start3A_179] : memref<40x128xi32, #tpu.memory_space<vmem>> -> memref<1x128xi32, #tpu.memory_space<vmem>>
      %dma_start3A_181 = tpu.memref_squeeze %dma_start3A_180 : memref<1x128xi32, #tpu.memory_space<vmem>> -> memref<128xi32, #tpu.memory_space<vmem>>
      %dma_start3A_182 = arith.constant 0 : i32
      %dma_start3A_183 = arith.constant 0 : i32
      %dma_start3A_184 = tpu.memref_slice %arg10[%dma_start3A_182, %dma_start3A_183] : memref<10240x128xf32, #tpu.memory_space<vmem_shared>> -> memref<10240x128xf32, #tpu.memory_space<vmem_shared>>
      tpu.enqueue_indirect_dma source(%arg9 : memref<128x128xf32, #tpu.memory_space<vmem>>) target(%dma_start3A_184 : memref<10240x128xf32, #tpu.memory_space<vmem_shared>>) offsets(%dma_start3A_181 : memref<128xi32, #tpu.memory_space<vmem>>) semaphore(%arg14 : memref<!tpu.dma_semaphore, #tpu.memory_space<semaphore_mem>>) {add = true}
      %add3A_185 = arith.constant 1 : i32
      %add3A_186 = arith.addi %add3A_165, %add3A_185 : i32
      %dma_start3A_187 = arith.constant 0 : i32
      %dma_start3A_188 = tpu.memref_slice %arg6[%add3A_186, %dma_start3A_187] : memref<40x128xi32, #tpu.memory_space<vmem>> -> memref<1x128xi32, #tpu.memory_space<vmem>>
      %dma_start3A_189 = tpu.memref_squeeze %dma_start3A_188 : memref<1x128xi32, #tpu.memory_space<vmem>> -> memref<128xi32, #tpu.memory_space<vmem>>
      %dma_start3A_190 = arith.constant 0 : i32
      %dma_start3A_191 = arith.constant 0 : i32
      %dma_start3A_192 = tpu.memref_slice %arg2[%dma_start3A_190, %dma_start3A_191] : memref<10000x128xf32, #tpu.memory_space<hbm>> -> memref<10000x128xf32, #tpu.memory_space<hbm>>
      tpu.enqueue_indirect_dma source(%dma_start3A_192 : memref<10000x128xf32, #tpu.memory_space<hbm>>) target(%arg8 : memref<128x128xf32, #tpu.memory_space<vmem>>) offsets(%dma_start3A_189 : memref<128xi32, #tpu.memory_space<vmem>>) semaphore(%arg11 : memref<!tpu.dma_semaphore, #tpu.memory_space<semaphore_mem>>)
      %mul3A_193 = arith.constant 2 : i32
      %mul3A_194 = arith.muli %mul3A_193, %scan3A_161 : i32
      %add3A_195 = arith.constant 2 : i32
      %add3A_196 = arith.addi %mul3A_194, %add3A_195 : i32
      %dma_wait3A_197 = arith.constant 0 : i32
      %dma_wait3A_198 = tpu.memref_slice %arg6[%add3A_196, %dma_wait3A_197] : memref<40x128xi32, #tpu.memory_space<vmem>> -> memref<1x128xi32, #tpu.memory_space<vmem>>
      %dma_wait3A_199 = tpu.memref_squeeze %dma_wait3A_198 : memref<1x128xi32, #tpu.memory_space<vmem>> -> memref<128xi32, #tpu.memory_space<vmem>>
      %dma_wait3A_200 = arith.constant 0 : i32
      %dma_wait3A_201 = arith.constant 0 : i32
      %dma_wait3A_202 = tpu.memref_slice %arg2[%dma_wait3A_200, %dma_wait3A_201] : memref<10000x128xf32, #tpu.memory_space<hbm>> -> memref<10000x128xf32, #tpu.memory_space<hbm>>
      tpu.wait_indirect_dma semaphore(%arg11 : memref<!tpu.dma_semaphore, #tpu.memory_space<semaphore_mem>>) src(%dma_wait3A_202 : memref<10000x128xf32, #tpu.memory_space<hbm>>) dst(%arg8 : memref<128x128xf32, #tpu.memory_space<vmem>>)
      %sub3A_203 = arith.constant 1 : i32
      %sub3A_204 = arith.subi %add3A_196, %sub3A_203 : i32
      %dma_wait3A_205 = arith.constant 0 : i32
      %dma_wait3A_206 = tpu.memref_slice %arg7[%sub3A_204, %dma_wait3A_205] : memref<40x128xi32, #tpu.memory_space<vmem>> -> memref<1x128xi32, #tpu.memory_space<vmem>>
      %dma_wait3A_207 = tpu.memref_squeeze %dma_wait3A_206 : memref<1x128xi32, #tpu.memory_space<vmem>> -> memref<128xi32, #tpu.memory_space<vmem>>
      %dma_wait3A_208 = arith.constant 0 : i32
      %dma_wait3A_209 = arith.constant 0 : i32
      %dma_wait3A_210 = tpu.memref_slice %arg10[%dma_wait3A_208, %dma_wait3A_209] : memref<10240x128xf32, #tpu.memory_space<vmem_shared>> -> memref<10240x128xf32, #tpu.memory_space<vmem_shared>>
      tpu.wait_indirect_dma semaphore(%arg14 : memref<!tpu.dma_semaphore, #tpu.memory_space<semaphore_mem>>) src(%arg9 : memref<128x128xf32, #tpu.memory_space<vmem>>) dst(%dma_wait3A_210 : memref<10240x128xf32, #tpu.memory_space<vmem_shared>>)
      %dma_start3A_211 = arith.constant 0 : i32
      %dma_start3A_212 = tpu.memref_slice %arg7[%add3A_196, %dma_start3A_211] : memref<40x128xi32, #tpu.memory_space<vmem>> -> memref<1x128xi32, #tpu.memory_space<vmem>>
      %dma_start3A_213 = tpu.memref_squeeze %dma_start3A_212 : memref<1x128xi32, #tpu.memory_space<vmem>> -> memref<128xi32, #tpu.memory_space<vmem>>
      %dma_start3A_214 = arith.constant 0 : i32
      %dma_start3A_215 = arith.constant 0 : i32
      %dma_start3A_216 = tpu.memref_slice %arg10[%dma_start3A_214, %dma_start3A_215] : memref<10240x128xf32, #tpu.memory_space<vmem_shared>> -> memref<10240x128xf32, #tpu.memory_space<vmem_shared>>
      tpu.enqueue_indirect_dma source(%arg8 : memref<128x128xf32, #tpu.memory_space<vmem>>) target(%dma_start3A_216 : memref<10240x128xf32, #tpu.memory_space<vmem_shared>>) offsets(%dma_start3A_213 : memref<128xi32, #tpu.memory_space<vmem>>) semaphore(%arg13 : memref<!tpu.dma_semaphore, #tpu.memory_space<semaphore_mem>>) {add = true}
      %add3A_217 = arith.constant 1 : i32
      %add3A_218 = arith.addi %add3A_196, %add3A_217 : i32
      %dma_start3A_219 = arith.constant 0 : i32
      %dma_start3A_220 = tpu.memref_slice %arg6[%add3A_218, %dma_start3A_219] : memref<40x128xi32, #tpu.memory_space<vmem>> -> memref<1x128xi32, #tpu.memory_space<vmem>>
      %dma_start3A_221 = tpu.memref_squeeze %dma_start3A_220 : memref<1x128xi32, #tpu.memory_space<vmem>> -> memref<128xi32, #tpu.memory_space<vmem>>
      %dma_start3A_222 = arith.constant 0 : i32
      %dma_start3A_223 = arith.constant 0 : i32
      %dma_start3A_224 = tpu.memref_slice %arg2[%dma_start3A_222, %dma_start3A_223] : memref<10000x128xf32, #tpu.memory_space<hbm>> -> memref<10000x128xf32, #tpu.memory_space<hbm>>
      tpu.enqueue_indirect_dma source(%dma_start3A_224 : memref<10000x128xf32, #tpu.memory_space<hbm>>) target(%arg9 : memref<128x128xf32, #tpu.memory_space<vmem>>) offsets(%dma_start3A_221 : memref<128xi32, #tpu.memory_space<vmem>>) semaphore(%arg12 : memref<!tpu.dma_semaphore, #tpu.memory_space<semaphore_mem>>)
    }
    %scan3A_55 = arith.constant 19 : i32
    %dma_wait3A_56 = arith.constant 39 : i32
    %dma_wait3A_57 = arith.constant 0 : i32
    %dma_wait3A_58 = tpu.memref_slice %arg6[%dma_wait3A_56, %dma_wait3A_57] : memref<40x128xi32, #tpu.memory_space<vmem>> -> memref<1x128xi32, #tpu.memory_space<vmem>>
    %dma_wait3A_59 = tpu.memref_squeeze %dma_wait3A_58 : memref<1x128xi32, #tpu.memory_space<vmem>> -> memref<128xi32, #tpu.memory_space<vmem>>
    %dma_wait3A_60 = arith.constant 0 : i32
    %dma_wait3A_61 = arith.constant 0 : i32
    %dma_wait3A_62 = tpu.memref_slice %arg2[%dma_wait3A_60, %dma_wait3A_61] : memref<10000x128xf32, #tpu.memory_space<hbm>> -> memref<10000x128xf32, #tpu.memory_space<hbm>>
    tpu.wait_indirect_dma semaphore(%arg12 : memref<!tpu.dma_semaphore, #tpu.memory_space<semaphore_mem>>) src(%dma_wait3A_62 : memref<10000x128xf32, #tpu.memory_space<hbm>>) dst(%arg9 : memref<128x128xf32, #tpu.memory_space<vmem>>)
    %dma_wait3A_63 = arith.constant 38 : i32
    %dma_wait3A_64 = arith.constant 0 : i32
    %dma_wait3A_65 = tpu.memref_slice %arg7[%dma_wait3A_63, %dma_wait3A_64] : memref<40x128xi32, #tpu.memory_space<vmem>> -> memref<1x128xi32, #tpu.memory_space<vmem>>
    %dma_wait3A_66 = tpu.memref_squeeze %dma_wait3A_65 : memref<1x128xi32, #tpu.memory_space<vmem>> -> memref<128xi32, #tpu.memory_space<vmem>>
    %dma_wait3A_67 = arith.constant 0 : i32
    %dma_wait3A_68 = arith.constant 0 : i32
    %dma_wait3A_69 = tpu.memref_slice %arg10[%dma_wait3A_67, %dma_wait3A_68] : memref<10240x128xf32, #tpu.memory_space<vmem_shared>> -> memref<10240x128xf32, #tpu.memory_space<vmem_shared>>
    tpu.wait_indirect_dma semaphore(%arg13 : memref<!tpu.dma_semaphore, #tpu.memory_space<semaphore_mem>>) src(%arg8 : memref<128x128xf32, #tpu.memory_space<vmem>>) dst(%dma_wait3A_69 : memref<10240x128xf32, #tpu.memory_space<vmem_shared>>)
    %dma_start3A_70 = arith.constant 39 : i32
    %dma_start3A_71 = arith.constant 0 : i32
    %dma_start3A_72 = tpu.memref_slice %arg7[%dma_start3A_70, %dma_start3A_71] : memref<40x128xi32, #tpu.memory_space<vmem>> -> memref<1x128xi32, #tpu.memory_space<vmem>>
    %dma_start3A_73 = tpu.memref_squeeze %dma_start3A_72 : memref<1x128xi32, #tpu.memory_space<vmem>> -> memref<128xi32, #tpu.memory_space<vmem>>
    %dma_start3A_74 = arith.constant 0 : i32
    %dma_start3A_75 = arith.constant 0 : i32
    %dma_start3A_76 = tpu.memref_slice %arg10[%dma_start3A_74, %dma_start3A_75] : memref<10240x128xf32, #tpu.memory_space<vmem_shared>> -> memref<10240x128xf32, #tpu.memory_space<vmem_shared>>
    tpu.enqueue_indirect_dma source(%arg9 : memref<128x128xf32, #tpu.memory_space<vmem>>) target(%dma_start3A_76 : memref<10240x128xf32, #tpu.memory_space<vmem_shared>>) offsets(%dma_start3A_73 : memref<128xi32, #tpu.memory_space<vmem>>) semaphore(%arg14 : memref<!tpu.dma_semaphore, #tpu.memory_space<semaphore_mem>>) {add = true}
    %dma_wait3A_77 = arith.constant 39 : i32
    %dma_wait3A_78 = arith.constant 0 : i32
    %dma_wait3A_79 = tpu.memref_slice %arg7[%dma_wait3A_77, %dma_wait3A_78] : memref<40x128xi32, #tpu.memory_space<vmem>> -> memref<1x128xi32, #tpu.memory_space<vmem>>
    %dma_wait3A_80 = tpu.memref_squeeze %dma_wait3A_79 : memref<1x128xi32, #tpu.memory_space<vmem>> -> memref<128xi32, #tpu.memory_space<vmem>>
    %dma_wait3A_81 = arith.constant 0 : i32
    %dma_wait3A_82 = arith.constant 0 : i32
    %dma_wait3A_83 = tpu.memref_slice %arg10[%dma_wait3A_81, %dma_wait3A_82] : memref<10240x128xf32, #tpu.memory_space<vmem_shared>> -> memref<10240x128xf32, #tpu.memory_space<vmem_shared>>
    tpu.wait_indirect_dma semaphore(%arg14 : memref<!tpu.dma_semaphore, #tpu.memory_space<semaphore_mem>>) src(%arg9 : memref<128x128xf32, #tpu.memory_space<vmem>>) dst(%dma_wait3A_83 : memref<10240x128xf32, #tpu.memory_space<vmem_shared>>)
    %add3A_84 = arith.constant 40 : i32
    %add3A_85 = arith.addi %mul3A_2, %add3A_84 : i32
    "tpu.region"() ({
      %run_scoped3A = tpu.sem_alloc : memref<!tpu.dma_semaphore, #tpu.memory_space<semaphore_mem>>
      %dma_start3A_161 = arith.constant 0 : i32
      %dma_start3A_162 = tpu.memref_slice %arg3[%add3A_85, %dma_start3A_161] : memref<2560x128xi32, #tpu.memory_space<hbm>> -> memref<40x128xi32, #tpu.memory_space<hbm>>
      %dma_start3A_163 = arith.constant 0 : i32
      %dma_start3A_164 = tpu.memref_slice %arg3[%add3A_85, %dma_start3A_163] : memref<2560x128xi32, #tpu.memory_space<hbm>> -> memref<40x128xi32, #tpu.memory_space<hbm>>
      tpu.enqueue_dma source(%dma_start3A_164 : memref<40x128xi32, #tpu.memory_space<hbm>>) target(%arg6 : memref<40x128xi32, #tpu.memory_space<vmem>>) target_semaphore(%run_scoped3A : memref<!tpu.dma_semaphore, #tpu.memory_space<semaphore_mem>>)
      %dma_wait3A_165 = arith.constant 0 : i32
      %dma_wait3A_166 = tpu.memref_slice %arg3[%add3A_85, %dma_wait3A_165] : memref<2560x128xi32, #tpu.memory_space<hbm>> -> memref<40x128xi32, #tpu.memory_space<hbm>>
      %dma_wait3A_167 = arith.constant 0 : i32
      %dma_wait3A_168 = tpu.memref_slice %arg3[%add3A_85, %dma_wait3A_167] : memref<2560x128xi32, #tpu.memory_space<hbm>> -> memref<40x128xi32, #tpu.memory_space<hbm>>
      tpu.wait_dma2 semaphore(%run_scoped3A : memref<!tpu.dma_semaphore, #tpu.memory_space<semaphore_mem>>) src(%dma_wait3A_168 : memref<40x128xi32, #tpu.memory_space<hbm>>) dst(%arg6 : memref<40x128xi32, #tpu.memory_space<vmem>>)
      tpu.yield
    }) : () -> ()
    %add3A_86 = arith.constant 40 : i32
    %add3A_87 = arith.addi %mul3A_2, %add3A_86 : i32
    "tpu.region"() ({
      %run_scoped3A = tpu.sem_alloc : memref<!tpu.dma_semaphore, #tpu.memory_space<semaphore_mem>>
      %dma_start3A_161 = arith.constant 0 : i32
      %dma_start3A_162 = tpu.memref_slice %arg4[%add3A_87, %dma_start3A_161] : memref<2560x128xi32, #tpu.memory_space<hbm>> -> memref<40x128xi32, #tpu.memory_space<hbm>>
      %dma_start3A_163 = arith.constant 0 : i32
      %dma_start3A_164 = tpu.memref_slice %arg4[%add3A_87, %dma_start3A_163] : memref<2560x128xi32, #tpu.memory_space<hbm>> -> memref<40x128xi32, #tpu.memory_space<hbm>>
      tpu.enqueue_dma source(%dma_start3A_164 : memref<40x128xi32, #tpu.memory_space<hbm>>) target(%arg7 : memref<40x128xi32, #tpu.memory_space<vmem>>) target_semaphore(%run_scoped3A : memref<!tpu.dma_semaphore, #tpu.memory_space<semaphore_mem>>)
      %dma_wait3A_165 = arith.constant 0 : i32
      %dma_wait3A_166 = tpu.memref_slice %arg4[%add3A_87, %dma_wait3A_165] : memref<2560x128xi32, #tpu.memory_space<hbm>> -> memref<40x128xi32, #tpu.memory_space<hbm>>
      %dma_wait3A_167 = arith.constant 0 : i32
      %dma_wait3A_168 = tpu.memref_slice %arg4[%add3A_87, %dma_wait3A_167] : memref<2560x128xi32, #tpu.memory_space<hbm>> -> memref<40x128xi32, #tpu.memory_space<hbm>>
      tpu.wait_dma2 semaphore(%run_scoped3A : memref<!tpu.dma_semaphore, #tpu.memory_space<semaphore_mem>>) src(%dma_wait3A_168 : memref<40x128xi32, #tpu.memory_space<hbm>>) dst(%arg7 : memref<40x128xi32, #tpu.memory_space<vmem>>)
      tpu.yield
    }) : () -> ()
    %dma_start3A_88 = arith.constant 0 : i32
    %dma_start3A_89 = arith.constant 0 : i32
    %dma_start3A_90 = tpu.memref_slice %arg6[%dma_start3A_88, %dma_start3A_89] : memref<40x128xi32, #tpu.memory_space<vmem>> -> memref<1x128xi32, #tpu.memory_space<vmem>>
    %dma_start3A_91 = tpu.memref_squeeze %dma_start3A_90 : memref<1x128xi32, #tpu.memory_space<vmem>> -> memref<128xi32, #tpu.memory_space<vmem>>
    %dma_start3A_92 = arith.constant 0 : i32
    %dma_start3A_93 = arith.constant 0 : i32
    %dma_start3A_94 = tpu.memref_slice %arg2[%dma_start3A_92, %dma_start3A_93] : memref<10000x128xf32, #tpu.memory_space<hbm>> -> memref<10000x128xf32, #tpu.memory_space<hbm>>
    tpu.enqueue_indirect_dma source(%dma_start3A_94 : memref<10000x128xf32, #tpu.memory_space<hbm>>) target(%arg8 : memref<128x128xf32, #tpu.memory_space<vmem>>) offsets(%dma_start3A_91 : memref<128xi32, #tpu.memory_space<vmem>>) semaphore(%arg11 : memref<!tpu.dma_semaphore, #tpu.memory_space<semaphore_mem>>)
    %dma_wait3A_95 = arith.constant 0 : i32
    %dma_wait3A_96 = arith.constant 0 : i32
    %dma_wait3A_97 = tpu.memref_slice %arg6[%dma_wait3A_95, %dma_wait3A_96] : memref<40x128xi32, #tpu.memory_space<vmem>> -> memref<1x128xi32, #tpu.memory_space<vmem>>
    %dma_wait3A_98 = tpu.memref_squeeze %dma_wait3A_97 : memref<1x128xi32, #tpu.memory_space<vmem>> -> memref<128xi32, #tpu.memory_space<vmem>>
    %dma_wait3A_99 = arith.constant 0 : i32
    %dma_wait3A_100 = arith.constant 0 : i32
    %dma_wait3A_101 = tpu.memref_slice %arg2[%dma_wait3A_99, %dma_wait3A_100] : memref<10000x128xf32, #tpu.memory_space<hbm>> -> memref<10000x128xf32, #tpu.memory_space<hbm>>
    tpu.wait_indirect_dma semaphore(%arg11 : memref<!tpu.dma_semaphore, #tpu.memory_space<semaphore_mem>>) src(%dma_wait3A_101 : memref<10000x128xf32, #tpu.memory_space<hbm>>) dst(%arg8 : memref<128x128xf32, #tpu.memory_space<vmem>>)
    %dma_start3A_102 = arith.constant 0 : i32
    %dma_start3A_103 = arith.constant 0 : i32
    %dma_start3A_104 = tpu.memref_slice %arg7[%dma_start3A_102, %dma_start3A_103] : memref<40x128xi32, #tpu.memory_space<vmem>> -> memref<1x128xi32, #tpu.memory_space<vmem>>
    %dma_start3A_105 = tpu.memref_squeeze %dma_start3A_104 : memref<1x128xi32, #tpu.memory_space<vmem>> -> memref<128xi32, #tpu.memory_space<vmem>>
    %dma_start3A_106 = arith.constant 0 : i32
    %dma_start3A_107 = arith.constant 0 : i32
    %dma_start3A_108 = tpu.memref_slice %arg10[%dma_start3A_106, %dma_start3A_107] : memref<10240x128xf32, #tpu.memory_space<vmem_shared>> -> memref<10240x128xf32, #tpu.memory_space<vmem_shared>>
    tpu.enqueue_indirect_dma source(%arg8 : memref<128x128xf32, #tpu.memory_space<vmem>>) target(%dma_start3A_108 : memref<10240x128xf32, #tpu.memory_space<vmem_shared>>) offsets(%dma_start3A_105 : memref<128xi32, #tpu.memory_space<vmem>>) semaphore(%arg13 : memref<!tpu.dma_semaphore, #tpu.memory_space<semaphore_mem>>) {add = true}
    %dma_start3A_109 = arith.constant 1 : i32
    %dma_start3A_110 = arith.constant 0 : i32
    %dma_start3A_111 = tpu.memref_slice %arg6[%dma_start3A_109, %dma_start3A_110] : memref<40x128xi32, #tpu.memory_space<vmem>> -> memref<1x128xi32, #tpu.memory_space<vmem>>
    %dma_start3A_112 = tpu.memref_squeeze %dma_start3A_111 : memref<1x128xi32, #tpu.memory_space<vmem>> -> memref<128xi32, #tpu.memory_space<vmem>>
    %dma_start3A_113 = arith.constant 0 : i32
    %dma_start3A_114 = arith.constant 0 : i32
    %dma_start3A_115 = tpu.memref_slice %arg2[%dma_start3A_113, %dma_start3A_114] : memref<10000x128xf32, #tpu.memory_space<hbm>> -> memref<10000x128xf32, #tpu.memory_space<hbm>>
    tpu.enqueue_indirect_dma source(%dma_start3A_115 : memref<10000x128xf32, #tpu.memory_space<hbm>>) target(%arg9 : memref<128x128xf32, #tpu.memory_space<vmem>>) offsets(%dma_start3A_112 : memref<128xi32, #tpu.memory_space<vmem>>) semaphore(%arg12 : memref<!tpu.dma_semaphore, #tpu.memory_space<semaphore_mem>>)
    %scan3A_116 = arith.constant 0 : i32
    %scan3A_117 = arith.constant 0 : i32
    %scan3A_118 = arith.constant 19 : i32
    %scan3A_119 = arith.addi %scan3A_117, %scan3A_118 : i32
    %scan3A_120 = arith.constant 1 : i32
    scf.for %scan3A_161 = %scan3A_117 to %scan3A_119 step %scan3A_120  : i32 {
      %mul3A_162 = arith.constant 2 : i32
      %mul3A_163 = arith.muli %mul3A_162, %scan3A_161 : i32
      %add3A_164 = arith.constant 1 : i32
      %add3A_165 = arith.addi %mul3A_163, %add3A_164 : i32
      %dma_wait3A_166 = arith.constant 0 : i32
      %dma_wait3A_167 = tpu.memref_slice %arg6[%add3A_165, %dma_wait3A_166] : memref<40x128xi32, #tpu.memory_space<vmem>> -> memref<1x128xi32, #tpu.memory_space<vmem>>
      %dma_wait3A_168 = tpu.memref_squeeze %dma_wait3A_167 : memref<1x128xi32, #tpu.memory_space<vmem>> -> memref<128xi32, #tpu.memory_space<vmem>>
      %dma_wait3A_169 = arith.constant 0 : i32
      %dma_wait3A_170 = arith.constant 0 : i32
      %dma_wait3A_171 = tpu.memref_slice %arg2[%dma_wait3A_169, %dma_wait3A_170] : memref<10000x128xf32, #tpu.memory_space<hbm>> -> memref<10000x128xf32, #tpu.memory_space<hbm>>
      tpu.wait_indirect_dma semaphore(%arg12 : memref<!tpu.dma_semaphore, #tpu.memory_space<semaphore_mem>>) src(%dma_wait3A_171 : memref<10000x128xf32, #tpu.memory_space<hbm>>) dst(%arg9 : memref<128x128xf32, #tpu.memory_space<vmem>>)
      %sub3A = arith.constant 1 : i32
      %sub3A_172 = arith.subi %add3A_165, %sub3A : i32
      %dma_wait3A_173 = arith.constant 0 : i32
      %dma_wait3A_174 = tpu.memref_slice %arg7[%sub3A_172, %dma_wait3A_173] : memref<40x128xi32, #tpu.memory_space<vmem>> -> memref<1x128xi32, #tpu.memory_space<vmem>>
      %dma_wait3A_175 = tpu.memref_squeeze %dma_wait3A_174 : memref<1x128xi32, #tpu.memory_space<vmem>> -> memref<128xi32, #tpu.memory_space<vmem>>
      %dma_wait3A_176 = arith.constant 0 : i32
      %dma_wait3A_177 = arith.constant 0 : i32
      %dma_wait3A_178 = tpu.memref_slice %arg10[%dma_wait3A_176, %dma_wait3A_177] : memref<10240x128xf32, #tpu.memory_space<vmem_shared>> -> memref<10240x128xf32, #tpu.memory_space<vmem_shared>>
      tpu.wait_indirect_dma semaphore(%arg13 : memref<!tpu.dma_semaphore, #tpu.memory_space<semaphore_mem>>) src(%arg8 : memref<128x128xf32, #tpu.memory_space<vmem>>) dst(%dma_wait3A_178 : memref<10240x128xf32, #tpu.memory_space<vmem_shared>>)
      %dma_start3A_179 = arith.constant 0 : i32
      %dma_start3A_180 = tpu.memref_slice %arg7[%add3A_165, %dma_start3A_179] : memref<40x128xi32, #tpu.memory_space<vmem>> -> memref<1x128xi32, #tpu.memory_space<vmem>>
      %dma_start3A_181 = tpu.memref_squeeze %dma_start3A_180 : memref<1x128xi32, #tpu.memory_space<vmem>> -> memref<128xi32, #tpu.memory_space<vmem>>
      %dma_start3A_182 = arith.constant 0 : i32
      %dma_start3A_183 = arith.constant 0 : i32
      %dma_start3A_184 = tpu.memref_slice %arg10[%dma_start3A_182, %dma_start3A_183] : memref<10240x128xf32, #tpu.memory_space<vmem_shared>> -> memref<10240x128xf32, #tpu.memory_space<vmem_shared>>
      tpu.enqueue_indirect_dma source(%arg9 : memref<128x128xf32, #tpu.memory_space<vmem>>) target(%dma_start3A_184 : memref<10240x128xf32, #tpu.memory_space<vmem_shared>>) offsets(%dma_start3A_181 : memref<128xi32, #tpu.memory_space<vmem>>) semaphore(%arg14 : memref<!tpu.dma_semaphore, #tpu.memory_space<semaphore_mem>>) {add = true}
      %add3A_185 = arith.constant 1 : i32
      %add3A_186 = arith.addi %add3A_165, %add3A_185 : i32
      %dma_start3A_187 = arith.constant 0 : i32
      %dma_start3A_188 = tpu.memref_slice %arg6[%add3A_186, %dma_start3A_187] : memref<40x128xi32, #tpu.memory_space<vmem>> -> memref<1x128xi32, #tpu.memory_space<vmem>>
      %dma_start3A_189 = tpu.memref_squeeze %dma_start3A_188 : memref<1x128xi32, #tpu.memory_space<vmem>> -> memref<128xi32, #tpu.memory_space<vmem>>
      %dma_start3A_190 = arith.constant 0 : i32
      %dma_start3A_191 = arith.constant 0 : i32
      %dma_start3A_192 = tpu.memref_slice %arg2[%dma_start3A_190, %dma_start3A_191] : memref<10000x128xf32, #tpu.memory_space<hbm>> -> memref<10000x128xf32, #tpu.memory_space<hbm>>
      tpu.enqueue_indirect_dma source(%dma_start3A_192 : memref<10000x128xf32, #tpu.memory_space<hbm>>) target(%arg8 : memref<128x128xf32, #tpu.memory_space<vmem>>) offsets(%dma_start3A_189 : memref<128xi32, #tpu.memory_space<vmem>>) semaphore(%arg11 : memref<!tpu.dma_semaphore, #tpu.memory_space<semaphore_mem>>)
      %mul3A_193 = arith.constant 2 : i32
      %mul3A_194 = arith.muli %mul3A_193, %scan3A_161 : i32
      %add3A_195 = arith.constant 2 : i32
      %add3A_196 = arith.addi %mul3A_194, %add3A_195 : i32
      %dma_wait3A_197 = arith.constant 0 : i32
      %dma_wait3A_198 = tpu.memref_slice %arg6[%add3A_196, %dma_wait3A_197] : memref<40x128xi32, #tpu.memory_space<vmem>> -> memref<1x128xi32, #tpu.memory_space<vmem>>
      %dma_wait3A_199 = tpu.memref_squeeze %dma_wait3A_198 : memref<1x128xi32, #tpu.memory_space<vmem>> -> memref<128xi32, #tpu.memory_space<vmem>>
      %dma_wait3A_200 = arith.constant 0 : i32
      %dma_wait3A_201 = arith.constant 0 : i32
      %dma_wait3A_202 = tpu.memref_slice %arg2[%dma_wait3A_200, %dma_wait3A_201] : memref<10000x128xf32, #tpu.memory_space<hbm>> -> memref<10000x128xf32, #tpu.memory_space<hbm>>
      tpu.wait_indirect_dma semaphore(%arg11 : memref<!tpu.dma_semaphore, #tpu.memory_space<semaphore_mem>>) src(%dma_wait3A_202 : memref<10000x128xf32, #tpu.memory_space<hbm>>) dst(%arg8 : memref<128x128xf32, #tpu.memory_space<vmem>>)
      %sub3A_203 = arith.constant 1 : i32
      %sub3A_204 = arith.subi %add3A_196, %sub3A_203 : i32
      %dma_wait3A_205 = arith.constant 0 : i32
      %dma_wait3A_206 = tpu.memref_slice %arg7[%sub3A_204, %dma_wait3A_205] : memref<40x128xi32, #tpu.memory_space<vmem>> -> memref<1x128xi32, #tpu.memory_space<vmem>>
      %dma_wait3A_207 = tpu.memref_squeeze %dma_wait3A_206 : memref<1x128xi32, #tpu.memory_space<vmem>> -> memref<128xi32, #tpu.memory_space<vmem>>
      %dma_wait3A_208 = arith.constant 0 : i32
      %dma_wait3A_209 = arith.constant 0 : i32
      %dma_wait3A_210 = tpu.memref_slice %arg10[%dma_wait3A_208, %dma_wait3A_209] : memref<10240x128xf32, #tpu.memory_space<vmem_shared>> -> memref<10240x128xf32, #tpu.memory_space<vmem_shared>>
      tpu.wait_indirect_dma semaphore(%arg14 : memref<!tpu.dma_semaphore, #tpu.memory_space<semaphore_mem>>) src(%arg9 : memref<128x128xf32, #tpu.memory_space<vmem>>) dst(%dma_wait3A_210 : memref<10240x128xf32, #tpu.memory_space<vmem_shared>>)
      %dma_start3A_211 = arith.constant 0 : i32
      %dma_start3A_212 = tpu.memref_slice %arg7[%add3A_196, %dma_start3A_211] : memref<40x128xi32, #tpu.memory_space<vmem>> -> memref<1x128xi32, #tpu.memory_space<vmem>>
      %dma_start3A_213 = tpu.memref_squeeze %dma_start3A_212 : memref<1x128xi32, #tpu.memory_space<vmem>> -> memref<128xi32, #tpu.memory_space<vmem>>
      %dma_start3A_214 = arith.constant 0 : i32
      %dma_start3A_215 = arith.constant 0 : i32
      %dma_start3A_216 = tpu.memref_slice %arg10[%dma_start3A_214, %dma_start3A_215] : memref<10240x128xf32, #tpu.memory_space<vmem_shared>> -> memref<10240x128xf32, #tpu.memory_space<vmem_shared>>
      tpu.enqueue_indirect_dma source(%arg8 : memref<128x128xf32, #tpu.memory_space<vmem>>) target(%dma_start3A_216 : memref<10240x128xf32, #tpu.memory_space<vmem_shared>>) offsets(%dma_start3A_213 : memref<128xi32, #tpu.memory_space<vmem>>) semaphore(%arg13 : memref<!tpu.dma_semaphore, #tpu.memory_space<semaphore_mem>>) {add = true}
      %add3A_217 = arith.constant 1 : i32
      %add3A_218 = arith.addi %add3A_196, %add3A_217 : i32
      %dma_start3A_219 = arith.constant 0 : i32
      %dma_start3A_220 = tpu.memref_slice %arg6[%add3A_218, %dma_start3A_219] : memref<40x128xi32, #tpu.memory_space<vmem>> -> memref<1x128xi32, #tpu.memory_space<vmem>>
      %dma_start3A_221 = tpu.memref_squeeze %dma_start3A_220 : memref<1x128xi32, #tpu.memory_space<vmem>> -> memref<128xi32, #tpu.memory_space<vmem>>
      %dma_start3A_222 = arith.constant 0 : i32
      %dma_start3A_223 = arith.constant 0 : i32
      %dma_start3A_224 = tpu.memref_slice %arg2[%dma_start3A_222, %dma_start3A_223] : memref<10000x128xf32, #tpu.memory_space<hbm>> -> memref<10000x128xf32, #tpu.memory_space<hbm>>
      tpu.enqueue_indirect_dma source(%dma_start3A_224 : memref<10000x128xf32, #tpu.memory_space<hbm>>) target(%arg9 : memref<128x128xf32, #tpu.memory_space<vmem>>) offsets(%dma_start3A_221 : memref<128xi32, #tpu.memory_space<vmem>>) semaphore(%arg12 : memref<!tpu.dma_semaphore, #tpu.memory_space<semaphore_mem>>)
    }
    %scan3A_121 = arith.constant 19 : i32
    %dma_wait3A_122 = arith.constant 39 : i32
    %dma_wait3A_123 = arith.constant 0 : i32
    %dma_wait3A_124 = tpu.memref_slice %arg6[%dma_wait3A_122, %dma_wait3A_123] : memref<40x128xi32, #tpu.memory_space<vmem>> -> memref<1x128xi32, #tpu.memory_space<vmem>>
    %dma_wait3A_125 = tpu.memref_squeeze %dma_wait3A_124 : memref<1x128xi32, #tpu.memory_space<vmem>> -> memref<128xi32, #tpu.memory_space<vmem>>
    %dma_wait3A_126 = arith.constant 0 : i32
    %dma_wait3A_127 = arith.constant 0 : i32
    %dma_wait3A_128 = tpu.memref_slice %arg2[%dma_wait3A_126, %dma_wait3A_127] : memref<10000x128xf32, #tpu.memory_space<hbm>> -> memref<10000x128xf32, #tpu.memory_space<hbm>>
    tpu.wait_indirect_dma semaphore(%arg12 : memref<!tpu.dma_semaphore, #tpu.memory_space<semaphore_mem>>) src(%dma_wait3A_128 : memref<10000x128xf32, #tpu.memory_space<hbm>>) dst(%arg9 : memref<128x128xf32, #tpu.memory_space<vmem>>)
    %dma_wait3A_129 = arith.constant 38 : i32
    %dma_wait3A_130 = arith.constant 0 : i32
    %dma_wait3A_131 = tpu.memref_slice %arg7[%dma_wait3A_129, %dma_wait3A_130] : memref<40x128xi32, #tpu.memory_space<vmem>> -> memref<1x128xi32, #tpu.memory_space<vmem>>
    %dma_wait3A_132 = tpu.memref_squeeze %dma_wait3A_131 : memref<1x128xi32, #tpu.memory_space<vmem>> -> memref<128xi32, #tpu.memory_space<vmem>>
    %dma_wait3A_133 = arith.constant 0 : i32
    %dma_wait3A_134 = arith.constant 0 : i32
    %dma_wait3A_135 = tpu.memref_slice %arg10[%dma_wait3A_133, %dma_wait3A_134] : memref<10240x128xf32, #tpu.memory_space<vmem_shared>> -> memref<10240x128xf32, #tpu.memory_space<vmem_shared>>
    tpu.wait_indirect_dma semaphore(%arg13 : memref<!tpu.dma_semaphore, #tpu.memory_space<semaphore_mem>>) src(%arg8 : memref<128x128xf32, #tpu.memory_space<vmem>>) dst(%dma_wait3A_135 : memref<10240x128xf32, #tpu.memory_space<vmem_shared>>)
    %dma_start3A_136 = arith.constant 39 : i32
    %dma_start3A_137 = arith.constant 0 : i32
    %dma_start3A_138 = tpu.memref_slice %arg7[%dma_start3A_136, %dma_start3A_137] : memref<40x128xi32, #tpu.memory_space<vmem>> -> memref<1x128xi32, #tpu.memory_space<vmem>>
    %dma_start3A_139 = tpu.memref_squeeze %dma_start3A_138 : memref<1x128xi32, #tpu.memory_space<vmem>> -> memref<128xi32, #tpu.memory_space<vmem>>
    %dma_start3A_140 = arith.constant 0 : i32
    %dma_start3A_141 = arith.constant 0 : i32
    %dma_start3A_142 = tpu.memref_slice %arg10[%dma_start3A_140, %dma_start3A_141] : memref<10240x128xf32, #tpu.memory_space<vmem_shared>> -> memref<10240x128xf32, #tpu.memory_space<vmem_shared>>
    tpu.enqueue_indirect_dma source(%arg9 : memref<128x128xf32, #tpu.memory_space<vmem>>) target(%dma_start3A_142 : memref<10240x128xf32, #tpu.memory_space<vmem_shared>>) offsets(%dma_start3A_139 : memref<128xi32, #tpu.memory_space<vmem>>) semaphore(%arg14 : memref<!tpu.dma_semaphore, #tpu.memory_space<semaphore_mem>>) {add = true}
    %dma_wait3A_143 = arith.constant 39 : i32
    %dma_wait3A_144 = arith.constant 0 : i32
    %dma_wait3A_145 = tpu.memref_slice %arg7[%dma_wait3A_143, %dma_wait3A_144] : memref<40x128xi32, #tpu.memory_space<vmem>> -> memref<1x128xi32, #tpu.memory_space<vmem>>
    %dma_wait3A_146 = tpu.memref_squeeze %dma_wait3A_145 : memref<1x128xi32, #tpu.memory_space<vmem>> -> memref<128xi32, #tpu.memory_space<vmem>>
    %dma_wait3A_147 = arith.constant 0 : i32
    %dma_wait3A_148 = arith.constant 0 : i32
    %dma_wait3A_149 = tpu.memref_slice %arg10[%dma_wait3A_147, %dma_wait3A_148] : memref<10240x128xf32, #tpu.memory_space<vmem_shared>> -> memref<10240x128xf32, #tpu.memory_space<vmem_shared>>
    tpu.wait_indirect_dma semaphore(%arg14 : memref<!tpu.dma_semaphore, #tpu.memory_space<semaphore_mem>>) src(%arg9 : memref<128x128xf32, #tpu.memory_space<vmem>>) dst(%dma_wait3A_149 : memref<10240x128xf32, #tpu.memory_space<vmem_shared>>)
    %barrier3A_150 = arith.constant 0 : index
    tpu.barrier barrier_id(%barrier3A_150)
    %add3A_151 = arith.constant 0 : i32
    %add3A_152 = arith.addi %mul3A_9, %add3A_151 : i32
    "tpu.region"() ({
      %run_scoped3A = tpu.sem_alloc : memref<!tpu.dma_semaphore, #tpu.memory_space<semaphore_mem>>
      %dma_start3A_161 = arith.constant 0 : i32
      %dma_start3A_162 = arith.constant 0 : i32
      %dma_start3A_163 = tpu.memref_slice %arg5[%arg0, %dma_start3A_161, %dma_start3A_162] : memref<2x10240x128xf32, #tpu.memory_space<hbm>> -> memref<1x10240x128xf32, #tpu.memory_space<hbm>>
      %dma_start3A_164 = tpu.memref_squeeze %dma_start3A_163 : memref<1x10240x128xf32, #tpu.memory_space<hbm>> -> memref<10240x128xf32, #tpu.memory_space<hbm>>
      %dma_start3A_165 = arith.constant 0 : i32
      %dma_start3A_166 = tpu.memref_slice %dma_start3A_164[%add3A_152, %dma_start3A_165] : memref<10240x128xf32, #tpu.memory_space<hbm>> -> memref<128x128xf32, #tpu.memory_space<hbm>>
      %dma_start3A_167 = arith.constant 0 : i32
      %dma_start3A_168 = tpu.memref_slice %arg10[%add3A_152, %dma_start3A_167] : memref<10240x128xf32, #tpu.memory_space<vmem_shared>> -> memref<128x128xf32, #tpu.memory_space<vmem_shared>>
      tpu.enqueue_dma source(%dma_start3A_168 : memref<128x128xf32, #tpu.memory_space<vmem_shared>>) target(%dma_start3A_166 : memref<128x128xf32, #tpu.memory_space<hbm>>) target_semaphore(%run_scoped3A : memref<!tpu.dma_semaphore, #tpu.memory_space<semaphore_mem>>)
      %dma_wait3A_169 = arith.constant 0 : i32
      %dma_wait3A_170 = arith.constant 0 : i32
      %dma_wait3A_171 = tpu.memref_slice %arg5[%arg0, %dma_wait3A_169, %dma_wait3A_170] : memref<2x10240x128xf32, #tpu.memory_space<hbm>> -> memref<1x10240x128xf32, #tpu.memory_space<hbm>>
      %dma_wait3A_172 = tpu.memref_squeeze %dma_wait3A_171 : memref<1x10240x128xf32, #tpu.memory_space<hbm>> -> memref<10240x128xf32, #tpu.memory_space<hbm>>
      %dma_wait3A_173 = arith.constant 0 : i32
      %dma_wait3A_174 = tpu.memref_slice %dma_wait3A_172[%add3A_152, %dma_wait3A_173] : memref<10240x128xf32, #tpu.memory_space<hbm>> -> memref<128x128xf32, #tpu.memory_space<hbm>>
      %dma_wait3A_175 = arith.constant 0 : i32
      %dma_wait3A_176 = tpu.memref_slice %arg10[%add3A_152, %dma_wait3A_175] : memref<10240x128xf32, #tpu.memory_space<vmem_shared>> -> memref<128x128xf32, #tpu.memory_space<vmem_shared>>
      tpu.wait_dma2 semaphore(%run_scoped3A : memref<!tpu.dma_semaphore, #tpu.memory_space<semaphore_mem>>) src(%dma_wait3A_176 : memref<128x128xf32, #tpu.memory_space<vmem_shared>>) dst(%dma_wait3A_174 : memref<128x128xf32, #tpu.memory_space<hbm>>)
      tpu.yield
    }) : () -> ()
    %add3A_153 = arith.constant 128 : i32
    %add3A_154 = arith.addi %mul3A_9, %add3A_153 : i32
    "tpu.region"() ({
      %run_scoped3A = tpu.sem_alloc : memref<!tpu.dma_semaphore, #tpu.memory_space<semaphore_mem>>
      %dma_start3A_161 = arith.constant 0 : i32
      %dma_start3A_162 = arith.constant 0 : i32
      %dma_start3A_163 = tpu.memref_slice %arg5[%arg0, %dma_start3A_161, %dma_start3A_162] : memref<2x10240x128xf32, #tpu.memory_space<hbm>> -> memref<1x10240x128xf32, #tpu.memory_space<hbm>>
      %dma_start3A_164 = tpu.memref_squeeze %dma_start3A_163 : memref<1x10240x128xf32, #tpu.memory_space<hbm>> -> memref<10240x128xf32, #tpu.memory_space<hbm>>
      %dma_start3A_165 = arith.constant 0 : i32
      %dma_start3A_166 = tpu.memref_slice %dma_start3A_164[%add3A_154, %dma_start3A_165] : memref<10240x128xf32, #tpu.memory_space<hbm>> -> memref<128x128xf32, #tpu.memory_space<hbm>>
      %dma_start3A_167 = arith.constant 0 : i32
      %dma_start3A_168 = tpu.memref_slice %arg10[%add3A_154, %dma_start3A_167] : memref<10240x128xf32, #tpu.memory_space<vmem_shared>> -> memref<128x128xf32, #tpu.memory_space<vmem_shared>>
      tpu.enqueue_dma source(%dma_start3A_168 : memref<128x128xf32, #tpu.memory_space<vmem_shared>>) target(%dma_start3A_166 : memref<128x128xf32, #tpu.memory_space<hbm>>) target_semaphore(%run_scoped3A : memref<!tpu.dma_semaphore, #tpu.memory_space<semaphore_mem>>)
      %dma_wait3A_169 = arith.constant 0 : i32
      %dma_wait3A_170 = arith.constant 0 : i32
      %dma_wait3A_171 = tpu.memref_slice %arg5[%arg0, %dma_wait3A_169, %dma_wait3A_170] : memref<2x10240x128xf32, #tpu.memory_space<hbm>> -> memref<1x10240x128xf32, #tpu.memory_space<hbm>>
      %dma_wait3A_172 = tpu.memref_squeeze %dma_wait3A_171 : memref<1x10240x128xf32, #tpu.memory_space<hbm>> -> memref<10240x128xf32, #tpu.memory_space<hbm>>
      %dma_wait3A_173 = arith.constant 0 : i32
      %dma_wait3A_174 = tpu.memref_slice %dma_wait3A_172[%add3A_154, %dma_wait3A_173] : memref<10240x128xf32, #tpu.memory_space<hbm>> -> memref<128x128xf32, #tpu.memory_space<hbm>>
      %dma_wait3A_175 = arith.constant 0 : i32
      %dma_wait3A_176 = tpu.memref_slice %arg10[%add3A_154, %dma_wait3A_175] : memref<10240x128xf32, #tpu.memory_space<vmem_shared>> -> memref<128x128xf32, #tpu.memory_space<vmem_shared>>
      tpu.wait_dma2 semaphore(%run_scoped3A : memref<!tpu.dma_semaphore, #tpu.memory_space<semaphore_mem>>) src(%dma_wait3A_176 : memref<128x128xf32, #tpu.memory_space<vmem_shared>>) dst(%dma_wait3A_174 : memref<128x128xf32, #tpu.memory_space<hbm>>)
      tpu.yield
    }) : () -> ()
    %add3A_155 = arith.constant 256 : i32
    %add3A_156 = arith.addi %mul3A_9, %add3A_155 : i32
    "tpu.region"() ({
      %run_scoped3A = tpu.sem_alloc : memref<!tpu.dma_semaphore, #tpu.memory_space<semaphore_mem>>
      %dma_start3A_161 = arith.constant 0 : i32
      %dma_start3A_162 = arith.constant 0 : i32
      %dma_start3A_163 = tpu.memref_slice %arg5[%arg0, %dma_start3A_161, %dma_start3A_162] : memref<2x10240x128xf32, #tpu.memory_space<hbm>> -> memref<1x10240x128xf32, #tpu.memory_space<hbm>>
      %dma_start3A_164 = tpu.memref_squeeze %dma_start3A_163 : memref<1x10240x128xf32, #tpu.memory_space<hbm>> -> memref<10240x128xf32, #tpu.memory_space<hbm>>
      %dma_start3A_165 = arith.constant 0 : i32
      %dma_start3A_166 = tpu.memref_slice %dma_start3A_164[%add3A_156, %dma_start3A_165] : memref<10240x128xf32, #tpu.memory_space<hbm>> -> memref<128x128xf32, #tpu.memory_space<hbm>>
      %dma_start3A_167 = arith.constant 0 : i32
      %dma_start3A_168 = tpu.memref_slice %arg10[%add3A_156, %dma_start3A_167] : memref<10240x128xf32, #tpu.memory_space<vmem_shared>> -> memref<128x128xf32, #tpu.memory_space<vmem_shared>>
      tpu.enqueue_dma source(%dma_start3A_168 : memref<128x128xf32, #tpu.memory_space<vmem_shared>>) target(%dma_start3A_166 : memref<128x128xf32, #tpu.memory_space<hbm>>) target_semaphore(%run_scoped3A : memref<!tpu.dma_semaphore, #tpu.memory_space<semaphore_mem>>)
      %dma_wait3A_169 = arith.constant 0 : i32
      %dma_wait3A_170 = arith.constant 0 : i32
      %dma_wait3A_171 = tpu.memref_slice %arg5[%arg0, %dma_wait3A_169, %dma_wait3A_170] : memref<2x10240x128xf32, #tpu.memory_space<hbm>> -> memref<1x10240x128xf32, #tpu.memory_space<hbm>>
      %dma_wait3A_172 = tpu.memref_squeeze %dma_wait3A_171 : memref<1x10240x128xf32, #tpu.memory_space<hbm>> -> memref<10240x128xf32, #tpu.memory_space<hbm>>
      %dma_wait3A_173 = arith.constant 0 : i32
      %dma_wait3A_174 = tpu.memref_slice %dma_wait3A_172[%add3A_156, %dma_wait3A_173] : memref<10240x128xf32, #tpu.memory_space<hbm>> -> memref<128x128xf32, #tpu.memory_space<hbm>>
      %dma_wait3A_175 = arith.constant 0 : i32
      %dma_wait3A_176 = tpu.memref_slice %arg10[%add3A_156, %dma_wait3A_175] : memref<10240x128xf32, #tpu.memory_space<vmem_shared>> -> memref<128x128xf32, #tpu.memory_space<vmem_shared>>
      tpu.wait_dma2 semaphore(%run_scoped3A : memref<!tpu.dma_semaphore, #tpu.memory_space<semaphore_mem>>) src(%dma_wait3A_176 : memref<128x128xf32, #tpu.memory_space<vmem_shared>>) dst(%dma_wait3A_174 : memref<128x128xf32, #tpu.memory_space<hbm>>)
      tpu.yield
    }) : () -> ()
    %add3A_157 = arith.constant 384 : i32
    %add3A_158 = arith.addi %mul3A_9, %add3A_157 : i32
    "tpu.region"() ({
      %run_scoped3A = tpu.sem_alloc : memref<!tpu.dma_semaphore, #tpu.memory_space<semaphore_mem>>
      %dma_start3A_161 = arith.constant 0 : i32
      %dma_start3A_162 = arith.constant 0 : i32
      %dma_start3A_163 = tpu.memref_slice %arg5[%arg0, %dma_start3A_161, %dma_start3A_162] : memref<2x10240x128xf32, #tpu.memory_space<hbm>> -> memref<1x10240x128xf32, #tpu.memory_space<hbm>>
      %dma_start3A_164 = tpu.memref_squeeze %dma_start3A_163 : memref<1x10240x128xf32, #tpu.memory_space<hbm>> -> memref<10240x128xf32, #tpu.memory_space<hbm>>
      %dma_start3A_165 = arith.constant 0 : i32
      %dma_start3A_166 = tpu.memref_slice %dma_start3A_164[%add3A_158, %dma_start3A_165] : memref<10240x128xf32, #tpu.memory_space<hbm>> -> memref<128x128xf32, #tpu.memory_space<hbm>>
      %dma_start3A_167 = arith.constant 0 : i32
      %dma_start3A_168 = tpu.memref_slice %arg10[%add3A_158, %dma_start3A_167] : memref<10240x128xf32, #tpu.memory_space<vmem_shared>> -> memref<128x128xf32, #tpu.memory_space<vmem_shared>>
      tpu.enqueue_dma source(%dma_start3A_168 : memref<128x128xf32, #tpu.memory_space<vmem_shared>>) target(%dma_start3A_166 : memref<128x128xf32, #tpu.memory_space<hbm>>) target_semaphore(%run_scoped3A : memref<!tpu.dma_semaphore, #tpu.memory_space<semaphore_mem>>)
      %dma_wait3A_169 = arith.constant 0 : i32
      %dma_wait3A_170 = arith.constant 0 : i32
      %dma_wait3A_171 = tpu.memref_slice %arg5[%arg0, %dma_wait3A_169, %dma_wait3A_170] : memref<2x10240x128xf32, #tpu.memory_space<hbm>> -> memref<1x10240x128xf32, #tpu.memory_space<hbm>>
      %dma_wait3A_172 = tpu.memref_squeeze %dma_wait3A_171 : memref<1x10240x128xf32, #tpu.memory_space<hbm>> -> memref<10240x128xf32, #tpu.memory_space<hbm>>
      %dma_wait3A_173 = arith.constant 0 : i32
      %dma_wait3A_174 = tpu.memref_slice %dma_wait3A_172[%add3A_158, %dma_wait3A_173] : memref<10240x128xf32, #tpu.memory_space<hbm>> -> memref<128x128xf32, #tpu.memory_space<hbm>>
      %dma_wait3A_175 = arith.constant 0 : i32
      %dma_wait3A_176 = tpu.memref_slice %arg10[%add3A_158, %dma_wait3A_175] : memref<10240x128xf32, #tpu.memory_space<vmem_shared>> -> memref<128x128xf32, #tpu.memory_space<vmem_shared>>
      tpu.wait_dma2 semaphore(%run_scoped3A : memref<!tpu.dma_semaphore, #tpu.memory_space<semaphore_mem>>) src(%dma_wait3A_176 : memref<128x128xf32, #tpu.memory_space<vmem_shared>>) dst(%dma_wait3A_174 : memref<128x128xf32, #tpu.memory_space<hbm>>)
      tpu.yield
    }) : () -> ()
    %add3A_159 = arith.constant 512 : i32
    %add3A_160 = arith.addi %mul3A_9, %add3A_159 : i32
    "tpu.region"() ({
      %run_scoped3A = tpu.sem_alloc : memref<!tpu.dma_semaphore, #tpu.memory_space<semaphore_mem>>
      %dma_start3A_161 = arith.constant 0 : i32
      %dma_start3A_162 = arith.constant 0 : i32
      %dma_start3A_163 = tpu.memref_slice %arg5[%arg0, %dma_start3A_161, %dma_start3A_162] : memref<2x10240x128xf32, #tpu.memory_space<hbm>> -> memref<1x10240x128xf32, #tpu.memory_space<hbm>>
      %dma_start3A_164 = tpu.memref_squeeze %dma_start3A_163 : memref<1x10240x128xf32, #tpu.memory_space<hbm>> -> memref<10240x128xf32, #tpu.memory_space<hbm>>
      %dma_start3A_165 = arith.constant 0 : i32
      %dma_start3A_166 = tpu.memref_slice %dma_start3A_164[%add3A_160, %dma_start3A_165] : memref<10240x128xf32, #tpu.memory_space<hbm>> -> memref<128x128xf32, #tpu.memory_space<hbm>>
      %dma_start3A_167 = arith.constant 0 : i32
      %dma_start3A_168 = tpu.memref_slice %arg10[%add3A_160, %dma_start3A_167] : memref<10240x128xf32, #tpu.memory_space<vmem_shared>> -> memref<128x128xf32, #tpu.memory_space<vmem_shared>>
      tpu.enqueue_dma source(%dma_start3A_168 : memref<128x128xf32, #tpu.memory_space<vmem_shared>>) target(%dma_start3A_166 : memref<128x128xf32, #tpu.memory_space<hbm>>) target_semaphore(%run_scoped3A : memref<!tpu.dma_semaphore, #tpu.memory_space<semaphore_mem>>)
      %dma_wait3A_169 = arith.constant 0 : i32
      %dma_wait3A_170 = arith.constant 0 : i32
      %dma_wait3A_171 = tpu.memref_slice %arg5[%arg0, %dma_wait3A_169, %dma_wait3A_170] : memref<2x10240x128xf32, #tpu.memory_space<hbm>> -> memref<1x10240x128xf32, #tpu.memory_space<hbm>>
      %dma_wait3A_172 = tpu.memref_squeeze %dma_wait3A_171 : memref<1x10240x128xf32, #tpu.memory_space<hbm>> -> memref<10240x128xf32, #tpu.memory_space<hbm>>
      %dma_wait3A_173 = arith.constant 0 : i32
      %dma_wait3A_174 = tpu.memref_slice %dma_wait3A_172[%add3A_160, %dma_wait3A_173] : memref<10240x128xf32, #tpu.memory_space<hbm>> -> memref<128x128xf32, #tpu.memory_space<hbm>>
      %dma_wait3A_175 = arith.constant 0 : i32
      %dma_wait3A_176 = tpu.memref_slice %arg10[%add3A_160, %dma_wait3A_175] : memref<10240x128xf32, #tpu.memory_space<vmem_shared>> -> memref<128x128xf32, #tpu.memory_space<vmem_shared>>
      tpu.wait_dma2 semaphore(%run_scoped3A : memref<!tpu.dma_semaphore, #tpu.memory_space<semaphore_mem>>) src(%dma_wait3A_176 : memref<128x128xf32, #tpu.memory_space<vmem_shared>>) dst(%dma_wait3A_174 : memref<128x128xf32, #tpu.memory_space<hbm>>)
      tpu.yield
    }) : () -> ()
    return
  }
}

#map = affine_map<(d0, d1) -> (0, 0)>
#map1 = affine_map<(d0, d1) -> (0, 0, 0)>
module attributes {stable_mosaic.version = 14 : i64} {
  func.func @_agg_kernel(%arg0: i32, %arg1: i32, %arg2: memref<10000x128xf32, #tpu.memory_space<hbm>>, %arg3: memref<2560x128xi32, #tpu.memory_space<hbm>>, %arg4: memref<2560x128xi32, #tpu.memory_space<hbm>>, %arg5: memref<2x10240x128xf32, #tpu.memory_space<hbm>>, %arg6: memref<40x128xi32, #tpu.memory_space<vmem>>, %arg7: memref<40x128xi32, #tpu.memory_space<vmem>>, %arg8: memref<128x128xf32, #tpu.memory_space<vmem>>, %arg9: memref<128x128xf32, #tpu.memory_space<vmem>>, %arg10: memref<10240x128xf32, #tpu.memory_space<vmem_shared>>, %arg11: memref<!tpu.dma_semaphore, #tpu.memory_space<semaphore_mem>>, %arg12: memref<!tpu.dma_semaphore, #tpu.memory_space<semaphore_mem>>, %arg13: memref<!tpu.dma_semaphore, #tpu.memory_space<semaphore_mem>>, %arg14: memref<!tpu.dma_semaphore, #tpu.memory_space<semaphore_mem>>) attributes {dimension_semantics = [#tpu.dimension_semantics<core_parallel>, #tpu.dimension_semantics<subcore_parallel>], iteration_bounds = array<i64: 2, 16>, scalar_prefetch = 0 : i64, scratch_operands = 9 : i64, tpu.core_type = #tpu.core_type<sc_vector_subcore>, window_params = [{transform_indices = #map}, {transform_indices = #map}, {transform_indices = #map}, {transform_indices = #map1}]} {
    %mul3A = arith.constant 16 : i32
    %mul3A_0 = arith.muli %arg0, %mul3A : i32
    %add3A = arith.addi %mul3A_0, %arg1 : i32
    %mul3A_1 = arith.constant 80 : i32
    %mul3A_2 = arith.muli %add3A, %mul3A_1 : i32
    %scan3A = arith.constant 0 : i32
    %scan3A_3 = arith.constant 0 : i32
    %scan3A_4 = arith.constant 128 : i32
    %scan3A_5 = arith.addi %scan3A_3, %scan3A_4 : i32
    %scan3A_6 = arith.constant 1 : i32
    scf.for %scan3A_161 = %scan3A_3 to %scan3A_5 step %scan3A_6  : i32 {
      %broadcast_in_dim3A = arith.constant 0.000000e+00 : f32
      %broadcast_in_dim3A_162 = vector.broadcast %broadcast_in_dim3A : f32 to vector<16xf32>
      %swap3A = arith.index_cast %scan3A_161 : i32 to index
      %swap3A_163 = arith.constant 0 : index
      %swap3A_164 = tpu.vector_load %arg8[%swap3A, %swap3A_163] {strides = array<i32>} : memref<128x128xf32, #tpu.memory_space<vmem>>, vector<1x16xf32>,
      %swap3A_165 = vector.shape_cast %swap3A_164 : vector<1x16xf32> to vector<16xf32>
      %swap3A_166 = vector.shape_cast %broadcast_in_dim3A_162 : vector<16xf32> to vector<1x16xf32>
      tpu.vector_store %arg8[%swap3A, %swap3A_163], %swap3A_166 {strides = array<i32>} : memref<128x128xf32, #tpu.memory_space<vmem>>, vector<1x16xf32>,
      %broadcast_in_dim3A_167 = arith.constant 0.000000e+00 : f32
      %broadcast_in_dim3A_168 = vector.broadcast %broadcast_in_dim3A_167 : f32 to vector<16xf32>
      %swap3A_169 = arith.index_cast %scan3A_161 : i32 to index
      %swap3A_170 = arith.constant 16 : index
      %swap3A_171 = tpu.vector_load %arg8[%swap3A_169, %swap3A_170] {strides = array<i32>} : memref<128x128xf32, #tpu.memory_space<vmem>>, vector<1x16xf32>,
      %swap3A_172 = vector.shape_cast %swap3A_171 : vector<1x16xf32> to vector<16xf32>
      %swap3A_173 = vector.shape_cast %broadcast_in_dim3A_168 : vector<16xf32> to vector<1x16xf32>
      tpu.vector_store %arg8[%swap3A_169, %swap3A_170], %swap3A_173 {strides = array<i32>} : memref<128x128xf32, #tpu.memory_space<vmem>>, vector<1x16xf32>,
      %broadcast_in_dim3A_174 = arith.constant 0.000000e+00 : f32
      %broadcast_in_dim3A_175 = vector.broadcast %broadcast_in_dim3A_174 : f32 to vector<16xf32>
      %swap3A_176 = arith.index_cast %scan3A_161 : i32 to index
      %swap3A_177 = arith.constant 32 : index
      %swap3A_178 = tpu.vector_load %arg8[%swap3A_176, %swap3A_177] {strides = array<i32>} : memref<128x128xf32, #tpu.memory_space<vmem>>, vector<1x16xf32>,
      %swap3A_179 = vector.shape_cast %swap3A_178 : vector<1x16xf32> to vector<16xf32>
      %swap3A_180 = vector.shape_cast %broadcast_in_dim3A_175 : vector<16xf32> to vector<1x16xf32>
      tpu.vector_store %arg8[%swap3A_176, %swap3A_177], %swap3A_180 {strides = array<i32>} : memref<128x128xf32, #tpu.memory_space<vmem>>, vector<1x16xf32>,
      %broadcast_in_dim3A_181 = arith.constant 0.000000e+00 : f32
      %broadcast_in_dim3A_182 = vector.broadcast %broadcast_in_dim3A_181 : f32 to vector<16xf32>
      %swap3A_183 = arith.index_cast %scan3A_161 : i32 to index
      %swap3A_184 = arith.constant 48 : index
      %swap3A_185 = tpu.vector_load %arg8[%swap3A_183, %swap3A_184] {strides = array<i32>} : memref<128x128xf32, #tpu.memory_space<vmem>>, vector<1x16xf32>,
      %swap3A_186 = vector.shape_cast %swap3A_185 : vector<1x16xf32> to vector<16xf32>
      %swap3A_187 = vector.shape_cast %broadcast_in_dim3A_182 : vector<16xf32> to vector<1x16xf32>
      tpu.vector_store %arg8[%swap3A_183, %swap3A_184], %swap3A_187 {strides = array<i32>} : memref<128x128xf32, #tpu.memory_space<vmem>>, vector<1x16xf32>,
      %broadcast_in_dim3A_188 = arith.constant 0.000000e+00 : f32
      %broadcast_in_dim3A_189 = vector.broadcast %broadcast_in_dim3A_188 : f32 to vector<16xf32>
      %swap3A_190 = arith.index_cast %scan3A_161 : i32 to index
      %swap3A_191 = arith.constant 64 : index
      %swap3A_192 = tpu.vector_load %arg8[%swap3A_190, %swap3A_191] {strides = array<i32>} : memref<128x128xf32, #tpu.memory_space<vmem>>, vector<1x16xf32>,
      %swap3A_193 = vector.shape_cast %swap3A_192 : vector<1x16xf32> to vector<16xf32>
      %swap3A_194 = vector.shape_cast %broadcast_in_dim3A_189 : vector<16xf32> to vector<1x16xf32>
      tpu.vector_store %arg8[%swap3A_190, %swap3A_191], %swap3A_194 {strides = array<i32>} : memref<128x128xf32, #tpu.memory_space<vmem>>, vector<1x16xf32>,
      %broadcast_in_dim3A_195 = arith.constant 0.000000e+00 : f32
      %broadcast_in_dim3A_196 = vector.broadcast %broadcast_in_dim3A_195 : f32 to vector<16xf32>
      %swap3A_197 = arith.index_cast %scan3A_161 : i32 to index
      %swap3A_198 = arith.constant 80 : index
      %swap3A_199 = tpu.vector_load %arg8[%swap3A_197, %swap3A_198] {strides = array<i32>} : memref<128x128xf32, #tpu.memory_space<vmem>>, vector<1x16xf32>,
      %swap3A_200 = vector.shape_cast %swap3A_199 : vector<1x16xf32> to vector<16xf32>
      %swap3A_201 = vector.shape_cast %broadcast_in_dim3A_196 : vector<16xf32> to vector<1x16xf32>
      tpu.vector_store %arg8[%swap3A_197, %swap3A_198], %swap3A_201 {strides = array<i32>} : memref<128x128xf32, #tpu.memory_space<vmem>>, vector<1x16xf32>,
      %broadcast_in_dim3A_202 = arith.constant 0.000000e+00 : f32
      %broadcast_in_dim3A_203 = vector.broadcast %broadcast_in_dim3A_202 : f32 to vector<16xf32>
      %swap3A_204 = arith.index_cast %scan3A_161 : i32 to index
      %swap3A_205 = arith.constant 96 : index
      %swap3A_206 = tpu.vector_load %arg8[%swap3A_204, %swap3A_205] {strides = array<i32>} : memref<128x128xf32, #tpu.memory_space<vmem>>, vector<1x16xf32>,
      %swap3A_207 = vector.shape_cast %swap3A_206 : vector<1x16xf32> to vector<16xf32>
      %swap3A_208 = vector.shape_cast %broadcast_in_dim3A_203 : vector<16xf32> to vector<1x16xf32>
      tpu.vector_store %arg8[%swap3A_204, %swap3A_205], %swap3A_208 {strides = array<i32>} : memref<128x128xf32, #tpu.memory_space<vmem>>, vector<1x16xf32>,
      %broadcast_in_dim3A_209 = arith.constant 0.000000e+00 : f32
      %broadcast_in_dim3A_210 = vector.broadcast %broadcast_in_dim3A_209 : f32 to vector<16xf32>
      %swap3A_211 = arith.index_cast %scan3A_161 : i32 to index
      %swap3A_212 = arith.constant 112 : index
      %swap3A_213 = tpu.vector_load %arg8[%swap3A_211, %swap3A_212] {strides = array<i32>} : memref<128x128xf32, #tpu.memory_space<vmem>>, vector<1x16xf32>,
      %swap3A_214 = vector.shape_cast %swap3A_213 : vector<1x16xf32> to vector<16xf32>
      %swap3A_215 = vector.shape_cast %broadcast_in_dim3A_210 : vector<16xf32> to vector<1x16xf32>
      tpu.vector_store %arg8[%swap3A_211, %swap3A_212], %swap3A_215 {strides = array<i32>} : memref<128x128xf32, #tpu.memory_space<vmem>>, vector<1x16xf32>,
    }
    %scan3A_7 = arith.constant 128 : i32
    %mul3A_8 = arith.constant 640 : i32
    %mul3A_9 = arith.muli %arg1, %mul3A_8 : i32
    %add3A_10 = arith.constant 0 : i32
    %add3A_11 = arith.addi %mul3A_9, %add3A_10 : i32
    "tpu.region"() ({
      %run_scoped3A = tpu.sem_alloc : memref<!tpu.dma_semaphore, #tpu.memory_space<semaphore_mem>>
      %dma_start3A_161 = arith.constant 0 : i32
      %dma_start3A_162 = tpu.memref_slice %arg10[%add3A_11, %dma_start3A_161] : memref<10240x128xf32, #tpu.memory_space<vmem_shared>> -> memref<128x128xf32, #tpu.memory_space<vmem_shared>>
      %dma_start3A_163 = arith.constant 0 : i32
      %dma_start3A_164 = tpu.memref_slice %arg10[%add3A_11, %dma_start3A_163] : memref<10240x128xf32, #tpu.memory_space<vmem_shared>> -> memref<128x128xf32, #tpu.memory_space<vmem_shared>>
      tpu.enqueue_dma source(%arg8 : memref<128x128xf32, #tpu.memory_space<vmem>>) target(%dma_start3A_164 : memref<128x128xf32, #tpu.memory_space<vmem_shared>>) target_semaphore(%run_scoped3A : memref<!tpu.dma_semaphore, #tpu.memory_space<semaphore_mem>>)
      %dma_wait3A_165 = arith.constant 0 : i32
      %dma_wait3A_166 = tpu.memref_slice %arg10[%add3A_11, %dma_wait3A_165] : memref<10240x128xf32, #tpu.memory_space<vmem_shared>> -> memref<128x128xf32, #tpu.memory_space<vmem_shared>>
      %dma_wait3A_167 = arith.constant 0 : i32
      %dma_wait3A_168 = tpu.memref_slice %arg10[%add3A_11, %dma_wait3A_167] : memref<10240x128xf32, #tpu.memory_space<vmem_shared>> -> memref<128x128xf32, #tpu.memory_space<vmem_shared>>
      tpu.wait_dma2 semaphore(%run_scoped3A : memref<!tpu.dma_semaphore, #tpu.memory_space<semaphore_mem>>) src(%arg8 : memref<128x128xf32, #tpu.memory_space<vmem>>) dst(%dma_wait3A_168 : memref<128x128xf32, #tpu.memory_space<vmem_shared>>)
      tpu.yield
    }) : () -> ()
    %add3A_12 = arith.constant 128 : i32
    %add3A_13 = arith.addi %mul3A_9, %add3A_12 : i32
    "tpu.region"() ({
      %run_scoped3A = tpu.sem_alloc : memref<!tpu.dma_semaphore, #tpu.memory_space<semaphore_mem>>
      %dma_start3A_161 = arith.constant 0 : i32
      %dma_start3A_162 = tpu.memref_slice %arg10[%add3A_13, %dma_start3A_161] : memref<10240x128xf32, #tpu.memory_space<vmem_shared>> -> memref<128x128xf32, #tpu.memory_space<vmem_shared>>
      %dma_start3A_163 = arith.constant 0 : i32
      %dma_start3A_164 = tpu.memref_slice %arg10[%add3A_13, %dma_start3A_163] : memref<10240x128xf32, #tpu.memory_space<vmem_shared>> -> memref<128x128xf32, #tpu.memory_space<vmem_shared>>
      tpu.enqueue_dma source(%arg8 : memref<128x128xf32, #tpu.memory_space<vmem>>) target(%dma_start3A_164 : memref<128x128xf32, #tpu.memory_space<vmem_shared>>) target_semaphore(%run_scoped3A : memref<!tpu.dma_semaphore, #tpu.memory_space<semaphore_mem>>)
      %dma_wait3A_165 = arith.constant 0 : i32
      %dma_wait3A_166 = tpu.memref_slice %arg10[%add3A_13, %dma_wait3A_165] : memref<10240x128xf32, #tpu.memory_space<vmem_shared>> -> memref<128x128xf32, #tpu.memory_space<vmem_shared>>
      %dma_wait3A_167 = arith.constant 0 : i32
      %dma_wait3A_168 = tpu.memref_slice %arg10[%add3A_13, %dma_wait3A_167] : memref<10240x128xf32, #tpu.memory_space<vmem_shared>> -> memref<128x128xf32, #tpu.memory_space<vmem_shared>>
      tpu.wait_dma2 semaphore(%run_scoped3A : memref<!tpu.dma_semaphore, #tpu.memory_space<semaphore_mem>>) src(%arg8 : memref<128x128xf32, #tpu.memory_space<vmem>>) dst(%dma_wait3A_168 : memref<128x128xf32, #tpu.memory_space<vmem_shared>>)
      tpu.yield
    }) : () -> ()
    %add3A_14 = arith.constant 256 : i32
    %add3A_15 = arith.addi %mul3A_9, %add3A_14 : i32
    "tpu.region"() ({
      %run_scoped3A = tpu.sem_alloc : memref<!tpu.dma_semaphore, #tpu.memory_space<semaphore_mem>>
      %dma_start3A_161 = arith.constant 0 : i32
      %dma_start3A_162 = tpu.memref_slice %arg10[%add3A_15, %dma_start3A_161] : memref<10240x128xf32, #tpu.memory_space<vmem_shared>> -> memref<128x128xf32, #tpu.memory_space<vmem_shared>>
      %dma_start3A_163 = arith.constant 0 : i32
      %dma_start3A_164 = tpu.memref_slice %arg10[%add3A_15, %dma_start3A_163] : memref<10240x128xf32, #tpu.memory_space<vmem_shared>> -> memref<128x128xf32, #tpu.memory_space<vmem_shared>>
      tpu.enqueue_dma source(%arg8 : memref<128x128xf32, #tpu.memory_space<vmem>>) target(%dma_start3A_164 : memref<128x128xf32, #tpu.memory_space<vmem_shared>>) target_semaphore(%run_scoped3A : memref<!tpu.dma_semaphore, #tpu.memory_space<semaphore_mem>>)
      %dma_wait3A_165 = arith.constant 0 : i32
      %dma_wait3A_166 = tpu.memref_slice %arg10[%add3A_15, %dma_wait3A_165] : memref<10240x128xf32, #tpu.memory_space<vmem_shared>> -> memref<128x128xf32, #tpu.memory_space<vmem_shared>>
      %dma_wait3A_167 = arith.constant 0 : i32
      %dma_wait3A_168 = tpu.memref_slice %arg10[%add3A_15, %dma_wait3A_167] : memref<10240x128xf32, #tpu.memory_space<vmem_shared>> -> memref<128x128xf32, #tpu.memory_space<vmem_shared>>
      tpu.wait_dma2 semaphore(%run_scoped3A : memref<!tpu.dma_semaphore, #tpu.memory_space<semaphore_mem>>) src(%arg8 : memref<128x128xf32, #tpu.memory_space<vmem>>) dst(%dma_wait3A_168 : memref<128x128xf32, #tpu.memory_space<vmem_shared>>)
      tpu.yield
    }) : () -> ()
    %add3A_16 = arith.constant 384 : i32
    %add3A_17 = arith.addi %mul3A_9, %add3A_16 : i32
    "tpu.region"() ({
      %run_scoped3A = tpu.sem_alloc : memref<!tpu.dma_semaphore, #tpu.memory_space<semaphore_mem>>
      %dma_start3A_161 = arith.constant 0 : i32
      %dma_start3A_162 = tpu.memref_slice %arg10[%add3A_17, %dma_start3A_161] : memref<10240x128xf32, #tpu.memory_space<vmem_shared>> -> memref<128x128xf32, #tpu.memory_space<vmem_shared>>
      %dma_start3A_163 = arith.constant 0 : i32
      %dma_start3A_164 = tpu.memref_slice %arg10[%add3A_17, %dma_start3A_163] : memref<10240x128xf32, #tpu.memory_space<vmem_shared>> -> memref<128x128xf32, #tpu.memory_space<vmem_shared>>
      tpu.enqueue_dma source(%arg8 : memref<128x128xf32, #tpu.memory_space<vmem>>) target(%dma_start3A_164 : memref<128x128xf32, #tpu.memory_space<vmem_shared>>) target_semaphore(%run_scoped3A : memref<!tpu.dma_semaphore, #tpu.memory_space<semaphore_mem>>)
      %dma_wait3A_165 = arith.constant 0 : i32
      %dma_wait3A_166 = tpu.memref_slice %arg10[%add3A_17, %dma_wait3A_165] : memref<10240x128xf32, #tpu.memory_space<vmem_shared>> -> memref<128x128xf32, #tpu.memory_space<vmem_shared>>
      %dma_wait3A_167 = arith.constant 0 : i32
      %dma_wait3A_168 = tpu.memref_slice %arg10[%add3A_17, %dma_wait3A_167] : memref<10240x128xf32, #tpu.memory_space<vmem_shared>> -> memref<128x128xf32, #tpu.memory_space<vmem_shared>>
      tpu.wait_dma2 semaphore(%run_scoped3A : memref<!tpu.dma_semaphore, #tpu.memory_space<semaphore_mem>>) src(%arg8 : memref<128x128xf32, #tpu.memory_space<vmem>>) dst(%dma_wait3A_168 : memref<128x128xf32, #tpu.memory_space<vmem_shared>>)
      tpu.yield
    }) : () -> ()
    %add3A_18 = arith.constant 512 : i32
    %add3A_19 = arith.addi %mul3A_9, %add3A_18 : i32
    "tpu.region"() ({
      %run_scoped3A = tpu.sem_alloc : memref<!tpu.dma_semaphore, #tpu.memory_space<semaphore_mem>>
      %dma_start3A_161 = arith.constant 0 : i32
      %dma_start3A_162 = tpu.memref_slice %arg10[%add3A_19, %dma_start3A_161] : memref<10240x128xf32, #tpu.memory_space<vmem_shared>> -> memref<128x128xf32, #tpu.memory_space<vmem_shared>>
      %dma_start3A_163 = arith.constant 0 : i32
      %dma_start3A_164 = tpu.memref_slice %arg10[%add3A_19, %dma_start3A_163] : memref<10240x128xf32, #tpu.memory_space<vmem_shared>> -> memref<128x128xf32, #tpu.memory_space<vmem_shared>>
      tpu.enqueue_dma source(%arg8 : memref<128x128xf32, #tpu.memory_space<vmem>>) target(%dma_start3A_164 : memref<128x128xf32, #tpu.memory_space<vmem_shared>>) target_semaphore(%run_scoped3A : memref<!tpu.dma_semaphore, #tpu.memory_space<semaphore_mem>>)
      %dma_wait3A_165 = arith.constant 0 : i32
      %dma_wait3A_166 = tpu.memref_slice %arg10[%add3A_19, %dma_wait3A_165] : memref<10240x128xf32, #tpu.memory_space<vmem_shared>> -> memref<128x128xf32, #tpu.memory_space<vmem_shared>>
      %dma_wait3A_167 = arith.constant 0 : i32
      %dma_wait3A_168 = tpu.memref_slice %arg10[%add3A_19, %dma_wait3A_167] : memref<10240x128xf32, #tpu.memory_space<vmem_shared>> -> memref<128x128xf32, #tpu.memory_space<vmem_shared>>
      tpu.wait_dma2 semaphore(%run_scoped3A : memref<!tpu.dma_semaphore, #tpu.memory_space<semaphore_mem>>) src(%arg8 : memref<128x128xf32, #tpu.memory_space<vmem>>) dst(%dma_wait3A_168 : memref<128x128xf32, #tpu.memory_space<vmem_shared>>)
      tpu.yield
    }) : () -> ()
    %barrier3A = arith.constant 0 : index
    tpu.barrier barrier_id(%barrier3A)
    %add3A_20 = arith.constant 0 : i32
    %add3A_21 = arith.addi %mul3A_2, %add3A_20 : i32
    "tpu.region"() ({
      %run_scoped3A = tpu.sem_alloc : memref<!tpu.dma_semaphore, #tpu.memory_space<semaphore_mem>>
      %dma_start3A_161 = arith.constant 0 : i32
      %dma_start3A_162 = tpu.memref_slice %arg3[%add3A_21, %dma_start3A_161] : memref<2560x128xi32, #tpu.memory_space<hbm>> -> memref<40x128xi32, #tpu.memory_space<hbm>>
      %dma_start3A_163 = arith.constant 0 : i32
      %dma_start3A_164 = tpu.memref_slice %arg3[%add3A_21, %dma_start3A_163] : memref<2560x128xi32, #tpu.memory_space<hbm>> -> memref<40x128xi32, #tpu.memory_space<hbm>>
      tpu.enqueue_dma source(%dma_start3A_164 : memref<40x128xi32, #tpu.memory_space<hbm>>) target(%arg6 : memref<40x128xi32, #tpu.memory_space<vmem>>) target_semaphore(%run_scoped3A : memref<!tpu.dma_semaphore, #tpu.memory_space<semaphore_mem>>)
      %dma_wait3A_165 = arith.constant 0 : i32
      %dma_wait3A_166 = tpu.memref_slice %arg3[%add3A_21, %dma_wait3A_165] : memref<2560x128xi32, #tpu.memory_space<hbm>> -> memref<40x128xi32, #tpu.memory_space<hbm>>
      %dma_wait3A_167 = arith.constant 0 : i32
      %dma_wait3A_168 = tpu.memref_slice %arg3[%add3A_21, %dma_wait3A_167] : memref<2560x128xi32, #tpu.memory_space<hbm>> -> memref<40x128xi32, #tpu.memory_space<hbm>>
      tpu.wait_dma2 semaphore(%run_scoped3A : memref<!tpu.dma_semaphore, #tpu.memory_space<semaphore_mem>>) src(%dma_wait3A_168 : memref<40x128xi32, #tpu.memory_space<hbm>>) dst(%arg6 : memref<40x128xi32, #tpu.memory_space<vmem>>)
      tpu.yield
    }) : () -> ()
    %add3A_22 = arith.constant 0 : i32
    %add3A_23 = arith.addi %mul3A_2, %add3A_22 : i32
    "tpu.region"() ({
      %run_scoped3A = tpu.sem_alloc : memref<!tpu.dma_semaphore, #tpu.memory_space<semaphore_mem>>
      %dma_start3A_161 = arith.constant 0 : i32
      %dma_start3A_162 = tpu.memref_slice %arg4[%add3A_23, %dma_start3A_161] : memref<2560x128xi32, #tpu.memory_space<hbm>> -> memref<40x128xi32, #tpu.memory_space<hbm>>
      %dma_start3A_163 = arith.constant 0 : i32
      %dma_start3A_164 = tpu.memref_slice %arg4[%add3A_23, %dma_start3A_163] : memref<2560x128xi32, #tpu.memory_space<hbm>> -> memref<40x128xi32, #tpu.memory_space<hbm>>
      tpu.enqueue_dma source(%dma_start3A_164 : memref<40x128xi32, #tpu.memory_space<hbm>>) target(%arg7 : memref<40x128xi32, #tpu.memory_space<vmem>>) target_semaphore(%run_scoped3A : memref<!tpu.dma_semaphore, #tpu.memory_space<semaphore_mem>>)
      %dma_wait3A_165 = arith.constant 0 : i32
      %dma_wait3A_166 = tpu.memref_slice %arg4[%add3A_23, %dma_wait3A_165] : memref<2560x128xi32, #tpu.memory_space<hbm>> -> memref<40x128xi32, #tpu.memory_space<hbm>>
      %dma_wait3A_167 = arith.constant 0 : i32
      %dma_wait3A_168 = tpu.memref_slice %arg4[%add3A_23, %dma_wait3A_167] : memref<2560x128xi32, #tpu.memory_space<hbm>> -> memref<40x128xi32, #tpu.memory_space<hbm>>
      tpu.wait_dma2 semaphore(%run_scoped3A : memref<!tpu.dma_semaphore, #tpu.memory_space<semaphore_mem>>) src(%dma_wait3A_168 : memref<40x128xi32, #tpu.memory_space<hbm>>) dst(%arg7 : memref<40x128xi32, #tpu.memory_space<vmem>>)
      tpu.yield
    }) : () -> ()
    %dma_start3A = arith.constant 0 : i32
    %dma_start3A_24 = arith.constant 0 : i32
    %dma_start3A_25 = tpu.memref_slice %arg6[%dma_start3A, %dma_start3A_24] : memref<40x128xi32, #tpu.memory_space<vmem>> -> memref<1x128xi32, #tpu.memory_space<vmem>>
    %dma_start3A_26 = tpu.memref_squeeze %dma_start3A_25 : memref<1x128xi32, #tpu.memory_space<vmem>> -> memref<128xi32, #tpu.memory_space<vmem>>
    %dma_start3A_27 = arith.constant 0 : i32
    %dma_start3A_28 = arith.constant 0 : i32
    %dma_start3A_29 = tpu.memref_slice %arg2[%dma_start3A_27, %dma_start3A_28] : memref<10000x128xf32, #tpu.memory_space<hbm>> -> memref<10000x128xf32, #tpu.memory_space<hbm>>
    tpu.enqueue_indirect_dma source(%dma_start3A_29 : memref<10000x128xf32, #tpu.memory_space<hbm>>) target(%arg8 : memref<128x128xf32, #tpu.memory_space<vmem>>) offsets(%dma_start3A_26 : memref<128xi32, #tpu.memory_space<vmem>>) semaphore(%arg11 : memref<!tpu.dma_semaphore, #tpu.memory_space<semaphore_mem>>)
    %dma_wait3A = arith.constant 0 : i32
    %dma_wait3A_30 = arith.constant 0 : i32
    %dma_wait3A_31 = tpu.memref_slice %arg6[%dma_wait3A, %dma_wait3A_30] : memref<40x128xi32, #tpu.memory_space<vmem>> -> memref<1x128xi32, #tpu.memory_space<vmem>>
    %dma_wait3A_32 = tpu.memref_squeeze %dma_wait3A_31 : memref<1x128xi32, #tpu.memory_space<vmem>> -> memref<128xi32, #tpu.memory_space<vmem>>
    %dma_wait3A_33 = arith.constant 0 : i32
    %dma_wait3A_34 = arith.constant 0 : i32
    %dma_wait3A_35 = tpu.memref_slice %arg2[%dma_wait3A_33, %dma_wait3A_34] : memref<10000x128xf32, #tpu.memory_space<hbm>> -> memref<10000x128xf32, #tpu.memory_space<hbm>>
    tpu.wait_indirect_dma semaphore(%arg11 : memref<!tpu.dma_semaphore, #tpu.memory_space<semaphore_mem>>) src(%dma_wait3A_35 : memref<10000x128xf32, #tpu.memory_space<hbm>>) dst(%arg8 : memref<128x128xf32, #tpu.memory_space<vmem>>)
    %dma_start3A_36 = arith.constant 0 : i32
    %dma_start3A_37 = arith.constant 0 : i32
    %dma_start3A_38 = tpu.memref_slice %arg7[%dma_start3A_36, %dma_start3A_37] : memref<40x128xi32, #tpu.memory_space<vmem>> -> memref<1x128xi32, #tpu.memory_space<vmem>>
    %dma_start3A_39 = tpu.memref_squeeze %dma_start3A_38 : memref<1x128xi32, #tpu.memory_space<vmem>> -> memref<128xi32, #tpu.memory_space<vmem>>
    %dma_start3A_40 = arith.constant 0 : i32
    %dma_start3A_41 = arith.constant 0 : i32
    %dma_start3A_42 = tpu.memref_slice %arg10[%dma_start3A_40, %dma_start3A_41] : memref<10240x128xf32, #tpu.memory_space<vmem_shared>> -> memref<10240x128xf32, #tpu.memory_space<vmem_shared>>
    tpu.enqueue_indirect_dma source(%arg8 : memref<128x128xf32, #tpu.memory_space<vmem>>) target(%dma_start3A_42 : memref<10240x128xf32, #tpu.memory_space<vmem_shared>>) offsets(%dma_start3A_39 : memref<128xi32, #tpu.memory_space<vmem>>) semaphore(%arg13 : memref<!tpu.dma_semaphore, #tpu.memory_space<semaphore_mem>>) {add = true}
    %dma_start3A_43 = arith.constant 1 : i32
    %dma_start3A_44 = arith.constant 0 : i32
    %dma_start3A_45 = tpu.memref_slice %arg6[%dma_start3A_43, %dma_start3A_44] : memref<40x128xi32, #tpu.memory_space<vmem>> -> memref<1x128xi32, #tpu.memory_space<vmem>>
    %dma_start3A_46 = tpu.memref_squeeze %dma_start3A_45 : memref<1x128xi32, #tpu.memory_space<vmem>> -> memref<128xi32, #tpu.memory_space<vmem>>
    %dma_start3A_47 = arith.constant 0 : i32
    %dma_start3A_48 = arith.constant 0 : i32
    %dma_start3A_49 = tpu.memref_slice %arg2[%dma_start3A_47, %dma_start3A_48] : memref<10000x128xf32, #tpu.memory_space<hbm>> -> memref<10000x128xf32, #tpu.memory_space<hbm>>
    tpu.enqueue_indirect_dma source(%dma_start3A_49 : memref<10000x128xf32, #tpu.memory_space<hbm>>) target(%arg9 : memref<128x128xf32, #tpu.memory_space<vmem>>) offsets(%dma_start3A_46 : memref<128xi32, #tpu.memory_space<vmem>>) semaphore(%arg12 : memref<!tpu.dma_semaphore, #tpu.memory_space<semaphore_mem>>)
    %scan3A_50 = arith.constant 0 : i32
    %scan3A_51 = arith.constant 0 : i32
    %scan3A_52 = arith.constant 19 : i32
    %scan3A_53 = arith.addi %scan3A_51, %scan3A_52 : i32
    %scan3A_54 = arith.constant 1 : i32
    scf.for %scan3A_161 = %scan3A_51 to %scan3A_53 step %scan3A_54  : i32 {
      %mul3A_162 = arith.constant 2 : i32
      %mul3A_163 = arith.muli %mul3A_162, %scan3A_161 : i32
      %add3A_164 = arith.constant 1 : i32
      %add3A_165 = arith.addi %mul3A_163, %add3A_164 : i32
      %dma_wait3A_166 = arith.constant 0 : i32
      %dma_wait3A_167 = tpu.memref_slice %arg6[%add3A_165, %dma_wait3A_166] : memref<40x128xi32, #tpu.memory_space<vmem>> -> memref<1x128xi32, #tpu.memory_space<vmem>>
      %dma_wait3A_168 = tpu.memref_squeeze %dma_wait3A_167 : memref<1x128xi32, #tpu.memory_space<vmem>> -> memref<128xi32, #tpu.memory_space<vmem>>
      %dma_wait3A_169 = arith.constant 0 : i32
      %dma_wait3A_170 = arith.constant 0 : i32
      %dma_wait3A_171 = tpu.memref_slice %arg2[%dma_wait3A_169, %dma_wait3A_170] : memref<10000x128xf32, #tpu.memory_space<hbm>> -> memref<10000x128xf32, #tpu.memory_space<hbm>>
      tpu.wait_indirect_dma semaphore(%arg12 : memref<!tpu.dma_semaphore, #tpu.memory_space<semaphore_mem>>) src(%dma_wait3A_171 : memref<10000x128xf32, #tpu.memory_space<hbm>>) dst(%arg9 : memref<128x128xf32, #tpu.memory_space<vmem>>)
      %sub3A = arith.constant 1 : i32
      %sub3A_172 = arith.subi %add3A_165, %sub3A : i32
      %dma_wait3A_173 = arith.constant 0 : i32
      %dma_wait3A_174 = tpu.memref_slice %arg7[%sub3A_172, %dma_wait3A_173] : memref<40x128xi32, #tpu.memory_space<vmem>> -> memref<1x128xi32, #tpu.memory_space<vmem>>
      %dma_wait3A_175 = tpu.memref_squeeze %dma_wait3A_174 : memref<1x128xi32, #tpu.memory_space<vmem>> -> memref<128xi32, #tpu.memory_space<vmem>>
      %dma_wait3A_176 = arith.constant 0 : i32
      %dma_wait3A_177 = arith.constant 0 : i32
      %dma_wait3A_178 = tpu.memref_slice %arg10[%dma_wait3A_176, %dma_wait3A_177] : memref<10240x128xf32, #tpu.memory_space<vmem_shared>> -> memref<10240x128xf32, #tpu.memory_space<vmem_shared>>
      tpu.wait_indirect_dma semaphore(%arg13 : memref<!tpu.dma_semaphore, #tpu.memory_space<semaphore_mem>>) src(%arg8 : memref<128x128xf32, #tpu.memory_space<vmem>>) dst(%dma_wait3A_178 : memref<10240x128xf32, #tpu.memory_space<vmem_shared>>)
      %dma_start3A_179 = arith.constant 0 : i32
      %dma_start3A_180 = tpu.memref_slice %arg7[%add3A_165, %dma_start3A_179] : memref<40x128xi32, #tpu.memory_space<vmem>> -> memref<1x128xi32, #tpu.memory_space<vmem>>
      %dma_start3A_181 = tpu.memref_squeeze %dma_start3A_180 : memref<1x128xi32, #tpu.memory_space<vmem>> -> memref<128xi32, #tpu.memory_space<vmem>>
      %dma_start3A_182 = arith.constant 0 : i32
      %dma_start3A_183 = arith.constant 0 : i32
      %dma_start3A_184 = tpu.memref_slice %arg10[%dma_start3A_182, %dma_start3A_183] : memref<10240x128xf32, #tpu.memory_space<vmem_shared>> -> memref<10240x128xf32, #tpu.memory_space<vmem_shared>>
      tpu.enqueue_indirect_dma source(%arg9 : memref<128x128xf32, #tpu.memory_space<vmem>>) target(%dma_start3A_184 : memref<10240x128xf32, #tpu.memory_space<vmem_shared>>) offsets(%dma_start3A_181 : memref<128xi32, #tpu.memory_space<vmem>>) semaphore(%arg14 : memref<!tpu.dma_semaphore, #tpu.memory_space<semaphore_mem>>) {add = true}
      %add3A_185 = arith.constant 1 : i32
      %add3A_186 = arith.addi %add3A_165, %add3A_185 : i32
      %dma_start3A_187 = arith.constant 0 : i32
      %dma_start3A_188 = tpu.memref_slice %arg6[%add3A_186, %dma_start3A_187] : memref<40x128xi32, #tpu.memory_space<vmem>> -> memref<1x128xi32, #tpu.memory_space<vmem>>
      %dma_start3A_189 = tpu.memref_squeeze %dma_start3A_188 : memref<1x128xi32, #tpu.memory_space<vmem>> -> memref<128xi32, #tpu.memory_space<vmem>>
      %dma_start3A_190 = arith.constant 0 : i32
      %dma_start3A_191 = arith.constant 0 : i32
      %dma_start3A_192 = tpu.memref_slice %arg2[%dma_start3A_190, %dma_start3A_191] : memref<10000x128xf32, #tpu.memory_space<hbm>> -> memref<10000x128xf32, #tpu.memory_space<hbm>>
      tpu.enqueue_indirect_dma source(%dma_start3A_192 : memref<10000x128xf32, #tpu.memory_space<hbm>>) target(%arg8 : memref<128x128xf32, #tpu.memory_space<vmem>>) offsets(%dma_start3A_189 : memref<128xi32, #tpu.memory_space<vmem>>) semaphore(%arg11 : memref<!tpu.dma_semaphore, #tpu.memory_space<semaphore_mem>>)
      %mul3A_193 = arith.constant 2 : i32
      %mul3A_194 = arith.muli %mul3A_193, %scan3A_161 : i32
      %add3A_195 = arith.constant 2 : i32
      %add3A_196 = arith.addi %mul3A_194, %add3A_195 : i32
      %dma_wait3A_197 = arith.constant 0 : i32
      %dma_wait3A_198 = tpu.memref_slice %arg6[%add3A_196, %dma_wait3A_197] : memref<40x128xi32, #tpu.memory_space<vmem>> -> memref<1x128xi32, #tpu.memory_space<vmem>>
      %dma_wait3A_199 = tpu.memref_squeeze %dma_wait3A_198 : memref<1x128xi32, #tpu.memory_space<vmem>> -> memref<128xi32, #tpu.memory_space<vmem>>
      %dma_wait3A_200 = arith.constant 0 : i32
      %dma_wait3A_201 = arith.constant 0 : i32
      %dma_wait3A_202 = tpu.memref_slice %arg2[%dma_wait3A_200, %dma_wait3A_201] : memref<10000x128xf32, #tpu.memory_space<hbm>> -> memref<10000x128xf32, #tpu.memory_space<hbm>>
      tpu.wait_indirect_dma semaphore(%arg11 : memref<!tpu.dma_semaphore, #tpu.memory_space<semaphore_mem>>) src(%dma_wait3A_202 : memref<10000x128xf32, #tpu.memory_space<hbm>>) dst(%arg8 : memref<128x128xf32, #tpu.memory_space<vmem>>)
      %sub3A_203 = arith.constant 1 : i32
      %sub3A_204 = arith.subi %add3A_196, %sub3A_203 : i32
      %dma_wait3A_205 = arith.constant 0 : i32
      %dma_wait3A_206 = tpu.memref_slice %arg7[%sub3A_204, %dma_wait3A_205] : memref<40x128xi32, #tpu.memory_space<vmem>> -> memref<1x128xi32, #tpu.memory_space<vmem>>
      %dma_wait3A_207 = tpu.memref_squeeze %dma_wait3A_206 : memref<1x128xi32, #tpu.memory_space<vmem>> -> memref<128xi32, #tpu.memory_space<vmem>>
      %dma_wait3A_208 = arith.constant 0 : i32
      %dma_wait3A_209 = arith.constant 0 : i32
      %dma_wait3A_210 = tpu.memref_slice %arg10[%dma_wait3A_208, %dma_wait3A_209] : memref<10240x128xf32, #tpu.memory_space<vmem_shared>> -> memref<10240x128xf32, #tpu.memory_space<vmem_shared>>
      tpu.wait_indirect_dma semaphore(%arg14 : memref<!tpu.dma_semaphore, #tpu.memory_space<semaphore_mem>>) src(%arg9 : memref<128x128xf32, #tpu.memory_space<vmem>>) dst(%dma_wait3A_210 : memref<10240x128xf32, #tpu.memory_space<vmem_shared>>)
      %dma_start3A_211 = arith.constant 0 : i32
      %dma_start3A_212 = tpu.memref_slice %arg7[%add3A_196, %dma_start3A_211] : memref<40x128xi32, #tpu.memory_space<vmem>> -> memref<1x128xi32, #tpu.memory_space<vmem>>
      %dma_start3A_213 = tpu.memref_squeeze %dma_start3A_212 : memref<1x128xi32, #tpu.memory_space<vmem>> -> memref<128xi32, #tpu.memory_space<vmem>>
      %dma_start3A_214 = arith.constant 0 : i32
      %dma_start3A_215 = arith.constant 0 : i32
      %dma_start3A_216 = tpu.memref_slice %arg10[%dma_start3A_214, %dma_start3A_215] : memref<10240x128xf32, #tpu.memory_space<vmem_shared>> -> memref<10240x128xf32, #tpu.memory_space<vmem_shared>>
      tpu.enqueue_indirect_dma source(%arg8 : memref<128x128xf32, #tpu.memory_space<vmem>>) target(%dma_start3A_216 : memref<10240x128xf32, #tpu.memory_space<vmem_shared>>) offsets(%dma_start3A_213 : memref<128xi32, #tpu.memory_space<vmem>>) semaphore(%arg13 : memref<!tpu.dma_semaphore, #tpu.memory_space<semaphore_mem>>) {add = true}
      %add3A_217 = arith.constant 1 : i32
      %add3A_218 = arith.addi %add3A_196, %add3A_217 : i32
      %dma_start3A_219 = arith.constant 0 : i32
      %dma_start3A_220 = tpu.memref_slice %arg6[%add3A_218, %dma_start3A_219] : memref<40x128xi32, #tpu.memory_space<vmem>> -> memref<1x128xi32, #tpu.memory_space<vmem>>
      %dma_start3A_221 = tpu.memref_squeeze %dma_start3A_220 : memref<1x128xi32, #tpu.memory_space<vmem>> -> memref<128xi32, #tpu.memory_space<vmem>>
      %dma_start3A_222 = arith.constant 0 : i32
      %dma_start3A_223 = arith.constant 0 : i32
      %dma_start3A_224 = tpu.memref_slice %arg2[%dma_start3A_222, %dma_start3A_223] : memref<10000x128xf32, #tpu.memory_space<hbm>> -> memref<10000x128xf32, #tpu.memory_space<hbm>>
      tpu.enqueue_indirect_dma source(%dma_start3A_224 : memref<10000x128xf32, #tpu.memory_space<hbm>>) target(%arg9 : memref<128x128xf32, #tpu.memory_space<vmem>>) offsets(%dma_start3A_221 : memref<128xi32, #tpu.memory_space<vmem>>) semaphore(%arg12 : memref<!tpu.dma_semaphore, #tpu.memory_space<semaphore_mem>>)
    }
    %scan3A_55 = arith.constant 19 : i32
    %dma_wait3A_56 = arith.constant 39 : i32
    %dma_wait3A_57 = arith.constant 0 : i32
    %dma_wait3A_58 = tpu.memref_slice %arg6[%dma_wait3A_56, %dma_wait3A_57] : memref<40x128xi32, #tpu.memory_space<vmem>> -> memref<1x128xi32, #tpu.memory_space<vmem>>
    %dma_wait3A_59 = tpu.memref_squeeze %dma_wait3A_58 : memref<1x128xi32, #tpu.memory_space<vmem>> -> memref<128xi32, #tpu.memory_space<vmem>>
    %dma_wait3A_60 = arith.constant 0 : i32
    %dma_wait3A_61 = arith.constant 0 : i32
    %dma_wait3A_62 = tpu.memref_slice %arg2[%dma_wait3A_60, %dma_wait3A_61] : memref<10000x128xf32, #tpu.memory_space<hbm>> -> memref<10000x128xf32, #tpu.memory_space<hbm>>
    tpu.wait_indirect_dma semaphore(%arg12 : memref<!tpu.dma_semaphore, #tpu.memory_space<semaphore_mem>>) src(%dma_wait3A_62 : memref<10000x128xf32, #tpu.memory_space<hbm>>) dst(%arg9 : memref<128x128xf32, #tpu.memory_space<vmem>>)
    %dma_wait3A_63 = arith.constant 38 : i32
    %dma_wait3A_64 = arith.constant 0 : i32
    %dma_wait3A_65 = tpu.memref_slice %arg7[%dma_wait3A_63, %dma_wait3A_64] : memref<40x128xi32, #tpu.memory_space<vmem>> -> memref<1x128xi32, #tpu.memory_space<vmem>>
    %dma_wait3A_66 = tpu.memref_squeeze %dma_wait3A_65 : memref<1x128xi32, #tpu.memory_space<vmem>> -> memref<128xi32, #tpu.memory_space<vmem>>
    %dma_wait3A_67 = arith.constant 0 : i32
    %dma_wait3A_68 = arith.constant 0 : i32
    %dma_wait3A_69 = tpu.memref_slice %arg10[%dma_wait3A_67, %dma_wait3A_68] : memref<10240x128xf32, #tpu.memory_space<vmem_shared>> -> memref<10240x128xf32, #tpu.memory_space<vmem_shared>>
    tpu.wait_indirect_dma semaphore(%arg13 : memref<!tpu.dma_semaphore, #tpu.memory_space<semaphore_mem>>) src(%arg8 : memref<128x128xf32, #tpu.memory_space<vmem>>) dst(%dma_wait3A_69 : memref<10240x128xf32, #tpu.memory_space<vmem_shared>>)
    %dma_start3A_70 = arith.constant 39 : i32
    %dma_start3A_71 = arith.constant 0 : i32
    %dma_start3A_72 = tpu.memref_slice %arg7[%dma_start3A_70, %dma_start3A_71] : memref<40x128xi32, #tpu.memory_space<vmem>> -> memref<1x128xi32, #tpu.memory_space<vmem>>
    %dma_start3A_73 = tpu.memref_squeeze %dma_start3A_72 : memref<1x128xi32, #tpu.memory_space<vmem>> -> memref<128xi32, #tpu.memory_space<vmem>>
    %dma_start3A_74 = arith.constant 0 : i32
    %dma_start3A_75 = arith.constant 0 : i32
    %dma_start3A_76 = tpu.memref_slice %arg10[%dma_start3A_74, %dma_start3A_75] : memref<10240x128xf32, #tpu.memory_space<vmem_shared>> -> memref<10240x128xf32, #tpu.memory_space<vmem_shared>>
    tpu.enqueue_indirect_dma source(%arg9 : memref<128x128xf32, #tpu.memory_space<vmem>>) target(%dma_start3A_76 : memref<10240x128xf32, #tpu.memory_space<vmem_shared>>) offsets(%dma_start3A_73 : memref<128xi32, #tpu.memory_space<vmem>>) semaphore(%arg14 : memref<!tpu.dma_semaphore, #tpu.memory_space<semaphore_mem>>) {add = true}
    %dma_wait3A_77 = arith.constant 39 : i32
    %dma_wait3A_78 = arith.constant 0 : i32
    %dma_wait3A_79 = tpu.memref_slice %arg7[%dma_wait3A_77, %dma_wait3A_78] : memref<40x128xi32, #tpu.memory_space<vmem>> -> memref<1x128xi32, #tpu.memory_space<vmem>>
    %dma_wait3A_80 = tpu.memref_squeeze %dma_wait3A_79 : memref<1x128xi32, #tpu.memory_space<vmem>> -> memref<128xi32, #tpu.memory_space<vmem>>
    %dma_wait3A_81 = arith.constant 0 : i32
    %dma_wait3A_82 = arith.constant 0 : i32
    %dma_wait3A_83 = tpu.memref_slice %arg10[%dma_wait3A_81, %dma_wait3A_82] : memref<10240x128xf32, #tpu.memory_space<vmem_shared>> -> memref<10240x128xf32, #tpu.memory_space<vmem_shared>>
    tpu.wait_indirect_dma semaphore(%arg14 : memref<!tpu.dma_semaphore, #tpu.memory_space<semaphore_mem>>) src(%arg9 : memref<128x128xf32, #tpu.memory_space<vmem>>) dst(%dma_wait3A_83 : memref<10240x128xf32, #tpu.memory_space<vmem_shared>>)
    %add3A_84 = arith.constant 40 : i32
    %add3A_85 = arith.addi %mul3A_2, %add3A_84 : i32
    "tpu.region"() ({
      %run_scoped3A = tpu.sem_alloc : memref<!tpu.dma_semaphore, #tpu.memory_space<semaphore_mem>>
      %dma_start3A_161 = arith.constant 0 : i32
      %dma_start3A_162 = tpu.memref_slice %arg3[%add3A_85, %dma_start3A_161] : memref<2560x128xi32, #tpu.memory_space<hbm>> -> memref<40x128xi32, #tpu.memory_space<hbm>>
      %dma_start3A_163 = arith.constant 0 : i32
      %dma_start3A_164 = tpu.memref_slice %arg3[%add3A_85, %dma_start3A_163] : memref<2560x128xi32, #tpu.memory_space<hbm>> -> memref<40x128xi32, #tpu.memory_space<hbm>>
      tpu.enqueue_dma source(%dma_start3A_164 : memref<40x128xi32, #tpu.memory_space<hbm>>) target(%arg6 : memref<40x128xi32, #tpu.memory_space<vmem>>) target_semaphore(%run_scoped3A : memref<!tpu.dma_semaphore, #tpu.memory_space<semaphore_mem>>)
      %dma_wait3A_165 = arith.constant 0 : i32
      %dma_wait3A_166 = tpu.memref_slice %arg3[%add3A_85, %dma_wait3A_165] : memref<2560x128xi32, #tpu.memory_space<hbm>> -> memref<40x128xi32, #tpu.memory_space<hbm>>
      %dma_wait3A_167 = arith.constant 0 : i32
      %dma_wait3A_168 = tpu.memref_slice %arg3[%add3A_85, %dma_wait3A_167] : memref<2560x128xi32, #tpu.memory_space<hbm>> -> memref<40x128xi32, #tpu.memory_space<hbm>>
      tpu.wait_dma2 semaphore(%run_scoped3A : memref<!tpu.dma_semaphore, #tpu.memory_space<semaphore_mem>>) src(%dma_wait3A_168 : memref<40x128xi32, #tpu.memory_space<hbm>>) dst(%arg6 : memref<40x128xi32, #tpu.memory_space<vmem>>)
      tpu.yield
    }) : () -> ()
    %add3A_86 = arith.constant 40 : i32
    %add3A_87 = arith.addi %mul3A_2, %add3A_86 : i32
    "tpu.region"() ({
      %run_scoped3A = tpu.sem_alloc : memref<!tpu.dma_semaphore, #tpu.memory_space<semaphore_mem>>
      %dma_start3A_161 = arith.constant 0 : i32
      %dma_start3A_162 = tpu.memref_slice %arg4[%add3A_87, %dma_start3A_161] : memref<2560x128xi32, #tpu.memory_space<hbm>> -> memref<40x128xi32, #tpu.memory_space<hbm>>
      %dma_start3A_163 = arith.constant 0 : i32
      %dma_start3A_164 = tpu.memref_slice %arg4[%add3A_87, %dma_start3A_163] : memref<2560x128xi32, #tpu.memory_space<hbm>> -> memref<40x128xi32, #tpu.memory_space<hbm>>
      tpu.enqueue_dma source(%dma_start3A_164 : memref<40x128xi32, #tpu.memory_space<hbm>>) target(%arg7 : memref<40x128xi32, #tpu.memory_space<vmem>>) target_semaphore(%run_scoped3A : memref<!tpu.dma_semaphore, #tpu.memory_space<semaphore_mem>>)
      %dma_wait3A_165 = arith.constant 0 : i32
      %dma_wait3A_166 = tpu.memref_slice %arg4[%add3A_87, %dma_wait3A_165] : memref<2560x128xi32, #tpu.memory_space<hbm>> -> memref<40x128xi32, #tpu.memory_space<hbm>>
      %dma_wait3A_167 = arith.constant 0 : i32
      %dma_wait3A_168 = tpu.memref_slice %arg4[%add3A_87, %dma_wait3A_167] : memref<2560x128xi32, #tpu.memory_space<hbm>> -> memref<40x128xi32, #tpu.memory_space<hbm>>
      tpu.wait_dma2 semaphore(%run_scoped3A : memref<!tpu.dma_semaphore, #tpu.memory_space<semaphore_mem>>) src(%dma_wait3A_168 : memref<40x128xi32, #tpu.memory_space<hbm>>) dst(%arg7 : memref<40x128xi32, #tpu.memory_space<vmem>>)
      tpu.yield
    }) : () -> ()
    %dma_start3A_88 = arith.constant 0 : i32
    %dma_start3A_89 = arith.constant 0 : i32
    %dma_start3A_90 = tpu.memref_slice %arg6[%dma_start3A_88, %dma_start3A_89] : memref<40x128xi32, #tpu.memory_space<vmem>> -> memref<1x128xi32, #tpu.memory_space<vmem>>
    %dma_start3A_91 = tpu.memref_squeeze %dma_start3A_90 : memref<1x128xi32, #tpu.memory_space<vmem>> -> memref<128xi32, #tpu.memory_space<vmem>>
    %dma_start3A_92 = arith.constant 0 : i32
    %dma_start3A_93 = arith.constant 0 : i32
    %dma_start3A_94 = tpu.memref_slice %arg2[%dma_start3A_92, %dma_start3A_93] : memref<10000x128xf32, #tpu.memory_space<hbm>> -> memref<10000x128xf32, #tpu.memory_space<hbm>>
    tpu.enqueue_indirect_dma source(%dma_start3A_94 : memref<10000x128xf32, #tpu.memory_space<hbm>>) target(%arg8 : memref<128x128xf32, #tpu.memory_space<vmem>>) offsets(%dma_start3A_91 : memref<128xi32, #tpu.memory_space<vmem>>) semaphore(%arg11 : memref<!tpu.dma_semaphore, #tpu.memory_space<semaphore_mem>>)
    %dma_wait3A_95 = arith.constant 0 : i32
    %dma_wait3A_96 = arith.constant 0 : i32
    %dma_wait3A_97 = tpu.memref_slice %arg6[%dma_wait3A_95, %dma_wait3A_96] : memref<40x128xi32, #tpu.memory_space<vmem>> -> memref<1x128xi32, #tpu.memory_space<vmem>>
    %dma_wait3A_98 = tpu.memref_squeeze %dma_wait3A_97 : memref<1x128xi32, #tpu.memory_space<vmem>> -> memref<128xi32, #tpu.memory_space<vmem>>
    %dma_wait3A_99 = arith.constant 0 : i32
    %dma_wait3A_100 = arith.constant 0 : i32
    %dma_wait3A_101 = tpu.memref_slice %arg2[%dma_wait3A_99, %dma_wait3A_100] : memref<10000x128xf32, #tpu.memory_space<hbm>> -> memref<10000x128xf32, #tpu.memory_space<hbm>>
    tpu.wait_indirect_dma semaphore(%arg11 : memref<!tpu.dma_semaphore, #tpu.memory_space<semaphore_mem>>) src(%dma_wait3A_101 : memref<10000x128xf32, #tpu.memory_space<hbm>>) dst(%arg8 : memref<128x128xf32, #tpu.memory_space<vmem>>)
    %dma_start3A_102 = arith.constant 0 : i32
    %dma_start3A_103 = arith.constant 0 : i32
    %dma_start3A_104 = tpu.memref_slice %arg7[%dma_start3A_102, %dma_start3A_103] : memref<40x128xi32, #tpu.memory_space<vmem>> -> memref<1x128xi32, #tpu.memory_space<vmem>>
    %dma_start3A_105 = tpu.memref_squeeze %dma_start3A_104 : memref<1x128xi32, #tpu.memory_space<vmem>> -> memref<128xi32, #tpu.memory_space<vmem>>
    %dma_start3A_106 = arith.constant 0 : i32
    %dma_start3A_107 = arith.constant 0 : i32
    %dma_start3A_108 = tpu.memref_slice %arg10[%dma_start3A_106, %dma_start3A_107] : memref<10240x128xf32, #tpu.memory_space<vmem_shared>> -> memref<10240x128xf32, #tpu.memory_space<vmem_shared>>
    tpu.enqueue_indirect_dma source(%arg8 : memref<128x128xf32, #tpu.memory_space<vmem>>) target(%dma_start3A_108 : memref<10240x128xf32, #tpu.memory_space<vmem_shared>>) offsets(%dma_start3A_105 : memref<128xi32, #tpu.memory_space<vmem>>) semaphore(%arg13 : memref<!tpu.dma_semaphore, #tpu.memory_space<semaphore_mem>>) {add = true}
    %dma_start3A_109 = arith.constant 1 : i32
    %dma_start3A_110 = arith.constant 0 : i32
    %dma_start3A_111 = tpu.memref_slice %arg6[%dma_start3A_109, %dma_start3A_110] : memref<40x128xi32, #tpu.memory_space<vmem>> -> memref<1x128xi32, #tpu.memory_space<vmem>>
    %dma_start3A_112 = tpu.memref_squeeze %dma_start3A_111 : memref<1x128xi32, #tpu.memory_space<vmem>> -> memref<128xi32, #tpu.memory_space<vmem>>
    %dma_start3A_113 = arith.constant 0 : i32
    %dma_start3A_114 = arith.constant 0 : i32
    %dma_start3A_115 = tpu.memref_slice %arg2[%dma_start3A_113, %dma_start3A_114] : memref<10000x128xf32, #tpu.memory_space<hbm>> -> memref<10000x128xf32, #tpu.memory_space<hbm>>
    tpu.enqueue_indirect_dma source(%dma_start3A_115 : memref<10000x128xf32, #tpu.memory_space<hbm>>) target(%arg9 : memref<128x128xf32, #tpu.memory_space<vmem>>) offsets(%dma_start3A_112 : memref<128xi32, #tpu.memory_space<vmem>>) semaphore(%arg12 : memref<!tpu.dma_semaphore, #tpu.memory_space<semaphore_mem>>)
    %scan3A_116 = arith.constant 0 : i32
    %scan3A_117 = arith.constant 0 : i32
    %scan3A_118 = arith.constant 19 : i32
    %scan3A_119 = arith.addi %scan3A_117, %scan3A_118 : i32
    %scan3A_120 = arith.constant 1 : i32
    scf.for %scan3A_161 = %scan3A_117 to %scan3A_119 step %scan3A_120  : i32 {
      %mul3A_162 = arith.constant 2 : i32
      %mul3A_163 = arith.muli %mul3A_162, %scan3A_161 : i32
      %add3A_164 = arith.constant 1 : i32
      %add3A_165 = arith.addi %mul3A_163, %add3A_164 : i32
      %dma_wait3A_166 = arith.constant 0 : i32
      %dma_wait3A_167 = tpu.memref_slice %arg6[%add3A_165, %dma_wait3A_166] : memref<40x128xi32, #tpu.memory_space<vmem>> -> memref<1x128xi32, #tpu.memory_space<vmem>>
      %dma_wait3A_168 = tpu.memref_squeeze %dma_wait3A_167 : memref<1x128xi32, #tpu.memory_space<vmem>> -> memref<128xi32, #tpu.memory_space<vmem>>
      %dma_wait3A_169 = arith.constant 0 : i32
      %dma_wait3A_170 = arith.constant 0 : i32
      %dma_wait3A_171 = tpu.memref_slice %arg2[%dma_wait3A_169, %dma_wait3A_170] : memref<10000x128xf32, #tpu.memory_space<hbm>> -> memref<10000x128xf32, #tpu.memory_space<hbm>>
      tpu.wait_indirect_dma semaphore(%arg12 : memref<!tpu.dma_semaphore, #tpu.memory_space<semaphore_mem>>) src(%dma_wait3A_171 : memref<10000x128xf32, #tpu.memory_space<hbm>>) dst(%arg9 : memref<128x128xf32, #tpu.memory_space<vmem>>)
      %sub3A = arith.constant 1 : i32
      %sub3A_172 = arith.subi %add3A_165, %sub3A : i32
      %dma_wait3A_173 = arith.constant 0 : i32
      %dma_wait3A_174 = tpu.memref_slice %arg7[%sub3A_172, %dma_wait3A_173] : memref<40x128xi32, #tpu.memory_space<vmem>> -> memref<1x128xi32, #tpu.memory_space<vmem>>
      %dma_wait3A_175 = tpu.memref_squeeze %dma_wait3A_174 : memref<1x128xi32, #tpu.memory_space<vmem>> -> memref<128xi32, #tpu.memory_space<vmem>>
      %dma_wait3A_176 = arith.constant 0 : i32
      %dma_wait3A_177 = arith.constant 0 : i32
      %dma_wait3A_178 = tpu.memref_slice %arg10[%dma_wait3A_176, %dma_wait3A_177] : memref<10240x128xf32, #tpu.memory_space<vmem_shared>> -> memref<10240x128xf32, #tpu.memory_space<vmem_shared>>
      tpu.wait_indirect_dma semaphore(%arg13 : memref<!tpu.dma_semaphore, #tpu.memory_space<semaphore_mem>>) src(%arg8 : memref<128x128xf32, #tpu.memory_space<vmem>>) dst(%dma_wait3A_178 : memref<10240x128xf32, #tpu.memory_space<vmem_shared>>)
      %dma_start3A_179 = arith.constant 0 : i32
      %dma_start3A_180 = tpu.memref_slice %arg7[%add3A_165, %dma_start3A_179] : memref<40x128xi32, #tpu.memory_space<vmem>> -> memref<1x128xi32, #tpu.memory_space<vmem>>
      %dma_start3A_181 = tpu.memref_squeeze %dma_start3A_180 : memref<1x128xi32, #tpu.memory_space<vmem>> -> memref<128xi32, #tpu.memory_space<vmem>>
      %dma_start3A_182 = arith.constant 0 : i32
      %dma_start3A_183 = arith.constant 0 : i32
      %dma_start3A_184 = tpu.memref_slice %arg10[%dma_start3A_182, %dma_start3A_183] : memref<10240x128xf32, #tpu.memory_space<vmem_shared>> -> memref<10240x128xf32, #tpu.memory_space<vmem_shared>>
      tpu.enqueue_indirect_dma source(%arg9 : memref<128x128xf32, #tpu.memory_space<vmem>>) target(%dma_start3A_184 : memref<10240x128xf32, #tpu.memory_space<vmem_shared>>) offsets(%dma_start3A_181 : memref<128xi32, #tpu.memory_space<vmem>>) semaphore(%arg14 : memref<!tpu.dma_semaphore, #tpu.memory_space<semaphore_mem>>) {add = true}
      %add3A_185 = arith.constant 1 : i32
      %add3A_186 = arith.addi %add3A_165, %add3A_185 : i32
      %dma_start3A_187 = arith.constant 0 : i32
      %dma_start3A_188 = tpu.memref_slice %arg6[%add3A_186, %dma_start3A_187] : memref<40x128xi32, #tpu.memory_space<vmem>> -> memref<1x128xi32, #tpu.memory_space<vmem>>
      %dma_start3A_189 = tpu.memref_squeeze %dma_start3A_188 : memref<1x128xi32, #tpu.memory_space<vmem>> -> memref<128xi32, #tpu.memory_space<vmem>>
      %dma_start3A_190 = arith.constant 0 : i32
      %dma_start3A_191 = arith.constant 0 : i32
      %dma_start3A_192 = tpu.memref_slice %arg2[%dma_start3A_190, %dma_start3A_191] : memref<10000x128xf32, #tpu.memory_space<hbm>> -> memref<10000x128xf32, #tpu.memory_space<hbm>>
      tpu.enqueue_indirect_dma source(%dma_start3A_192 : memref<10000x128xf32, #tpu.memory_space<hbm>>) target(%arg8 : memref<128x128xf32, #tpu.memory_space<vmem>>) offsets(%dma_start3A_189 : memref<128xi32, #tpu.memory_space<vmem>>) semaphore(%arg11 : memref<!tpu.dma_semaphore, #tpu.memory_space<semaphore_mem>>)
      %mul3A_193 = arith.constant 2 : i32
      %mul3A_194 = arith.muli %mul3A_193, %scan3A_161 : i32
      %add3A_195 = arith.constant 2 : i32
      %add3A_196 = arith.addi %mul3A_194, %add3A_195 : i32
      %dma_wait3A_197 = arith.constant 0 : i32
      %dma_wait3A_198 = tpu.memref_slice %arg6[%add3A_196, %dma_wait3A_197] : memref<40x128xi32, #tpu.memory_space<vmem>> -> memref<1x128xi32, #tpu.memory_space<vmem>>
      %dma_wait3A_199 = tpu.memref_squeeze %dma_wait3A_198 : memref<1x128xi32, #tpu.memory_space<vmem>> -> memref<128xi32, #tpu.memory_space<vmem>>
      %dma_wait3A_200 = arith.constant 0 : i32
      %dma_wait3A_201 = arith.constant 0 : i32
      %dma_wait3A_202 = tpu.memref_slice %arg2[%dma_wait3A_200, %dma_wait3A_201] : memref<10000x128xf32, #tpu.memory_space<hbm>> -> memref<10000x128xf32, #tpu.memory_space<hbm>>
      tpu.wait_indirect_dma semaphore(%arg11 : memref<!tpu.dma_semaphore, #tpu.memory_space<semaphore_mem>>) src(%dma_wait3A_202 : memref<10000x128xf32, #tpu.memory_space<hbm>>) dst(%arg8 : memref<128x128xf32, #tpu.memory_space<vmem>>)
      %sub3A_203 = arith.constant 1 : i32
      %sub3A_204 = arith.subi %add3A_196, %sub3A_203 : i32
      %dma_wait3A_205 = arith.constant 0 : i32
      %dma_wait3A_206 = tpu.memref_slice %arg7[%sub3A_204, %dma_wait3A_205] : memref<40x128xi32, #tpu.memory_space<vmem>> -> memref<1x128xi32, #tpu.memory_space<vmem>>
      %dma_wait3A_207 = tpu.memref_squeeze %dma_wait3A_206 : memref<1x128xi32, #tpu.memory_space<vmem>> -> memref<128xi32, #tpu.memory_space<vmem>>
      %dma_wait3A_208 = arith.constant 0 : i32
      %dma_wait3A_209 = arith.constant 0 : i32
      %dma_wait3A_210 = tpu.memref_slice %arg10[%dma_wait3A_208, %dma_wait3A_209] : memref<10240x128xf32, #tpu.memory_space<vmem_shared>> -> memref<10240x128xf32, #tpu.memory_space<vmem_shared>>
      tpu.wait_indirect_dma semaphore(%arg14 : memref<!tpu.dma_semaphore, #tpu.memory_space<semaphore_mem>>) src(%arg9 : memref<128x128xf32, #tpu.memory_space<vmem>>) dst(%dma_wait3A_210 : memref<10240x128xf32, #tpu.memory_space<vmem_shared>>)
      %dma_start3A_211 = arith.constant 0 : i32
      %dma_start3A_212 = tpu.memref_slice %arg7[%add3A_196, %dma_start3A_211] : memref<40x128xi32, #tpu.memory_space<vmem>> -> memref<1x128xi32, #tpu.memory_space<vmem>>
      %dma_start3A_213 = tpu.memref_squeeze %dma_start3A_212 : memref<1x128xi32, #tpu.memory_space<vmem>> -> memref<128xi32, #tpu.memory_space<vmem>>
      %dma_start3A_214 = arith.constant 0 : i32
      %dma_start3A_215 = arith.constant 0 : i32
      %dma_start3A_216 = tpu.memref_slice %arg10[%dma_start3A_214, %dma_start3A_215] : memref<10240x128xf32, #tpu.memory_space<vmem_shared>> -> memref<10240x128xf32, #tpu.memory_space<vmem_shared>>
      tpu.enqueue_indirect_dma source(%arg8 : memref<128x128xf32, #tpu.memory_space<vmem>>) target(%dma_start3A_216 : memref<10240x128xf32, #tpu.memory_space<vmem_shared>>) offsets(%dma_start3A_213 : memref<128xi32, #tpu.memory_space<vmem>>) semaphore(%arg13 : memref<!tpu.dma_semaphore, #tpu.memory_space<semaphore_mem>>) {add = true}
      %add3A_217 = arith.constant 1 : i32
      %add3A_218 = arith.addi %add3A_196, %add3A_217 : i32
      %dma_start3A_219 = arith.constant 0 : i32
      %dma_start3A_220 = tpu.memref_slice %arg6[%add3A_218, %dma_start3A_219] : memref<40x128xi32, #tpu.memory_space<vmem>> -> memref<1x128xi32, #tpu.memory_space<vmem>>
      %dma_start3A_221 = tpu.memref_squeeze %dma_start3A_220 : memref<1x128xi32, #tpu.memory_space<vmem>> -> memref<128xi32, #tpu.memory_space<vmem>>
      %dma_start3A_222 = arith.constant 0 : i32
      %dma_start3A_223 = arith.constant 0 : i32
      %dma_start3A_224 = tpu.memref_slice %arg2[%dma_start3A_222, %dma_start3A_223] : memref<10000x128xf32, #tpu.memory_space<hbm>> -> memref<10000x128xf32, #tpu.memory_space<hbm>>
      tpu.enqueue_indirect_dma source(%dma_start3A_224 : memref<10000x128xf32, #tpu.memory_space<hbm>>) target(%arg9 : memref<128x128xf32, #tpu.memory_space<vmem>>) offsets(%dma_start3A_221 : memref<128xi32, #tpu.memory_space<vmem>>) semaphore(%arg12 : memref<!tpu.dma_semaphore, #tpu.memory_space<semaphore_mem>>)
    }
    %scan3A_121 = arith.constant 19 : i32
    %dma_wait3A_122 = arith.constant 39 : i32
    %dma_wait3A_123 = arith.constant 0 : i32
    %dma_wait3A_124 = tpu.memref_slice %arg6[%dma_wait3A_122, %dma_wait3A_123] : memref<40x128xi32, #tpu.memory_space<vmem>> -> memref<1x128xi32, #tpu.memory_space<vmem>>
    %dma_wait3A_125 = tpu.memref_squeeze %dma_wait3A_124 : memref<1x128xi32, #tpu.memory_space<vmem>> -> memref<128xi32, #tpu.memory_space<vmem>>
    %dma_wait3A_126 = arith.constant 0 : i32
    %dma_wait3A_127 = arith.constant 0 : i32
    %dma_wait3A_128 = tpu.memref_slice %arg2[%dma_wait3A_126, %dma_wait3A_127] : memref<10000x128xf32, #tpu.memory_space<hbm>> -> memref<10000x128xf32, #tpu.memory_space<hbm>>
    tpu.wait_indirect_dma semaphore(%arg12 : memref<!tpu.dma_semaphore, #tpu.memory_space<semaphore_mem>>) src(%dma_wait3A_128 : memref<10000x128xf32, #tpu.memory_space<hbm>>) dst(%arg9 : memref<128x128xf32, #tpu.memory_space<vmem>>)
    %dma_wait3A_129 = arith.constant 38 : i32
    %dma_wait3A_130 = arith.constant 0 : i32
    %dma_wait3A_131 = tpu.memref_slice %arg7[%dma_wait3A_129, %dma_wait3A_130] : memref<40x128xi32, #tpu.memory_space<vmem>> -> memref<1x128xi32, #tpu.memory_space<vmem>>
    %dma_wait3A_132 = tpu.memref_squeeze %dma_wait3A_131 : memref<1x128xi32, #tpu.memory_space<vmem>> -> memref<128xi32, #tpu.memory_space<vmem>>
    %dma_wait3A_133 = arith.constant 0 : i32
    %dma_wait3A_134 = arith.constant 0 : i32
    %dma_wait3A_135 = tpu.memref_slice %arg10[%dma_wait3A_133, %dma_wait3A_134] : memref<10240x128xf32, #tpu.memory_space<vmem_shared>> -> memref<10240x128xf32, #tpu.memory_space<vmem_shared>>
    tpu.wait_indirect_dma semaphore(%arg13 : memref<!tpu.dma_semaphore, #tpu.memory_space<semaphore_mem>>) src(%arg8 : memref<128x128xf32, #tpu.memory_space<vmem>>) dst(%dma_wait3A_135 : memref<10240x128xf32, #tpu.memory_space<vmem_shared>>)
    %dma_start3A_136 = arith.constant 39 : i32
    %dma_start3A_137 = arith.constant 0 : i32
    %dma_start3A_138 = tpu.memref_slice %arg7[%dma_start3A_136, %dma_start3A_137] : memref<40x128xi32, #tpu.memory_space<vmem>> -> memref<1x128xi32, #tpu.memory_space<vmem>>
    %dma_start3A_139 = tpu.memref_squeeze %dma_start3A_138 : memref<1x128xi32, #tpu.memory_space<vmem>> -> memref<128xi32, #tpu.memory_space<vmem>>
    %dma_start3A_140 = arith.constant 0 : i32
    %dma_start3A_141 = arith.constant 0 : i32
    %dma_start3A_142 = tpu.memref_slice %arg10[%dma_start3A_140, %dma_start3A_141] : memref<10240x128xf32, #tpu.memory_space<vmem_shared>> -> memref<10240x128xf32, #tpu.memory_space<vmem_shared>>
    tpu.enqueue_indirect_dma source(%arg9 : memref<128x128xf32, #tpu.memory_space<vmem>>) target(%dma_start3A_142 : memref<10240x128xf32, #tpu.memory_space<vmem_shared>>) offsets(%dma_start3A_139 : memref<128xi32, #tpu.memory_space<vmem>>) semaphore(%arg14 : memref<!tpu.dma_semaphore, #tpu.memory_space<semaphore_mem>>) {add = true}
    %dma_wait3A_143 = arith.constant 39 : i32
    %dma_wait3A_144 = arith.constant 0 : i32
    %dma_wait3A_145 = tpu.memref_slice %arg7[%dma_wait3A_143, %dma_wait3A_144] : memref<40x128xi32, #tpu.memory_space<vmem>> -> memref<1x128xi32, #tpu.memory_space<vmem>>
    %dma_wait3A_146 = tpu.memref_squeeze %dma_wait3A_145 : memref<1x128xi32, #tpu.memory_space<vmem>> -> memref<128xi32, #tpu.memory_space<vmem>>
    %dma_wait3A_147 = arith.constant 0 : i32
    %dma_wait3A_148 = arith.constant 0 : i32
    %dma_wait3A_149 = tpu.memref_slice %arg10[%dma_wait3A_147, %dma_wait3A_148] : memref<10240x128xf32, #tpu.memory_space<vmem_shared>> -> memref<10240x128xf32, #tpu.memory_space<vmem_shared>>
    tpu.wait_indirect_dma semaphore(%arg14 : memref<!tpu.dma_semaphore, #tpu.memory_space<semaphore_mem>>) src(%arg9 : memref<128x128xf32, #tpu.memory_space<vmem>>) dst(%dma_wait3A_149 : memref<10240x128xf32, #tpu.memory_space<vmem_shared>>)
    %barrier3A_150 = arith.constant 0 : index
    tpu.barrier barrier_id(%barrier3A_150)
    %add3A_151 = arith.constant 0 : i32
    %add3A_152 = arith.addi %mul3A_9, %add3A_151 : i32
    "tpu.region"() ({
      %run_scoped3A = tpu.sem_alloc : memref<!tpu.dma_semaphore, #tpu.memory_space<semaphore_mem>>
      %dma_start3A_161 = arith.constant 0 : i32
      %dma_start3A_162 = arith.constant 0 : i32
      %dma_start3A_163 = tpu.memref_slice %arg5[%arg0, %dma_start3A_161, %dma_start3A_162] : memref<2x10240x128xf32, #tpu.memory_space<hbm>> -> memref<1x10240x128xf32, #tpu.memory_space<hbm>>
      %dma_start3A_164 = tpu.memref_squeeze %dma_start3A_163 : memref<1x10240x128xf32, #tpu.memory_space<hbm>> -> memref<10240x128xf32, #tpu.memory_space<hbm>>
      %dma_start3A_165 = arith.constant 0 : i32
      %dma_start3A_166 = tpu.memref_slice %dma_start3A_164[%add3A_152, %dma_start3A_165] : memref<10240x128xf32, #tpu.memory_space<hbm>> -> memref<128x128xf32, #tpu.memory_space<hbm>>
      %dma_start3A_167 = arith.constant 0 : i32
      %dma_start3A_168 = tpu.memref_slice %arg10[%add3A_152, %dma_start3A_167] : memref<10240x128xf32, #tpu.memory_space<vmem_shared>> -> memref<128x128xf32, #tpu.memory_space<vmem_shared>>
      tpu.enqueue_dma source(%dma_start3A_168 : memref<128x128xf32, #tpu.memory_space<vmem_shared>>) target(%dma_start3A_166 : memref<128x128xf32, #tpu.memory_space<hbm>>) target_semaphore(%run_scoped3A : memref<!tpu.dma_semaphore, #tpu.memory_space<semaphore_mem>>)
      %dma_wait3A_169 = arith.constant 0 : i32
      %dma_wait3A_170 = arith.constant 0 : i32
      %dma_wait3A_171 = tpu.memref_slice %arg5[%arg0, %dma_wait3A_169, %dma_wait3A_170] : memref<2x10240x128xf32, #tpu.memory_space<hbm>> -> memref<1x10240x128xf32, #tpu.memory_space<hbm>>
      %dma_wait3A_172 = tpu.memref_squeeze %dma_wait3A_171 : memref<1x10240x128xf32, #tpu.memory_space<hbm>> -> memref<10240x128xf32, #tpu.memory_space<hbm>>
      %dma_wait3A_173 = arith.constant 0 : i32
      %dma_wait3A_174 = tpu.memref_slice %dma_wait3A_172[%add3A_152, %dma_wait3A_173] : memref<10240x128xf32, #tpu.memory_space<hbm>> -> memref<128x128xf32, #tpu.memory_space<hbm>>
      %dma_wait3A_175 = arith.constant 0 : i32
      %dma_wait3A_176 = tpu.memref_slice %arg10[%add3A_152, %dma_wait3A_175] : memref<10240x128xf32, #tpu.memory_space<vmem_shared>> -> memref<128x128xf32, #tpu.memory_space<vmem_shared>>
      tpu.wait_dma2 semaphore(%run_scoped3A : memref<!tpu.dma_semaphore, #tpu.memory_space<semaphore_mem>>) src(%dma_wait3A_176 : memref<128x128xf32, #tpu.memory_space<vmem_shared>>) dst(%dma_wait3A_174 : memref<128x128xf32, #tpu.memory_space<hbm>>)
      tpu.yield
    }) : () -> ()
    %add3A_153 = arith.constant 128 : i32
    %add3A_154 = arith.addi %mul3A_9, %add3A_153 : i32
    "tpu.region"() ({
      %run_scoped3A = tpu.sem_alloc : memref<!tpu.dma_semaphore, #tpu.memory_space<semaphore_mem>>
      %dma_start3A_161 = arith.constant 0 : i32
      %dma_start3A_162 = arith.constant 0 : i32
      %dma_start3A_163 = tpu.memref_slice %arg5[%arg0, %dma_start3A_161, %dma_start3A_162] : memref<2x10240x128xf32, #tpu.memory_space<hbm>> -> memref<1x10240x128xf32, #tpu.memory_space<hbm>>
      %dma_start3A_164 = tpu.memref_squeeze %dma_start3A_163 : memref<1x10240x128xf32, #tpu.memory_space<hbm>> -> memref<10240x128xf32, #tpu.memory_space<hbm>>
      %dma_start3A_165 = arith.constant 0 : i32
      %dma_start3A_166 = tpu.memref_slice %dma_start3A_164[%add3A_154, %dma_start3A_165] : memref<10240x128xf32, #tpu.memory_space<hbm>> -> memref<128x128xf32, #tpu.memory_space<hbm>>
      %dma_start3A_167 = arith.constant 0 : i32
      %dma_start3A_168 = tpu.memref_slice %arg10[%add3A_154, %dma_start3A_167] : memref<10240x128xf32, #tpu.memory_space<vmem_shared>> -> memref<128x128xf32, #tpu.memory_space<vmem_shared>>
      tpu.enqueue_dma source(%dma_start3A_168 : memref<128x128xf32, #tpu.memory_space<vmem_shared>>) target(%dma_start3A_166 : memref<128x128xf32, #tpu.memory_space<hbm>>) target_semaphore(%run_scoped3A : memref<!tpu.dma_semaphore, #tpu.memory_space<semaphore_mem>>)
      %dma_wait3A_169 = arith.constant 0 : i32
      %dma_wait3A_170 = arith.constant 0 : i32
      %dma_wait3A_171 = tpu.memref_slice %arg5[%arg0, %dma_wait3A_169, %dma_wait3A_170] : memref<2x10240x128xf32, #tpu.memory_space<hbm>> -> memref<1x10240x128xf32, #tpu.memory_space<hbm>>
      %dma_wait3A_172 = tpu.memref_squeeze %dma_wait3A_171 : memref<1x10240x128xf32, #tpu.memory_space<hbm>> -> memref<10240x128xf32, #tpu.memory_space<hbm>>
      %dma_wait3A_173 = arith.constant 0 : i32
      %dma_wait3A_174 = tpu.memref_slice %dma_wait3A_172[%add3A_154, %dma_wait3A_173] : memref<10240x128xf32, #tpu.memory_space<hbm>> -> memref<128x128xf32, #tpu.memory_space<hbm>>
      %dma_wait3A_175 = arith.constant 0 : i32
      %dma_wait3A_176 = tpu.memref_slice %arg10[%add3A_154, %dma_wait3A_175] : memref<10240x128xf32, #tpu.memory_space<vmem_shared>> -> memref<128x128xf32, #tpu.memory_space<vmem_shared>>
      tpu.wait_dma2 semaphore(%run_scoped3A : memref<!tpu.dma_semaphore, #tpu.memory_space<semaphore_mem>>) src(%dma_wait3A_176 : memref<128x128xf32, #tpu.memory_space<vmem_shared>>) dst(%dma_wait3A_174 : memref<128x128xf32, #tpu.memory_space<hbm>>)
      tpu.yield
    }) : () -> ()
    %add3A_155 = arith.constant 256 : i32
    %add3A_156 = arith.addi %mul3A_9, %add3A_155 : i32
    "tpu.region"() ({
      %run_scoped3A = tpu.sem_alloc : memref<!tpu.dma_semaphore, #tpu.memory_space<semaphore_mem>>
      %dma_start3A_161 = arith.constant 0 : i32
      %dma_start3A_162 = arith.constant 0 : i32
      %dma_start3A_163 = tpu.memref_slice %arg5[%arg0, %dma_start3A_161, %dma_start3A_162] : memref<2x10240x128xf32, #tpu.memory_space<hbm>> -> memref<1x10240x128xf32, #tpu.memory_space<hbm>>
      %dma_start3A_164 = tpu.memref_squeeze %dma_start3A_163 : memref<1x10240x128xf32, #tpu.memory_space<hbm>> -> memref<10240x128xf32, #tpu.memory_space<hbm>>
      %dma_start3A_165 = arith.constant 0 : i32
      %dma_start3A_166 = tpu.memref_slice %dma_start3A_164[%add3A_156, %dma_start3A_165] : memref<10240x128xf32, #tpu.memory_space<hbm>> -> memref<128x128xf32, #tpu.memory_space<hbm>>
      %dma_start3A_167 = arith.constant 0 : i32
      %dma_start3A_168 = tpu.memref_slice %arg10[%add3A_156, %dma_start3A_167] : memref<10240x128xf32, #tpu.memory_space<vmem_shared>> -> memref<128x128xf32, #tpu.memory_space<vmem_shared>>
      tpu.enqueue_dma source(%dma_start3A_168 : memref<128x128xf32, #tpu.memory_space<vmem_shared>>) target(%dma_start3A_166 : memref<128x128xf32, #tpu.memory_space<hbm>>) target_semaphore(%run_scoped3A : memref<!tpu.dma_semaphore, #tpu.memory_space<semaphore_mem>>)
      %dma_wait3A_169 = arith.constant 0 : i32
      %dma_wait3A_170 = arith.constant 0 : i32
      %dma_wait3A_171 = tpu.memref_slice %arg5[%arg0, %dma_wait3A_169, %dma_wait3A_170] : memref<2x10240x128xf32, #tpu.memory_space<hbm>> -> memref<1x10240x128xf32, #tpu.memory_space<hbm>>
      %dma_wait3A_172 = tpu.memref_squeeze %dma_wait3A_171 : memref<1x10240x128xf32, #tpu.memory_space<hbm>> -> memref<10240x128xf32, #tpu.memory_space<hbm>>
      %dma_wait3A_173 = arith.constant 0 : i32
      %dma_wait3A_174 = tpu.memref_slice %dma_wait3A_172[%add3A_156, %dma_wait3A_173] : memref<10240x128xf32, #tpu.memory_space<hbm>> -> memref<128x128xf32, #tpu.memory_space<hbm>>
      %dma_wait3A_175 = arith.constant 0 : i32
      %dma_wait3A_176 = tpu.memref_slice %arg10[%add3A_156, %dma_wait3A_175] : memref<10240x128xf32, #tpu.memory_space<vmem_shared>> -> memref<128x128xf32, #tpu.memory_space<vmem_shared>>
      tpu.wait_dma2 semaphore(%run_scoped3A : memref<!tpu.dma_semaphore, #tpu.memory_space<semaphore_mem>>) src(%dma_wait3A_176 : memref<128x128xf32, #tpu.memory_space<vmem_shared>>) dst(%dma_wait3A_174 : memref<128x128xf32, #tpu.memory_space<hbm>>)
      tpu.yield
    }) : () -> ()
    %add3A_157 = arith.constant 384 : i32
    %add3A_158 = arith.addi %mul3A_9, %add3A_157 : i32
    "tpu.region"() ({
      %run_scoped3A = tpu.sem_alloc : memref<!tpu.dma_semaphore, #tpu.memory_space<semaphore_mem>>
      %dma_start3A_161 = arith.constant 0 : i32
      %dma_start3A_162 = arith.constant 0 : i32
      %dma_start3A_163 = tpu.memref_slice %arg5[%arg0, %dma_start3A_161, %dma_start3A_162] : memref<2x10240x128xf32, #tpu.memory_space<hbm>> -> memref<1x10240x128xf32, #tpu.memory_space<hbm>>
      %dma_start3A_164 = tpu.memref_squeeze %dma_start3A_163 : memref<1x10240x128xf32, #tpu.memory_space<hbm>> -> memref<10240x128xf32, #tpu.memory_space<hbm>>
      %dma_start3A_165 = arith.constant 0 : i32
      %dma_start3A_166 = tpu.memref_slice %dma_start3A_164[%add3A_158, %dma_start3A_165] : memref<10240x128xf32, #tpu.memory_space<hbm>> -> memref<128x128xf32, #tpu.memory_space<hbm>>
      %dma_start3A_167 = arith.constant 0 : i32
      %dma_start3A_168 = tpu.memref_slice %arg10[%add3A_158, %dma_start3A_167] : memref<10240x128xf32, #tpu.memory_space<vmem_shared>> -> memref<128x128xf32, #tpu.memory_space<vmem_shared>>
      tpu.enqueue_dma source(%dma_start3A_168 : memref<128x128xf32, #tpu.memory_space<vmem_shared>>) target(%dma_start3A_166 : memref<128x128xf32, #tpu.memory_space<hbm>>) target_semaphore(%run_scoped3A : memref<!tpu.dma_semaphore, #tpu.memory_space<semaphore_mem>>)
      %dma_wait3A_169 = arith.constant 0 : i32
      %dma_wait3A_170 = arith.constant 0 : i32
      %dma_wait3A_171 = tpu.memref_slice %arg5[%arg0, %dma_wait3A_169, %dma_wait3A_170] : memref<2x10240x128xf32, #tpu.memory_space<hbm>> -> memref<1x10240x128xf32, #tpu.memory_space<hbm>>
      %dma_wait3A_172 = tpu.memref_squeeze %dma_wait3A_171 : memref<1x10240x128xf32, #tpu.memory_space<hbm>> -> memref<10240x128xf32, #tpu.memory_space<hbm>>
      %dma_wait3A_173 = arith.constant 0 : i32
      %dma_wait3A_174 = tpu.memref_slice %dma_wait3A_172[%add3A_158, %dma_wait3A_173] : memref<10240x128xf32, #tpu.memory_space<hbm>> -> memref<128x128xf32, #tpu.memory_space<hbm>>
      %dma_wait3A_175 = arith.constant 0 : i32
      %dma_wait3A_176 = tpu.memref_slice %arg10[%add3A_158, %dma_wait3A_175] : memref<10240x128xf32, #tpu.memory_space<vmem_shared>> -> memref<128x128xf32, #tpu.memory_space<vmem_shared>>
      tpu.wait_dma2 semaphore(%run_scoped3A : memref<!tpu.dma_semaphore, #tpu.memory_space<semaphore_mem>>) src(%dma_wait3A_176 : memref<128x128xf32, #tpu.memory_space<vmem_shared>>) dst(%dma_wait3A_174 : memref<128x128xf32, #tpu.memory_space<hbm>>)
      tpu.yield
    }) : () -> ()
    %add3A_159 = arith.constant 512 : i32
    %add3A_160 = arith.addi %mul3A_9, %add3A_159 : i32
    "tpu.region"() ({
      %run_scoped3A = tpu.sem_alloc : memref<!tpu.dma_semaphore, #tpu.memory_space<semaphore_mem>>
      %dma_start3A_161 = arith.constant 0 : i32
      %dma_start3A_162 = arith.constant 0 : i32
      %dma_start3A_163 = tpu.memref_slice %arg5[%arg0, %dma_start3A_161, %dma_start3A_162] : memref<2x10240x128xf32, #tpu.memory_space<hbm>> -> memref<1x10240x128xf32, #tpu.memory_space<hbm>>
      %dma_start3A_164 = tpu.memref_squeeze %dma_start3A_163 : memref<1x10240x128xf32, #tpu.memory_space<hbm>> -> memref<10240x128xf32, #tpu.memory_space<hbm>>
      %dma_start3A_165 = arith.constant 0 : i32
      %dma_start3A_166 = tpu.memref_slice %dma_start3A_164[%add3A_160, %dma_start3A_165] : memref<10240x128xf32, #tpu.memory_space<hbm>> -> memref<128x128xf32, #tpu.memory_space<hbm>>
      %dma_start3A_167 = arith.constant 0 : i32
      %dma_start3A_168 = tpu.memref_slice %arg10[%add3A_160, %dma_start3A_167] : memref<10240x128xf32, #tpu.memory_space<vmem_shared>> -> memref<128x128xf32, #tpu.memory_space<vmem_shared>>
      tpu.enqueue_dma source(%dma_start3A_168 : memref<128x128xf32, #tpu.memory_space<vmem_shared>>) target(%dma_start3A_166 : memref<128x128xf32, #tpu.memory_space<hbm>>) target_semaphore(%run_scoped3A : memref<!tpu.dma_semaphore, #tpu.memory_space<semaphore_mem>>)
      %dma_wait3A_169 = arith.constant 0 : i32
      %dma_wait3A_170 = arith.constant 0 : i32
      %dma_wait3A_171 = tpu.memref_slice %arg5[%arg0, %dma_wait3A_169, %dma_wait3A_170] : memref<2x10240x128xf32, #tpu.memory_space<hbm>> -> memref<1x10240x128xf32, #tpu.memory_space<hbm>>
      %dma_wait3A_172 = tpu.memref_squeeze %dma_wait3A_171 : memref<1x10240x128xf32, #tpu.memory_space<hbm>> -> memref<10240x128xf32, #tpu.memory_space<hbm>>
      %dma_wait3A_173 = arith.constant 0 : i32
      %dma_wait3A_174 = tpu.memref_slice %dma_wait3A_172[%add3A_160, %dma_wait3A_173] : memref<10240x128xf32, #tpu.memory_space<hbm>> -> memref<128x128xf32, #tpu.memory_space<hbm>>
      %dma_wait3A_175 = arith.constant 0 : i32
      %dma_wait3A_176 = tpu.memref_slice %arg10[%add3A_160, %dma_wait3A_175] : memref<10240x128xf32, #tpu.memory_space<vmem_shared>> -> memref<128x128xf32, #tpu.memory_space<vmem_shared>>
      tpu.wait_dma2 semaphore(%run_scoped3A : memref<!tpu.dma_semaphore, #tpu.memory_space<semaphore_mem>>) src(%dma_wait3A_176 : memref<128x128xf32, #tpu.memory_space<vmem_shared>>) dst(%dma_wait3A_174 : memref<128x128xf32, #tpu.memory_space<hbm>>)
      tpu.yield
    }) : () -> ()
    return
  }
}

#map = affine_map<(d0, d1) -> (0, 0)>
#map1 = affine_map<(d0, d1) -> (0, 0, 0)>
module attributes {stable_mosaic.version = 14 : i64} {
  func.func @_agg_kernel(%arg0: i32, %arg1: i32, %arg2: memref<10000x128xf32, #tpu.memory_space<hbm>>, %arg3: memref<2560x128xi32, #tpu.memory_space<hbm>>, %arg4: memref<2560x128xi32, #tpu.memory_space<hbm>>, %arg5: memref<2x10240x128xf32, #tpu.memory_space<hbm>>, %arg6: memref<40x128xi32, #tpu.memory_space<vmem>>, %arg7: memref<40x128xi32, #tpu.memory_space<vmem>>, %arg8: memref<128x128xf32, #tpu.memory_space<vmem>>, %arg9: memref<128x128xf32, #tpu.memory_space<vmem>>, %arg10: memref<10240x128xf32, #tpu.memory_space<vmem_shared>>, %arg11: memref<!tpu.dma_semaphore, #tpu.memory_space<semaphore_mem>>, %arg12: memref<!tpu.dma_semaphore, #tpu.memory_space<semaphore_mem>>, %arg13: memref<!tpu.dma_semaphore, #tpu.memory_space<semaphore_mem>>, %arg14: memref<!tpu.dma_semaphore, #tpu.memory_space<semaphore_mem>>) attributes {dimension_semantics = [#tpu.dimension_semantics<core_parallel>, #tpu.dimension_semantics<subcore_parallel>], iteration_bounds = array<i64: 2, 16>, scalar_prefetch = 0 : i64, scratch_operands = 9 : i64, tpu.core_type = #tpu.core_type<sc_vector_subcore>, window_params = [{transform_indices = #map}, {transform_indices = #map}, {transform_indices = #map}, {transform_indices = #map1}]} {
    %mul3A = arith.constant 16 : i32
    %mul3A_0 = arith.muli %arg0, %mul3A : i32
    %add3A = arith.addi %mul3A_0, %arg1 : i32
    %mul3A_1 = arith.constant 80 : i32
    %mul3A_2 = arith.muli %add3A, %mul3A_1 : i32
    %scan3A = arith.constant 0 : i32
    %scan3A_3 = arith.constant 0 : i32
    %scan3A_4 = arith.constant 128 : i32
    %scan3A_5 = arith.addi %scan3A_3, %scan3A_4 : i32
    %scan3A_6 = arith.constant 1 : i32
    scf.for %scan3A_161 = %scan3A_3 to %scan3A_5 step %scan3A_6  : i32 {
      %broadcast_in_dim3A = arith.constant 0.000000e+00 : f32
      %broadcast_in_dim3A_162 = vector.broadcast %broadcast_in_dim3A : f32 to vector<16xf32>
      %swap3A = arith.index_cast %scan3A_161 : i32 to index
      %swap3A_163 = arith.constant 0 : index
      %swap3A_164 = tpu.vector_load %arg8[%swap3A, %swap3A_163] {strides = array<i32>} : memref<128x128xf32, #tpu.memory_space<vmem>>, vector<1x16xf32>,
      %swap3A_165 = vector.shape_cast %swap3A_164 : vector<1x16xf32> to vector<16xf32>
      %swap3A_166 = vector.shape_cast %broadcast_in_dim3A_162 : vector<16xf32> to vector<1x16xf32>
      tpu.vector_store %arg8[%swap3A, %swap3A_163], %swap3A_166 {strides = array<i32>} : memref<128x128xf32, #tpu.memory_space<vmem>>, vector<1x16xf32>,
      %broadcast_in_dim3A_167 = arith.constant 0.000000e+00 : f32
      %broadcast_in_dim3A_168 = vector.broadcast %broadcast_in_dim3A_167 : f32 to vector<16xf32>
      %swap3A_169 = arith.index_cast %scan3A_161 : i32 to index
      %swap3A_170 = arith.constant 16 : index
      %swap3A_171 = tpu.vector_load %arg8[%swap3A_169, %swap3A_170] {strides = array<i32>} : memref<128x128xf32, #tpu.memory_space<vmem>>, vector<1x16xf32>,
      %swap3A_172 = vector.shape_cast %swap3A_171 : vector<1x16xf32> to vector<16xf32>
      %swap3A_173 = vector.shape_cast %broadcast_in_dim3A_168 : vector<16xf32> to vector<1x16xf32>
      tpu.vector_store %arg8[%swap3A_169, %swap3A_170], %swap3A_173 {strides = array<i32>} : memref<128x128xf32, #tpu.memory_space<vmem>>, vector<1x16xf32>,
      %broadcast_in_dim3A_174 = arith.constant 0.000000e+00 : f32
      %broadcast_in_dim3A_175 = vector.broadcast %broadcast_in_dim3A_174 : f32 to vector<16xf32>
      %swap3A_176 = arith.index_cast %scan3A_161 : i32 to index
      %swap3A_177 = arith.constant 32 : index
      %swap3A_178 = tpu.vector_load %arg8[%swap3A_176, %swap3A_177] {strides = array<i32>} : memref<128x128xf32, #tpu.memory_space<vmem>>, vector<1x16xf32>,
      %swap3A_179 = vector.shape_cast %swap3A_178 : vector<1x16xf32> to vector<16xf32>
      %swap3A_180 = vector.shape_cast %broadcast_in_dim3A_175 : vector<16xf32> to vector<1x16xf32>
      tpu.vector_store %arg8[%swap3A_176, %swap3A_177], %swap3A_180 {strides = array<i32>} : memref<128x128xf32, #tpu.memory_space<vmem>>, vector<1x16xf32>,
      %broadcast_in_dim3A_181 = arith.constant 0.000000e+00 : f32
      %broadcast_in_dim3A_182 = vector.broadcast %broadcast_in_dim3A_181 : f32 to vector<16xf32>
      %swap3A_183 = arith.index_cast %scan3A_161 : i32 to index
      %swap3A_184 = arith.constant 48 : index
      %swap3A_185 = tpu.vector_load %arg8[%swap3A_183, %swap3A_184] {strides = array<i32>} : memref<128x128xf32, #tpu.memory_space<vmem>>, vector<1x16xf32>,
      %swap3A_186 = vector.shape_cast %swap3A_185 : vector<1x16xf32> to vector<16xf32>
      %swap3A_187 = vector.shape_cast %broadcast_in_dim3A_182 : vector<16xf32> to vector<1x16xf32>
      tpu.vector_store %arg8[%swap3A_183, %swap3A_184], %swap3A_187 {strides = array<i32>} : memref<128x128xf32, #tpu.memory_space<vmem>>, vector<1x16xf32>,
      %broadcast_in_dim3A_188 = arith.constant 0.000000e+00 : f32
      %broadcast_in_dim3A_189 = vector.broadcast %broadcast_in_dim3A_188 : f32 to vector<16xf32>
      %swap3A_190 = arith.index_cast %scan3A_161 : i32 to index
      %swap3A_191 = arith.constant 64 : index
      %swap3A_192 = tpu.vector_load %arg8[%swap3A_190, %swap3A_191] {strides = array<i32>} : memref<128x128xf32, #tpu.memory_space<vmem>>, vector<1x16xf32>,
      %swap3A_193 = vector.shape_cast %swap3A_192 : vector<1x16xf32> to vector<16xf32>
      %swap3A_194 = vector.shape_cast %broadcast_in_dim3A_189 : vector<16xf32> to vector<1x16xf32>
      tpu.vector_store %arg8[%swap3A_190, %swap3A_191], %swap3A_194 {strides = array<i32>} : memref<128x128xf32, #tpu.memory_space<vmem>>, vector<1x16xf32>,
      %broadcast_in_dim3A_195 = arith.constant 0.000000e+00 : f32
      %broadcast_in_dim3A_196 = vector.broadcast %broadcast_in_dim3A_195 : f32 to vector<16xf32>
      %swap3A_197 = arith.index_cast %scan3A_161 : i32 to index
      %swap3A_198 = arith.constant 80 : index
      %swap3A_199 = tpu.vector_load %arg8[%swap3A_197, %swap3A_198] {strides = array<i32>} : memref<128x128xf32, #tpu.memory_space<vmem>>, vector<1x16xf32>,
      %swap3A_200 = vector.shape_cast %swap3A_199 : vector<1x16xf32> to vector<16xf32>
      %swap3A_201 = vector.shape_cast %broadcast_in_dim3A_196 : vector<16xf32> to vector<1x16xf32>
      tpu.vector_store %arg8[%swap3A_197, %swap3A_198], %swap3A_201 {strides = array<i32>} : memref<128x128xf32, #tpu.memory_space<vmem>>, vector<1x16xf32>,
      %broadcast_in_dim3A_202 = arith.constant 0.000000e+00 : f32
      %broadcast_in_dim3A_203 = vector.broadcast %broadcast_in_dim3A_202 : f32 to vector<16xf32>
      %swap3A_204 = arith.index_cast %scan3A_161 : i32 to index
      %swap3A_205 = arith.constant 96 : index
      %swap3A_206 = tpu.vector_load %arg8[%swap3A_204, %swap3A_205] {strides = array<i32>} : memref<128x128xf32, #tpu.memory_space<vmem>>, vector<1x16xf32>,
      %swap3A_207 = vector.shape_cast %swap3A_206 : vector<1x16xf32> to vector<16xf32>
      %swap3A_208 = vector.shape_cast %broadcast_in_dim3A_203 : vector<16xf32> to vector<1x16xf32>
      tpu.vector_store %arg8[%swap3A_204, %swap3A_205], %swap3A_208 {strides = array<i32>} : memref<128x128xf32, #tpu.memory_space<vmem>>, vector<1x16xf32>,
      %broadcast_in_dim3A_209 = arith.constant 0.000000e+00 : f32
      %broadcast_in_dim3A_210 = vector.broadcast %broadcast_in_dim3A_209 : f32 to vector<16xf32>
      %swap3A_211 = arith.index_cast %scan3A_161 : i32 to index
      %swap3A_212 = arith.constant 112 : index
      %swap3A_213 = tpu.vector_load %arg8[%swap3A_211, %swap3A_212] {strides = array<i32>} : memref<128x128xf32, #tpu.memory_space<vmem>>, vector<1x16xf32>,
      %swap3A_214 = vector.shape_cast %swap3A_213 : vector<1x16xf32> to vector<16xf32>
      %swap3A_215 = vector.shape_cast %broadcast_in_dim3A_210 : vector<16xf32> to vector<1x16xf32>
      tpu.vector_store %arg8[%swap3A_211, %swap3A_212], %swap3A_215 {strides = array<i32>} : memref<128x128xf32, #tpu.memory_space<vmem>>, vector<1x16xf32>,
    }
    %scan3A_7 = arith.constant 128 : i32
    %mul3A_8 = arith.constant 640 : i32
    %mul3A_9 = arith.muli %arg1, %mul3A_8 : i32
    %add3A_10 = arith.constant 0 : i32
    %add3A_11 = arith.addi %mul3A_9, %add3A_10 : i32
    "tpu.region"() ({
      %run_scoped3A = tpu.sem_alloc : memref<!tpu.dma_semaphore, #tpu.memory_space<semaphore_mem>>
      %dma_start3A_161 = arith.constant 0 : i32
      %dma_start3A_162 = tpu.memref_slice %arg10[%add3A_11, %dma_start3A_161] : memref<10240x128xf32, #tpu.memory_space<vmem_shared>> -> memref<128x128xf32, #tpu.memory_space<vmem_shared>>
      %dma_start3A_163 = arith.constant 0 : i32
      %dma_start3A_164 = tpu.memref_slice %arg10[%add3A_11, %dma_start3A_163] : memref<10240x128xf32, #tpu.memory_space<vmem_shared>> -> memref<128x128xf32, #tpu.memory_space<vmem_shared>>
      tpu.enqueue_dma source(%arg8 : memref<128x128xf32, #tpu.memory_space<vmem>>) target(%dma_start3A_164 : memref<128x128xf32, #tpu.memory_space<vmem_shared>>) target_semaphore(%run_scoped3A : memref<!tpu.dma_semaphore, #tpu.memory_space<semaphore_mem>>)
      %dma_wait3A_165 = arith.constant 0 : i32
      %dma_wait3A_166 = tpu.memref_slice %arg10[%add3A_11, %dma_wait3A_165] : memref<10240x128xf32, #tpu.memory_space<vmem_shared>> -> memref<128x128xf32, #tpu.memory_space<vmem_shared>>
      %dma_wait3A_167 = arith.constant 0 : i32
      %dma_wait3A_168 = tpu.memref_slice %arg10[%add3A_11, %dma_wait3A_167] : memref<10240x128xf32, #tpu.memory_space<vmem_shared>> -> memref<128x128xf32, #tpu.memory_space<vmem_shared>>
      tpu.wait_dma2 semaphore(%run_scoped3A : memref<!tpu.dma_semaphore, #tpu.memory_space<semaphore_mem>>) src(%arg8 : memref<128x128xf32, #tpu.memory_space<vmem>>) dst(%dma_wait3A_168 : memref<128x128xf32, #tpu.memory_space<vmem_shared>>)
      tpu.yield
    }) : () -> ()
    %add3A_12 = arith.constant 128 : i32
    %add3A_13 = arith.addi %mul3A_9, %add3A_12 : i32
    "tpu.region"() ({
      %run_scoped3A = tpu.sem_alloc : memref<!tpu.dma_semaphore, #tpu.memory_space<semaphore_mem>>
      %dma_start3A_161 = arith.constant 0 : i32
      %dma_start3A_162 = tpu.memref_slice %arg10[%add3A_13, %dma_start3A_161] : memref<10240x128xf32, #tpu.memory_space<vmem_shared>> -> memref<128x128xf32, #tpu.memory_space<vmem_shared>>
      %dma_start3A_163 = arith.constant 0 : i32
      %dma_start3A_164 = tpu.memref_slice %arg10[%add3A_13, %dma_start3A_163] : memref<10240x128xf32, #tpu.memory_space<vmem_shared>> -> memref<128x128xf32, #tpu.memory_space<vmem_shared>>
      tpu.enqueue_dma source(%arg8 : memref<128x128xf32, #tpu.memory_space<vmem>>) target(%dma_start3A_164 : memref<128x128xf32, #tpu.memory_space<vmem_shared>>) target_semaphore(%run_scoped3A : memref<!tpu.dma_semaphore, #tpu.memory_space<semaphore_mem>>)
      %dma_wait3A_165 = arith.constant 0 : i32
      %dma_wait3A_166 = tpu.memref_slice %arg10[%add3A_13, %dma_wait3A_165] : memref<10240x128xf32, #tpu.memory_space<vmem_shared>> -> memref<128x128xf32, #tpu.memory_space<vmem_shared>>
      %dma_wait3A_167 = arith.constant 0 : i32
      %dma_wait3A_168 = tpu.memref_slice %arg10[%add3A_13, %dma_wait3A_167] : memref<10240x128xf32, #tpu.memory_space<vmem_shared>> -> memref<128x128xf32, #tpu.memory_space<vmem_shared>>
      tpu.wait_dma2 semaphore(%run_scoped3A : memref<!tpu.dma_semaphore, #tpu.memory_space<semaphore_mem>>) src(%arg8 : memref<128x128xf32, #tpu.memory_space<vmem>>) dst(%dma_wait3A_168 : memref<128x128xf32, #tpu.memory_space<vmem_shared>>)
      tpu.yield
    }) : () -> ()
    %add3A_14 = arith.constant 256 : i32
    %add3A_15 = arith.addi %mul3A_9, %add3A_14 : i32
    "tpu.region"() ({
      %run_scoped3A = tpu.sem_alloc : memref<!tpu.dma_semaphore, #tpu.memory_space<semaphore_mem>>
      %dma_start3A_161 = arith.constant 0 : i32
      %dma_start3A_162 = tpu.memref_slice %arg10[%add3A_15, %dma_start3A_161] : memref<10240x128xf32, #tpu.memory_space<vmem_shared>> -> memref<128x128xf32, #tpu.memory_space<vmem_shared>>
      %dma_start3A_163 = arith.constant 0 : i32
      %dma_start3A_164 = tpu.memref_slice %arg10[%add3A_15, %dma_start3A_163] : memref<10240x128xf32, #tpu.memory_space<vmem_shared>> -> memref<128x128xf32, #tpu.memory_space<vmem_shared>>
      tpu.enqueue_dma source(%arg8 : memref<128x128xf32, #tpu.memory_space<vmem>>) target(%dma_start3A_164 : memref<128x128xf32, #tpu.memory_space<vmem_shared>>) target_semaphore(%run_scoped3A : memref<!tpu.dma_semaphore, #tpu.memory_space<semaphore_mem>>)
      %dma_wait3A_165 = arith.constant 0 : i32
      %dma_wait3A_166 = tpu.memref_slice %arg10[%add3A_15, %dma_wait3A_165] : memref<10240x128xf32, #tpu.memory_space<vmem_shared>> -> memref<128x128xf32, #tpu.memory_space<vmem_shared>>
      %dma_wait3A_167 = arith.constant 0 : i32
      %dma_wait3A_168 = tpu.memref_slice %arg10[%add3A_15, %dma_wait3A_167] : memref<10240x128xf32, #tpu.memory_space<vmem_shared>> -> memref<128x128xf32, #tpu.memory_space<vmem_shared>>
      tpu.wait_dma2 semaphore(%run_scoped3A : memref<!tpu.dma_semaphore, #tpu.memory_space<semaphore_mem>>) src(%arg8 : memref<128x128xf32, #tpu.memory_space<vmem>>) dst(%dma_wait3A_168 : memref<128x128xf32, #tpu.memory_space<vmem_shared>>)
      tpu.yield
    }) : () -> ()
    %add3A_16 = arith.constant 384 : i32
    %add3A_17 = arith.addi %mul3A_9, %add3A_16 : i32
    "tpu.region"() ({
      %run_scoped3A = tpu.sem_alloc : memref<!tpu.dma_semaphore, #tpu.memory_space<semaphore_mem>>
      %dma_start3A_161 = arith.constant 0 : i32
      %dma_start3A_162 = tpu.memref_slice %arg10[%add3A_17, %dma_start3A_161] : memref<10240x128xf32, #tpu.memory_space<vmem_shared>> -> memref<128x128xf32, #tpu.memory_space<vmem_shared>>
      %dma_start3A_163 = arith.constant 0 : i32
      %dma_start3A_164 = tpu.memref_slice %arg10[%add3A_17, %dma_start3A_163] : memref<10240x128xf32, #tpu.memory_space<vmem_shared>> -> memref<128x128xf32, #tpu.memory_space<vmem_shared>>
      tpu.enqueue_dma source(%arg8 : memref<128x128xf32, #tpu.memory_space<vmem>>) target(%dma_start3A_164 : memref<128x128xf32, #tpu.memory_space<vmem_shared>>) target_semaphore(%run_scoped3A : memref<!tpu.dma_semaphore, #tpu.memory_space<semaphore_mem>>)
      %dma_wait3A_165 = arith.constant 0 : i32
      %dma_wait3A_166 = tpu.memref_slice %arg10[%add3A_17, %dma_wait3A_165] : memref<10240x128xf32, #tpu.memory_space<vmem_shared>> -> memref<128x128xf32, #tpu.memory_space<vmem_shared>>
      %dma_wait3A_167 = arith.constant 0 : i32
      %dma_wait3A_168 = tpu.memref_slice %arg10[%add3A_17, %dma_wait3A_167] : memref<10240x128xf32, #tpu.memory_space<vmem_shared>> -> memref<128x128xf32, #tpu.memory_space<vmem_shared>>
      tpu.wait_dma2 semaphore(%run_scoped3A : memref<!tpu.dma_semaphore, #tpu.memory_space<semaphore_mem>>) src(%arg8 : memref<128x128xf32, #tpu.memory_space<vmem>>) dst(%dma_wait3A_168 : memref<128x128xf32, #tpu.memory_space<vmem_shared>>)
      tpu.yield
    }) : () -> ()
    %add3A_18 = arith.constant 512 : i32
    %add3A_19 = arith.addi %mul3A_9, %add3A_18 : i32
    "tpu.region"() ({
      %run_scoped3A = tpu.sem_alloc : memref<!tpu.dma_semaphore, #tpu.memory_space<semaphore_mem>>
      %dma_start3A_161 = arith.constant 0 : i32
      %dma_start3A_162 = tpu.memref_slice %arg10[%add3A_19, %dma_start3A_161] : memref<10240x128xf32, #tpu.memory_space<vmem_shared>> -> memref<128x128xf32, #tpu.memory_space<vmem_shared>>
      %dma_start3A_163 = arith.constant 0 : i32
      %dma_start3A_164 = tpu.memref_slice %arg10[%add3A_19, %dma_start3A_163] : memref<10240x128xf32, #tpu.memory_space<vmem_shared>> -> memref<128x128xf32, #tpu.memory_space<vmem_shared>>
      tpu.enqueue_dma source(%arg8 : memref<128x128xf32, #tpu.memory_space<vmem>>) target(%dma_start3A_164 : memref<128x128xf32, #tpu.memory_space<vmem_shared>>) target_semaphore(%run_scoped3A : memref<!tpu.dma_semaphore, #tpu.memory_space<semaphore_mem>>)
      %dma_wait3A_165 = arith.constant 0 : i32
      %dma_wait3A_166 = tpu.memref_slice %arg10[%add3A_19, %dma_wait3A_165] : memref<10240x128xf32, #tpu.memory_space<vmem_shared>> -> memref<128x128xf32, #tpu.memory_space<vmem_shared>>
      %dma_wait3A_167 = arith.constant 0 : i32
      %dma_wait3A_168 = tpu.memref_slice %arg10[%add3A_19, %dma_wait3A_167] : memref<10240x128xf32, #tpu.memory_space<vmem_shared>> -> memref<128x128xf32, #tpu.memory_space<vmem_shared>>
      tpu.wait_dma2 semaphore(%run_scoped3A : memref<!tpu.dma_semaphore, #tpu.memory_space<semaphore_mem>>) src(%arg8 : memref<128x128xf32, #tpu.memory_space<vmem>>) dst(%dma_wait3A_168 : memref<128x128xf32, #tpu.memory_space<vmem_shared>>)
      tpu.yield
    }) : () -> ()
    %barrier3A = arith.constant 0 : index
    tpu.barrier barrier_id(%barrier3A)
    %add3A_20 = arith.constant 0 : i32
    %add3A_21 = arith.addi %mul3A_2, %add3A_20 : i32
    "tpu.region"() ({
      %run_scoped3A = tpu.sem_alloc : memref<!tpu.dma_semaphore, #tpu.memory_space<semaphore_mem>>
      %dma_start3A_161 = arith.constant 0 : i32
      %dma_start3A_162 = tpu.memref_slice %arg3[%add3A_21, %dma_start3A_161] : memref<2560x128xi32, #tpu.memory_space<hbm>> -> memref<40x128xi32, #tpu.memory_space<hbm>>
      %dma_start3A_163 = arith.constant 0 : i32
      %dma_start3A_164 = tpu.memref_slice %arg3[%add3A_21, %dma_start3A_163] : memref<2560x128xi32, #tpu.memory_space<hbm>> -> memref<40x128xi32, #tpu.memory_space<hbm>>
      tpu.enqueue_dma source(%dma_start3A_164 : memref<40x128xi32, #tpu.memory_space<hbm>>) target(%arg6 : memref<40x128xi32, #tpu.memory_space<vmem>>) target_semaphore(%run_scoped3A : memref<!tpu.dma_semaphore, #tpu.memory_space<semaphore_mem>>)
      %dma_wait3A_165 = arith.constant 0 : i32
      %dma_wait3A_166 = tpu.memref_slice %arg3[%add3A_21, %dma_wait3A_165] : memref<2560x128xi32, #tpu.memory_space<hbm>> -> memref<40x128xi32, #tpu.memory_space<hbm>>
      %dma_wait3A_167 = arith.constant 0 : i32
      %dma_wait3A_168 = tpu.memref_slice %arg3[%add3A_21, %dma_wait3A_167] : memref<2560x128xi32, #tpu.memory_space<hbm>> -> memref<40x128xi32, #tpu.memory_space<hbm>>
      tpu.wait_dma2 semaphore(%run_scoped3A : memref<!tpu.dma_semaphore, #tpu.memory_space<semaphore_mem>>) src(%dma_wait3A_168 : memref<40x128xi32, #tpu.memory_space<hbm>>) dst(%arg6 : memref<40x128xi32, #tpu.memory_space<vmem>>)
      tpu.yield
    }) : () -> ()
    %add3A_22 = arith.constant 0 : i32
    %add3A_23 = arith.addi %mul3A_2, %add3A_22 : i32
    "tpu.region"() ({
      %run_scoped3A = tpu.sem_alloc : memref<!tpu.dma_semaphore, #tpu.memory_space<semaphore_mem>>
      %dma_start3A_161 = arith.constant 0 : i32
      %dma_start3A_162 = tpu.memref_slice %arg4[%add3A_23, %dma_start3A_161] : memref<2560x128xi32, #tpu.memory_space<hbm>> -> memref<40x128xi32, #tpu.memory_space<hbm>>
      %dma_start3A_163 = arith.constant 0 : i32
      %dma_start3A_164 = tpu.memref_slice %arg4[%add3A_23, %dma_start3A_163] : memref<2560x128xi32, #tpu.memory_space<hbm>> -> memref<40x128xi32, #tpu.memory_space<hbm>>
      tpu.enqueue_dma source(%dma_start3A_164 : memref<40x128xi32, #tpu.memory_space<hbm>>) target(%arg7 : memref<40x128xi32, #tpu.memory_space<vmem>>) target_semaphore(%run_scoped3A : memref<!tpu.dma_semaphore, #tpu.memory_space<semaphore_mem>>)
      %dma_wait3A_165 = arith.constant 0 : i32
      %dma_wait3A_166 = tpu.memref_slice %arg4[%add3A_23, %dma_wait3A_165] : memref<2560x128xi32, #tpu.memory_space<hbm>> -> memref<40x128xi32, #tpu.memory_space<hbm>>
      %dma_wait3A_167 = arith.constant 0 : i32
      %dma_wait3A_168 = tpu.memref_slice %arg4[%add3A_23, %dma_wait3A_167] : memref<2560x128xi32, #tpu.memory_space<hbm>> -> memref<40x128xi32, #tpu.memory_space<hbm>>
      tpu.wait_dma2 semaphore(%run_scoped3A : memref<!tpu.dma_semaphore, #tpu.memory_space<semaphore_mem>>) src(%dma_wait3A_168 : memref<40x128xi32, #tpu.memory_space<hbm>>) dst(%arg7 : memref<40x128xi32, #tpu.memory_space<vmem>>)
      tpu.yield
    }) : () -> ()
    %dma_start3A = arith.constant 0 : i32
    %dma_start3A_24 = arith.constant 0 : i32
    %dma_start3A_25 = tpu.memref_slice %arg6[%dma_start3A, %dma_start3A_24] : memref<40x128xi32, #tpu.memory_space<vmem>> -> memref<1x128xi32, #tpu.memory_space<vmem>>
    %dma_start3A_26 = tpu.memref_squeeze %dma_start3A_25 : memref<1x128xi32, #tpu.memory_space<vmem>> -> memref<128xi32, #tpu.memory_space<vmem>>
    %dma_start3A_27 = arith.constant 0 : i32
    %dma_start3A_28 = arith.constant 0 : i32
    %dma_start3A_29 = tpu.memref_slice %arg2[%dma_start3A_27, %dma_start3A_28] : memref<10000x128xf32, #tpu.memory_space<hbm>> -> memref<10000x128xf32, #tpu.memory_space<hbm>>
    tpu.enqueue_indirect_dma source(%dma_start3A_29 : memref<10000x128xf32, #tpu.memory_space<hbm>>) target(%arg8 : memref<128x128xf32, #tpu.memory_space<vmem>>) offsets(%dma_start3A_26 : memref<128xi32, #tpu.memory_space<vmem>>) semaphore(%arg11 : memref<!tpu.dma_semaphore, #tpu.memory_space<semaphore_mem>>)
    %dma_wait3A = arith.constant 0 : i32
    %dma_wait3A_30 = arith.constant 0 : i32
    %dma_wait3A_31 = tpu.memref_slice %arg6[%dma_wait3A, %dma_wait3A_30] : memref<40x128xi32, #tpu.memory_space<vmem>> -> memref<1x128xi32, #tpu.memory_space<vmem>>
    %dma_wait3A_32 = tpu.memref_squeeze %dma_wait3A_31 : memref<1x128xi32, #tpu.memory_space<vmem>> -> memref<128xi32, #tpu.memory_space<vmem>>
    %dma_wait3A_33 = arith.constant 0 : i32
    %dma_wait3A_34 = arith.constant 0 : i32
    %dma_wait3A_35 = tpu.memref_slice %arg2[%dma_wait3A_33, %dma_wait3A_34] : memref<10000x128xf32, #tpu.memory_space<hbm>> -> memref<10000x128xf32, #tpu.memory_space<hbm>>
    tpu.wait_indirect_dma semaphore(%arg11 : memref<!tpu.dma_semaphore, #tpu.memory_space<semaphore_mem>>) src(%dma_wait3A_35 : memref<10000x128xf32, #tpu.memory_space<hbm>>) dst(%arg8 : memref<128x128xf32, #tpu.memory_space<vmem>>)
    %dma_start3A_36 = arith.constant 0 : i32
    %dma_start3A_37 = arith.constant 0 : i32
    %dma_start3A_38 = tpu.memref_slice %arg7[%dma_start3A_36, %dma_start3A_37] : memref<40x128xi32, #tpu.memory_space<vmem>> -> memref<1x128xi32, #tpu.memory_space<vmem>>
    %dma_start3A_39 = tpu.memref_squeeze %dma_start3A_38 : memref<1x128xi32, #tpu.memory_space<vmem>> -> memref<128xi32, #tpu.memory_space<vmem>>
    %dma_start3A_40 = arith.constant 0 : i32
    %dma_start3A_41 = arith.constant 0 : i32
    %dma_start3A_42 = tpu.memref_slice %arg10[%dma_start3A_40, %dma_start3A_41] : memref<10240x128xf32, #tpu.memory_space<vmem_shared>> -> memref<10240x128xf32, #tpu.memory_space<vmem_shared>>
    tpu.enqueue_indirect_dma source(%arg8 : memref<128x128xf32, #tpu.memory_space<vmem>>) target(%dma_start3A_42 : memref<10240x128xf32, #tpu.memory_space<vmem_shared>>) offsets(%dma_start3A_39 : memref<128xi32, #tpu.memory_space<vmem>>) semaphore(%arg13 : memref<!tpu.dma_semaphore, #tpu.memory_space<semaphore_mem>>) {add = true}
    %dma_start3A_43 = arith.constant 1 : i32
    %dma_start3A_44 = arith.constant 0 : i32
    %dma_start3A_45 = tpu.memref_slice %arg6[%dma_start3A_43, %dma_start3A_44] : memref<40x128xi32, #tpu.memory_space<vmem>> -> memref<1x128xi32, #tpu.memory_space<vmem>>
    %dma_start3A_46 = tpu.memref_squeeze %dma_start3A_45 : memref<1x128xi32, #tpu.memory_space<vmem>> -> memref<128xi32, #tpu.memory_space<vmem>>
    %dma_start3A_47 = arith.constant 0 : i32
    %dma_start3A_48 = arith.constant 0 : i32
    %dma_start3A_49 = tpu.memref_slice %arg2[%dma_start3A_47, %dma_start3A_48] : memref<10000x128xf32, #tpu.memory_space<hbm>> -> memref<10000x128xf32, #tpu.memory_space<hbm>>
    tpu.enqueue_indirect_dma source(%dma_start3A_49 : memref<10000x128xf32, #tpu.memory_space<hbm>>) target(%arg9 : memref<128x128xf32, #tpu.memory_space<vmem>>) offsets(%dma_start3A_46 : memref<128xi32, #tpu.memory_space<vmem>>) semaphore(%arg12 : memref<!tpu.dma_semaphore, #tpu.memory_space<semaphore_mem>>)
    %scan3A_50 = arith.constant 0 : i32
    %scan3A_51 = arith.constant 0 : i32
    %scan3A_52 = arith.constant 19 : i32
    %scan3A_53 = arith.addi %scan3A_51, %scan3A_52 : i32
    %scan3A_54 = arith.constant 1 : i32
    scf.for %scan3A_161 = %scan3A_51 to %scan3A_53 step %scan3A_54  : i32 {
      %mul3A_162 = arith.constant 2 : i32
      %mul3A_163 = arith.muli %mul3A_162, %scan3A_161 : i32
      %add3A_164 = arith.constant 1 : i32
      %add3A_165 = arith.addi %mul3A_163, %add3A_164 : i32
      %dma_wait3A_166 = arith.constant 0 : i32
      %dma_wait3A_167 = tpu.memref_slice %arg6[%add3A_165, %dma_wait3A_166] : memref<40x128xi32, #tpu.memory_space<vmem>> -> memref<1x128xi32, #tpu.memory_space<vmem>>
      %dma_wait3A_168 = tpu.memref_squeeze %dma_wait3A_167 : memref<1x128xi32, #tpu.memory_space<vmem>> -> memref<128xi32, #tpu.memory_space<vmem>>
      %dma_wait3A_169 = arith.constant 0 : i32
      %dma_wait3A_170 = arith.constant 0 : i32
      %dma_wait3A_171 = tpu.memref_slice %arg2[%dma_wait3A_169, %dma_wait3A_170] : memref<10000x128xf32, #tpu.memory_space<hbm>> -> memref<10000x128xf32, #tpu.memory_space<hbm>>
      tpu.wait_indirect_dma semaphore(%arg12 : memref<!tpu.dma_semaphore, #tpu.memory_space<semaphore_mem>>) src(%dma_wait3A_171 : memref<10000x128xf32, #tpu.memory_space<hbm>>) dst(%arg9 : memref<128x128xf32, #tpu.memory_space<vmem>>)
      %sub3A = arith.constant 1 : i32
      %sub3A_172 = arith.subi %add3A_165, %sub3A : i32
      %dma_wait3A_173 = arith.constant 0 : i32
      %dma_wait3A_174 = tpu.memref_slice %arg7[%sub3A_172, %dma_wait3A_173] : memref<40x128xi32, #tpu.memory_space<vmem>> -> memref<1x128xi32, #tpu.memory_space<vmem>>
      %dma_wait3A_175 = tpu.memref_squeeze %dma_wait3A_174 : memref<1x128xi32, #tpu.memory_space<vmem>> -> memref<128xi32, #tpu.memory_space<vmem>>
      %dma_wait3A_176 = arith.constant 0 : i32
      %dma_wait3A_177 = arith.constant 0 : i32
      %dma_wait3A_178 = tpu.memref_slice %arg10[%dma_wait3A_176, %dma_wait3A_177] : memref<10240x128xf32, #tpu.memory_space<vmem_shared>> -> memref<10240x128xf32, #tpu.memory_space<vmem_shared>>
      tpu.wait_indirect_dma semaphore(%arg13 : memref<!tpu.dma_semaphore, #tpu.memory_space<semaphore_mem>>) src(%arg8 : memref<128x128xf32, #tpu.memory_space<vmem>>) dst(%dma_wait3A_178 : memref<10240x128xf32, #tpu.memory_space<vmem_shared>>)
      %dma_start3A_179 = arith.constant 0 : i32
      %dma_start3A_180 = tpu.memref_slice %arg7[%add3A_165, %dma_start3A_179] : memref<40x128xi32, #tpu.memory_space<vmem>> -> memref<1x128xi32, #tpu.memory_space<vmem>>
      %dma_start3A_181 = tpu.memref_squeeze %dma_start3A_180 : memref<1x128xi32, #tpu.memory_space<vmem>> -> memref<128xi32, #tpu.memory_space<vmem>>
      %dma_start3A_182 = arith.constant 0 : i32
      %dma_start3A_183 = arith.constant 0 : i32
      %dma_start3A_184 = tpu.memref_slice %arg10[%dma_start3A_182, %dma_start3A_183] : memref<10240x128xf32, #tpu.memory_space<vmem_shared>> -> memref<10240x128xf32, #tpu.memory_space<vmem_shared>>
      tpu.enqueue_indirect_dma source(%arg9 : memref<128x128xf32, #tpu.memory_space<vmem>>) target(%dma_start3A_184 : memref<10240x128xf32, #tpu.memory_space<vmem_shared>>) offsets(%dma_start3A_181 : memref<128xi32, #tpu.memory_space<vmem>>) semaphore(%arg14 : memref<!tpu.dma_semaphore, #tpu.memory_space<semaphore_mem>>) {add = true}
      %add3A_185 = arith.constant 1 : i32
      %add3A_186 = arith.addi %add3A_165, %add3A_185 : i32
      %dma_start3A_187 = arith.constant 0 : i32
      %dma_start3A_188 = tpu.memref_slice %arg6[%add3A_186, %dma_start3A_187] : memref<40x128xi32, #tpu.memory_space<vmem>> -> memref<1x128xi32, #tpu.memory_space<vmem>>
      %dma_start3A_189 = tpu.memref_squeeze %dma_start3A_188 : memref<1x128xi32, #tpu.memory_space<vmem>> -> memref<128xi32, #tpu.memory_space<vmem>>
      %dma_start3A_190 = arith.constant 0 : i32
      %dma_start3A_191 = arith.constant 0 : i32
      %dma_start3A_192 = tpu.memref_slice %arg2[%dma_start3A_190, %dma_start3A_191] : memref<10000x128xf32, #tpu.memory_space<hbm>> -> memref<10000x128xf32, #tpu.memory_space<hbm>>
      tpu.enqueue_indirect_dma source(%dma_start3A_192 : memref<10000x128xf32, #tpu.memory_space<hbm>>) target(%arg8 : memref<128x128xf32, #tpu.memory_space<vmem>>) offsets(%dma_start3A_189 : memref<128xi32, #tpu.memory_space<vmem>>) semaphore(%arg11 : memref<!tpu.dma_semaphore, #tpu.memory_space<semaphore_mem>>)
      %mul3A_193 = arith.constant 2 : i32
      %mul3A_194 = arith.muli %mul3A_193, %scan3A_161 : i32
      %add3A_195 = arith.constant 2 : i32
      %add3A_196 = arith.addi %mul3A_194, %add3A_195 : i32
      %dma_wait3A_197 = arith.constant 0 : i32
      %dma_wait3A_198 = tpu.memref_slice %arg6[%add3A_196, %dma_wait3A_197] : memref<40x128xi32, #tpu.memory_space<vmem>> -> memref<1x128xi32, #tpu.memory_space<vmem>>
      %dma_wait3A_199 = tpu.memref_squeeze %dma_wait3A_198 : memref<1x128xi32, #tpu.memory_space<vmem>> -> memref<128xi32, #tpu.memory_space<vmem>>
      %dma_wait3A_200 = arith.constant 0 : i32
      %dma_wait3A_201 = arith.constant 0 : i32
      %dma_wait3A_202 = tpu.memref_slice %arg2[%dma_wait3A_200, %dma_wait3A_201] : memref<10000x128xf32, #tpu.memory_space<hbm>> -> memref<10000x128xf32, #tpu.memory_space<hbm>>
      tpu.wait_indirect_dma semaphore(%arg11 : memref<!tpu.dma_semaphore, #tpu.memory_space<semaphore_mem>>) src(%dma_wait3A_202 : memref<10000x128xf32, #tpu.memory_space<hbm>>) dst(%arg8 : memref<128x128xf32, #tpu.memory_space<vmem>>)
      %sub3A_203 = arith.constant 1 : i32
      %sub3A_204 = arith.subi %add3A_196, %sub3A_203 : i32
      %dma_wait3A_205 = arith.constant 0 : i32
      %dma_wait3A_206 = tpu.memref_slice %arg7[%sub3A_204, %dma_wait3A_205] : memref<40x128xi32, #tpu.memory_space<vmem>> -> memref<1x128xi32, #tpu.memory_space<vmem>>
      %dma_wait3A_207 = tpu.memref_squeeze %dma_wait3A_206 : memref<1x128xi32, #tpu.memory_space<vmem>> -> memref<128xi32, #tpu.memory_space<vmem>>
      %dma_wait3A_208 = arith.constant 0 : i32
      %dma_wait3A_209 = arith.constant 0 : i32
      %dma_wait3A_210 = tpu.memref_slice %arg10[%dma_wait3A_208, %dma_wait3A_209] : memref<10240x128xf32, #tpu.memory_space<vmem_shared>> -> memref<10240x128xf32, #tpu.memory_space<vmem_shared>>
      tpu.wait_indirect_dma semaphore(%arg14 : memref<!tpu.dma_semaphore, #tpu.memory_space<semaphore_mem>>) src(%arg9 : memref<128x128xf32, #tpu.memory_space<vmem>>) dst(%dma_wait3A_210 : memref<10240x128xf32, #tpu.memory_space<vmem_shared>>)
      %dma_start3A_211 = arith.constant 0 : i32
      %dma_start3A_212 = tpu.memref_slice %arg7[%add3A_196, %dma_start3A_211] : memref<40x128xi32, #tpu.memory_space<vmem>> -> memref<1x128xi32, #tpu.memory_space<vmem>>
      %dma_start3A_213 = tpu.memref_squeeze %dma_start3A_212 : memref<1x128xi32, #tpu.memory_space<vmem>> -> memref<128xi32, #tpu.memory_space<vmem>>
      %dma_start3A_214 = arith.constant 0 : i32
      %dma_start3A_215 = arith.constant 0 : i32
      %dma_start3A_216 = tpu.memref_slice %arg10[%dma_start3A_214, %dma_start3A_215] : memref<10240x128xf32, #tpu.memory_space<vmem_shared>> -> memref<10240x128xf32, #tpu.memory_space<vmem_shared>>
      tpu.enqueue_indirect_dma source(%arg8 : memref<128x128xf32, #tpu.memory_space<vmem>>) target(%dma_start3A_216 : memref<10240x128xf32, #tpu.memory_space<vmem_shared>>) offsets(%dma_start3A_213 : memref<128xi32, #tpu.memory_space<vmem>>) semaphore(%arg13 : memref<!tpu.dma_semaphore, #tpu.memory_space<semaphore_mem>>) {add = true}
      %add3A_217 = arith.constant 1 : i32
      %add3A_218 = arith.addi %add3A_196, %add3A_217 : i32
      %dma_start3A_219 = arith.constant 0 : i32
      %dma_start3A_220 = tpu.memref_slice %arg6[%add3A_218, %dma_start3A_219] : memref<40x128xi32, #tpu.memory_space<vmem>> -> memref<1x128xi32, #tpu.memory_space<vmem>>
      %dma_start3A_221 = tpu.memref_squeeze %dma_start3A_220 : memref<1x128xi32, #tpu.memory_space<vmem>> -> memref<128xi32, #tpu.memory_space<vmem>>
      %dma_start3A_222 = arith.constant 0 : i32
      %dma_start3A_223 = arith.constant 0 : i32
      %dma_start3A_224 = tpu.memref_slice %arg2[%dma_start3A_222, %dma_start3A_223] : memref<10000x128xf32, #tpu.memory_space<hbm>> -> memref<10000x128xf32, #tpu.memory_space<hbm>>
      tpu.enqueue_indirect_dma source(%dma_start3A_224 : memref<10000x128xf32, #tpu.memory_space<hbm>>) target(%arg9 : memref<128x128xf32, #tpu.memory_space<vmem>>) offsets(%dma_start3A_221 : memref<128xi32, #tpu.memory_space<vmem>>) semaphore(%arg12 : memref<!tpu.dma_semaphore, #tpu.memory_space<semaphore_mem>>)
    }
    %scan3A_55 = arith.constant 19 : i32
    %dma_wait3A_56 = arith.constant 39 : i32
    %dma_wait3A_57 = arith.constant 0 : i32
    %dma_wait3A_58 = tpu.memref_slice %arg6[%dma_wait3A_56, %dma_wait3A_57] : memref<40x128xi32, #tpu.memory_space<vmem>> -> memref<1x128xi32, #tpu.memory_space<vmem>>
    %dma_wait3A_59 = tpu.memref_squeeze %dma_wait3A_58 : memref<1x128xi32, #tpu.memory_space<vmem>> -> memref<128xi32, #tpu.memory_space<vmem>>
    %dma_wait3A_60 = arith.constant 0 : i32
    %dma_wait3A_61 = arith.constant 0 : i32
    %dma_wait3A_62 = tpu.memref_slice %arg2[%dma_wait3A_60, %dma_wait3A_61] : memref<10000x128xf32, #tpu.memory_space<hbm>> -> memref<10000x128xf32, #tpu.memory_space<hbm>>
    tpu.wait_indirect_dma semaphore(%arg12 : memref<!tpu.dma_semaphore, #tpu.memory_space<semaphore_mem>>) src(%dma_wait3A_62 : memref<10000x128xf32, #tpu.memory_space<hbm>>) dst(%arg9 : memref<128x128xf32, #tpu.memory_space<vmem>>)
    %dma_wait3A_63 = arith.constant 38 : i32
    %dma_wait3A_64 = arith.constant 0 : i32
    %dma_wait3A_65 = tpu.memref_slice %arg7[%dma_wait3A_63, %dma_wait3A_64] : memref<40x128xi32, #tpu.memory_space<vmem>> -> memref<1x128xi32, #tpu.memory_space<vmem>>
    %dma_wait3A_66 = tpu.memref_squeeze %dma_wait3A_65 : memref<1x128xi32, #tpu.memory_space<vmem>> -> memref<128xi32, #tpu.memory_space<vmem>>
    %dma_wait3A_67 = arith.constant 0 : i32
    %dma_wait3A_68 = arith.constant 0 : i32
    %dma_wait3A_69 = tpu.memref_slice %arg10[%dma_wait3A_67, %dma_wait3A_68] : memref<10240x128xf32, #tpu.memory_space<vmem_shared>> -> memref<10240x128xf32, #tpu.memory_space<vmem_shared>>
    tpu.wait_indirect_dma semaphore(%arg13 : memref<!tpu.dma_semaphore, #tpu.memory_space<semaphore_mem>>) src(%arg8 : memref<128x128xf32, #tpu.memory_space<vmem>>) dst(%dma_wait3A_69 : memref<10240x128xf32, #tpu.memory_space<vmem_shared>>)
    %dma_start3A_70 = arith.constant 39 : i32
    %dma_start3A_71 = arith.constant 0 : i32
    %dma_start3A_72 = tpu.memref_slice %arg7[%dma_start3A_70, %dma_start3A_71] : memref<40x128xi32, #tpu.memory_space<vmem>> -> memref<1x128xi32, #tpu.memory_space<vmem>>
    %dma_start3A_73 = tpu.memref_squeeze %dma_start3A_72 : memref<1x128xi32, #tpu.memory_space<vmem>> -> memref<128xi32, #tpu.memory_space<vmem>>
    %dma_start3A_74 = arith.constant 0 : i32
    %dma_start3A_75 = arith.constant 0 : i32
    %dma_start3A_76 = tpu.memref_slice %arg10[%dma_start3A_74, %dma_start3A_75] : memref<10240x128xf32, #tpu.memory_space<vmem_shared>> -> memref<10240x128xf32, #tpu.memory_space<vmem_shared>>
    tpu.enqueue_indirect_dma source(%arg9 : memref<128x128xf32, #tpu.memory_space<vmem>>) target(%dma_start3A_76 : memref<10240x128xf32, #tpu.memory_space<vmem_shared>>) offsets(%dma_start3A_73 : memref<128xi32, #tpu.memory_space<vmem>>) semaphore(%arg14 : memref<!tpu.dma_semaphore, #tpu.memory_space<semaphore_mem>>) {add = true}
    %dma_wait3A_77 = arith.constant 39 : i32
    %dma_wait3A_78 = arith.constant 0 : i32
    %dma_wait3A_79 = tpu.memref_slice %arg7[%dma_wait3A_77, %dma_wait3A_78] : memref<40x128xi32, #tpu.memory_space<vmem>> -> memref<1x128xi32, #tpu.memory_space<vmem>>
    %dma_wait3A_80 = tpu.memref_squeeze %dma_wait3A_79 : memref<1x128xi32, #tpu.memory_space<vmem>> -> memref<128xi32, #tpu.memory_space<vmem>>
    %dma_wait3A_81 = arith.constant 0 : i32
    %dma_wait3A_82 = arith.constant 0 : i32
    %dma_wait3A_83 = tpu.memref_slice %arg10[%dma_wait3A_81, %dma_wait3A_82] : memref<10240x128xf32, #tpu.memory_space<vmem_shared>> -> memref<10240x128xf32, #tpu.memory_space<vmem_shared>>
    tpu.wait_indirect_dma semaphore(%arg14 : memref<!tpu.dma_semaphore, #tpu.memory_space<semaphore_mem>>) src(%arg9 : memref<128x128xf32, #tpu.memory_space<vmem>>) dst(%dma_wait3A_83 : memref<10240x128xf32, #tpu.memory_space<vmem_shared>>)
    %add3A_84 = arith.constant 40 : i32
    %add3A_85 = arith.addi %mul3A_2, %add3A_84 : i32
    "tpu.region"() ({
      %run_scoped3A = tpu.sem_alloc : memref<!tpu.dma_semaphore, #tpu.memory_space<semaphore_mem>>
      %dma_start3A_161 = arith.constant 0 : i32
      %dma_start3A_162 = tpu.memref_slice %arg3[%add3A_85, %dma_start3A_161] : memref<2560x128xi32, #tpu.memory_space<hbm>> -> memref<40x128xi32, #tpu.memory_space<hbm>>
      %dma_start3A_163 = arith.constant 0 : i32
      %dma_start3A_164 = tpu.memref_slice %arg3[%add3A_85, %dma_start3A_163] : memref<2560x128xi32, #tpu.memory_space<hbm>> -> memref<40x128xi32, #tpu.memory_space<hbm>>
      tpu.enqueue_dma source(%dma_start3A_164 : memref<40x128xi32, #tpu.memory_space<hbm>>) target(%arg6 : memref<40x128xi32, #tpu.memory_space<vmem>>) target_semaphore(%run_scoped3A : memref<!tpu.dma_semaphore, #tpu.memory_space<semaphore_mem>>)
      %dma_wait3A_165 = arith.constant 0 : i32
      %dma_wait3A_166 = tpu.memref_slice %arg3[%add3A_85, %dma_wait3A_165] : memref<2560x128xi32, #tpu.memory_space<hbm>> -> memref<40x128xi32, #tpu.memory_space<hbm>>
      %dma_wait3A_167 = arith.constant 0 : i32
      %dma_wait3A_168 = tpu.memref_slice %arg3[%add3A_85, %dma_wait3A_167] : memref<2560x128xi32, #tpu.memory_space<hbm>> -> memref<40x128xi32, #tpu.memory_space<hbm>>
      tpu.wait_dma2 semaphore(%run_scoped3A : memref<!tpu.dma_semaphore, #tpu.memory_space<semaphore_mem>>) src(%dma_wait3A_168 : memref<40x128xi32, #tpu.memory_space<hbm>>) dst(%arg6 : memref<40x128xi32, #tpu.memory_space<vmem>>)
      tpu.yield
    }) : () -> ()
    %add3A_86 = arith.constant 40 : i32
    %add3A_87 = arith.addi %mul3A_2, %add3A_86 : i32
    "tpu.region"() ({
      %run_scoped3A = tpu.sem_alloc : memref<!tpu.dma_semaphore, #tpu.memory_space<semaphore_mem>>
      %dma_start3A_161 = arith.constant 0 : i32
      %dma_start3A_162 = tpu.memref_slice %arg4[%add3A_87, %dma_start3A_161] : memref<2560x128xi32, #tpu.memory_space<hbm>> -> memref<40x128xi32, #tpu.memory_space<hbm>>
      %dma_start3A_163 = arith.constant 0 : i32
      %dma_start3A_164 = tpu.memref_slice %arg4[%add3A_87, %dma_start3A_163] : memref<2560x128xi32, #tpu.memory_space<hbm>> -> memref<40x128xi32, #tpu.memory_space<hbm>>
      tpu.enqueue_dma source(%dma_start3A_164 : memref<40x128xi32, #tpu.memory_space<hbm>>) target(%arg7 : memref<40x128xi32, #tpu.memory_space<vmem>>) target_semaphore(%run_scoped3A : memref<!tpu.dma_semaphore, #tpu.memory_space<semaphore_mem>>)
      %dma_wait3A_165 = arith.constant 0 : i32
      %dma_wait3A_166 = tpu.memref_slice %arg4[%add3A_87, %dma_wait3A_165] : memref<2560x128xi32, #tpu.memory_space<hbm>> -> memref<40x128xi32, #tpu.memory_space<hbm>>
      %dma_wait3A_167 = arith.constant 0 : i32
      %dma_wait3A_168 = tpu.memref_slice %arg4[%add3A_87, %dma_wait3A_167] : memref<2560x128xi32, #tpu.memory_space<hbm>> -> memref<40x128xi32, #tpu.memory_space<hbm>>
      tpu.wait_dma2 semaphore(%run_scoped3A : memref<!tpu.dma_semaphore, #tpu.memory_space<semaphore_mem>>) src(%dma_wait3A_168 : memref<40x128xi32, #tpu.memory_space<hbm>>) dst(%arg7 : memref<40x128xi32, #tpu.memory_space<vmem>>)
      tpu.yield
    }) : () -> ()
    %dma_start3A_88 = arith.constant 0 : i32
    %dma_start3A_89 = arith.constant 0 : i32
    %dma_start3A_90 = tpu.memref_slice %arg6[%dma_start3A_88, %dma_start3A_89] : memref<40x128xi32, #tpu.memory_space<vmem>> -> memref<1x128xi32, #tpu.memory_space<vmem>>
    %dma_start3A_91 = tpu.memref_squeeze %dma_start3A_90 : memref<1x128xi32, #tpu.memory_space<vmem>> -> memref<128xi32, #tpu.memory_space<vmem>>
    %dma_start3A_92 = arith.constant 0 : i32
    %dma_start3A_93 = arith.constant 0 : i32
    %dma_start3A_94 = tpu.memref_slice %arg2[%dma_start3A_92, %dma_start3A_93] : memref<10000x128xf32, #tpu.memory_space<hbm>> -> memref<10000x128xf32, #tpu.memory_space<hbm>>
    tpu.enqueue_indirect_dma source(%dma_start3A_94 : memref<10000x128xf32, #tpu.memory_space<hbm>>) target(%arg8 : memref<128x128xf32, #tpu.memory_space<vmem>>) offsets(%dma_start3A_91 : memref<128xi32, #tpu.memory_space<vmem>>) semaphore(%arg11 : memref<!tpu.dma_semaphore, #tpu.memory_space<semaphore_mem>>)
    %dma_wait3A_95 = arith.constant 0 : i32
    %dma_wait3A_96 = arith.constant 0 : i32
    %dma_wait3A_97 = tpu.memref_slice %arg6[%dma_wait3A_95, %dma_wait3A_96] : memref<40x128xi32, #tpu.memory_space<vmem>> -> memref<1x128xi32, #tpu.memory_space<vmem>>
    %dma_wait3A_98 = tpu.memref_squeeze %dma_wait3A_97 : memref<1x128xi32, #tpu.memory_space<vmem>> -> memref<128xi32, #tpu.memory_space<vmem>>
    %dma_wait3A_99 = arith.constant 0 : i32
    %dma_wait3A_100 = arith.constant 0 : i32
    %dma_wait3A_101 = tpu.memref_slice %arg2[%dma_wait3A_99, %dma_wait3A_100] : memref<10000x128xf32, #tpu.memory_space<hbm>> -> memref<10000x128xf32, #tpu.memory_space<hbm>>
    tpu.wait_indirect_dma semaphore(%arg11 : memref<!tpu.dma_semaphore, #tpu.memory_space<semaphore_mem>>) src(%dma_wait3A_101 : memref<10000x128xf32, #tpu.memory_space<hbm>>) dst(%arg8 : memref<128x128xf32, #tpu.memory_space<vmem>>)
    %dma_start3A_102 = arith.constant 0 : i32
    %dma_start3A_103 = arith.constant 0 : i32
    %dma_start3A_104 = tpu.memref_slice %arg7[%dma_start3A_102, %dma_start3A_103] : memref<40x128xi32, #tpu.memory_space<vmem>> -> memref<1x128xi32, #tpu.memory_space<vmem>>
    %dma_start3A_105 = tpu.memref_squeeze %dma_start3A_104 : memref<1x128xi32, #tpu.memory_space<vmem>> -> memref<128xi32, #tpu.memory_space<vmem>>
    %dma_start3A_106 = arith.constant 0 : i32
    %dma_start3A_107 = arith.constant 0 : i32
    %dma_start3A_108 = tpu.memref_slice %arg10[%dma_start3A_106, %dma_start3A_107] : memref<10240x128xf32, #tpu.memory_space<vmem_shared>> -> memref<10240x128xf32, #tpu.memory_space<vmem_shared>>
    tpu.enqueue_indirect_dma source(%arg8 : memref<128x128xf32, #tpu.memory_space<vmem>>) target(%dma_start3A_108 : memref<10240x128xf32, #tpu.memory_space<vmem_shared>>) offsets(%dma_start3A_105 : memref<128xi32, #tpu.memory_space<vmem>>) semaphore(%arg13 : memref<!tpu.dma_semaphore, #tpu.memory_space<semaphore_mem>>) {add = true}
    %dma_start3A_109 = arith.constant 1 : i32
    %dma_start3A_110 = arith.constant 0 : i32
    %dma_start3A_111 = tpu.memref_slice %arg6[%dma_start3A_109, %dma_start3A_110] : memref<40x128xi32, #tpu.memory_space<vmem>> -> memref<1x128xi32, #tpu.memory_space<vmem>>
    %dma_start3A_112 = tpu.memref_squeeze %dma_start3A_111 : memref<1x128xi32, #tpu.memory_space<vmem>> -> memref<128xi32, #tpu.memory_space<vmem>>
    %dma_start3A_113 = arith.constant 0 : i32
    %dma_start3A_114 = arith.constant 0 : i32
    %dma_start3A_115 = tpu.memref_slice %arg2[%dma_start3A_113, %dma_start3A_114] : memref<10000x128xf32, #tpu.memory_space<hbm>> -> memref<10000x128xf32, #tpu.memory_space<hbm>>
    tpu.enqueue_indirect_dma source(%dma_start3A_115 : memref<10000x128xf32, #tpu.memory_space<hbm>>) target(%arg9 : memref<128x128xf32, #tpu.memory_space<vmem>>) offsets(%dma_start3A_112 : memref<128xi32, #tpu.memory_space<vmem>>) semaphore(%arg12 : memref<!tpu.dma_semaphore, #tpu.memory_space<semaphore_mem>>)
    %scan3A_116 = arith.constant 0 : i32
    %scan3A_117 = arith.constant 0 : i32
    %scan3A_118 = arith.constant 19 : i32
    %scan3A_119 = arith.addi %scan3A_117, %scan3A_118 : i32
    %scan3A_120 = arith.constant 1 : i32
    scf.for %scan3A_161 = %scan3A_117 to %scan3A_119 step %scan3A_120  : i32 {
      %mul3A_162 = arith.constant 2 : i32
      %mul3A_163 = arith.muli %mul3A_162, %scan3A_161 : i32
      %add3A_164 = arith.constant 1 : i32
      %add3A_165 = arith.addi %mul3A_163, %add3A_164 : i32
      %dma_wait3A_166 = arith.constant 0 : i32
      %dma_wait3A_167 = tpu.memref_slice %arg6[%add3A_165, %dma_wait3A_166] : memref<40x128xi32, #tpu.memory_space<vmem>> -> memref<1x128xi32, #tpu.memory_space<vmem>>
      %dma_wait3A_168 = tpu.memref_squeeze %dma_wait3A_167 : memref<1x128xi32, #tpu.memory_space<vmem>> -> memref<128xi32, #tpu.memory_space<vmem>>
      %dma_wait3A_169 = arith.constant 0 : i32
      %dma_wait3A_170 = arith.constant 0 : i32
      %dma_wait3A_171 = tpu.memref_slice %arg2[%dma_wait3A_169, %dma_wait3A_170] : memref<10000x128xf32, #tpu.memory_space<hbm>> -> memref<10000x128xf32, #tpu.memory_space<hbm>>
      tpu.wait_indirect_dma semaphore(%arg12 : memref<!tpu.dma_semaphore, #tpu.memory_space<semaphore_mem>>) src(%dma_wait3A_171 : memref<10000x128xf32, #tpu.memory_space<hbm>>) dst(%arg9 : memref<128x128xf32, #tpu.memory_space<vmem>>)
      %sub3A = arith.constant 1 : i32
      %sub3A_172 = arith.subi %add3A_165, %sub3A : i32
      %dma_wait3A_173 = arith.constant 0 : i32
      %dma_wait3A_174 = tpu.memref_slice %arg7[%sub3A_172, %dma_wait3A_173] : memref<40x128xi32, #tpu.memory_space<vmem>> -> memref<1x128xi32, #tpu.memory_space<vmem>>
      %dma_wait3A_175 = tpu.memref_squeeze %dma_wait3A_174 : memref<1x128xi32, #tpu.memory_space<vmem>> -> memref<128xi32, #tpu.memory_space<vmem>>
      %dma_wait3A_176 = arith.constant 0 : i32
      %dma_wait3A_177 = arith.constant 0 : i32
      %dma_wait3A_178 = tpu.memref_slice %arg10[%dma_wait3A_176, %dma_wait3A_177] : memref<10240x128xf32, #tpu.memory_space<vmem_shared>> -> memref<10240x128xf32, #tpu.memory_space<vmem_shared>>
      tpu.wait_indirect_dma semaphore(%arg13 : memref<!tpu.dma_semaphore, #tpu.memory_space<semaphore_mem>>) src(%arg8 : memref<128x128xf32, #tpu.memory_space<vmem>>) dst(%dma_wait3A_178 : memref<10240x128xf32, #tpu.memory_space<vmem_shared>>)
      %dma_start3A_179 = arith.constant 0 : i32
      %dma_start3A_180 = tpu.memref_slice %arg7[%add3A_165, %dma_start3A_179] : memref<40x128xi32, #tpu.memory_space<vmem>> -> memref<1x128xi32, #tpu.memory_space<vmem>>
      %dma_start3A_181 = tpu.memref_squeeze %dma_start3A_180 : memref<1x128xi32, #tpu.memory_space<vmem>> -> memref<128xi32, #tpu.memory_space<vmem>>
      %dma_start3A_182 = arith.constant 0 : i32
      %dma_start3A_183 = arith.constant 0 : i32
      %dma_start3A_184 = tpu.memref_slice %arg10[%dma_start3A_182, %dma_start3A_183] : memref<10240x128xf32, #tpu.memory_space<vmem_shared>> -> memref<10240x128xf32, #tpu.memory_space<vmem_shared>>
      tpu.enqueue_indirect_dma source(%arg9 : memref<128x128xf32, #tpu.memory_space<vmem>>) target(%dma_start3A_184 : memref<10240x128xf32, #tpu.memory_space<vmem_shared>>) offsets(%dma_start3A_181 : memref<128xi32, #tpu.memory_space<vmem>>) semaphore(%arg14 : memref<!tpu.dma_semaphore, #tpu.memory_space<semaphore_mem>>) {add = true}
      %add3A_185 = arith.constant 1 : i32
      %add3A_186 = arith.addi %add3A_165, %add3A_185 : i32
      %dma_start3A_187 = arith.constant 0 : i32
      %dma_start3A_188 = tpu.memref_slice %arg6[%add3A_186, %dma_start3A_187] : memref<40x128xi32, #tpu.memory_space<vmem>> -> memref<1x128xi32, #tpu.memory_space<vmem>>
      %dma_start3A_189 = tpu.memref_squeeze %dma_start3A_188 : memref<1x128xi32, #tpu.memory_space<vmem>> -> memref<128xi32, #tpu.memory_space<vmem>>
      %dma_start3A_190 = arith.constant 0 : i32
      %dma_start3A_191 = arith.constant 0 : i32
      %dma_start3A_192 = tpu.memref_slice %arg2[%dma_start3A_190, %dma_start3A_191] : memref<10000x128xf32, #tpu.memory_space<hbm>> -> memref<10000x128xf32, #tpu.memory_space<hbm>>
      tpu.enqueue_indirect_dma source(%dma_start3A_192 : memref<10000x128xf32, #tpu.memory_space<hbm>>) target(%arg8 : memref<128x128xf32, #tpu.memory_space<vmem>>) offsets(%dma_start3A_189 : memref<128xi32, #tpu.memory_space<vmem>>) semaphore(%arg11 : memref<!tpu.dma_semaphore, #tpu.memory_space<semaphore_mem>>)
      %mul3A_193 = arith.constant 2 : i32
      %mul3A_194 = arith.muli %mul3A_193, %scan3A_161 : i32
      %add3A_195 = arith.constant 2 : i32
      %add3A_196 = arith.addi %mul3A_194, %add3A_195 : i32
      %dma_wait3A_197 = arith.constant 0 : i32
      %dma_wait3A_198 = tpu.memref_slice %arg6[%add3A_196, %dma_wait3A_197] : memref<40x128xi32, #tpu.memory_space<vmem>> -> memref<1x128xi32, #tpu.memory_space<vmem>>
      %dma_wait3A_199 = tpu.memref_squeeze %dma_wait3A_198 : memref<1x128xi32, #tpu.memory_space<vmem>> -> memref<128xi32, #tpu.memory_space<vmem>>
      %dma_wait3A_200 = arith.constant 0 : i32
      %dma_wait3A_201 = arith.constant 0 : i32
      %dma_wait3A_202 = tpu.memref_slice %arg2[%dma_wait3A_200, %dma_wait3A_201] : memref<10000x128xf32, #tpu.memory_space<hbm>> -> memref<10000x128xf32, #tpu.memory_space<hbm>>
      tpu.wait_indirect_dma semaphore(%arg11 : memref<!tpu.dma_semaphore, #tpu.memory_space<semaphore_mem>>) src(%dma_wait3A_202 : memref<10000x128xf32, #tpu.memory_space<hbm>>) dst(%arg8 : memref<128x128xf32, #tpu.memory_space<vmem>>)
      %sub3A_203 = arith.constant 1 : i32
      %sub3A_204 = arith.subi %add3A_196, %sub3A_203 : i32
      %dma_wait3A_205 = arith.constant 0 : i32
      %dma_wait3A_206 = tpu.memref_slice %arg7[%sub3A_204, %dma_wait3A_205] : memref<40x128xi32, #tpu.memory_space<vmem>> -> memref<1x128xi32, #tpu.memory_space<vmem>>
      %dma_wait3A_207 = tpu.memref_squeeze %dma_wait3A_206 : memref<1x128xi32, #tpu.memory_space<vmem>> -> memref<128xi32, #tpu.memory_space<vmem>>
      %dma_wait3A_208 = arith.constant 0 : i32
      %dma_wait3A_209 = arith.constant 0 : i32
      %dma_wait3A_210 = tpu.memref_slice %arg10[%dma_wait3A_208, %dma_wait3A_209] : memref<10240x128xf32, #tpu.memory_space<vmem_shared>> -> memref<10240x128xf32, #tpu.memory_space<vmem_shared>>
      tpu.wait_indirect_dma semaphore(%arg14 : memref<!tpu.dma_semaphore, #tpu.memory_space<semaphore_mem>>) src(%arg9 : memref<128x128xf32, #tpu.memory_space<vmem>>) dst(%dma_wait3A_210 : memref<10240x128xf32, #tpu.memory_space<vmem_shared>>)
      %dma_start3A_211 = arith.constant 0 : i32
      %dma_start3A_212 = tpu.memref_slice %arg7[%add3A_196, %dma_start3A_211] : memref<40x128xi32, #tpu.memory_space<vmem>> -> memref<1x128xi32, #tpu.memory_space<vmem>>
      %dma_start3A_213 = tpu.memref_squeeze %dma_start3A_212 : memref<1x128xi32, #tpu.memory_space<vmem>> -> memref<128xi32, #tpu.memory_space<vmem>>
      %dma_start3A_214 = arith.constant 0 : i32
      %dma_start3A_215 = arith.constant 0 : i32
      %dma_start3A_216 = tpu.memref_slice %arg10[%dma_start3A_214, %dma_start3A_215] : memref<10240x128xf32, #tpu.memory_space<vmem_shared>> -> memref<10240x128xf32, #tpu.memory_space<vmem_shared>>
      tpu.enqueue_indirect_dma source(%arg8 : memref<128x128xf32, #tpu.memory_space<vmem>>) target(%dma_start3A_216 : memref<10240x128xf32, #tpu.memory_space<vmem_shared>>) offsets(%dma_start3A_213 : memref<128xi32, #tpu.memory_space<vmem>>) semaphore(%arg13 : memref<!tpu.dma_semaphore, #tpu.memory_space<semaphore_mem>>) {add = true}
      %add3A_217 = arith.constant 1 : i32
      %add3A_218 = arith.addi %add3A_196, %add3A_217 : i32
      %dma_start3A_219 = arith.constant 0 : i32
      %dma_start3A_220 = tpu.memref_slice %arg6[%add3A_218, %dma_start3A_219] : memref<40x128xi32, #tpu.memory_space<vmem>> -> memref<1x128xi32, #tpu.memory_space<vmem>>
      %dma_start3A_221 = tpu.memref_squeeze %dma_start3A_220 : memref<1x128xi32, #tpu.memory_space<vmem>> -> memref<128xi32, #tpu.memory_space<vmem>>
      %dma_start3A_222 = arith.constant 0 : i32
      %dma_start3A_223 = arith.constant 0 : i32
      %dma_start3A_224 = tpu.memref_slice %arg2[%dma_start3A_222, %dma_start3A_223] : memref<10000x128xf32, #tpu.memory_space<hbm>> -> memref<10000x128xf32, #tpu.memory_space<hbm>>
      tpu.enqueue_indirect_dma source(%dma_start3A_224 : memref<10000x128xf32, #tpu.memory_space<hbm>>) target(%arg9 : memref<128x128xf32, #tpu.memory_space<vmem>>) offsets(%dma_start3A_221 : memref<128xi32, #tpu.memory_space<vmem>>) semaphore(%arg12 : memref<!tpu.dma_semaphore, #tpu.memory_space<semaphore_mem>>)
    }
    %scan3A_121 = arith.constant 19 : i32
    %dma_wait3A_122 = arith.constant 39 : i32
    %dma_wait3A_123 = arith.constant 0 : i32
    %dma_wait3A_124 = tpu.memref_slice %arg6[%dma_wait3A_122, %dma_wait3A_123] : memref<40x128xi32, #tpu.memory_space<vmem>> -> memref<1x128xi32, #tpu.memory_space<vmem>>
    %dma_wait3A_125 = tpu.memref_squeeze %dma_wait3A_124 : memref<1x128xi32, #tpu.memory_space<vmem>> -> memref<128xi32, #tpu.memory_space<vmem>>
    %dma_wait3A_126 = arith.constant 0 : i32
    %dma_wait3A_127 = arith.constant 0 : i32
    %dma_wait3A_128 = tpu.memref_slice %arg2[%dma_wait3A_126, %dma_wait3A_127] : memref<10000x128xf32, #tpu.memory_space<hbm>> -> memref<10000x128xf32, #tpu.memory_space<hbm>>
    tpu.wait_indirect_dma semaphore(%arg12 : memref<!tpu.dma_semaphore, #tpu.memory_space<semaphore_mem>>) src(%dma_wait3A_128 : memref<10000x128xf32, #tpu.memory_space<hbm>>) dst(%arg9 : memref<128x128xf32, #tpu.memory_space<vmem>>)
    %dma_wait3A_129 = arith.constant 38 : i32
    %dma_wait3A_130 = arith.constant 0 : i32
    %dma_wait3A_131 = tpu.memref_slice %arg7[%dma_wait3A_129, %dma_wait3A_130] : memref<40x128xi32, #tpu.memory_space<vmem>> -> memref<1x128xi32, #tpu.memory_space<vmem>>
    %dma_wait3A_132 = tpu.memref_squeeze %dma_wait3A_131 : memref<1x128xi32, #tpu.memory_space<vmem>> -> memref<128xi32, #tpu.memory_space<vmem>>
    %dma_wait3A_133 = arith.constant 0 : i32
    %dma_wait3A_134 = arith.constant 0 : i32
    %dma_wait3A_135 = tpu.memref_slice %arg10[%dma_wait3A_133, %dma_wait3A_134] : memref<10240x128xf32, #tpu.memory_space<vmem_shared>> -> memref<10240x128xf32, #tpu.memory_space<vmem_shared>>
    tpu.wait_indirect_dma semaphore(%arg13 : memref<!tpu.dma_semaphore, #tpu.memory_space<semaphore_mem>>) src(%arg8 : memref<128x128xf32, #tpu.memory_space<vmem>>) dst(%dma_wait3A_135 : memref<10240x128xf32, #tpu.memory_space<vmem_shared>>)
    %dma_start3A_136 = arith.constant 39 : i32
    %dma_start3A_137 = arith.constant 0 : i32
    %dma_start3A_138 = tpu.memref_slice %arg7[%dma_start3A_136, %dma_start3A_137] : memref<40x128xi32, #tpu.memory_space<vmem>> -> memref<1x128xi32, #tpu.memory_space<vmem>>
    %dma_start3A_139 = tpu.memref_squeeze %dma_start3A_138 : memref<1x128xi32, #tpu.memory_space<vmem>> -> memref<128xi32, #tpu.memory_space<vmem>>
    %dma_start3A_140 = arith.constant 0 : i32
    %dma_start3A_141 = arith.constant 0 : i32
    %dma_start3A_142 = tpu.memref_slice %arg10[%dma_start3A_140, %dma_start3A_141] : memref<10240x128xf32, #tpu.memory_space<vmem_shared>> -> memref<10240x128xf32, #tpu.memory_space<vmem_shared>>
    tpu.enqueue_indirect_dma source(%arg9 : memref<128x128xf32, #tpu.memory_space<vmem>>) target(%dma_start3A_142 : memref<10240x128xf32, #tpu.memory_space<vmem_shared>>) offsets(%dma_start3A_139 : memref<128xi32, #tpu.memory_space<vmem>>) semaphore(%arg14 : memref<!tpu.dma_semaphore, #tpu.memory_space<semaphore_mem>>) {add = true}
    %dma_wait3A_143 = arith.constant 39 : i32
    %dma_wait3A_144 = arith.constant 0 : i32
    %dma_wait3A_145 = tpu.memref_slice %arg7[%dma_wait3A_143, %dma_wait3A_144] : memref<40x128xi32, #tpu.memory_space<vmem>> -> memref<1x128xi32, #tpu.memory_space<vmem>>
    %dma_wait3A_146 = tpu.memref_squeeze %dma_wait3A_145 : memref<1x128xi32, #tpu.memory_space<vmem>> -> memref<128xi32, #tpu.memory_space<vmem>>
    %dma_wait3A_147 = arith.constant 0 : i32
    %dma_wait3A_148 = arith.constant 0 : i32
    %dma_wait3A_149 = tpu.memref_slice %arg10[%dma_wait3A_147, %dma_wait3A_148] : memref<10240x128xf32, #tpu.memory_space<vmem_shared>> -> memref<10240x128xf32, #tpu.memory_space<vmem_shared>>
    tpu.wait_indirect_dma semaphore(%arg14 : memref<!tpu.dma_semaphore, #tpu.memory_space<semaphore_mem>>) src(%arg9 : memref<128x128xf32, #tpu.memory_space<vmem>>) dst(%dma_wait3A_149 : memref<10240x128xf32, #tpu.memory_space<vmem_shared>>)
    %barrier3A_150 = arith.constant 0 : index
    tpu.barrier barrier_id(%barrier3A_150)
    %add3A_151 = arith.constant 0 : i32
    %add3A_152 = arith.addi %mul3A_9, %add3A_151 : i32
    "tpu.region"() ({
      %run_scoped3A = tpu.sem_alloc : memref<!tpu.dma_semaphore, #tpu.memory_space<semaphore_mem>>
      %dma_start3A_161 = arith.constant 0 : i32
      %dma_start3A_162 = arith.constant 0 : i32
      %dma_start3A_163 = tpu.memref_slice %arg5[%arg0, %dma_start3A_161, %dma_start3A_162] : memref<2x10240x128xf32, #tpu.memory_space<hbm>> -> memref<1x10240x128xf32, #tpu.memory_space<hbm>>
      %dma_start3A_164 = tpu.memref_squeeze %dma_start3A_163 : memref<1x10240x128xf32, #tpu.memory_space<hbm>> -> memref<10240x128xf32, #tpu.memory_space<hbm>>
      %dma_start3A_165 = arith.constant 0 : i32
      %dma_start3A_166 = tpu.memref_slice %dma_start3A_164[%add3A_152, %dma_start3A_165] : memref<10240x128xf32, #tpu.memory_space<hbm>> -> memref<128x128xf32, #tpu.memory_space<hbm>>
      %dma_start3A_167 = arith.constant 0 : i32
      %dma_start3A_168 = tpu.memref_slice %arg10[%add3A_152, %dma_start3A_167] : memref<10240x128xf32, #tpu.memory_space<vmem_shared>> -> memref<128x128xf32, #tpu.memory_space<vmem_shared>>
      tpu.enqueue_dma source(%dma_start3A_168 : memref<128x128xf32, #tpu.memory_space<vmem_shared>>) target(%dma_start3A_166 : memref<128x128xf32, #tpu.memory_space<hbm>>) target_semaphore(%run_scoped3A : memref<!tpu.dma_semaphore, #tpu.memory_space<semaphore_mem>>)
      %dma_wait3A_169 = arith.constant 0 : i32
      %dma_wait3A_170 = arith.constant 0 : i32
      %dma_wait3A_171 = tpu.memref_slice %arg5[%arg0, %dma_wait3A_169, %dma_wait3A_170] : memref<2x10240x128xf32, #tpu.memory_space<hbm>> -> memref<1x10240x128xf32, #tpu.memory_space<hbm>>
      %dma_wait3A_172 = tpu.memref_squeeze %dma_wait3A_171 : memref<1x10240x128xf32, #tpu.memory_space<hbm>> -> memref<10240x128xf32, #tpu.memory_space<hbm>>
      %dma_wait3A_173 = arith.constant 0 : i32
      %dma_wait3A_174 = tpu.memref_slice %dma_wait3A_172[%add3A_152, %dma_wait3A_173] : memref<10240x128xf32, #tpu.memory_space<hbm>> -> memref<128x128xf32, #tpu.memory_space<hbm>>
      %dma_wait3A_175 = arith.constant 0 : i32
      %dma_wait3A_176 = tpu.memref_slice %arg10[%add3A_152, %dma_wait3A_175] : memref<10240x128xf32, #tpu.memory_space<vmem_shared>> -> memref<128x128xf32, #tpu.memory_space<vmem_shared>>
      tpu.wait_dma2 semaphore(%run_scoped3A : memref<!tpu.dma_semaphore, #tpu.memory_space<semaphore_mem>>) src(%dma_wait3A_176 : memref<128x128xf32, #tpu.memory_space<vmem_shared>>) dst(%dma_wait3A_174 : memref<128x128xf32, #tpu.memory_space<hbm>>)
      tpu.yield
    }) : () -> ()
    %add3A_153 = arith.constant 128 : i32
    %add3A_154 = arith.addi %mul3A_9, %add3A_153 : i32
    "tpu.region"() ({
      %run_scoped3A = tpu.sem_alloc : memref<!tpu.dma_semaphore, #tpu.memory_space<semaphore_mem>>
      %dma_start3A_161 = arith.constant 0 : i32
      %dma_start3A_162 = arith.constant 0 : i32
      %dma_start3A_163 = tpu.memref_slice %arg5[%arg0, %dma_start3A_161, %dma_start3A_162] : memref<2x10240x128xf32, #tpu.memory_space<hbm>> -> memref<1x10240x128xf32, #tpu.memory_space<hbm>>
      %dma_start3A_164 = tpu.memref_squeeze %dma_start3A_163 : memref<1x10240x128xf32, #tpu.memory_space<hbm>> -> memref<10240x128xf32, #tpu.memory_space<hbm>>
      %dma_start3A_165 = arith.constant 0 : i32
      %dma_start3A_166 = tpu.memref_slice %dma_start3A_164[%add3A_154, %dma_start3A_165] : memref<10240x128xf32, #tpu.memory_space<hbm>> -> memref<128x128xf32, #tpu.memory_space<hbm>>
      %dma_start3A_167 = arith.constant 0 : i32
      %dma_start3A_168 = tpu.memref_slice %arg10[%add3A_154, %dma_start3A_167] : memref<10240x128xf32, #tpu.memory_space<vmem_shared>> -> memref<128x128xf32, #tpu.memory_space<vmem_shared>>
      tpu.enqueue_dma source(%dma_start3A_168 : memref<128x128xf32, #tpu.memory_space<vmem_shared>>) target(%dma_start3A_166 : memref<128x128xf32, #tpu.memory_space<hbm>>) target_semaphore(%run_scoped3A : memref<!tpu.dma_semaphore, #tpu.memory_space<semaphore_mem>>)
      %dma_wait3A_169 = arith.constant 0 : i32
      %dma_wait3A_170 = arith.constant 0 : i32
      %dma_wait3A_171 = tpu.memref_slice %arg5[%arg0, %dma_wait3A_169, %dma_wait3A_170] : memref<2x10240x128xf32, #tpu.memory_space<hbm>> -> memref<1x10240x128xf32, #tpu.memory_space<hbm>>
      %dma_wait3A_172 = tpu.memref_squeeze %dma_wait3A_171 : memref<1x10240x128xf32, #tpu.memory_space<hbm>> -> memref<10240x128xf32, #tpu.memory_space<hbm>>
      %dma_wait3A_173 = arith.constant 0 : i32
      %dma_wait3A_174 = tpu.memref_slice %dma_wait3A_172[%add3A_154, %dma_wait3A_173] : memref<10240x128xf32, #tpu.memory_space<hbm>> -> memref<128x128xf32, #tpu.memory_space<hbm>>
      %dma_wait3A_175 = arith.constant 0 : i32
      %dma_wait3A_176 = tpu.memref_slice %arg10[%add3A_154, %dma_wait3A_175] : memref<10240x128xf32, #tpu.memory_space<vmem_shared>> -> memref<128x128xf32, #tpu.memory_space<vmem_shared>>
      tpu.wait_dma2 semaphore(%run_scoped3A : memref<!tpu.dma_semaphore, #tpu.memory_space<semaphore_mem>>) src(%dma_wait3A_176 : memref<128x128xf32, #tpu.memory_space<vmem_shared>>) dst(%dma_wait3A_174 : memref<128x128xf32, #tpu.memory_space<hbm>>)
      tpu.yield
    }) : () -> ()
    %add3A_155 = arith.constant 256 : i32
    %add3A_156 = arith.addi %mul3A_9, %add3A_155 : i32
    "tpu.region"() ({
      %run_scoped3A = tpu.sem_alloc : memref<!tpu.dma_semaphore, #tpu.memory_space<semaphore_mem>>
      %dma_start3A_161 = arith.constant 0 : i32
      %dma_start3A_162 = arith.constant 0 : i32
      %dma_start3A_163 = tpu.memref_slice %arg5[%arg0, %dma_start3A_161, %dma_start3A_162] : memref<2x10240x128xf32, #tpu.memory_space<hbm>> -> memref<1x10240x128xf32, #tpu.memory_space<hbm>>
      %dma_start3A_164 = tpu.memref_squeeze %dma_start3A_163 : memref<1x10240x128xf32, #tpu.memory_space<hbm>> -> memref<10240x128xf32, #tpu.memory_space<hbm>>
      %dma_start3A_165 = arith.constant 0 : i32
      %dma_start3A_166 = tpu.memref_slice %dma_start3A_164[%add3A_156, %dma_start3A_165] : memref<10240x128xf32, #tpu.memory_space<hbm>> -> memref<128x128xf32, #tpu.memory_space<hbm>>
      %dma_start3A_167 = arith.constant 0 : i32
      %dma_start3A_168 = tpu.memref_slice %arg10[%add3A_156, %dma_start3A_167] : memref<10240x128xf32, #tpu.memory_space<vmem_shared>> -> memref<128x128xf32, #tpu.memory_space<vmem_shared>>
      tpu.enqueue_dma source(%dma_start3A_168 : memref<128x128xf32, #tpu.memory_space<vmem_shared>>) target(%dma_start3A_166 : memref<128x128xf32, #tpu.memory_space<hbm>>) target_semaphore(%run_scoped3A : memref<!tpu.dma_semaphore, #tpu.memory_space<semaphore_mem>>)
      %dma_wait3A_169 = arith.constant 0 : i32
      %dma_wait3A_170 = arith.constant 0 : i32
      %dma_wait3A_171 = tpu.memref_slice %arg5[%arg0, %dma_wait3A_169, %dma_wait3A_170] : memref<2x10240x128xf32, #tpu.memory_space<hbm>> -> memref<1x10240x128xf32, #tpu.memory_space<hbm>>
      %dma_wait3A_172 = tpu.memref_squeeze %dma_wait3A_171 : memref<1x10240x128xf32, #tpu.memory_space<hbm>> -> memref<10240x128xf32, #tpu.memory_space<hbm>>
      %dma_wait3A_173 = arith.constant 0 : i32
      %dma_wait3A_174 = tpu.memref_slice %dma_wait3A_172[%add3A_156, %dma_wait3A_173] : memref<10240x128xf32, #tpu.memory_space<hbm>> -> memref<128x128xf32, #tpu.memory_space<hbm>>
      %dma_wait3A_175 = arith.constant 0 : i32
      %dma_wait3A_176 = tpu.memref_slice %arg10[%add3A_156, %dma_wait3A_175] : memref<10240x128xf32, #tpu.memory_space<vmem_shared>> -> memref<128x128xf32, #tpu.memory_space<vmem_shared>>
      tpu.wait_dma2 semaphore(%run_scoped3A : memref<!tpu.dma_semaphore, #tpu.memory_space<semaphore_mem>>) src(%dma_wait3A_176 : memref<128x128xf32, #tpu.memory_space<vmem_shared>>) dst(%dma_wait3A_174 : memref<128x128xf32, #tpu.memory_space<hbm>>)
      tpu.yield
    }) : () -> ()
    %add3A_157 = arith.constant 384 : i32
    %add3A_158 = arith.addi %mul3A_9, %add3A_157 : i32
    "tpu.region"() ({
      %run_scoped3A = tpu.sem_alloc : memref<!tpu.dma_semaphore, #tpu.memory_space<semaphore_mem>>
      %dma_start3A_161 = arith.constant 0 : i32
      %dma_start3A_162 = arith.constant 0 : i32
      %dma_start3A_163 = tpu.memref_slice %arg5[%arg0, %dma_start3A_161, %dma_start3A_162] : memref<2x10240x128xf32, #tpu.memory_space<hbm>> -> memref<1x10240x128xf32, #tpu.memory_space<hbm>>
      %dma_start3A_164 = tpu.memref_squeeze %dma_start3A_163 : memref<1x10240x128xf32, #tpu.memory_space<hbm>> -> memref<10240x128xf32, #tpu.memory_space<hbm>>
      %dma_start3A_165 = arith.constant 0 : i32
      %dma_start3A_166 = tpu.memref_slice %dma_start3A_164[%add3A_158, %dma_start3A_165] : memref<10240x128xf32, #tpu.memory_space<hbm>> -> memref<128x128xf32, #tpu.memory_space<hbm>>
      %dma_start3A_167 = arith.constant 0 : i32
      %dma_start3A_168 = tpu.memref_slice %arg10[%add3A_158, %dma_start3A_167] : memref<10240x128xf32, #tpu.memory_space<vmem_shared>> -> memref<128x128xf32, #tpu.memory_space<vmem_shared>>
      tpu.enqueue_dma source(%dma_start3A_168 : memref<128x128xf32, #tpu.memory_space<vmem_shared>>) target(%dma_start3A_166 : memref<128x128xf32, #tpu.memory_space<hbm>>) target_semaphore(%run_scoped3A : memref<!tpu.dma_semaphore, #tpu.memory_space<semaphore_mem>>)
      %dma_wait3A_169 = arith.constant 0 : i32
      %dma_wait3A_170 = arith.constant 0 : i32
      %dma_wait3A_171 = tpu.memref_slice %arg5[%arg0, %dma_wait3A_169, %dma_wait3A_170] : memref<2x10240x128xf32, #tpu.memory_space<hbm>> -> memref<1x10240x128xf32, #tpu.memory_space<hbm>>
      %dma_wait3A_172 = tpu.memref_squeeze %dma_wait3A_171 : memref<1x10240x128xf32, #tpu.memory_space<hbm>> -> memref<10240x128xf32, #tpu.memory_space<hbm>>
      %dma_wait3A_173 = arith.constant 0 : i32
      %dma_wait3A_174 = tpu.memref_slice %dma_wait3A_172[%add3A_158, %dma_wait3A_173] : memref<10240x128xf32, #tpu.memory_space<hbm>> -> memref<128x128xf32, #tpu.memory_space<hbm>>
      %dma_wait3A_175 = arith.constant 0 : i32
      %dma_wait3A_176 = tpu.memref_slice %arg10[%add3A_158, %dma_wait3A_175] : memref<10240x128xf32, #tpu.memory_space<vmem_shared>> -> memref<128x128xf32, #tpu.memory_space<vmem_shared>>
      tpu.wait_dma2 semaphore(%run_scoped3A : memref<!tpu.dma_semaphore, #tpu.memory_space<semaphore_mem>>) src(%dma_wait3A_176 : memref<128x128xf32, #tpu.memory_space<vmem_shared>>) dst(%dma_wait3A_174 : memref<128x128xf32, #tpu.memory_space<hbm>>)
      tpu.yield
    }) : () -> ()
    %add3A_159 = arith.constant 512 : i32
    %add3A_160 = arith.addi %mul3A_9, %add3A_159 : i32
    "tpu.region"() ({
      %run_scoped3A = tpu.sem_alloc : memref<!tpu.dma_semaphore, #tpu.memory_space<semaphore_mem>>
      %dma_start3A_161 = arith.constant 0 : i32
      %dma_start3A_162 = arith.constant 0 : i32
      %dma_start3A_163 = tpu.memref_slice %arg5[%arg0, %dma_start3A_161, %dma_start3A_162] : memref<2x10240x128xf32, #tpu.memory_space<hbm>> -> memref<1x10240x128xf32, #tpu.memory_space<hbm>>
      %dma_start3A_164 = tpu.memref_squeeze %dma_start3A_163 : memref<1x10240x128xf32, #tpu.memory_space<hbm>> -> memref<10240x128xf32, #tpu.memory_space<hbm>>
      %dma_start3A_165 = arith.constant 0 : i32
      %dma_start3A_166 = tpu.memref_slice %dma_start3A_164[%add3A_160, %dma_start3A_165] : memref<10240x128xf32, #tpu.memory_space<hbm>> -> memref<128x128xf32, #tpu.memory_space<hbm>>
      %dma_start3A_167 = arith.constant 0 : i32
      %dma_start3A_168 = tpu.memref_slice %arg10[%add3A_160, %dma_start3A_167] : memref<10240x128xf32, #tpu.memory_space<vmem_shared>> -> memref<128x128xf32, #tpu.memory_space<vmem_shared>>
      tpu.enqueue_dma source(%dma_start3A_168 : memref<128x128xf32, #tpu.memory_space<vmem_shared>>) target(%dma_start3A_166 : memref<128x128xf32, #tpu.memory_space<hbm>>) target_semaphore(%run_scoped3A : memref<!tpu.dma_semaphore, #tpu.memory_space<semaphore_mem>>)
      %dma_wait3A_169 = arith.constant 0 : i32
      %dma_wait3A_170 = arith.constant 0 : i32
      %dma_wait3A_171 = tpu.memref_slice %arg5[%arg0, %dma_wait3A_169, %dma_wait3A_170] : memref<2x10240x128xf32, #tpu.memory_space<hbm>> -> memref<1x10240x128xf32, #tpu.memory_space<hbm>>
      %dma_wait3A_172 = tpu.memref_squeeze %dma_wait3A_171 : memref<1x10240x128xf32, #tpu.memory_space<hbm>> -> memref<10240x128xf32, #tpu.memory_space<hbm>>
      %dma_wait3A_173 = arith.constant 0 : i32
      %dma_wait3A_174 = tpu.memref_slice %dma_wait3A_172[%add3A_160, %dma_wait3A_173] : memref<10240x128xf32, #tpu.memory_space<hbm>> -> memref<128x128xf32, #tpu.memory_space<hbm>>
      %dma_wait3A_175 = arith.constant 0 : i32
      %dma_wait3A_176 = tpu.memref_slice %arg10[%add3A_160, %dma_wait3A_175] : memref<10240x128xf32, #tpu.memory_space<vmem_shared>> -> memref<128x128xf32, #tpu.memory_space<vmem_shared>>
      tpu.wait_dma2 semaphore(%run_scoped3A : memref<!tpu.dma_semaphore, #tpu.memory_space<semaphore_mem>>) src(%dma_wait3A_176 : memref<128x128xf32, #tpu.memory_space<vmem_shared>>) dst(%dma_wait3A_174 : memref<128x128xf32, #tpu.memory_space<hbm>>)
      tpu.yield
    }) : () -> ()
    return
  }
}

module attributes {stable_mosaic.version = 14 : i64} {
  func.func @_embed_body(%arg0: i32, %arg1: memref<1000x1xi32, #tpu.memory_space<vmem>>, %arg2: memref<1000x1xi32, #tpu.memory_space<vmem>>, %arg3: memref<32x128xf32, #tpu.memory_space<vmem>>, %arg4: memref<33x128xf32, #tpu.memory_space<vmem>>, %arg5: memref<1000x128xf32, #tpu.memory_space<vmem>>) attributes {dimension_semantics = [#tpu.dimension_semantics<arbitrary>], iteration_bounds = array<i64: 10>, scalar_prefetch = 0 : i64, scratch_operands = 0 : i64, tpu.core_type = #tpu.core_type<tc>, window_params = [{transform_indices = @transform_0, window_bounds = array<i64: 1000, 1>}, {transform_indices = @transform_1, window_bounds = array<i64: 1000, 1>}, {pipeline_mode = #tpu.pipeline_mode<synchronous>, transform_indices = @transform_2, window_bounds = array<i64: 32, 128>}, {pipeline_mode = #tpu.pipeline_mode<synchronous>, transform_indices = @transform_3, window_bounds = array<i64: 33, 128>}, {transform_indices = @transform_4, window_bounds = array<i64: 1000, 128>}]} {
    %get3A = arith.constant 0 : index
    %get3A_0 = arith.constant 0 : index
    %get3A_1 = vector.load %arg1[%get3A, %get3A_0] : memref<1000x1xi32, #tpu.memory_space<vmem>>, vector<1000x1xi32>
    %get3A_2 = arith.constant 0 : index
    %get3A_3 = arith.constant 0 : index
    %get3A_4 = vector.load %arg2[%get3A_2, %get3A_3] : memref<1000x1xi32, #tpu.memory_space<vmem>>, vector<1000x1xi32>
    %iota3A = tpu.iota {dimensions = array<i32: 1>} : vector<1000x32xi32>
    %eq3A = vector.broadcast %get3A_1 : vector<1000x1xi32> to vector<1000x32xi32>
    %eq3A_5 = arith.cmpi eq, %eq3A, %iota3A : vector<1000x32xi32>
    %convert_element_type3A = arith.extui %eq3A_5 : vector<1000x32xi1> to vector<1000x32xi32>
    %convert_element_type3A_6 = arith.sitofp %convert_element_type3A : vector<1000x32xi32> to vector<1000x32xf32>
    %iota3A_7 = tpu.iota {dimensions = array<i32: 1>} : vector<1000x33xi32>
    %eq3A_8 = vector.broadcast %get3A_4 : vector<1000x1xi32> to vector<1000x33xi32>
    %eq3A_9 = arith.cmpi eq, %eq3A_8, %iota3A_7 : vector<1000x33xi32>
    %convert_element_type3A_10 = arith.extui %eq3A_9 : vector<1000x33xi1> to vector<1000x33xi32>
    %convert_element_type3A_11 = arith.sitofp %convert_element_type3A_10 : vector<1000x33xi32> to vector<1000x33xf32>
    %get3A_12 = arith.constant 0 : index
    %get3A_13 = arith.constant 0 : index
    %get3A_14 = vector.load %arg3[%get3A_12, %get3A_13] : memref<32x128xf32, #tpu.memory_space<vmem>>, vector<32x128xf32>
    %dot_general3A = arith.constant dense<0.000000e+00> : vector<1000x128xf32>
    %dot_general3A_15 = tpu.matmul %convert_element_type3A_6, %get3A_14, %dot_general3A {dimension_numbers = #tpu.dot_dimension_numbers<[1], [0], [0], [1], [0, 0, 1, 1], [], []>, transpose_lhs_hint = false} : vector<1000x32xf32>, vector<32x128xf32>, vector<1000x128xf32> -> vector<1000x128xf32>
    %get3A_16 = arith.constant 0 : index
    %get3A_17 = arith.constant 0 : index
    %get3A_18 = vector.load %arg4[%get3A_16, %get3A_17] : memref<33x128xf32, #tpu.memory_space<vmem>>, vector<33x128xf32>
    %dot_general3A_19 = arith.constant dense<0.000000e+00> : vector<1000x128xf32>
    %dot_general3A_20 = tpu.matmul %convert_element_type3A_11, %get3A_18, %dot_general3A_19 {dimension_numbers = #tpu.dot_dimension_numbers<[1], [0], [0], [1], [0, 0, 1, 1], [], []>, transpose_lhs_hint = false} : vector<1000x33xf32>, vector<33x128xf32>, vector<1000x128xf32> -> vector<1000x128xf32>
    %add3A = arith.addf %dot_general3A_15, %dot_general3A_20 : vector<1000x128xf32>
    %swap3A = arith.constant 0 : index
    %swap3A_21 = arith.constant 0 : index
    %swap3A_22 = vector.load %arg5[%swap3A, %swap3A_21] : memref<1000x128xf32, #tpu.memory_space<vmem>>, vector<1000x128xf32>
    tpu.vector_store %arg5[%swap3A, %swap3A_21], %add3A {strides = array<i32>} : memref<1000x128xf32, #tpu.memory_space<vmem>>, vector<1000x128xf32>,
    return
  }
  func.func @transform_0(%arg0: i32) -> (i32, i32) {
    %c0_i32 = arith.constant 0 : i32
    %c0_i32_0 = arith.constant 0 : i32
    return %arg0, %c0_i32 : i32, i32
  }
  func.func @transform_1(%arg0: i32) -> (i32, i32) {
    %c0_i32 = arith.constant 0 : i32
    %c0_i32_0 = arith.constant 0 : i32
    return %arg0, %c0_i32 : i32, i32
  }
  func.func @transform_2(%arg0: i32) -> (i32, i32) {
    %c0_i32 = arith.constant 0 : i32
    %c0_i32_0 = arith.constant 0 : i32
    %c0_i32_1 = arith.constant 0 : i32
    return %c0_i32, %c0_i32_0 : i32, i32
  }
  func.func @transform_3(%arg0: i32) -> (i32, i32) {
    %c0_i32 = arith.constant 0 : i32
    %c0_i32_0 = arith.constant 0 : i32
    %c0_i32_1 = arith.constant 0 : i32
    return %c0_i32, %c0_i32_0 : i32, i32
  }
  func.func @transform_4(%arg0: i32) -> (i32, i32) {
    %c0_i32 = arith.constant 0 : i32
    %c0_i32_0 = arith.constant 0 : i32
    return %arg0, %c0_i32 : i32, i32
  }
}

module attributes {stable_mosaic.version = 14 : i64} {
  func.func @_pre_body(%arg0: i32, %arg1: memref<1000x128xf32, #tpu.memory_space<vmem>>, %arg2: memref<2x1000x16xf32, #tpu.memory_space<vmem>>, %arg3: memref<128x128xf32, #tpu.memory_space<vmem>>, %arg4: memref<1000x1xf32, #tpu.memory_space<vmem>>, %arg5: memref<1000x128xf32, #tpu.memory_space<vmem>>) attributes {dimension_semantics = [#tpu.dimension_semantics<arbitrary>], iteration_bounds = array<i64: 10>, scalar_prefetch = 0 : i64, scratch_operands = 0 : i64, tpu.core_type = #tpu.core_type<tc>, window_params = [{transform_indices = @transform_0, window_bounds = array<i64: 1000, 128>}, {transform_indices = @transform_1, window_bounds = array<i64: 2, 1000, 16>}, {pipeline_mode = #tpu.pipeline_mode<synchronous>, transform_indices = @transform_2, window_bounds = array<i64: 128, 128>}, {transform_indices = @transform_3, window_bounds = array<i64: 1000, 1>}, {transform_indices = @transform_4, window_bounds = array<i64: 1000, 128>}]} {
    %get3A = arith.constant 0 : index
    %get3A_0 = arith.constant 0 : index
    %get3A_1 = arith.constant 0 : index
    %get3A_2 = vector.load %arg2[%get3A, %get3A_0, %get3A_1] : memref<2x1000x16xf32, #tpu.memory_space<vmem>>, vector<1x1000x1xf32>
    %get3A_3 = vector.shape_cast %get3A_2 : vector<1x1000x1xf32> to vector<1000x1xf32>
    %get3A_4 = arith.constant 1 : index
    %get3A_5 = arith.constant 0 : index
    %get3A_6 = arith.constant 0 : index
    %get3A_7 = vector.load %arg2[%get3A_4, %get3A_5, %get3A_6] : memref<2x1000x16xf32, #tpu.memory_space<vmem>>, vector<1x1000x1xf32>
    %get3A_8 = vector.shape_cast %get3A_7 : vector<1x1000x1xf32> to vector<1000x1xf32>
    %add3A = arith.addf %get3A_3, %get3A_8 : vector<1000x1xf32>
    %add3A_9 = arith.constant 1.000000e+00 : f32
    %add3A_10 = vector.broadcast %add3A_9 : f32 to vector<1000x1xf32>
    %add3A_11 = arith.addf %add3A, %add3A_10 : vector<1000x1xf32>
    %rsqrt3A = math.rsqrt %add3A_11 : vector<1000x1xf32>
    %swap3A = arith.constant 0 : index
    %swap3A_12 = arith.constant 0 : index
    %swap3A_13 = vector.load %arg4[%swap3A, %swap3A_12] : memref<1000x1xf32, #tpu.memory_space<vmem>>, vector<1000x1xf32>
    tpu.vector_store %arg4[%swap3A, %swap3A_12], %rsqrt3A {strides = array<i32>} : memref<1000x1xf32, #tpu.memory_space<vmem>>, vector<1000x1xf32>,
    %get3A_14 = arith.constant 0 : index
    %get3A_15 = arith.constant 0 : index
    %get3A_16 = vector.load %arg1[%get3A_14, %get3A_15] : memref<1000x128xf32, #tpu.memory_space<vmem>>, vector<1000x128xf32>
    %get3A_17 = arith.constant 0 : index
    %get3A_18 = arith.constant 0 : index
    %get3A_19 = vector.load %arg3[%get3A_17, %get3A_18] : memref<128x128xf32, #tpu.memory_space<vmem>>, vector<128x128xf32>
    %dot_general3A = arith.constant dense<0.000000e+00> : vector<1000x128xf32>
    %dot_general3A_20 = tpu.matmul %get3A_16, %get3A_19, %dot_general3A {dimension_numbers = #tpu.dot_dimension_numbers<[1], [0], [0], [1], [0, 0, 1, 1], [], []>, transpose_lhs_hint = false} : vector<1000x128xf32>, vector<128x128xf32>, vector<1000x128xf32> -> vector<1000x128xf32>
    %mul3A = vector.broadcast %rsqrt3A : vector<1000x1xf32> to vector<1000x128xf32>
    %mul3A_21 = arith.mulf %mul3A, %dot_general3A_20 : vector<1000x128xf32>
    %swap3A_22 = arith.constant 0 : index
    %swap3A_23 = arith.constant 0 : index
    %swap3A_24 = vector.load %arg5[%swap3A_22, %swap3A_23] : memref<1000x128xf32, #tpu.memory_space<vmem>>, vector<1000x128xf32>
    tpu.vector_store %arg5[%swap3A_22, %swap3A_23], %mul3A_21 {strides = array<i32>} : memref<1000x128xf32, #tpu.memory_space<vmem>>, vector<1000x128xf32>,
    return
  }
  func.func @transform_0(%arg0: i32) -> (i32, i32) {
    %c0_i32 = arith.constant 0 : i32
    %c0_i32_0 = arith.constant 0 : i32
    return %arg0, %c0_i32 : i32, i32
  }
  func.func @transform_1(%arg0: i32) -> (i32, i32, i32) {
    %c0_i32 = arith.constant 0 : i32
    %c0_i32_0 = arith.constant 0 : i32
    %c0_i32_1 = arith.constant 0 : i32
    return %c0_i32, %arg0, %c0_i32_0 : i32, i32, i32
  }
  func.func @transform_2(%arg0: i32) -> (i32, i32) {
    %c0_i32 = arith.constant 0 : i32
    %c0_i32_0 = arith.constant 0 : i32
    %c0_i32_1 = arith.constant 0 : i32
    return %c0_i32, %c0_i32_0 : i32, i32
  }
  func.func @transform_3(%arg0: i32) -> (i32, i32) {
    %c0_i32 = arith.constant 0 : i32
    %c0_i32_0 = arith.constant 0 : i32
    return %arg0, %c0_i32 : i32, i32
  }
  func.func @transform_4(%arg0: i32) -> (i32, i32) {
    %c0_i32 = arith.constant 0 : i32
    %c0_i32_0 = arith.constant 0 : i32
    return %arg0, %c0_i32 : i32, i32
  }
}

module attributes {stable_mosaic.version = 14 : i64} {
  func.func @_layer_body(%arg0: i32, %arg1: memref<1000x128xf32, #tpu.memory_space<vmem>>, %arg2: memref<1000x128xf32, #tpu.memory_space<vmem>>, %arg3: memref<2x1000x128xf32, #tpu.memory_space<vmem>>, %arg4: memref<1000x1xf32, #tpu.memory_space<vmem>>, %arg5: memref<1x128xf32, #tpu.memory_space<vmem>>, %arg6: memref<1x128xf32, #tpu.memory_space<vmem>>, %arg7: memref<1x128xf32, #tpu.memory_space<vmem>>, %arg8: memref<128x128xf32, #tpu.memory_space<vmem>>, %arg9: memref<1000x128xf32, #tpu.memory_space<vmem>>, %arg10: memref<1000x128xf32, #tpu.memory_space<vmem>>) attributes {dimension_semantics = [#tpu.dimension_semantics<arbitrary>], iteration_bounds = array<i64: 10>, scalar_prefetch = 0 : i64, scratch_operands = 0 : i64, tpu.core_type = #tpu.core_type<tc>, window_params = [{transform_indices = @transform_0, window_bounds = array<i64: 1000, 128>}, {transform_indices = @transform_1, window_bounds = array<i64: 1000, 128>}, {transform_indices = @transform_2, window_bounds = array<i64: 2, 1000, 128>}, {transform_indices = @transform_3, window_bounds = array<i64: 1000, 1>}, {pipeline_mode = #tpu.pipeline_mode<synchronous>, transform_indices = @transform_4, window_bounds = array<i64: 1, 128>}, {pipeline_mode = #tpu.pipeline_mode<synchronous>, transform_indices = @transform_5, window_bounds = array<i64: 1, 128>}, {pipeline_mode = #tpu.pipeline_mode<synchronous>, transform_indices = @transform_6, window_bounds = array<i64: 1, 128>}, {pipeline_mode = #tpu.pipeline_mode<synchronous>, transform_indices = @transform_7, window_bounds = array<i64: 128, 128>}, {transform_indices = @transform_8, window_bounds = array<i64: 1000, 128>}, {transform_indices = @transform_9, window_bounds = array<i64: 1000, 128>}]} {
    %get3A = arith.constant 0 : index
    %get3A_0 = arith.constant 0 : index
    %get3A_1 = vector.load %arg4[%get3A, %get3A_0] : memref<1000x1xf32, #tpu.memory_space<vmem>>, vector<1000x1xf32>
    %get3A_2 = arith.constant 0 : index
    %get3A_3 = arith.constant 0 : index
    %get3A_4 = arith.constant 0 : index
    %get3A_5 = vector.load %arg3[%get3A_2, %get3A_3, %get3A_4] : memref<2x1000x128xf32, #tpu.memory_space<vmem>>, vector<1x1000x128xf32>
    %get3A_6 = vector.shape_cast %get3A_5 : vector<1x1000x128xf32> to vector<1000x128xf32>
    %get3A_7 = arith.constant 1 : index
    %get3A_8 = arith.constant 0 : index
    %get3A_9 = arith.constant 0 : index
    %get3A_10 = vector.load %arg3[%get3A_7, %get3A_8, %get3A_9] : memref<2x1000x128xf32, #tpu.memory_space<vmem>>, vector<1x1000x128xf32>
    %get3A_11 = vector.shape_cast %get3A_10 : vector<1x1000x128xf32> to vector<1000x128xf32>
    %add3A = arith.addf %get3A_6, %get3A_11 : vector<1000x128xf32>
    %get3A_12 = arith.constant 0 : index
    %get3A_13 = arith.constant 0 : index
    %get3A_14 = vector.load %arg2[%get3A_12, %get3A_13] : memref<1000x128xf32, #tpu.memory_space<vmem>>, vector<1000x128xf32>
    %add3A_15 = arith.addf %add3A, %get3A_14 : vector<1000x128xf32>
    %mul3A = vector.broadcast %get3A_1 : vector<1000x1xf32> to vector<1000x128xf32>
    %mul3A_16 = arith.mulf %mul3A, %add3A_15 : vector<1000x128xf32>
    %get3A_17 = arith.constant 0 : index
    %get3A_18 = arith.constant 0 : index
    %get3A_19 = vector.load %arg5[%get3A_17, %get3A_18] : memref<1x128xf32, #tpu.memory_space<vmem>>, vector<1x128xf32>
    %add3A_20 = vector.broadcast %get3A_19 : vector<1x128xf32> to vector<1000x128xf32>
    %add3A_21 = arith.addf %mul3A_16, %add3A_20 : vector<1000x128xf32>
    %max3A = arith.constant 0.000000e+00 : f32
    %max3A_22 = vector.broadcast %max3A : f32 to vector<1000x128xf32>
    %max3A_23 = arith.maximumf %add3A_21, %max3A_22 : vector<1000x128xf32>
    %get3A_24 = arith.constant 0 : index
    %get3A_25 = arith.constant 0 : index
    %get3A_26 = vector.load %arg1[%get3A_24, %get3A_25] : memref<1000x128xf32, #tpu.memory_space<vmem>>, vector<1000x128xf32>
    %add3A_27 = arith.addf %get3A_26, %max3A_23 : vector<1000x128xf32>
    %reduce_sum3A = arith.constant dense<0.000000e+00> : vector<1000xf32>
    %reduce_sum3A_28 = vector.multi_reduction <add>, %add3A_27, %reduce_sum3A [1] : vector<1000x128xf32> to vector<1000xf32>
    %broadcast_in_dim3A = vector.shape_cast %reduce_sum3A_28 : vector<1000xf32> to vector<1000x1xf32>
    %div3A = arith.constant 1.280000e+02 : f32
    %div3A_29 = vector.broadcast %div3A : f32 to vector<1000x1xf32>
    %div3A_30 = arith.divf %broadcast_in_dim3A, %div3A_29 : vector<1000x1xf32>
    %sub3A = vector.broadcast %div3A_30 : vector<1000x1xf32> to vector<1000x128xf32>
    %sub3A_31 = arith.subf %add3A_27, %sub3A : vector<1000x128xf32>
    %mul3A_32 = arith.mulf %sub3A_31, %sub3A_31 : vector<1000x128xf32>
    %reduce_sum3A_33 = arith.constant dense<0.000000e+00> : vector<1000xf32>
    %reduce_sum3A_34 = vector.multi_reduction <add>, %mul3A_32, %reduce_sum3A_33 [1] : vector<1000x128xf32> to vector<1000xf32>
    %broadcast_in_dim3A_35 = vector.shape_cast %reduce_sum3A_34 : vector<1000xf32> to vector<1000x1xf32>
    %div3A_36 = arith.constant 1.280000e+02 : f32
    %div3A_37 = vector.broadcast %div3A_36 : f32 to vector<1000x1xf32>
    %div3A_38 = arith.divf %broadcast_in_dim3A_35, %div3A_37 : vector<1000x1xf32>
    %add3A_39 = arith.constant 9.99999974E-6 : f32
    %add3A_40 = vector.broadcast %add3A_39 : f32 to vector<1000x1xf32>
    %add3A_41 = arith.addf %div3A_38, %add3A_40 : vector<1000x1xf32>
    %rsqrt3A = math.rsqrt %add3A_41 : vector<1000x1xf32>
    %mul3A_42 = vector.broadcast %rsqrt3A : vector<1000x1xf32> to vector<1000x128xf32>
    %mul3A_43 = arith.mulf %sub3A_31, %mul3A_42 : vector<1000x128xf32>
    %get3A_44 = arith.constant 0 : index
    %get3A_45 = arith.constant 0 : index
    %get3A_46 = vector.load %arg6[%get3A_44, %get3A_45] : memref<1x128xf32, #tpu.memory_space<vmem>>, vector<1x128xf32>
    %mul3A_47 = vector.broadcast %get3A_46 : vector<1x128xf32> to vector<1000x128xf32>
    %mul3A_48 = arith.mulf %mul3A_43, %mul3A_47 : vector<1000x128xf32>
    %get3A_49 = arith.constant 0 : index
    %get3A_50 = arith.constant 0 : index
    %get3A_51 = vector.load %arg7[%get3A_49, %get3A_50] : memref<1x128xf32, #tpu.memory_space<vmem>>, vector<1x128xf32>
    %add3A_52 = vector.broadcast %get3A_51 : vector<1x128xf32> to vector<1000x128xf32>
    %add3A_53 = arith.addf %mul3A_48, %add3A_52 : vector<1000x128xf32>
    %swap3A = arith.constant 0 : index
    %swap3A_54 = arith.constant 0 : index
    %swap3A_55 = vector.load %arg9[%swap3A, %swap3A_54] : memref<1000x128xf32, #tpu.memory_space<vmem>>, vector<1000x128xf32>
    tpu.vector_store %arg9[%swap3A, %swap3A_54], %add3A_53 {strides = array<i32>} : memref<1000x128xf32, #tpu.memory_space<vmem>>, vector<1000x128xf32>,
    %get3A_56 = arith.constant 0 : index
    %get3A_57 = arith.constant 0 : index
    %get3A_58 = vector.load %arg4[%get3A_56, %get3A_57] : memref<1000x1xf32, #tpu.memory_space<vmem>>, vector<1000x1xf32>
    %get3A_59 = arith.constant 0 : index
    %get3A_60 = arith.constant 0 : index
    %get3A_61 = vector.load %arg8[%get3A_59, %get3A_60] : memref<128x128xf32, #tpu.memory_space<vmem>>, vector<128x128xf32>
    %dot_general3A = arith.constant dense<0.000000e+00> : vector<1000x128xf32>
    %dot_general3A_62 = tpu.matmul %add3A_53, %get3A_61, %dot_general3A {dimension_numbers = #tpu.dot_dimension_numbers<[1], [0], [0], [1], [0, 0, 1, 1], [], []>, transpose_lhs_hint = false} : vector<1000x128xf32>, vector<128x128xf32>, vector<1000x128xf32> -> vector<1000x128xf32>
    %mul3A_63 = vector.broadcast %get3A_58 : vector<1000x1xf32> to vector<1000x128xf32>
    %mul3A_64 = arith.mulf %mul3A_63, %dot_general3A_62 : vector<1000x128xf32>
    %swap3A_65 = arith.constant 0 : index
    %swap3A_66 = arith.constant 0 : index
    %swap3A_67 = vector.load %arg10[%swap3A_65, %swap3A_66] : memref<1000x128xf32, #tpu.memory_space<vmem>>, vector<1000x128xf32>
    tpu.vector_store %arg10[%swap3A_65, %swap3A_66], %mul3A_64 {strides = array<i32>} : memref<1000x128xf32, #tpu.memory_space<vmem>>, vector<1000x128xf32>,
    return
  }
  func.func @transform_0(%arg0: i32) -> (i32, i32) {
    %c0_i32 = arith.constant 0 : i32
    %c0_i32_0 = arith.constant 0 : i32
    return %arg0, %c0_i32 : i32, i32
  }
  func.func @transform_1(%arg0: i32) -> (i32, i32) {
    %c0_i32 = arith.constant 0 : i32
    %c0_i32_0 = arith.constant 0 : i32
    return %arg0, %c0_i32 : i32, i32
  }
  func.func @transform_2(%arg0: i32) -> (i32, i32, i32) {
    %c0_i32 = arith.constant 0 : i32
    %c0_i32_0 = arith.constant 0 : i32
    %c0_i32_1 = arith.constant 0 : i32
    return %c0_i32, %arg0, %c0_i32_0 : i32, i32, i32
  }
  func.func @transform_3(%arg0: i32) -> (i32, i32) {
    %c0_i32 = arith.constant 0 : i32
    %c0_i32_0 = arith.constant 0 : i32
    return %arg0, %c0_i32 : i32, i32
  }
  func.func @transform_4(%arg0: i32) -> (i32, i32) {
    %c0_i32 = arith.constant 0 : i32
    %c0_i32_0 = arith.constant 0 : i32
    %c0_i32_1 = arith.constant 0 : i32
    return %c0_i32, %c0_i32_0 : i32, i32
  }
  func.func @transform_5(%arg0: i32) -> (i32, i32) {
    %c0_i32 = arith.constant 0 : i32
    %c0_i32_0 = arith.constant 0 : i32
    %c0_i32_1 = arith.constant 0 : i32
    return %c0_i32, %c0_i32_0 : i32, i32
  }
  func.func @transform_6(%arg0: i32) -> (i32, i32) {
    %c0_i32 = arith.constant 0 : i32
    %c0_i32_0 = arith.constant 0 : i32
    %c0_i32_1 = arith.constant 0 : i32
    return %c0_i32, %c0_i32_0 : i32, i32
  }
  func.func @transform_7(%arg0: i32) -> (i32, i32) {
    %c0_i32 = arith.constant 0 : i32
    %c0_i32_0 = arith.constant 0 : i32
    %c0_i32_1 = arith.constant 0 : i32
    return %c0_i32, %c0_i32_0 : i32, i32
  }
  func.func @transform_8(%arg0: i32) -> (i32, i32) {
    %c0_i32 = arith.constant 0 : i32
    %c0_i32_0 = arith.constant 0 : i32
    return %arg0, %c0_i32 : i32, i32
  }
  func.func @transform_9(%arg0: i32) -> (i32, i32) {
    %c0_i32 = arith.constant 0 : i32
    %c0_i32_0 = arith.constant 0 : i32
    return %arg0, %c0_i32 : i32, i32
  }
}

module attributes {stable_mosaic.version = 14 : i64} {
  func.func @_last_body(%arg0: i32, %arg1: memref<1000x128xf32, #tpu.memory_space<vmem>>, %arg2: memref<1000x128xf32, #tpu.memory_space<vmem>>, %arg3: memref<2x1000x128xf32, #tpu.memory_space<vmem>>, %arg4: memref<1000x1xf32, #tpu.memory_space<vmem>>, %arg5: memref<1x128xf32, #tpu.memory_space<vmem>>, %arg6: memref<1x128xf32, #tpu.memory_space<vmem>>, %arg7: memref<1x128xf32, #tpu.memory_space<vmem>>, %arg8: memref<1000x128xf32, #tpu.memory_space<vmem>>) attributes {dimension_semantics = [#tpu.dimension_semantics<arbitrary>], iteration_bounds = array<i64: 10>, scalar_prefetch = 0 : i64, scratch_operands = 0 : i64, tpu.core_type = #tpu.core_type<tc>, window_params = [{transform_indices = @transform_0, window_bounds = array<i64: 1000, 128>}, {transform_indices = @transform_1, window_bounds = array<i64: 1000, 128>}, {transform_indices = @transform_2, window_bounds = array<i64: 2, 1000, 128>}, {transform_indices = @transform_3, window_bounds = array<i64: 1000, 1>}, {pipeline_mode = #tpu.pipeline_mode<synchronous>, transform_indices = @transform_4, window_bounds = array<i64: 1, 128>}, {pipeline_mode = #tpu.pipeline_mode<synchronous>, transform_indices = @transform_5, window_bounds = array<i64: 1, 128>}, {pipeline_mode = #tpu.pipeline_mode<synchronous>, transform_indices = @transform_6, window_bounds = array<i64: 1, 128>}, {transform_indices = @transform_7, window_bounds = array<i64: 1000, 128>}]} {
    %get3A = arith.constant 0 : index
    %get3A_0 = arith.constant 0 : index
    %get3A_1 = vector.load %arg4[%get3A, %get3A_0] : memref<1000x1xf32, #tpu.memory_space<vmem>>, vector<1000x1xf32>
    %get3A_2 = arith.constant 0 : index
    %get3A_3 = arith.constant 0 : index
    %get3A_4 = arith.constant 0 : index
    %get3A_5 = vector.load %arg3[%get3A_2, %get3A_3, %get3A_4] : memref<2x1000x128xf32, #tpu.memory_space<vmem>>, vector<1x1000x128xf32>
    %get3A_6 = vector.shape_cast %get3A_5 : vector<1x1000x128xf32> to vector<1000x128xf32>
    %get3A_7 = arith.constant 1 : index
    %get3A_8 = arith.constant 0 : index
    %get3A_9 = arith.constant 0 : index
    %get3A_10 = vector.load %arg3[%get3A_7, %get3A_8, %get3A_9] : memref<2x1000x128xf32, #tpu.memory_space<vmem>>, vector<1x1000x128xf32>
    %get3A_11 = vector.shape_cast %get3A_10 : vector<1x1000x128xf32> to vector<1000x128xf32>
    %add3A = arith.addf %get3A_6, %get3A_11 : vector<1000x128xf32>
    %get3A_12 = arith.constant 0 : index
    %get3A_13 = arith.constant 0 : index
    %get3A_14 = vector.load %arg2[%get3A_12, %get3A_13] : memref<1000x128xf32, #tpu.memory_space<vmem>>, vector<1000x128xf32>
    %add3A_15 = arith.addf %add3A, %get3A_14 : vector<1000x128xf32>
    %mul3A = vector.broadcast %get3A_1 : vector<1000x1xf32> to vector<1000x128xf32>
    %mul3A_16 = arith.mulf %mul3A, %add3A_15 : vector<1000x128xf32>
    %get3A_17 = arith.constant 0 : index
    %get3A_18 = arith.constant 0 : index
    %get3A_19 = vector.load %arg5[%get3A_17, %get3A_18] : memref<1x128xf32, #tpu.memory_space<vmem>>, vector<1x128xf32>
    %add3A_20 = vector.broadcast %get3A_19 : vector<1x128xf32> to vector<1000x128xf32>
    %add3A_21 = arith.addf %mul3A_16, %add3A_20 : vector<1000x128xf32>
    %max3A = arith.constant 0.000000e+00 : f32
    %max3A_22 = vector.broadcast %max3A : f32 to vector<1000x128xf32>
    %max3A_23 = arith.maximumf %add3A_21, %max3A_22 : vector<1000x128xf32>
    %get3A_24 = arith.constant 0 : index
    %get3A_25 = arith.constant 0 : index
    %get3A_26 = vector.load %arg1[%get3A_24, %get3A_25] : memref<1000x128xf32, #tpu.memory_space<vmem>>, vector<1000x128xf32>
    %add3A_27 = arith.addf %get3A_26, %max3A_23 : vector<1000x128xf32>
    %reduce_sum3A = arith.constant dense<0.000000e+00> : vector<1000xf32>
    %reduce_sum3A_28 = vector.multi_reduction <add>, %add3A_27, %reduce_sum3A [1] : vector<1000x128xf32> to vector<1000xf32>
    %broadcast_in_dim3A = vector.shape_cast %reduce_sum3A_28 : vector<1000xf32> to vector<1000x1xf32>
    %div3A = arith.constant 1.280000e+02 : f32
    %div3A_29 = vector.broadcast %div3A : f32 to vector<1000x1xf32>
    %div3A_30 = arith.divf %broadcast_in_dim3A, %div3A_29 : vector<1000x1xf32>
    %sub3A = vector.broadcast %div3A_30 : vector<1000x1xf32> to vector<1000x128xf32>
    %sub3A_31 = arith.subf %add3A_27, %sub3A : vector<1000x128xf32>
    %mul3A_32 = arith.mulf %sub3A_31, %sub3A_31 : vector<1000x128xf32>
    %reduce_sum3A_33 = arith.constant dense<0.000000e+00> : vector<1000xf32>
    %reduce_sum3A_34 = vector.multi_reduction <add>, %mul3A_32, %reduce_sum3A_33 [1] : vector<1000x128xf32> to vector<1000xf32>
    %broadcast_in_dim3A_35 = vector.shape_cast %reduce_sum3A_34 : vector<1000xf32> to vector<1000x1xf32>
    %div3A_36 = arith.constant 1.280000e+02 : f32
    %div3A_37 = vector.broadcast %div3A_36 : f32 to vector<1000x1xf32>
    %div3A_38 = arith.divf %broadcast_in_dim3A_35, %div3A_37 : vector<1000x1xf32>
    %add3A_39 = arith.constant 9.99999974E-6 : f32
    %add3A_40 = vector.broadcast %add3A_39 : f32 to vector<1000x1xf32>
    %add3A_41 = arith.addf %div3A_38, %add3A_40 : vector<1000x1xf32>
    %rsqrt3A = math.rsqrt %add3A_41 : vector<1000x1xf32>
    %mul3A_42 = vector.broadcast %rsqrt3A : vector<1000x1xf32> to vector<1000x128xf32>
    %mul3A_43 = arith.mulf %sub3A_31, %mul3A_42 : vector<1000x128xf32>
    %get3A_44 = arith.constant 0 : index
    %get3A_45 = arith.constant 0 : index
    %get3A_46 = vector.load %arg6[%get3A_44, %get3A_45] : memref<1x128xf32, #tpu.memory_space<vmem>>, vector<1x128xf32>
    %mul3A_47 = vector.broadcast %get3A_46 : vector<1x128xf32> to vector<1000x128xf32>
    %mul3A_48 = arith.mulf %mul3A_43, %mul3A_47 : vector<1000x128xf32>
    %get3A_49 = arith.constant 0 : index
    %get3A_50 = arith.constant 0 : index
    %get3A_51 = vector.load %arg7[%get3A_49, %get3A_50] : memref<1x128xf32, #tpu.memory_space<vmem>>, vector<1x128xf32>
    %add3A_52 = vector.broadcast %get3A_51 : vector<1x128xf32> to vector<1000x128xf32>
    %add3A_53 = arith.addf %mul3A_48, %add3A_52 : vector<1000x128xf32>
    %swap3A = arith.constant 0 : index
    %swap3A_54 = arith.constant 0 : index
    %swap3A_55 = vector.load %arg8[%swap3A, %swap3A_54] : memref<1000x128xf32, #tpu.memory_space<vmem>>, vector<1000x128xf32>
    tpu.vector_store %arg8[%swap3A, %swap3A_54], %add3A_53 {strides = array<i32>} : memref<1000x128xf32, #tpu.memory_space<vmem>>, vector<1000x128xf32>,
    return
  }
  func.func @transform_0(%arg0: i32) -> (i32, i32) {
    %c0_i32 = arith.constant 0 : i32
    %c0_i32_0 = arith.constant 0 : i32
    return %arg0, %c0_i32 : i32, i32
  }
  func.func @transform_1(%arg0: i32) -> (i32, i32) {
    %c0_i32 = arith.constant 0 : i32
    %c0_i32_0 = arith.constant 0 : i32
    return %arg0, %c0_i32 : i32, i32
  }
  func.func @transform_2(%arg0: i32) -> (i32, i32, i32) {
    %c0_i32 = arith.constant 0 : i32
    %c0_i32_0 = arith.constant 0 : i32
    %c0_i32_1 = arith.constant 0 : i32
    return %c0_i32, %arg0, %c0_i32_0 : i32, i32, i32
  }
  func.func @transform_3(%arg0: i32) -> (i32, i32) {
    %c0_i32 = arith.constant 0 : i32
    %c0_i32_0 = arith.constant 0 : i32
    return %arg0, %c0_i32 : i32, i32
  }
  func.func @transform_4(%arg0: i32) -> (i32, i32) {
    %c0_i32 = arith.constant 0 : i32
    %c0_i32_0 = arith.constant 0 : i32
    %c0_i32_1 = arith.constant 0 : i32
    return %c0_i32, %c0_i32_0 : i32, i32
  }
  func.func @transform_5(%arg0: i32) -> (i32, i32) {
    %c0_i32 = arith.constant 0 : i32
    %c0_i32_0 = arith.constant 0 : i32
    %c0_i32_1 = arith.constant 0 : i32
    return %c0_i32, %c0_i32_0 : i32, i32
  }
  func.func @transform_6(%arg0: i32) -> (i32, i32) {
    %c0_i32 = arith.constant 0 : i32
    %c0_i32_0 = arith.constant 0 : i32
    %c0_i32_1 = arith.constant 0 : i32
    return %c0_i32, %c0_i32_0 : i32, i32
  }
  func.func @transform_7(%arg0: i32) -> (i32, i32) {
    %c0_i32 = arith.constant 0 : i32
    %c0_i32_0 = arith.constant 0 : i32
    return %arg0, %c0_i32 : i32, i32
  }
}

module attributes {stable_mosaic.version = 14 : i64} {
  func.func @_logits_body(%arg0: memref<100x128xf32, #tpu.memory_space<vmem>>, %arg1: memref<128x32xf32, #tpu.memory_space<vmem>>, %arg2: memref<1x1xf32, #tpu.memory_space<vmem>>, %arg3: memref<100x32xf32, #tpu.memory_space<vmem>>) attributes {dimension_semantics = [], scalar_prefetch = 0 : i64, scratch_operands = 0 : i64, tpu.core_type = #tpu.core_type<tc>} {
    %get3A = arith.constant 0 : index
    %get3A_0 = arith.constant 0 : index
    %get3A_1 = vector.load %arg0[%get3A, %get3A_0] : memref<100x128xf32, #tpu.memory_space<vmem>>, vector<100x128xf32>
    %get3A_2 = arith.constant 0 : index
    %get3A_3 = arith.constant 0 : index
    %get3A_4 = vector.load %arg1[%get3A_2, %get3A_3] : memref<128x32xf32, #tpu.memory_space<vmem>>, vector<128x32xf32>
    %dot_general3A = arith.constant dense<0.000000e+00> : vector<100x32xf32>
    %dot_general3A_5 = tpu.matmul %get3A_1, %get3A_4, %dot_general3A {dimension_numbers = #tpu.dot_dimension_numbers<[1], [0], [0], [1], [0, 0, 1, 1], [], []>, transpose_lhs_hint = false} : vector<100x128xf32>, vector<128x32xf32>, vector<100x32xf32> -> vector<100x32xf32>
    %get3A_6 = arith.constant 0 : index
    %get3A_7 = arith.constant 0 : index
    %get3A_8 = vector.load %arg2[%get3A_6, %get3A_7] : memref<1x1xf32, #tpu.memory_space<vmem>>, vector<1x1xf32>
    %add3A = vector.broadcast %get3A_8 : vector<1x1xf32> to vector<100x32xf32>
    %add3A_9 = arith.addf %dot_general3A_5, %add3A : vector<100x32xf32>
    %swap3A = arith.constant 0 : index
    %swap3A_10 = arith.constant 0 : index
    %swap3A_11 = vector.load %arg3[%swap3A, %swap3A_10] : memref<100x32xf32, #tpu.memory_space<vmem>>, vector<100x32xf32>
    tpu.vector_store %arg3[%swap3A, %swap3A_10], %add3A_9 {strides = array<i32>} : memref<100x32xf32, #tpu.memory_space<vmem>>, vector<100x32xf32>,
    return
  }
}

</mosaic_0001>

<sc_bundles>
// kernel: kernel.14.cloned.1.call-start
scs
__scs_entry_jumppad:
0x0: {  	(pc) =	sbr.rel $0x88, $3  }
0x1: {  	(tag) =	ssettag $0x0;
	lr =	simm.s32 $0x1  }
0x2: {  	[smem:$0x3F97] =	sst lr;
	_ =	strace $0xD0000000  }
0x3: {  	_ = 	snop  }
0x4: {  	_ = 	snop  }
0x5: {  	_ = 	snop  }
0x6: {  	_ = 	snop  }
0x7: {  	_ = 	snop  }
__scs_overlays_trampoline_lowered:
0x8: {  	[smem:$0x3FA6] =	sst s0  }
0x9: {  	[smem:$0x3FA7] =	sst s1  }
0xa: {  	[smem:$0x3FA8] =	sst s2  }
0xb: {  	[smem:$0x3FA9] =	sst s3  }
0xc: {  	[smem:$0x3FAA] =	sst s4  }
0xd: {  	[smem:$0x3FAB] =	sst s5  }
0xe: {  	[smem:$0x3FAC] =	sst s6  }
0xf: {  	[smem:$0x3FAD] =	sst s7  }
0x10: {  	[smem:$0x3FAE] =	sst s8  }
0x11: {  	[smem:$0x3FAF] =	sst s9;
	s0 =	simm.s32 @!p0 $0x0  }
0x12: {  	s1 =	sld [smem:$0x3F95];
	s0 =	simm.s32 @p0 $0x1  }
0x13: {  	[smem:$0x3FB0] =	sst s0;
	s0 =	simm.s32 @!p1 $0x0  }
0x14: {  	s2 =	sld [smem:$0x3F94];
	s0 =	simm.s32 @p1 $0x1  }
0x15: {  	[smem:$0x3FB1] =	sst s0;
	s0 =	simm.s32 @!p2 $0x0  }
0x16: {  	s3 =	sld [smem:$0x3FDB];
	s0 =	simm.s32 @p2 $0x1  }
0x17: {  	s4 =	simm.s32 $0x1BF5;
	[smem:$0x3FB3] =	sst s0  }
0x18: {  	s0 =	sld [smem:$0x3F96];
	_ =	swait.ge [sflag:s4], $0x0  }
0x19: {  	s7 =	sld [smem:$0x3F97]  }
0x1a: {  	s8 =	sadd.s32 $0xFFFFE003, lr  }
0x1b: {  	s9 =	sadd.s32 $0xFFFFFEF7, lr;
	s5 =	simm.s32 $0xFFFFFFFF;
	p2 =	slt.u32 s8, $0xFFFFF086  }
0x1c: {  	p1 =	slt.u32 s9, $0xF7A;
	s5 =	simm.s32 @!p2 $0x0  }
0x1d: {  	s5 =	simm.s32 @p1 $0x1;
	p0 =	seq.s32 s7, s2  }
0x1e: {  	s7 =	smul.u32 @!p0 $0xF7A, s2;
	p2 =	seq.s32 @!p0 s5, $0x0  }
0x1f: {  	s9 =	smul.u32 $0xF7A, s1;
	s8 =	simm.s32 @!p0 $0x1BF5;
	p2 =	por !p2, p0  }
0x20: {  	[sflag:s8] =	ssyncset.s32 @!p0 $0xFFFFF086;
	s6 =	sadd.s32 @!p0 s3, s7;
	s7 =	simm.s32 @!p0 $0x108  }
0x21: {  	s3 =	sadd.s32 s3, s9;
	s6 =	sadd.s32 @!p0 $0x88, s6;
	s7 =	simm.s32 @p2 $0x1082  }
0x22: {  	[simem:s7], [sflag:s8] =	dma.local @!p0 [hbm:s6], $0xF7A  }
0x23: {  	s9 =	sor.u32 $0xD0000000, s2;
	s6 =	simm.s32 $0x108;
	_ =	swait.ge @!p0 [sflag:s8], $0x0  }
0x24: {  	s3 =	sadd.s32 $0x88, s3;
	s6 =	simm.s32 @!p1 $0x1082;
	[sflag:s4] =	ssyncset.s32 $0xFFFFF086  }
0x25: {  	[simem:s6], [sflag:s4] =	dma.local [hbm:s3], $0xF7A  }
0x26: {  	[smem:$0x3F97] =	sst s1;
	(tag) =	ssettag s2;
	_ =	strace s9  }
0x27: {  	s1 =	sld [smem:$0x3FA7]  }
0x28: {  	s2 =	sld [smem:$0x3FA8]  }
0x29: {  	s4 =	sld [smem:$0x3FAA]  }
0x2a: {  	p0 =	seq.s32 s5, $0x0;
	s5 =	sld [smem:$0x3FAB]  }
0x2b: {  	s6 =	sld [smem:$0x3FAC]  }
0x2c: {  	s7 =	sld [smem:$0x3FAD]  }
0x2d: {  	s3 =	simm.s32 $0x108;
	s8 =	sld [smem:$0x3FAE]  }
0x2e: {  	s3 =	simm.s32 @!p0 $0x1082;
	s9 =	sld [smem:$0x3FAF]  }
0x2f: {  	lr =	sadd.s32 s0, s3;
	s0 =	sld [smem:$0x3FA6]  }
0x30: {  	s3 =	sld [smem:$0x3FA9]  }
0x31: {  	[smem:$0x3FB2] =	sst s10  }
0x32: {  	s10 =	sld [smem:$0x3FB0];
	_ =	sdelay $0x3  }
0x33: {  	p0 =	seq.s32 s10, $0x1;
	s10 =	sld [smem:$0x3FB2];
	_ =	sdelay $0x3  }
0x34: {  	[smem:$0x3FB2] =	sst s10  }
0x35: {  	s10 =	sld [smem:$0x3FB1];
	_ =	sdelay $0x3  }
0x36: {  	p1 =	seq.s32 s10, $0x1;
	s10 =	sld [smem:$0x3FB2];
	_ =	sdelay $0x3  }
0x37: {  	[smem:$0x3FB2] =	sst s10  }
0x38: {  	s10 =	sld [smem:$0x3FB3]  }
0x39: {  	_ = 	snop;
	(pc) =	sbr.ind lr, $3  }
0x3a: {  	_ = 	snop  }
0x3b: {  	_ = 	snop  }
0x3c: {  	p2 =	seq.s32 s10, $0x1;
	s10 =	sld [smem:$0x3FB2]  }
0x3d: {  	_ =	shalt  }
0x3e: {  	_ =	shalt  }
0x3f: {  	_ =	shalt  }
0x40: {  	_ =	shalt  }
0x41: {  	_ =	shalt  }
0x42: {  	_ =	shalt  }
0x43: {  	_ =	shalt  }
0x44: {  	_ =	shalt  }
0x45: {  	_ =	shalt  }
0x46: {  	_ =	shalt  }
0x47: {  	_ =	shalt  }
0x48: {  	_ =	shalt  }
0x49: {  	_ =	shalt  }
0x4a: {  	_ =	shalt  }
0x4b: {  	_ =	shalt  }
0x4c: {  	_ =	shalt  }
0x4d: {  	_ =	shalt  }
0x4e: {  	_ =	shalt  }
0x4f: {  	_ =	shalt  }
0x50: {  	_ =	shalt  }
0x51: {  	_ =	shalt  }
0x52: {  	_ =	shalt  }
0x53: {  	_ =	shalt  }
0x54: {  	_ =	shalt  }
0x55: {  	_ =	shalt  }
0x56: {  	_ =	shalt  }
0x57: {  	_ =	shalt  }
0x58: {  	_ =	shalt  }
0x59: {  	_ =	shalt  }
0x5a: {  	_ =	shalt  }
0x5b: {  	_ =	shalt  }
0x5c: {  	_ =	shalt  }
0x5d: {  	_ =	shalt  }
0x5e: {  	_ =	shalt  }
0x5f: {  	_ =	shalt  }
0x60: {  	_ =	shalt  }
0x61: {  	_ =	shalt  }
0x62: {  	_ =	shalt  }
0x63: {  	_ =	shalt  }
0x64: {  	_ =	shalt  }
0x65: {  	_ =	shalt  }
0x66: {  	_ =	shalt  }
0x67: {  	_ =	shalt  }
0x68: {  	_ =	shalt  }
0x69: {  	_ =	shalt  }
0x6a: {  	_ =	shalt  }
0x6b: {  	_ =	shalt  }
0x6c: {  	_ =	shalt  }
0x6d: {  	_ =	shalt  }
0x6e: {  	_ =	shalt  }
0x6f: {  	_ =	shalt  }
0x70: {  	_ =	shalt  }
0x71: {  	_ =	shalt  }
0x72: {  	_ =	shalt  }
0x73: {  	_ =	shalt  }
0x74: {  	_ =	shalt  }
0x75: {  	_ =	shalt  }
0x76: {  	_ =	shalt  }
0x77: {  	_ =	shalt  }
0x78: {  	_ =	shalt  }
0x79: {  	_ =	shalt  }
0x7a: {  	_ =	shalt  }
0x7b: {  	_ =	shalt  }
0x7c: {  	_ =	shalt  }
0x7d: {  	_ =	shalt  }
0x7e: {  	_ =	shalt  }
0x7f: {  	_ =	shalt  }
0x80: {  	_ =	shalt  }
0x81: {  	_ =	shalt  }
0x82: {  	_ =	shalt  }
0x83: {  	_ =	shalt  }
0x84: {  	_ =	shalt  }
0x85: {  	_ =	shalt  }
0x86: {  	_ =	shalt  }
0x87: {  	_ =	shalt  }
.Lfunc_end0:
.L_simem_size_0:
called_computation_lowered:
.L_overlay_start_0:
0x88: {  	s2 =	sld [smem:$0x3FD9]  }
0x89: {  	s3 =	sld [smem:$0x3FFE];
	_ =	sdelay $0x1  }
0x8a: {  	s1 =	srdreg.scid  }
0x8b: {  	s0 =	sand.u32 $0x1, s1  }
0x8c: {  	s16 =	sshll.u32 s0, $0xA;
	s2 =	sadd.s32 s3, s2  }
0x8d: {  	s2 =	sadd.s32 s2, s16  }
0x8e: {  	[smem:$0x3FBE] =	sst s2  }
0x8f: {  	_ = 	snop  }
0x90: {  	(tm) =	ssettm $0x1  }
0x91: {  	s17 =	sld [smem:$0x3FFB];
	_ =	sdelay $0x3  }
0x92: {  	_ =	strace s17  }
0x93: {  	s2 =	sld [smem:$0x3FFC];
	_ =	sdelay $0x3  }
0x94: {  	_ =	strace s2  }
0x95: {  	s2 =	sld [smem:$0x3FFD];
	_ =	sdelay $0x3  }
0x96: {  	_ =	strace s2  }
0x97: {  	_ =	strace $0x8FFFFFFF  }
0x98: {  	s18 =	sld [smem:$0x3FDB];
	_ =	sdelay $0x1  }
0x99: {  	s19 =	simm.s32 $_scs_section_size  }
0x9a: {  	s4 =	simm.s32 $_size__tile_overlayer_lowered;
	s5 =	simm.s32 $_tile_overlayer_lowered  }
0x9b: {  	s22 =	simm.s32 $0x1BFF;
	s21 =	sshll.u32 s5, $0x1;
	s2 =	sadd.s32 s19, s18  }
0x9c: {  	s6 =	simm.s32 $0x0;
	s20 =	sshll.u32 s4, $0x1;
	s4 =	sadd.s32 s21, s2  }
0x9d: {  	[timem:s6], [sflag:s22] =	dma.local [hbm:s4], s20  }
0x9e: {  	_ =	swait.ge [sflag:s22], s20  }
0x9f: {  	s3 =	ssub.s32 $0x0, s20;
	[sflag:s22] =	ssyncset.done $0x0  }
0xa0: {  	[sflag:s22] =	ssyncadd.s32 s3;
	_ =	sdelay $0x1  }
0xa1: {  	s23 =	simm.s32 $0x1B8B  }
0xa2: {  	_ =	swait.ge [sflag:s23], $0x1  }
0xa3: {  	[sflag:s23] =	ssyncset.done $0x0  }
0xa4: {  	s25 =	simm.s32 $0x1B8E;
	s24 =	sld [smem:$0x3FFE];
	[sflag:s23] =	ssyncadd.s32 $0xFFFFFFFF  }
0xa5: {  	s26 =	simm.s32 $execute0_lowered;
	[smem:$0x3FD2] =	sst s25  }
0xa6: {  	s4 =	sshll.u32 s26, $0x1;
	_ =	strace $0x80000046;
	[dreg:$0x1] =	wrdreg $0xFFFFFFFF  }
0xa7: {  	s28 =	simm.s32 $_size_execute0_lowered;
	s2 =	sadd.s32 s2, s4;
	[dreg:$0x0] =	wrdreg $0x0  }
0xa8: {  	s4 =	sshll.u32 s28, $0x1;
	[dreg:$0x2] =	wrdreg s2  }
0xa9: {  	[dreg:$0x3] =	wrdreg s4  }
0xaa: {  	[dreg:$0x4] =	wrdreg $0xC0  }
0xab: {  	_ =	task [dreg:s6], $0x5FFFF  }
0xac: {  	[dreg:$0x1] =	wrdreg $0xFFFFFFFF  }
0xad: {  	[dreg:$0x0] =	wrdreg $0x60  }
0xae: {  	[dreg:$0x2] =	wrdreg s24  }
0xaf: {  	[dreg:$0x3] =	wrdreg $0x68000  }
0xb0: {  	[dreg:$0x4] =	wrdreg $0x9  }
0xb1: {  	_ =	task.clear_ibuf [dreg:s6], $0x5FFFF;
	_ =	strace $0x90000046  }
0xb2: {  	s29 =	simm.s32 $0x9;
	_ =	strace $0x80000048  }
0xb3: {  	_ =	swait.ge [sflag:s29], $0x1  }
0xb4: {  	[sflag:s29] =	ssyncadd.s32 $0xFFFFFFFF  }
0xb5: {  	_ =	strace $0x90000048  }
0xb6: {  	_ =	sfence  }
0xb7: {  	s30 =	sld [smem:$0x0];
	_ =	sdelay $0x2  }
0xb8: {  	s31 =	sshll.u32 s1, $0xD;
	s1 =	sshrl.u32 s1, $0x2  }
0xb9: {  	s3 =	sand.u32 $0x4000, s31;
	s1 =	sadd.s32 s1, s30  }
0xba: {  	s0 =	sor.u32 s3, s0;
	s1 =	sshll.u32 s1, $0x11  }
0xbb: {  	s0 =	sor.u32 s1, s0  }
0xbc: {  	s0 =	sadd.s32 $0x8F2B, s0  }
0xbd: {  	[sflag:s0] =	ssyncadd.remote.s32 $0x1  }
0xbe: {  	_ =	sfence.sel $0xFFFF  }
0xbf: {  	[dreg:$0x0] =	wrdreg $0xFFFFFFFF;
	(pc) =	sbr.abs _section_cstart, $3  }
0xc0: {  	[dreg:$0x1] =	wrdreg $0xFFFFFFFF  }
0xc1: {  	_ =	task.clear_ibuf [dreg:s6], $0x2FFFF;
	_ =	strace $0x9FFFFFFF  }
0xc2: {  	(tm) =	ssettm $0x7FFFFFFF  }
0xc3: {  	_ =	shalt  }
tec
execute0_lowered:
.L_overlay_start_1:
0x0: {  	(tag) =	ssettag $0x1  }
0x1: {  	s0 =	srdreg.scid;
	s5 =	rddreg [dreg:$0x0]  }
0x2: {  	s2 =	rddreg [dreg:$0x1];
	s4 =	sand.u32 $0x1, s0  }
0x3: {  	s3 =	simm.s32 $0x0;
	s0 =	stileid.u32;
	s7 =	smul.u32 $0x28000, s4  }
0x4: {  	[smem:$0x7FF] =	sst s3;
	s8 =	smul.u32 $0x280, s0  }
0x5: {  	s1 =	sshll.u32 s4, $0x4;
	s4 =	ssub.s32 $0x2, s4;
	s10 =	smul.u32 $0x50000, s0  }
0x6: {  	s16 =	smul.u32 $0x2800, s0;
	s6 =	sor.u32 s0, s1;
	s1 =	rddreg [dreg:$0x2]  }
0x7: {  	_ =	strace $0x80000047;
	s9 =	sshrl.u32 s4, $0x1;
	s6 =	smul.u32 $0x500, s6  }
0x8: {  	s11 =	sadd.s32 s7, s5;
	s12 =	ssub.s32 s4, s9;
	s13 =	sadd.s32 $0x80, s8  }
0x9: {  	s25 =	sshrl.u32 s10, $0x2;
	s28 =	sadd.s32 $0x100, s8;
	s14 =	sadd.s32 $0x180, s8  }
0xa: {  	s15 =	sadd.s32 $0x200, s8;
	s26 =	sshll.u32 s13, $0x7;
	s29 =	sshll.u32 s28, $0x7  }
0xb: {  	s30 =	sshll.u32 s14, $0x7;
	s31 =	sshll.u32 s15, $0x7;
	s18 =	sadd.s32 $0x18800, s11  }
0xc: {  	s17 =	sshll.u32 s13, $0x4;
	s19 =	sshll.u32 s28, $0x4;
	s20 =	sshll.u32 s14, $0x4  }
0xd: {  	s21 =	sshll.u32 s15, $0x4;
	s10 =	smax.u32 s12, $0x1;
	s11 =	simm.s32 $0x1  }
0xe: {  	s12 =	simm.s32 $0x2800;
	s13 =	simm.s32 $0x80;
	s6 =	sadd.s32 s6, s5  }
0xf: {  	s5 =	sadd.s32 s25, s2;
	s7 =	sadd.s32 s29, s2;
	s8 =	sadd.s32 s30, s2  }
0x10: {  	s9 =	sadd.s32 s31, s2;
	s14 =	sadd.s32 s16, s18;
	s15 =	sadd.s32 s17, s18  }
0x11: {  	s16 =	sadd.s32 s19, s18;
	s17 =	sadd.s32 s20, s18;
	s18 =	sadd.s32 s21, s18  }
0x12: {  	v0 =	vimm.f32 $0.0e+00;
	v1 =	vimm.f32 $1.000000000e+00;
	s19 =	simm.s32 $0x0;
	s4 =	sadd.s32 $0x4800, s6;
	s6 =	sadd.s32 s26, s2  }
.LBB2_1:
0x13: {  	[tilespmem:s3], [sflag:$0x1] =	stream.linear.gather [hbm4b:s4+s3], $0x2800, $0x38;
	[tilespmem:$0x9000] =	vst v63  }
0x14: {  	_ =	swait.ge [sflag:s11], $0x2800  }
0x15: {  	[sflag:s11] =	ssyncset.done $0x0  }
0x16: {  	s20 =	simm.s32 $0x200;
	s21 =	simm.s32 $0x0;
	[sflag:s11] =	ssyncadd.s32 $0xFFFFD800  }
.LBB2_2:
0x17: {  	p0 =	sne.s32 s20, $0xFE00;
	[tilespmem:s21+$0x2800] =	vst v0;
	s21 =	smov.u32 s20;
	s20 =	sadd.s32 $0x200, s20  }
.Ltmp0:
0x18: {  	(pc) =	sbr.rel @p0 .LBB2_2-.Ltmp0, $2  }
0x19: {  	_ =	sdelay $0x2  }
0x1a: {  	s21 =	sshra.s32 s21, $0x2  }
0x1b: {  	[tilespmem:s21+$0x2800] =	vst v0  }
0x1c: {  	[spmem:s5] =	stream.linear.scatter [tilespmem:s12], [sflag:$0x1], $0x4000, $0x38;
	[tilespmem:$0x9000] =	vst v63  }
0x1d: {  	_ =	swait.ge [sflag:s11], $0x4000  }
0x1e: {  	[sflag:s11] =	ssyncset.done $0x0  }
0x1f: {  	[sflag:s11] =	ssyncadd.s32 $0xFFFFC000  }
0x20: {  	[spmem:s6] =	stream.linear.scatter [tilespmem:s12], [sflag:$0x1], $0x4000, $0x38;
	[tilespmem:$0x9000] =	vst v63  }
0x21: {  	_ =	swait.ge [sflag:s11], $0x4000  }
0x22: {  	[sflag:s11] =	ssyncset.done $0x0  }
0x23: {  	[sflag:s11] =	ssyncadd.s32 $0xFFFFC000  }
0x24: {  	[spmem:s7] =	stream.linear.scatter [tilespmem:s12], [sflag:$0x1], $0x4000, $0x38;
	[tilespmem:$0x9000] =	vst v63  }
0x25: {  	_ =	swait.ge [sflag:s11], $0x4000  }
0x26: {  	[sflag:s11] =	ssyncset.done $0x0  }
0x27: {  	[sflag:s11] =	ssyncadd.s32 $0xFFFFC000  }
0x28: {  	[spmem:s8] =	stream.linear.scatter [tilespmem:s12], [sflag:$0x1], $0x4000, $0x38;
	[tilespmem:$0x9000] =	vst v63  }
0x29: {  	_ =	swait.ge [sflag:s11], $0x4000  }
0x2a: {  	[sflag:s11] =	ssyncset.done $0x0  }
0x2b: {  	[sflag:s11] =	ssyncadd.s32 $0xFFFFC000  }
0x2c: {  	[spmem:s9] =	stream.linear.scatter [tilespmem:s12], [sflag:$0x1], $0x4000, $0x38;
	[tilespmem:$0x9000] =	vst v63  }
0x2d: {  	_ =	swait.ge [sflag:s11], $0x4000  }
0x2e: {  	[sflag:s11] =	ssyncset.done $0x0  }
0x2f: {  	s20 =	simm.s32 $0x200;
	s21 =	simm.s32 $0x0;
	[sflag:s11] =	ssyncadd.s32 $0xFFFFC000  }
.LBB2_4:
0x30: {  	p0 =	sne.s32 s20, $0xFE00;
	[tilespmem:s21+$0x2800] =	vst v1;
	s21 =	smov.u32 s20;
	s20 =	sadd.s32 $0x200, s20  }
.Ltmp1:
0x31: {  	(pc) =	sbr.rel @p0 .LBB2_4-.Ltmp1, $2  }
0x32: {  	_ =	sdelay $0x2  }
0x33: {  	s21 =	sshra.s32 s21, $0x2  }
0x34: {  	[tilespmem:s21+$0x2800] =	vst v1  }
0x35: {  	s20 =	simm.s32 $0x0;
	[bflag:$0x0] =	sbarrier.arrive $0xFFFF  }
0x36: {  	[spmem:s2] =	stream.indirect.scatter.add.f32 [tilespmem:s12], [sflag:$0x1], $0x10, s20, s13, $0xb8;
	[tilespmem:$0x9000] =	vst v63  }
0x37: {  	_ =	swait.ge [sflag:s11], $0x800  }
0x38: {  	s20 =	simm.s32 $0x200;
	[sflag:s11] =	ssyncset.done $0x0  }
.LBB2_6:
0x39: {  	s21 =	sshra.s32 s20, $0x2;
	[sflag:s11] =	ssyncadd.s32 $0xFFFFF800;
	p0 =	sne.s32 s20, $0x9E00  }
0x3a: {  	[spmem:s2] =	stream.indirect.scatter.add.f32 [tilespmem:s12], [sflag:$0x1], $0x10, s21, s13, $0xb8;
	[tilespmem:$0x9000] =	vst v63  }
.Ltmp2:
0x3b: {  	_ = 	snop;
	(pc) =	sbr.rel @p0 .LBB2_6-.Ltmp2, $4  }
0x3c: {  	_ = 	snop  }
0x3d: {  	s20 =	sadd.s32 $0x200, s20  }
0x3e: {  	_ =	swait.ge [sflag:s11], $0x800  }
0x3f: {  	[sflag:s11] =	ssyncset.done $0x0  }
0x40: {  	[sflag:s11] =	ssyncadd.s32 $0xFFFFF800;
	s20 =	sshll.u32 s0, $0x6  }
0x41: {  	s21 =	sshrl.u32 s5, $0x3;
	[bflag:$0x0] =	sbarrier.arrive $0xFFFF;
	s20 =	sor.u32 $0x1C01, s20  }
0x42: {  	[hbm:s14], [sflag:s20] =	dma.local [spmem:s21], $0x800  }
0x43: {  	_ =	swait.ge [sflag:s11], $0x800  }
0x44: {  	[sflag:s11] =	ssyncset.done $0x0  }
0x45: {  	s28 =	sshrl.u32 s6, $0x3;
	[sflag:s11] =	ssyncadd.s32 $0xFFFFF800  }
0x46: {  	[hbm:s15], [sflag:s20] =	dma.local [spmem:s28], $0x800  }
0x47: {  	_ =	swait.ge [sflag:s11], $0x800  }
0x48: {  	[sflag:s11] =	ssyncset.done $0x0  }
0x49: {  	s29 =	sshrl.u32 s7, $0x3;
	[sflag:s11] =	ssyncadd.s32 $0xFFFFF800  }
0x4a: {  	[hbm:s16], [sflag:s20] =	dma.local [spmem:s29], $0x800  }
0x4b: {  	_ =	swait.ge [sflag:s11], $0x800  }
0x4c: {  	[sflag:s11] =	ssyncset.done $0x0  }
0x4d: {  	s30 =	sshrl.u32 s8, $0x3;
	[sflag:s11] =	ssyncadd.s32 $0xFFFFF800  }
0x4e: {  	[hbm:s17], [sflag:s20] =	dma.local [spmem:s30], $0x800  }
0x4f: {  	s19 =	sadd.s32 $0x1, s19;
	_ =	swait.ge [sflag:s11], $0x800  }
0x50: {  	p0 =	sne.s32 s19, s10;
	[sflag:s11] =	ssyncset.done $0x0  }
.Ltmp3:
0x51: {  	s31 =	sshrl.u32 s9, $0x3;
	[sflag:s11] =	ssyncadd.s32 $0xFFFFF800;
	(pc) =	sbr.rel @p0 .LBB2_1-.Ltmp3, $4  }
0x52: {  	[hbm:s18], [sflag:s20] =	dma.local [spmem:s31], $0x800  }
0x53: {  	_ =	swait.ge [sflag:s11], $0x800  }
0x54: {  	[sflag:s11] =	ssyncset.done $0x0  }
0x55: {  	[sflag:s11] =	ssyncadd.s32 $0xFFFFF800  }
0x56: {  	_ =	sfence.sel $0x180000  }
0x57: {  	[bflag:$0x0] =	sbarrier.arrive $0xFFFF  }
0x58: {  	p0 =	sne.s32 s0, $0x0;
	_ =	strace $0x90000047  }
0x59: {  	s0 =	sadd.s32 @!p0 $0x100000, s1;
	[bflag:$0x2] =	sbarrier.arrive $0xFFFF  }
0x5a: {  	[sflag:s0] =	ssyncadd.tile.s32 @!p0 $0x1;
	_ =	shalt  }
.Lfunc_end2:
_tile_overlayer_lowered:
.L_overlay_start_2:
0x5b: {  	(tag) =	ssettag $0x2  }
0x5c: {  	s0 =	rddreg [dreg:$0x0];
	s2 =	stileid.u32  }
0x5d: {  	s1 =	rddreg [dreg:$0x1];
	p0 =	sne.s32 s2, $0x0  }
0x5e: {  	s3 =	rddreg [dreg:$0x2];
	[bflag:$0x3] =	sbarrier.arrive $0xFFFF;
	s2 =	simm.s32 @!p0 $0x1C01  }
0x5f: {  	[timem:s3], [sflag:s2] =	dma.local @!p0 [hbm:s0], s1  }
0x60: {  	s0 =	simm.s32 @!p0 $0x1  }
0x61: {  	_ =	swait.ge @!p0 [sflag:s0], s1  }
0x62: {  	s1 =	ssub.s32 @!p0 $0x0, s1;
	[sflag:s0] =	ssyncset.done @!p0 $0x0  }
0x63: {  	[sflag:s0] =	ssyncadd.s32 @!p0 s1  }
0x64: {  	[bflag:$0x3] =	sbarrier.arrive $0xFFFF  }
0x65: {  	_ =	shalt  }

// kernel: kernel.17.cloned.1.call-start
scs
__scs_entry_jumppad:
0x0: {  	(pc) =	sbr.rel $0x88, $3  }
0x1: {  	(tag) =	ssettag $0x0;
	lr =	simm.s32 $0x1  }
0x2: {  	[smem:$0x3F97] =	sst lr;
	_ =	strace $0xD0000000  }
0x3: {  	_ = 	snop  }
0x4: {  	_ = 	snop  }
0x5: {  	_ = 	snop  }
0x6: {  	_ = 	snop  }
0x7: {  	_ = 	snop  }
__scs_overlays_trampoline_lowered:
0x8: {  	[smem:$0x3FA6] =	sst s0  }
0x9: {  	[smem:$0x3FA7] =	sst s1  }
0xa: {  	[smem:$0x3FA8] =	sst s2  }
0xb: {  	[smem:$0x3FA9] =	sst s3  }
0xc: {  	[smem:$0x3FAA] =	sst s4  }
0xd: {  	[smem:$0x3FAB] =	sst s5  }
0xe: {  	[smem:$0x3FAC] =	sst s6  }
0xf: {  	[smem:$0x3FAD] =	sst s7  }
0x10: {  	[smem:$0x3FAE] =	sst s8  }
0x11: {  	[smem:$0x3FAF] =	sst s9;
	s0 =	simm.s32 @!p0 $0x0  }
0x12: {  	s1 =	sld [smem:$0x3F95];
	s0 =	simm.s32 @p0 $0x1  }
0x13: {  	[smem:$0x3FB0] =	sst s0;
	s0 =	simm.s32 @!p1 $0x0  }
0x14: {  	s2 =	sld [smem:$0x3F94];
	s0 =	simm.s32 @p1 $0x1  }
0x15: {  	[smem:$0x3FB1] =	sst s0;
	s0 =	simm.s32 @!p2 $0x0  }
0x16: {  	s3 =	sld [smem:$0x3FDB];
	s0 =	simm.s32 @p2 $0x1  }
0x17: {  	s4 =	simm.s32 $0x1BF5;
	[smem:$0x3FB3] =	sst s0  }
0x18: {  	s0 =	sld [smem:$0x3F96];
	_ =	swait.ge [sflag:s4], $0x0  }
0x19: {  	s7 =	sld [smem:$0x3F97]  }
0x1a: {  	s8 =	sadd.s32 $0xFFFFE003, lr  }
0x1b: {  	s9 =	sadd.s32 $0xFFFFFEF7, lr;
	s5 =	simm.s32 $0xFFFFFFFF;
	p2 =	slt.u32 s8, $0xFFFFF086  }
0x1c: {  	p1 =	slt.u32 s9, $0xF7A;
	s5 =	simm.s32 @!p2 $0x0  }
0x1d: {  	s5 =	simm.s32 @p1 $0x1;
	p0 =	seq.s32 s7, s2  }
0x1e: {  	s7 =	smul.u32 @!p0 $0xF7A, s2;
	p2 =	seq.s32 @!p0 s5, $0x0  }
0x1f: {  	s9 =	smul.u32 $0xF7A, s1;
	s8 =	simm.s32 @!p0 $0x1BF5;
	p2 =	por !p2, p0  }
0x20: {  	[sflag:s8] =	ssyncset.s32 @!p0 $0xFFFFF086;
	s6 =	sadd.s32 @!p0 s3, s7;
	s7 =	simm.s32 @!p0 $0x108  }
0x21: {  	s3 =	sadd.s32 s3, s9;
	s6 =	sadd.s32 @!p0 $0x88, s6;
	s7 =	simm.s32 @p2 $0x1082  }
0x22: {  	[simem:s7], [sflag:s8] =	dma.local @!p0 [hbm:s6], $0xF7A  }
0x23: {  	s9 =	sor.u32 $0xD0000000, s2;
	s6 =	simm.s32 $0x108;
	_ =	swait.ge @!p0 [sflag:s8], $0x0  }
0x24: {  	s3 =	sadd.s32 $0x88, s3;
	s6 =	simm.s32 @!p1 $0x1082;
	[sflag:s4] =	ssyncset.s32 $0xFFFFF086  }
0x25: {  	[simem:s6], [sflag:s4] =	dma.local [hbm:s3], $0xF7A  }
0x26: {  	[smem:$0x3F97] =	sst s1;
	(tag) =	ssettag s2;
	_ =	strace s9  }
0x27: {  	s1 =	sld [smem:$0x3FA7]  }
0x28: {  	s2 =	sld [smem:$0x3FA8]  }
0x29: {  	s4 =	sld [smem:$0x3FAA]  }
0x2a: {  	p0 =	seq.s32 s5, $0x0;
	s5 =	sld [smem:$0x3FAB]  }
0x2b: {  	s6 =	sld [smem:$0x3FAC]  }
0x2c: {  	s7 =	sld [smem:$0x3FAD]  }
0x2d: {  	s3 =	simm.s32 $0x108;
	s8 =	sld [smem:$0x3FAE]  }
0x2e: {  	s3 =	simm.s32 @!p0 $0x1082;
	s9 =	sld [smem:$0x3FAF]  }
0x2f: {  	lr =	sadd.s32 s0, s3;
	s0 =	sld [smem:$0x3FA6]  }
0x30: {  	s3 =	sld [smem:$0x3FA9]  }
0x31: {  	[smem:$0x3FB2] =	sst s10  }
0x32: {  	s10 =	sld [smem:$0x3FB0];
	_ =	sdelay $0x3  }
0x33: {  	p0 =	seq.s32 s10, $0x1;
	s10 =	sld [smem:$0x3FB2];
	_ =	sdelay $0x3  }
0x34: {  	[smem:$0x3FB2] =	sst s10  }
0x35: {  	s10 =	sld [smem:$0x3FB1];
	_ =	sdelay $0x3  }
0x36: {  	p1 =	seq.s32 s10, $0x1;
	s10 =	sld [smem:$0x3FB2];
	_ =	sdelay $0x3  }
0x37: {  	[smem:$0x3FB2] =	sst s10  }
0x38: {  	s10 =	sld [smem:$0x3FB3]  }
0x39: {  	_ = 	snop;
	(pc) =	sbr.ind lr, $3  }
0x3a: {  	_ = 	snop  }
0x3b: {  	_ = 	snop  }
0x3c: {  	p2 =	seq.s32 s10, $0x1;
	s10 =	sld [smem:$0x3FB2]  }
0x3d: {  	_ =	shalt  }
0x3e: {  	_ =	shalt  }
0x3f: {  	_ =	shalt  }
0x40: {  	_ =	shalt  }
0x41: {  	_ =	shalt  }
0x42: {  	_ =	shalt  }
0x43: {  	_ =	shalt  }
0x44: {  	_ =	shalt  }
0x45: {  	_ =	shalt  }
0x46: {  	_ =	shalt  }
0x47: {  	_ =	shalt  }
0x48: {  	_ =	shalt  }
0x49: {  	_ =	shalt  }
0x4a: {  	_ =	shalt  }
0x4b: {  	_ =	shalt  }
0x4c: {  	_ =	shalt  }
0x4d: {  	_ =	shalt  }
0x4e: {  	_ =	shalt  }
0x4f: {  	_ =	shalt  }
0x50: {  	_ =	shalt  }
0x51: {  	_ =	shalt  }
0x52: {  	_ =	shalt  }
0x53: {  	_ =	shalt  }
0x54: {  	_ =	shalt  }
0x55: {  	_ =	shalt  }
0x56: {  	_ =	shalt  }
0x57: {  	_ =	shalt  }
0x58: {  	_ =	shalt  }
0x59: {  	_ =	shalt  }
0x5a: {  	_ =	shalt  }
0x5b: {  	_ =	shalt  }
0x5c: {  	_ =	shalt  }
0x5d: {  	_ =	shalt  }
0x5e: {  	_ =	shalt  }
0x5f: {  	_ =	shalt  }
0x60: {  	_ =	shalt  }
0x61: {  	_ =	shalt  }
0x62: {  	_ =	shalt  }
0x63: {  	_ =	shalt  }
0x64: {  	_ =	shalt  }
0x65: {  	_ =	shalt  }
0x66: {  	_ =	shalt  }
0x67: {  	_ =	shalt  }
0x68: {  	_ =	shalt  }
0x69: {  	_ =	shalt  }
0x6a: {  	_ =	shalt  }
0x6b: {  	_ =	shalt  }
0x6c: {  	_ =	shalt  }
0x6d: {  	_ =	shalt  }
0x6e: {  	_ =	shalt  }
0x6f: {  	_ =	shalt  }
0x70: {  	_ =	shalt  }
0x71: {  	_ =	shalt  }
0x72: {  	_ =	shalt  }
0x73: {  	_ =	shalt  }
0x74: {  	_ =	shalt  }
0x75: {  	_ =	shalt  }
0x76: {  	_ =	shalt  }
0x77: {  	_ =	shalt  }
0x78: {  	_ =	shalt  }
0x79: {  	_ =	shalt  }
0x7a: {  	_ =	shalt  }
0x7b: {  	_ =	shalt  }
0x7c: {  	_ =	shalt  }
0x7d: {  	_ =	shalt  }
0x7e: {  	_ =	shalt  }
0x7f: {  	_ =	shalt  }
0x80: {  	_ =	shalt  }
0x81: {  	_ =	shalt  }
0x82: {  	_ =	shalt  }
0x83: {  	_ =	shalt  }
0x84: {  	_ =	shalt  }
0x85: {  	_ =	shalt  }
0x86: {  	_ =	shalt  }
0x87: {  	_ =	shalt  }
.Lfunc_end0:
.L_simem_size_0:
called_computation.1_lowered:
.L_overlay_start_0:
0x88: {  	s2 =	sld [smem:$0x3FD9]  }
0x89: {  	s3 =	sld [smem:$0x3FFE];
	_ =	sdelay $0x1  }
0x8a: {  	s1 =	srdreg.scid  }
0x8b: {  	s0 =	sand.u32 $0x1, s1  }
0x8c: {  	s16 =	sshll.u32 s0, $0xA;
	s2 =	sadd.s32 s3, s2  }
0x8d: {  	s2 =	sadd.s32 s2, s16  }
0x8e: {  	[smem:$0x3FBE] =	sst s2  }
0x8f: {  	_ = 	snop  }
0x90: {  	(tm) =	ssettm $0x1  }
0x91: {  	s17 =	sld [smem:$0x3FFB];
	_ =	sdelay $0x3  }
0x92: {  	_ =	strace s17  }
0x93: {  	s2 =	sld [smem:$0x3FFC];
	_ =	sdelay $0x3  }
0x94: {  	_ =	strace s2  }
0x95: {  	s2 =	sld [smem:$0x3FFD];
	_ =	sdelay $0x3  }
0x96: {  	_ =	strace s2  }
0x97: {  	_ =	strace $0x8FFFFFFF  }
0x98: {  	s18 =	sld [smem:$0x3FDB];
	_ =	sdelay $0x1  }
0x99: {  	s19 =	simm.s32 $_scs_section_size  }
0x9a: {  	s4 =	simm.s32 $_size__tile_overlayer_lowered;
	s5 =	simm.s32 $_tile_overlayer_lowered  }
0x9b: {  	s22 =	simm.s32 $0x1BFF;
	s21 =	sshll.u32 s5, $0x1;
	s2 =	sadd.s32 s19, s18  }
0x9c: {  	s6 =	simm.s32 $0x0;
	s20 =	sshll.u32 s4, $0x1;
	s4 =	sadd.s32 s21, s2  }
0x9d: {  	[timem:s6], [sflag:s22] =	dma.local [hbm:s4], s20  }
0x9e: {  	_ =	swait.ge [sflag:s22], s20  }
0x9f: {  	s3 =	ssub.s32 $0x0, s20;
	[sflag:s22] =	ssyncset.done $0x0  }
0xa0: {  	[sflag:s22] =	ssyncadd.s32 s3;
	_ =	sdelay $0x1  }
0xa1: {  	s23 =	simm.s32 $0x1B8B  }
0xa2: {  	_ =	swait.ge [sflag:s23], $0x1  }
0xa3: {  	[sflag:s23] =	ssyncset.done $0x0  }
0xa4: {  	s25 =	simm.s32 $0x1B8E;
	s24 =	sld [smem:$0x3FFE];
	[sflag:s23] =	ssyncadd.s32 $0xFFFFFFFF  }
0xa5: {  	s26 =	simm.s32 $execute0_lowered;
	[smem:$0x3FD2] =	sst s25  }
0xa6: {  	s4 =	sshll.u32 s26, $0x1;
	_ =	strace $0x80000049;
	[dreg:$0x1] =	wrdreg $0xFFFFFFFF  }
0xa7: {  	s28 =	simm.s32 $_size_execute0_lowered;
	s2 =	sadd.s32 s2, s4;
	[dreg:$0x0] =	wrdreg $0x0  }
0xa8: {  	s4 =	sshll.u32 s28, $0x1;
	[dreg:$0x2] =	wrdreg s2  }
0xa9: {  	[dreg:$0x3] =	wrdreg s4  }
0xaa: {  	[dreg:$0x4] =	wrdreg $0xC0  }
0xab: {  	_ =	task [dreg:s6], $0x5FFFF  }
0xac: {  	[dreg:$0x1] =	wrdreg $0xFFFFFFFF  }
0xad: {  	[dreg:$0x0] =	wrdreg $0x60  }
0xae: {  	[dreg:$0x2] =	wrdreg s24  }
0xaf: {  	[dreg:$0x3] =	wrdreg $0xA8000  }
0xb0: {  	[dreg:$0x4] =	wrdreg $0x9  }
0xb1: {  	_ =	task.clear_ibuf [dreg:s6], $0x5FFFF;
	_ =	strace $0x90000049  }
0xb2: {  	s29 =	simm.s32 $0x9;
	_ =	strace $0x8000004B  }
0xb3: {  	_ =	swait.ge [sflag:s29], $0x1  }
0xb4: {  	[sflag:s29] =	ssyncadd.s32 $0xFFFFFFFF  }
0xb5: {  	_ =	strace $0x9000004B  }
0xb6: {  	_ =	sfence  }
0xb7: {  	s30 =	sld [smem:$0x0];
	_ =	sdelay $0x2  }
0xb8: {  	s31 =	sshll.u32 s1, $0xD;
	s1 =	sshrl.u32 s1, $0x2  }
0xb9: {  	s3 =	sand.u32 $0x4000, s31;
	s1 =	sadd.s32 s1, s30  }
0xba: {  	s0 =	sor.u32 s3, s0;
	s1 =	sshll.u32 s1, $0x11  }
0xbb: {  	s0 =	sor.u32 s1, s0  }
0xbc: {  	s0 =	sadd.s32 $0x8F2B, s0  }
0xbd: {  	[sflag:s0] =	ssyncadd.remote.s32 $0x1  }
0xbe: {  	_ =	sfence.sel $0xFFFF  }
0xbf: {  	[dreg:$0x0] =	wrdreg $0xFFFFFFFF;
	(pc) =	sbr.abs _section_cstart, $3  }
0xc0: {  	[dreg:$0x1] =	wrdreg $0xFFFFFFFF  }
0xc1: {  	_ =	task.clear_ibuf [dreg:s6], $0x2FFFF;
	_ =	strace $0x9FFFFFFF  }
0xc2: {  	(tm) =	ssettm $0x7FFFFFFF  }
0xc3: {  	_ =	shalt  }
tec
execute0_lowered:
.L_overlay_start_1:
0x0: {  	(tag) =	ssettag $0x1  }
0x1: {  	s0 =	rddreg [dreg:$0x0]  }
0x2: {  	s1 =	rddreg [dreg:$0x1];
	s2 =	simm.s32 $0x0  }
0x3: {  	s3 =	srdreg.scid;
	s20 =	stileid.u32;
	s28 =	simm.s32 $0x3  }
0x4: {  	s29 =	simm.s32 $0x4;
	s30 =	simm.s32 $0x2780;
	s31 =	simm.s32 $0x0  }
0x5: {  	[smem:$0x7FF] =	sst s2;
	s4 =	sadd.s32 $0x18800, s0;
	s8 =	smul.u32 $0x280, s20  }
0x6: {  	s3 =	sand.u32 $0x1, s3;
	s12 =	sadd.s32 $0xE800, s0;
	s7 =	smul.u32 $0x50000, s20  }
0x7: {  	s13 =	sadd.s32 $0x4800, s0;
	s26 =	smul.u32 $0x2800, s20;
	_ =	strace $0x8000004A  }
0x8: {  	s5 =	smul.u32 $0x28000, s3;
	s6 =	ssub.s32 $0x2, s3;
	s3 =	sshll.u32 s3, $0x4  }
0x9: {  	s21 =	sshrl.u32 s6, $0x1;
	s15 =	sadd.s32 $0x80, s8;
	s3 =	sor.u32 s20, s3  }
0xa: {  	s22 =	sshrl.u32 s7, $0x2;
	s16 =	sadd.s32 $0x100, s8;
	s17 =	sadd.s32 $0x180, s8  }
0xb: {  	s18 =	sadd.s32 $0x200, s8;
	s0 =	sadd.s32 s5, s0;
	s14 =	ssub.s32 s6, s21  }
0xc: {  	s23 =	sshll.u32 s15, $0x7;
	s5 =	sadd.s32 s22, s1;
	s24 =	sshll.u32 s16, $0x7  }
0xd: {  	s9 =	smul.u32 $0x2800, s3;
	s10 =	sshll.u32 s17, $0x7;
	s11 =	sshll.u32 s18, $0x7  }
0xe: {  	s3 =	smul.u32 $0x500, s3;
	s21 =	sshll.u32 s15, $0x4;
	s22 =	sshll.u32 s16, $0x4  }
0xf: {  	s15 =	simm.s32 $0x2800;
	s16 =	simm.s32 $0x5;
	s6 =	sadd.s32 s23, s1  }
0x10: {  	s7 =	sadd.s32 s24, s1;
	s8 =	sadd.s32 s10, s1;
	s0 =	sadd.s32 $0x66C00, s0  }
0x11: {  	s23 =	sshll.u32 s17, $0x4;
	s24 =	sshll.u32 s18, $0x4;
	s14 =	smax.u32 s14, $0x1  }
0x12: {  	s17 =	simm.s32 $0x1400;
	s18 =	simm.s32 $0x80;
	s19 =	sshrl.u32 s9, $0x3  }
0x13: {  	s9 =	sadd.s32 s11, s1;
	s25 =	sadd.s32 s12, s3;
	s11 =	sadd.s32 s13, s3  }
0x14: {  	s20 =	sadd.s32 s26, s0;
	s21 =	sadd.s32 s21, s0;
	s22 =	sadd.s32 s22, s0  }
0x15: {  	s23 =	sadd.s32 s23, s0;
	s24 =	sadd.s32 s24, s0;
	s26 =	simm.s32 $0x2  }
0x16: {  	s19 =	sadd.s32 $0x280, s19;
	[dreg:$0x3] =	wrdreg s25;
	s25 =	simm.s32 $0x6800  }
0x17: {  	v0 =	vimm.f32 $0.0e+00;
	s12 =	sadd.s32 s12, s19;
	s13 =	sadd.s32 s13, s19;
	s19 =	simm.s32 $0x1  }
.LBB2_1:
0x18: {  	s0 =	simm.s32 $0x0;
	s3 =	simm.s32 $0x200  }
.LBB2_2:
0x19: {  	p0 =	sne.s32 s3, $0xFE00;
	[tilespmem:s0+$0x2870] =	vst v0  }
0x1a: {  	[tilespmem:s0+$0x2800] =	vst v0  }
0x1b: {  	[tilespmem:s0+$0x2810] =	vst v0  }
.Ltmp0:
0x1c: {  	[tilespmem:s0+$0x2820] =	vst v0;
	(pc) =	sbr.rel @p0 .LBB2_2-.Ltmp0, $4  }
0x1d: {  	[tilespmem:s0+$0x2830] =	vst v0  }
0x1e: {  	[tilespmem:s0+$0x2840] =	vst v0  }
0x1f: {  	[tilespmem:s0+$0x2850] =	vst v0  }
0x20: {  	[tilespmem:s0+$0x2860] =	vst v0;
	s0 =	sshra.s32 s3, $0x2;
	s3 =	sadd.s32 $0x200, s3  }
0x21: {  	[tilespmem:s0+$0x2870] =	vst v0  }
0x22: {  	[tilespmem:s0+$0x2800] =	vst v0  }
0x23: {  	[tilespmem:s0+$0x2810] =	vst v0  }
0x24: {  	[tilespmem:s0+$0x2820] =	vst v0  }
0x25: {  	[tilespmem:s0+$0x2830] =	vst v0  }
0x26: {  	[tilespmem:s0+$0x2840] =	vst v0  }
0x27: {  	[tilespmem:s0+$0x2850] =	vst v0  }
0x28: {  	[tilespmem:s0+$0x2860] =	vst v0  }
0x29: {  	[spmem:s5] =	stream.linear.scatter [tilespmem:s15], [sflag:$0x5], $0x4000, $0x38;
	[tilespmem:$0x1E800] =	vst v63  }
0x2a: {  	_ =	swait.ge [sflag:s16], $0x4000  }
0x2b: {  	[sflag:s16] =	ssyncset.done $0x0  }
0x2c: {  	[sflag:s16] =	ssyncadd.s32 $0xFFFFC000  }
0x2d: {  	[spmem:s6] =	stream.linear.scatter [tilespmem:s15], [sflag:$0x5], $0x4000, $0x38;
	[tilespmem:$0x1E800] =	vst v63  }
0x2e: {  	_ =	swait.ge [sflag:s16], $0x4000  }
0x2f: {  	[sflag:s16] =	ssyncset.done $0x0  }
0x30: {  	[sflag:s16] =	ssyncadd.s32 $0xFFFFC000  }
0x31: {  	[spmem:s7] =	stream.linear.scatter [tilespmem:s15], [sflag:$0x5], $0x4000, $0x38;
	[tilespmem:$0x1E800] =	vst v63  }
0x32: {  	_ =	swait.ge [sflag:s16], $0x4000  }
0x33: {  	[sflag:s16] =	ssyncset.done $0x0  }
0x34: {  	[sflag:s16] =	ssyncadd.s32 $0xFFFFC000  }
0x35: {  	[spmem:s8] =	stream.linear.scatter [tilespmem:s15], [sflag:$0x5], $0x4000, $0x38;
	[tilespmem:$0x1E800] =	vst v63  }
0x36: {  	_ =	swait.ge [sflag:s16], $0x4000  }
0x37: {  	[sflag:s16] =	ssyncset.done $0x0  }
0x38: {  	[sflag:s16] =	ssyncadd.s32 $0xFFFFC000  }
0x39: {  	[spmem:s9] =	stream.linear.scatter [tilespmem:s15], [sflag:$0x5], $0x4000, $0x38;
	[tilespmem:$0x1E800] =	vst v63  }
0x3a: {  	_ =	swait.ge [sflag:s16], $0x4000  }
0x3b: {  	[sflag:s16] =	ssyncset.done $0x0  }
0x3c: {  	[sflag:s16] =	ssyncadd.s32 $0xFFFFC000  }
0x3d: {  	[bflag:$0x0] =	sbarrier.arrive $0xFFFF  }
0x3e: {  	s3 =	rddreg [dreg:$0x3]  }
0x3f: {  	[tilespmem:s2], [sflag:$0x5] =	stream.linear.gather [hbm4b:s3+s2], $0x1400, $0x38;
	[tilespmem:$0x1E800] =	vst v63  }
0x40: {  	_ =	swait.ge [sflag:s16], $0x1400  }
0x41: {  	[sflag:s16] =	ssyncset.done $0x0  }
0x42: {  	[sflag:s16] =	ssyncadd.s32 $0xFFFFEC00  }
0x43: {  	[tilespmem:s17], [sflag:$0x5] =	stream.linear.gather [hbm4b:s11+s2], $0x1400, $0x38;
	[tilespmem:$0x1E800] =	vst v63  }
0x44: {  	_ =	swait.ge [sflag:s16], $0x1400  }
0x45: {  	[sflag:s16] =	ssyncset.done $0x0  }
0x46: {  	[sflag:s16] =	ssyncadd.s32 $0xFFFFEC00  }
0x47: {  	[tilespmem:s15], [sflag:$0x1] =	stream.indirect.gather [hbm4b:s4+s18], $0x80, s2, s18, $0xb8;
	[tilespmem:$0x1E800] =	vst v63  }
0x48: {  	_ =	swait.ge [sflag:s19], $0x4000  }
0x49: {  	[sflag:s19] =	ssyncset.done $0x0  }
0x4a: {  	[sflag:s19] =	ssyncadd.s32 $0xFFFFC000  }
0x4b: {  	[spmem:s1] =	stream.indirect.scatter.add.f32 [tilespmem:s15], [sflag:$0x3], $0x80, s17, s18, $0xb8;
	[tilespmem:$0x1E800] =	vst v63  }
0x4c: {  	_ = 	snop  }
0x4d: {  	[tilespmem:s25], [sflag:$0x2] =	stream.indirect.gather [hbm4b:s4+s18], $0x80, s18, s18, $0xb8;
	[tilespmem:$0x1E800] =	vst v63  }
0x4e: {  	_ =	swait.ge [sflag:s26], $0x4000  }
0x4f: {  	[sflag:s26] =	ssyncset.done $0x0  }
0x50: {  	[sflag:s26] =	ssyncadd.s32 $0xFFFFC000  }
0x51: {  	_ =	swait.ge [sflag:s28], $0x4000  }
0x52: {  	[sflag:s28] =	ssyncset.done $0x0  }
0x53: {  	s10 =	simm.s32 $0x1480;
	[sflag:s28] =	ssyncadd.s32 $0xFFFFC000  }
0x54: {  	[spmem:s1] =	stream.indirect.scatter.add.f32 [tilespmem:s25], [sflag:$0x4], $0x80, s10, s18, $0xb8;
	[tilespmem:$0x1E800] =	vst v63  }
0x55: {  	s3 =	simm.s32 $0x100  }
0x56: {  	[tilespmem:s15], [sflag:$0x1] =	stream.indirect.gather [hbm4b:s4+s18], $0x80, s3, s18, $0xb8;
	[tilespmem:$0x1E800] =	vst v63  }
0x57: {  	_ =	swait.ge [sflag:s19], $0x4000  }
0x58: {  	[sflag:s19] =	ssyncset.done $0x0  }
0x59: {  	[sflag:s19] =	ssyncadd.s32 $0xFFFFC000  }
0x5a: {  	_ =	swait.ge [sflag:s29], $0x4000  }
0x5b: {  	s0 =	simm.s32 $0xFFFFB800;
	[sflag:s29] =	ssyncset.done $0x0  }
0x5c: {  	s10 =	simm.s32 $0x1500;
	s3 =	simm.s32 $0x180;
	[sflag:s29] =	ssyncadd.s32 $0xFFFFC000  }
0x5d: {  	[spmem:s1] =	stream.indirect.scatter.add.f32 [tilespmem:s15], [sflag:$0x3], $0x80, s10, s18, $0xb8;
	[tilespmem:$0x1E800] =	vst v63  }
.LBB2_4:
0x5e: {  	[tilespmem:s25], [sflag:$0x2] =	stream.indirect.gather [hbm4b:s4+s18], $0x80, s3, s18, $0xb8;
	[tilespmem:$0x1E800] =	vst v63  }
0x5f: {  	s3 =	smov.u32 s0  }
0x60: {  	p0 =	sne.s32 s0, $0xFFFFFC00;
	s0 =	sadd.s32 $0x400, s0;
	_ =	swait.ge [sflag:s26], $0x4000  }
0x61: {  	[sflag:s26] =	ssyncset.done $0x0  }
0x62: {  	[sflag:s26] =	ssyncadd.s32 $0xFFFFC000  }
0x63: {  	_ =	swait.ge [sflag:s28], $0x4000  }
0x64: {  	s3 =	sshra.s32 s3, $0x2;
	[sflag:s28] =	ssyncset.done $0x0  }
0x65: {  	s10 =	sadd.s32 $0x2780, s3;
	[sflag:s28] =	ssyncadd.s32 $0xFFFFC000  }
0x66: {  	[spmem:s1] =	stream.indirect.scatter.add.f32 [tilespmem:s25], [sflag:$0x4], $0x80, s10, s18, $0xb8;
	[tilespmem:$0x1E800] =	vst v63  }
0x67: {  	s10 =	sadd.s32 $0x1400, s3  }
0x68: {  	[tilespmem:s15], [sflag:$0x1] =	stream.indirect.gather [hbm4b:s4+s18], $0x80, s10, s18, $0xb8;
	[tilespmem:$0x1E800] =	vst v63  }
0x69: {  	_ =	swait.ge [sflag:s19], $0x4000  }
0x6a: {  	[sflag:s19] =	ssyncset.done $0x0  }
0x6b: {  	[sflag:s19] =	ssyncadd.s32 $0xFFFFC000  }
.Ltmp1:
0x6c: {  	_ =	swait.ge [sflag:s29], $0x4000;
	(pc) =	sbr.rel @p0 .LBB2_4-.Ltmp1, $4  }
0x6d: {  	[sflag:s29] =	ssyncset.done $0x0  }
0x6e: {  	s10 =	sadd.s32 $0x2800, s3;
	[sflag:s29] =	ssyncadd.s32 $0xFFFFC000  }
0x6f: {  	[spmem:s1] =	stream.indirect.scatter.add.f32 [tilespmem:s15], [sflag:$0x3], $0x80, s10, s18, $0xb8;
	[tilespmem:$0x1E800] =	vst v63  }
0x70: {  	s3 =	sadd.s32 $0x1480, s3  }
0x71: {  	[tilespmem:s25], [sflag:$0x2] =	stream.indirect.gather [hbm4b:s4+s18], $0x80, s3, s18, $0xb8;
	[tilespmem:$0x1E800] =	vst v63  }
0x72: {  	_ =	swait.ge [sflag:s26], $0x4000  }
0x73: {  	[sflag:s26] =	ssyncset.done $0x0  }
0x74: {  	[sflag:s26] =	ssyncadd.s32 $0xFFFFC000  }
0x75: {  	_ =	swait.ge [sflag:s28], $0x4000  }
0x76: {  	[sflag:s28] =	ssyncset.done $0x0  }
0x77: {  	[sflag:s28] =	ssyncadd.s32 $0xFFFFC000  }
0x78: {  	[spmem:s1] =	stream.indirect.scatter.add.f32 [tilespmem:s25], [sflag:$0x4], $0x80, s30, s18, $0xb8;
	[tilespmem:$0x1E800] =	vst v63  }
0x79: {  	_ =	swait.ge [sflag:s29], $0x4000  }
0x7a: {  	[sflag:s29] =	ssyncset.done $0x0  }
0x7b: {  	[sflag:s29] =	ssyncadd.s32 $0xFFFFC000  }
0x7c: {  	[tilespmem:s2], [sflag:$0x5] =	stream.linear.gather [hbm4b:s12+s2], $0x1400, $0x38;
	[tilespmem:$0x1E800] =	vst v63  }
0x7d: {  	_ =	swait.ge [sflag:s16], $0x1400  }
0x7e: {  	[sflag:s16] =	ssyncset.done $0x0  }
0x7f: {  	[sflag:s16] =	ssyncadd.s32 $0xFFFFEC00  }
0x80: {  	[tilespmem:s17], [sflag:$0x5] =	stream.linear.gather [hbm4b:s13+s2], $0x1400, $0x38;
	[tilespmem:$0x1E800] =	vst v63  }
0x81: {  	_ =	swait.ge [sflag:s16], $0x1400  }
0x82: {  	[sflag:s16] =	ssyncset.done $0x0  }
0x83: {  	[sflag:s16] =	ssyncadd.s32 $0xFFFFEC00  }
0x84: {  	[tilespmem:s15], [sflag:$0x1] =	stream.indirect.gather [hbm4b:s4+s18], $0x80, s2, s18, $0xb8;
	[tilespmem:$0x1E800] =	vst v63  }
0x85: {  	_ =	swait.ge [sflag:s19], $0x4000  }
0x86: {  	[sflag:s19] =	ssyncset.done $0x0  }
0x87: {  	[sflag:s19] =	ssyncadd.s32 $0xFFFFC000  }
0x88: {  	[spmem:s1] =	stream.indirect.scatter.add.f32 [tilespmem:s15], [sflag:$0x3], $0x80, s17, s18, $0xb8;
	[tilespmem:$0x1E800] =	vst v63  }
0x89: {  	_ = 	snop  }
0x8a: {  	[tilespmem:s25], [sflag:$0x2] =	stream.indirect.gather [hbm4b:s4+s18], $0x80, s18, s18, $0xb8;
	[tilespmem:$0x1E800] =	vst v63  }
0x8b: {  	_ =	swait.ge [sflag:s26], $0x4000  }
0x8c: {  	[sflag:s26] =	ssyncset.done $0x0  }
0x8d: {  	[sflag:s26] =	ssyncadd.s32 $0xFFFFC000  }
0x8e: {  	_ =	swait.ge [sflag:s28], $0x4000  }
0x8f: {  	[sflag:s28] =	ssyncset.done $0x0  }
0x90: {  	s0 =	simm.s32 $0x1480;
	[sflag:s28] =	ssyncadd.s32 $0xFFFFC000  }
0x91: {  	[spmem:s1] =	stream.indirect.scatter.add.f32 [tilespmem:s25], [sflag:$0x4], $0x80, s0, s18, $0xb8;
	[tilespmem:$0x1E800] =	vst v63  }
0x92: {  	s3 =	simm.s32 $0x100  }
0x93: {  	[tilespmem:s15], [sflag:$0x1] =	stream.indirect.gather [hbm4b:s4+s18], $0x80, s3, s18, $0xb8;
	[tilespmem:$0x1E800] =	vst v63  }
0x94: {  	_ =	swait.ge [sflag:s19], $0x4000  }
0x95: {  	[sflag:s19] =	ssyncset.done $0x0  }
0x96: {  	[sflag:s19] =	ssyncadd.s32 $0xFFFFC000  }
0x97: {  	_ =	swait.ge [sflag:s29], $0x4000  }
0x98: {  	s10 =	simm.s32 $0x1500;
	[sflag:s29] =	ssyncset.done $0x0  }
0x99: {  	s0 =	simm.s32 $0xFFFFB800;
	s3 =	simm.s32 $0x180;
	[sflag:s29] =	ssyncadd.s32 $0xFFFFC000  }
0x9a: {  	[spmem:s1] =	stream.indirect.scatter.add.f32 [tilespmem:s15], [sflag:$0x3], $0x80, s10, s18, $0xb8;
	[tilespmem:$0x1E800] =	vst v63  }
.LBB2_6:
0x9b: {  	[tilespmem:s25], [sflag:$0x2] =	stream.indirect.gather [hbm4b:s4+s18], $0x80, s3, s18, $0xb8;
	[tilespmem:$0x1E800] =	vst v63  }
0x9c: {  	s3 =	smov.u32 s0  }
0x9d: {  	p0 =	sne.s32 s0, $0xFFFFFC00;
	s0 =	sadd.s32 $0x400, s0;
	_ =	swait.ge [sflag:s26], $0x4000  }
0x9e: {  	[sflag:s26] =	ssyncset.done $0x0  }
0x9f: {  	[sflag:s26] =	ssyncadd.s32 $0xFFFFC000  }
0xa0: {  	_ =	swait.ge [sflag:s28], $0x4000  }
0xa1: {  	s3 =	sshra.s32 s3, $0x2;
	[sflag:s28] =	ssyncset.done $0x0  }
0xa2: {  	s10 =	sadd.s32 $0x2780, s3;
	[sflag:s28] =	ssyncadd.s32 $0xFFFFC000  }
0xa3: {  	[spmem:s1] =	stream.indirect.scatter.add.f32 [tilespmem:s25], [sflag:$0x4], $0x80, s10, s18, $0xb8;
	[tilespmem:$0x1E800] =	vst v63  }
0xa4: {  	s10 =	sadd.s32 $0x1400, s3  }
0xa5: {  	[tilespmem:s15], [sflag:$0x1] =	stream.indirect.gather [hbm4b:s4+s18], $0x80, s10, s18, $0xb8;
	[tilespmem:$0x1E800] =	vst v63  }
0xa6: {  	_ =	swait.ge [sflag:s19], $0x4000  }
0xa7: {  	[sflag:s19] =	ssyncset.done $0x0  }
0xa8: {  	[sflag:s19] =	ssyncadd.s32 $0xFFFFC000  }
.Ltmp2:
0xa9: {  	_ =	swait.ge [sflag:s29], $0x4000;
	(pc) =	sbr.rel @p0 .LBB2_6-.Ltmp2, $4  }
0xaa: {  	[sflag:s29] =	ssyncset.done $0x0  }
0xab: {  	s10 =	sadd.s32 $0x2800, s3;
	[sflag:s29] =	ssyncadd.s32 $0xFFFFC000  }
0xac: {  	[spmem:s1] =	stream.indirect.scatter.add.f32 [tilespmem:s15], [sflag:$0x3], $0x80, s10, s18, $0xb8;
	[tilespmem:$0x1E800] =	vst v63  }
0xad: {  	s3 =	sadd.s32 $0x1480, s3  }
0xae: {  	[tilespmem:s25], [sflag:$0x2] =	stream.indirect.gather [hbm4b:s4+s18], $0x80, s3, s18, $0xb8;
	[tilespmem:$0x1E800] =	vst v63  }
0xaf: {  	_ =	swait.ge [sflag:s26], $0x4000  }
0xb0: {  	[sflag:s26] =	ssyncset.done $0x0  }
0xb1: {  	[sflag:s26] =	ssyncadd.s32 $0xFFFFC000  }
0xb2: {  	_ =	swait.ge [sflag:s28], $0x4000  }
0xb3: {  	[sflag:s28] =	ssyncset.done $0x0  }
0xb4: {  	[sflag:s28] =	ssyncadd.s32 $0xFFFFC000  }
0xb5: {  	[spmem:s1] =	stream.indirect.scatter.add.f32 [tilespmem:s25], [sflag:$0x4], $0x80, s30, s18, $0xb8;
	[tilespmem:$0x1E800] =	vst v63  }
0xb6: {  	_ =	swait.ge [sflag:s29], $0x4000  }
0xb7: {  	s0 =	stileid.u32;
	[sflag:s29] =	ssyncset.done $0x0  }
0xb8: {  	s0 =	sshll.u32 s0, $0x6;
	[sflag:s29] =	ssyncadd.s32 $0xFFFFC000  }
0xb9: {  	s10 =	sshrl.u32 s5, $0x3;
	s0 =	sor.u32 $0x1C05, s0;
	[bflag:$0x0] =	sbarrier.arrive $0xFFFF  }
0xba: {  	[hbm:s20], [sflag:s0] =	dma.local [spmem:s10], $0x800  }
0xbb: {  	_ =	swait.ge [sflag:s16], $0x800  }
0xbc: {  	[sflag:s16] =	ssyncset.done $0x0  }
0xbd: {  	s10 =	sshrl.u32 s6, $0x3;
	[sflag:s16] =	ssyncadd.s32 $0xFFFFF800  }
0xbe: {  	[hbm:s21], [sflag:s0] =	dma.local [spmem:s10], $0x800  }
0xbf: {  	_ =	swait.ge [sflag:s16], $0x800  }
0xc0: {  	[sflag:s16] =	ssyncset.done $0x0  }
0xc1: {  	s10 =	sshrl.u32 s7, $0x3;
	[sflag:s16] =	ssyncadd.s32 $0xFFFFF800  }
0xc2: {  	[hbm:s22], [sflag:s0] =	dma.local [spmem:s10], $0x800  }
0xc3: {  	_ =	swait.ge [sflag:s16], $0x800  }
0xc4: {  	[sflag:s16] =	ssyncset.done $0x0  }
0xc5: {  	s10 =	sshrl.u32 s8, $0x3;
	[sflag:s16] =	ssyncadd.s32 $0xFFFFF800  }
0xc6: {  	[hbm:s23], [sflag:s0] =	dma.local [spmem:s10], $0x800  }
0xc7: {  	s31 =	sadd.s32 $0x1, s31;
	_ =	swait.ge [sflag:s16], $0x800  }
0xc8: {  	p0 =	sne.s32 s31, s14;
	[sflag:s16] =	ssyncset.done $0x0  }
.Ltmp3:
0xc9: {  	s10 =	sshrl.u32 s9, $0x3;
	[sflag:s16] =	ssyncadd.s32 $0xFFFFF800;
	(pc) =	sbr.rel @p0 .LBB2_1-.Ltmp3, $4  }
0xca: {  	[hbm:s24], [sflag:s0] =	dma.local [spmem:s10], $0x800  }
0xcb: {  	_ =	swait.ge [sflag:s16], $0x800  }
0xcc: {  	[sflag:s16] =	ssyncset.done $0x0  }
0xcd: {  	[sflag:s16] =	ssyncadd.s32 $0xFFFFF800  }
0xce: {  	_ =	sfence.sel $0x180000  }
0xcf: {  	[bflag:$0x0] =	sbarrier.arrive $0xFFFF  }
0xd0: {  	_ =	strace $0x9000004A  }
0xd1: {  	s0 =	stileid.u32;
	[bflag:$0x2] =	sbarrier.arrive $0xFFFF  }
0xd2: {  	p0 =	sne.s32 s0, $0x0;
	s0 =	rddreg [dreg:$0x2]  }
0xd3: {  	s0 =	sadd.s32 @!p0 $0x100000, s0  }
0xd4: {  	[sflag:s0] =	ssyncadd.tile.s32 @!p0 $0x1;
	_ =	shalt  }
.Lfunc_end2:
_tile_overlayer_lowered:
.L_overlay_start_2:
0xd5: {  	(tag) =	ssettag $0x2  }
0xd6: {  	s0 =	rddreg [dreg:$0x0];
	s2 =	stileid.u32  }
0xd7: {  	s1 =	rddreg [dreg:$0x1];
	p0 =	sne.s32 s2, $0x0  }
0xd8: {  	s3 =	rddreg [dreg:$0x2];
	[bflag:$0x3] =	sbarrier.arrive $0xFFFF;
	s2 =	simm.s32 @!p0 $0x1C05  }
0xd9: {  	[timem:s3], [sflag:s2] =	dma.local @!p0 [hbm:s0], s1  }
0xda: {  	s0 =	simm.s32 @!p0 $0x5  }
0xdb: {  	_ =	swait.ge @!p0 [sflag:s0], s1  }
0xdc: {  	s1 =	ssub.s32 @!p0 $0x0, s1;
	[sflag:s0] =	ssyncset.done @!p0 $0x0  }
0xdd: {  	[sflag:s0] =	ssyncadd.s32 @!p0 s1  }
0xde: {  	[bflag:$0x3] =	sbarrier.arrive $0xFFFF  }
0xdf: {  	_ =	shalt  }

// kernel: kernel.20.cloned.1.call-start
scs
__scs_entry_jumppad:
0x0: {  	(pc) =	sbr.rel $0x88, $3  }
0x1: {  	(tag) =	ssettag $0x0;
	lr =	simm.s32 $0x1  }
0x2: {  	[smem:$0x3F97] =	sst lr;
	_ =	strace $0xD0000000  }
0x3: {  	_ = 	snop  }
0x4: {  	_ = 	snop  }
0x5: {  	_ = 	snop  }
0x6: {  	_ = 	snop  }
0x7: {  	_ = 	snop  }
__scs_overlays_trampoline_lowered:
0x8: {  	[smem:$0x3FA6] =	sst s0  }
0x9: {  	[smem:$0x3FA7] =	sst s1  }
0xa: {  	[smem:$0x3FA8] =	sst s2  }
0xb: {  	[smem:$0x3FA9] =	sst s3  }
0xc: {  	[smem:$0x3FAA] =	sst s4  }
0xd: {  	[smem:$0x3FAB] =	sst s5  }
0xe: {  	[smem:$0x3FAC] =	sst s6  }
0xf: {  	[smem:$0x3FAD] =	sst s7  }
0x10: {  	[smem:$0x3FAE] =	sst s8  }
0x11: {  	[smem:$0x3FAF] =	sst s9;
	s0 =	simm.s32 @!p0 $0x0  }
0x12: {  	s1 =	sld [smem:$0x3F95];
	s0 =	simm.s32 @p0 $0x1  }
0x13: {  	[smem:$0x3FB0] =	sst s0;
	s0 =	simm.s32 @!p1 $0x0  }
0x14: {  	s2 =	sld [smem:$0x3F94];
	s0 =	simm.s32 @p1 $0x1  }
0x15: {  	[smem:$0x3FB1] =	sst s0;
	s0 =	simm.s32 @!p2 $0x0  }
0x16: {  	s3 =	sld [smem:$0x3FDB];
	s0 =	simm.s32 @p2 $0x1  }
0x17: {  	s4 =	simm.s32 $0x1BF5;
	[smem:$0x3FB3] =	sst s0  }
0x18: {  	s0 =	sld [smem:$0x3F96];
	_ =	swait.ge [sflag:s4], $0x0  }
0x19: {  	s7 =	sld [smem:$0x3F97]  }
0x1a: {  	s8 =	sadd.s32 $0xFFFFE003, lr  }
0x1b: {  	s9 =	sadd.s32 $0xFFFFFEF7, lr;
	s5 =	simm.s32 $0xFFFFFFFF;
	p2 =	slt.u32 s8, $0xFFFFF086  }
0x1c: {  	p1 =	slt.u32 s9, $0xF7A;
	s5 =	simm.s32 @!p2 $0x0  }
0x1d: {  	s5 =	simm.s32 @p1 $0x1;
	p0 =	seq.s32 s7, s2  }
0x1e: {  	s7 =	smul.u32 @!p0 $0xF7A, s2;
	p2 =	seq.s32 @!p0 s5, $0x0  }
0x1f: {  	s9 =	smul.u32 $0xF7A, s1;
	s8 =	simm.s32 @!p0 $0x1BF5;
	p2 =	por !p2, p0  }
0x20: {  	[sflag:s8] =	ssyncset.s32 @!p0 $0xFFFFF086;
	s6 =	sadd.s32 @!p0 s3, s7;
	s7 =	simm.s32 @!p0 $0x108  }
0x21: {  	s3 =	sadd.s32 s3, s9;
	s6 =	sadd.s32 @!p0 $0x88, s6;
	s7 =	simm.s32 @p2 $0x1082  }
0x22: {  	[simem:s7], [sflag:s8] =	dma.local @!p0 [hbm:s6], $0xF7A  }
0x23: {  	s9 =	sor.u32 $0xD0000000, s2;
	s6 =	simm.s32 $0x108;
	_ =	swait.ge @!p0 [sflag:s8], $0x0  }
0x24: {  	s3 =	sadd.s32 $0x88, s3;
	s6 =	simm.s32 @!p1 $0x1082;
	[sflag:s4] =	ssyncset.s32 $0xFFFFF086  }
0x25: {  	[simem:s6], [sflag:s4] =	dma.local [hbm:s3], $0xF7A  }
0x26: {  	[smem:$0x3F97] =	sst s1;
	(tag) =	ssettag s2;
	_ =	strace s9  }
0x27: {  	s1 =	sld [smem:$0x3FA7]  }
0x28: {  	s2 =	sld [smem:$0x3FA8]  }
0x29: {  	s4 =	sld [smem:$0x3FAA]  }
0x2a: {  	p0 =	seq.s32 s5, $0x0;
	s5 =	sld [smem:$0x3FAB]  }
0x2b: {  	s6 =	sld [smem:$0x3FAC]  }
0x2c: {  	s7 =	sld [smem:$0x3FAD]  }
0x2d: {  	s3 =	simm.s32 $0x108;
	s8 =	sld [smem:$0x3FAE]  }
0x2e: {  	s3 =	simm.s32 @!p0 $0x1082;
	s9 =	sld [smem:$0x3FAF]  }
0x2f: {  	lr =	sadd.s32 s0, s3;
	s0 =	sld [smem:$0x3FA6]  }
0x30: {  	s3 =	sld [smem:$0x3FA9]  }
0x31: {  	[smem:$0x3FB2] =	sst s10  }
0x32: {  	s10 =	sld [smem:$0x3FB0];
	_ =	sdelay $0x3  }
0x33: {  	p0 =	seq.s32 s10, $0x1;
	s10 =	sld [smem:$0x3FB2];
	_ =	sdelay $0x3  }
0x34: {  	[smem:$0x3FB2] =	sst s10  }
0x35: {  	s10 =	sld [smem:$0x3FB1];
	_ =	sdelay $0x3  }
0x36: {  	p1 =	seq.s32 s10, $0x1;
	s10 =	sld [smem:$0x3FB2];
	_ =	sdelay $0x3  }
0x37: {  	[smem:$0x3FB2] =	sst s10  }
0x38: {  	s10 =	sld [smem:$0x3FB3]  }
0x39: {  	_ = 	snop;
	(pc) =	sbr.ind lr, $3  }
0x3a: {  	_ = 	snop  }
0x3b: {  	_ = 	snop  }
0x3c: {  	p2 =	seq.s32 s10, $0x1;
	s10 =	sld [smem:$0x3FB2]  }
0x3d: {  	_ =	shalt  }
0x3e: {  	_ =	shalt  }
0x3f: {  	_ =	shalt  }
0x40: {  	_ =	shalt  }
0x41: {  	_ =	shalt  }
0x42: {  	_ =	shalt  }
0x43: {  	_ =	shalt  }
0x44: {  	_ =	shalt  }
0x45: {  	_ =	shalt  }
0x46: {  	_ =	shalt  }
0x47: {  	_ =	shalt  }
0x48: {  	_ =	shalt  }
0x49: {  	_ =	shalt  }
0x4a: {  	_ =	shalt  }
0x4b: {  	_ =	shalt  }
0x4c: {  	_ =	shalt  }
0x4d: {  	_ =	shalt  }
0x4e: {  	_ =	shalt  }
0x4f: {  	_ =	shalt  }
0x50: {  	_ =	shalt  }
0x51: {  	_ =	shalt  }
0x52: {  	_ =	shalt  }
0x53: {  	_ =	shalt  }
0x54: {  	_ =	shalt  }
0x55: {  	_ =	shalt  }
0x56: {  	_ =	shalt  }
0x57: {  	_ =	shalt  }
0x58: {  	_ =	shalt  }
0x59: {  	_ =	shalt  }
0x5a: {  	_ =	shalt  }
0x5b: {  	_ =	shalt  }
0x5c: {  	_ =	shalt  }
0x5d: {  	_ =	shalt  }
0x5e: {  	_ =	shalt  }
0x5f: {  	_ =	shalt  }
0x60: {  	_ =	shalt  }
0x61: {  	_ =	shalt  }
0x62: {  	_ =	shalt  }
0x63: {  	_ =	shalt  }
0x64: {  	_ =	shalt  }
0x65: {  	_ =	shalt  }
0x66: {  	_ =	shalt  }
0x67: {  	_ =	shalt  }
0x68: {  	_ =	shalt  }
0x69: {  	_ =	shalt  }
0x6a: {  	_ =	shalt  }
0x6b: {  	_ =	shalt  }
0x6c: {  	_ =	shalt  }
0x6d: {  	_ =	shalt  }
0x6e: {  	_ =	shalt  }
0x6f: {  	_ =	shalt  }
0x70: {  	_ =	shalt  }
0x71: {  	_ =	shalt  }
0x72: {  	_ =	shalt  }
0x73: {  	_ =	shalt  }
0x74: {  	_ =	shalt  }
0x75: {  	_ =	shalt  }
0x76: {  	_ =	shalt  }
0x77: {  	_ =	shalt  }
0x78: {  	_ =	shalt  }
0x79: {  	_ =	shalt  }
0x7a: {  	_ =	shalt  }
0x7b: {  	_ =	shalt  }
0x7c: {  	_ =	shalt  }
0x7d: {  	_ =	shalt  }
0x7e: {  	_ =	shalt  }
0x7f: {  	_ =	shalt  }
0x80: {  	_ =	shalt  }
0x81: {  	_ =	shalt  }
0x82: {  	_ =	shalt  }
0x83: {  	_ =	shalt  }
0x84: {  	_ =	shalt  }
0x85: {  	_ =	shalt  }
0x86: {  	_ =	shalt  }
0x87: {  	_ =	shalt  }
.Lfunc_end0:
.L_simem_size_0:
called_computation.2_lowered:
.L_overlay_start_0:
0x88: {  	s2 =	sld [smem:$0x3FD9]  }
0x89: {  	s3 =	sld [smem:$0x3FFE];
	_ =	sdelay $0x1  }
0x8a: {  	s1 =	srdreg.scid  }
0x8b: {  	s0 =	sand.u32 $0x1, s1  }
0x8c: {  	s16 =	sshll.u32 s0, $0xA;
	s2 =	sadd.s32 s3, s2  }
0x8d: {  	s2 =	sadd.s32 s2, s16  }
0x8e: {  	[smem:$0x3FBE] =	sst s2  }
0x8f: {  	_ = 	snop  }
0x90: {  	(tm) =	ssettm $0x1  }
0x91: {  	s17 =	sld [smem:$0x3FFB];
	_ =	sdelay $0x3  }
0x92: {  	_ =	strace s17  }
0x93: {  	s2 =	sld [smem:$0x3FFC];
	_ =	sdelay $0x3  }
0x94: {  	_ =	strace s2  }
0x95: {  	s2 =	sld [smem:$0x3FFD];
	_ =	sdelay $0x3  }
0x96: {  	_ =	strace s2  }
0x97: {  	_ =	strace $0x8FFFFFFF  }
0x98: {  	s18 =	sld [smem:$0x3FDB];
	_ =	sdelay $0x1  }
0x99: {  	s19 =	simm.s32 $_scs_section_size  }
0x9a: {  	s4 =	simm.s32 $_size__tile_overlayer_lowered;
	s5 =	simm.s32 $_tile_overlayer_lowered  }
0x9b: {  	s22 =	simm.s32 $0x1BFF;
	s21 =	sshll.u32 s5, $0x1;
	s2 =	sadd.s32 s19, s18  }
0x9c: {  	s6 =	simm.s32 $0x0;
	s20 =	sshll.u32 s4, $0x1;
	s4 =	sadd.s32 s21, s2  }
0x9d: {  	[timem:s6], [sflag:s22] =	dma.local [hbm:s4], s20  }
0x9e: {  	_ =	swait.ge [sflag:s22], s20  }
0x9f: {  	s3 =	ssub.s32 $0x0, s20;
	[sflag:s22] =	ssyncset.done $0x0  }
0xa0: {  	[sflag:s22] =	ssyncadd.s32 s3;
	_ =	sdelay $0x1  }
0xa1: {  	s23 =	simm.s32 $0x1B8B  }
0xa2: {  	_ =	swait.ge [sflag:s23], $0x1  }
0xa3: {  	[sflag:s23] =	ssyncset.done $0x0  }
0xa4: {  	s25 =	simm.s32 $0x1B8E;
	s24 =	sld [smem:$0x3FFE];
	[sflag:s23] =	ssyncadd.s32 $0xFFFFFFFF  }
0xa5: {  	s26 =	simm.s32 $execute0_lowered;
	[smem:$0x3FD2] =	sst s25  }
0xa6: {  	s4 =	sshll.u32 s26, $0x1;
	_ =	strace $0x8000004C;
	[dreg:$0x1] =	wrdreg $0xFFFFFFFF  }
0xa7: {  	s28 =	simm.s32 $_size_execute0_lowered;
	s2 =	sadd.s32 s2, s4;
	[dreg:$0x0] =	wrdreg $0x0  }
0xa8: {  	s4 =	sshll.u32 s28, $0x1;
	[dreg:$0x2] =	wrdreg s2  }
0xa9: {  	[dreg:$0x3] =	wrdreg s4  }
0xaa: {  	[dreg:$0x4] =	wrdreg $0xC0  }
0xab: {  	_ =	task [dreg:s6], $0x5FFFF  }
0xac: {  	[dreg:$0x1] =	wrdreg $0xFFFFFFFF  }
0xad: {  	[dreg:$0x0] =	wrdreg $0x60  }
0xae: {  	[dreg:$0x2] =	wrdreg s24  }
0xaf: {  	[dreg:$0x3] =	wrdreg $0xA8000  }
0xb0: {  	[dreg:$0x4] =	wrdreg $0x9  }
0xb1: {  	_ =	task.clear_ibuf [dreg:s6], $0x5FFFF;
	_ =	strace $0x9000004C  }
0xb2: {  	s29 =	simm.s32 $0x9;
	_ =	strace $0x8000004E  }
0xb3: {  	_ =	swait.ge [sflag:s29], $0x1  }
0xb4: {  	[sflag:s29] =	ssyncadd.s32 $0xFFFFFFFF  }
0xb5: {  	_ =	strace $0x9000004E  }
0xb6: {  	_ =	sfence  }
0xb7: {  	s30 =	sld [smem:$0x0];
	_ =	sdelay $0x2  }
0xb8: {  	s31 =	sshll.u32 s1, $0xD;
	s1 =	sshrl.u32 s1, $0x2  }
0xb9: {  	s3 =	sand.u32 $0x4000, s31;
	s1 =	sadd.s32 s1, s30  }
0xba: {  	s0 =	sor.u32 s3, s0;
	s1 =	sshll.u32 s1, $0x11  }
0xbb: {  	s0 =	sor.u32 s1, s0  }
0xbc: {  	s0 =	sadd.s32 $0x8F2B, s0  }
0xbd: {  	[sflag:s0] =	ssyncadd.remote.s32 $0x1  }
0xbe: {  	_ =	sfence.sel $0xFFFF  }
0xbf: {  	[dreg:$0x0] =	wrdreg $0xFFFFFFFF;
	(pc) =	sbr.abs _section_cstart, $3  }
0xc0: {  	[dreg:$0x1] =	wrdreg $0xFFFFFFFF  }
0xc1: {  	_ =	task.clear_ibuf [dreg:s6], $0x2FFFF;
	_ =	strace $0x9FFFFFFF  }
0xc2: {  	(tm) =	ssettm $0x7FFFFFFF  }
0xc3: {  	_ =	shalt  }
tec
execute0_lowered:
.L_overlay_start_1:
0x0: {  	(tag) =	ssettag $0x1  }
0x1: {  	s0 =	rddreg [dreg:$0x0]  }
0x2: {  	s1 =	rddreg [dreg:$0x1];
	s2 =	simm.s32 $0x0  }
0x3: {  	s3 =	srdreg.scid;
	s20 =	stileid.u32;
	s28 =	simm.s32 $0x3  }
0x4: {  	s29 =	simm.s32 $0x4;
	s30 =	simm.s32 $0x2780;
	s31 =	simm.s32 $0x0  }
0x5: {  	[smem:$0x7FF] =	sst s2;
	s4 =	sadd.s32 $0x18800, s0;
	s8 =	smul.u32 $0x280, s20  }
0x6: {  	s3 =	sand.u32 $0x1, s3;
	s12 =	sadd.s32 $0xE800, s0;
	s7 =	smul.u32 $0x50000, s20  }
0x7: {  	s13 =	sadd.s32 $0x4800, s0;
	s26 =	smul.u32 $0x2800, s20;
	_ =	strace $0x8000004D  }
0x8: {  	s5 =	smul.u32 $0x28000, s3;
	s6 =	ssub.s32 $0x2, s3;
	s3 =	sshll.u32 s3, $0x4  }
0x9: {  	s21 =	sshrl.u32 s6, $0x1;
	s15 =	sadd.s32 $0x80, s8;
	s3 =	sor.u32 s20, s3  }
0xa: {  	s22 =	sshrl.u32 s7, $0x2;
	s16 =	sadd.s32 $0x100, s8;
	s17 =	sadd.s32 $0x180, s8  }
0xb: {  	s18 =	sadd.s32 $0x200, s8;
	s0 =	sadd.s32 s5, s0;
	s14 =	ssub.s32 s6, s21  }
0xc: {  	s23 =	sshll.u32 s15, $0x7;
	s5 =	sadd.s32 s22, s1;
	s24 =	sshll.u32 s16, $0x7  }
0xd: {  	s9 =	smul.u32 $0x2800, s3;
	s10 =	sshll.u32 s17, $0x7;
	s11 =	sshll.u32 s18, $0x7  }
0xe: {  	s3 =	smul.u32 $0x500, s3;
	s21 =	sshll.u32 s15, $0x4;
	s22 =	sshll.u32 s16, $0x4  }
0xf: {  	s15 =	simm.s32 $0x2800;
	s16 =	simm.s32 $0x5;
	s6 =	sadd.s32 s23, s1  }
0x10: {  	s7 =	sadd.s32 s24, s1;
	s8 =	sadd.s32 s10, s1;
	s0 =	sadd.s32 $0x66C00, s0  }
0x11: {  	s23 =	sshll.u32 s17, $0x4;
	s24 =	sshll.u32 s18, $0x4;
	s14 =	smax.u32 s14, $0x1  }
0x12: {  	s17 =	simm.s32 $0x1400;
	s18 =	simm.s32 $0x80;
	s19 =	sshrl.u32 s9, $0x3  }
0x13: {  	s9 =	sadd.s32 s11, s1;
	s25 =	sadd.s32 s12, s3;
	s11 =	sadd.s32 s13, s3  }
0x14: {  	s20 =	sadd.s32 s26, s0;
	s21 =	sadd.s32 s21, s0;
	s22 =	sadd.s32 s22, s0  }
0x15: {  	s23 =	sadd.s32 s23, s0;
	s24 =	sadd.s32 s24, s0;
	s26 =	simm.s32 $0x2  }
0x16: {  	s19 =	sadd.s32 $0x280, s19;
	[dreg:$0x3] =	wrdreg s25;
	s25 =	simm.s32 $0x6800  }
0x17: {  	v0 =	vimm.f32 $0.0e+00;
	s12 =	sadd.s32 s12, s19;
	s13 =	sadd.s32 s13, s19;
	s19 =	simm.s32 $0x1  }
.LBB2_1:
0x18: {  	s0 =	simm.s32 $0x0;
	s3 =	simm.s32 $0x200  }
.LBB2_2:
0x19: {  	p0 =	sne.s32 s3, $0xFE00;
	[tilespmem:s0+$0x2870] =	vst v0  }
0x1a: {  	[tilespmem:s0+$0x2800] =	vst v0  }
0x1b: {  	[tilespmem:s0+$0x2810] =	vst v0  }
.Ltmp0:
0x1c: {  	[tilespmem:s0+$0x2820] =	vst v0;
	(pc) =	sbr.rel @p0 .LBB2_2-.Ltmp0, $4  }
0x1d: {  	[tilespmem:s0+$0x2830] =	vst v0  }
0x1e: {  	[tilespmem:s0+$0x2840] =	vst v0  }
0x1f: {  	[tilespmem:s0+$0x2850] =	vst v0  }
0x20: {  	[tilespmem:s0+$0x2860] =	vst v0;
	s0 =	sshra.s32 s3, $0x2;
	s3 =	sadd.s32 $0x200, s3  }
0x21: {  	[tilespmem:s0+$0x2870] =	vst v0  }
0x22: {  	[tilespmem:s0+$0x2800] =	vst v0  }
0x23: {  	[tilespmem:s0+$0x2810] =	vst v0  }
0x24: {  	[tilespmem:s0+$0x2820] =	vst v0  }
0x25: {  	[tilespmem:s0+$0x2830] =	vst v0  }
0x26: {  	[tilespmem:s0+$0x2840] =	vst v0  }
0x27: {  	[tilespmem:s0+$0x2850] =	vst v0  }
0x28: {  	[tilespmem:s0+$0x2860] =	vst v0  }
0x29: {  	[spmem:s5] =	stream.linear.scatter [tilespmem:s15], [sflag:$0x5], $0x4000, $0x38;
	[tilespmem:$0x1E800] =	vst v63  }
0x2a: {  	_ =	swait.ge [sflag:s16], $0x4000  }
0x2b: {  	[sflag:s16] =	ssyncset.done $0x0  }
0x2c: {  	[sflag:s16] =	ssyncadd.s32 $0xFFFFC000  }
0x2d: {  	[spmem:s6] =	stream.linear.scatter [tilespmem:s15], [sflag:$0x5], $0x4000, $0x38;
	[tilespmem:$0x1E800] =	vst v63  }
0x2e: {  	_ =	swait.ge [sflag:s16], $0x4000  }
0x2f: {  	[sflag:s16] =	ssyncset.done $0x0  }
0x30: {  	[sflag:s16] =	ssyncadd.s32 $0xFFFFC000  }
0x31: {  	[spmem:s7] =	stream.linear.scatter [tilespmem:s15], [sflag:$0x5], $0x4000, $0x38;
	[tilespmem:$0x1E800] =	vst v63  }
0x32: {  	_ =	swait.ge [sflag:s16], $0x4000  }
0x33: {  	[sflag:s16] =	ssyncset.done $0x0  }
0x34: {  	[sflag:s16] =	ssyncadd.s32 $0xFFFFC000  }
0x35: {  	[spmem:s8] =	stream.linear.scatter [tilespmem:s15], [sflag:$0x5], $0x4000, $0x38;
	[tilespmem:$0x1E800] =	vst v63  }
0x36: {  	_ =	swait.ge [sflag:s16], $0x4000  }
0x37: {  	[sflag:s16] =	ssyncset.done $0x0  }
0x38: {  	[sflag:s16] =	ssyncadd.s32 $0xFFFFC000  }
0x39: {  	[spmem:s9] =	stream.linear.scatter [tilespmem:s15], [sflag:$0x5], $0x4000, $0x38;
	[tilespmem:$0x1E800] =	vst v63  }
0x3a: {  	_ =	swait.ge [sflag:s16], $0x4000  }
0x3b: {  	[sflag:s16] =	ssyncset.done $0x0  }
0x3c: {  	[sflag:s16] =	ssyncadd.s32 $0xFFFFC000  }
0x3d: {  	[bflag:$0x0] =	sbarrier.arrive $0xFFFF  }
0x3e: {  	s3 =	rddreg [dreg:$0x3]  }
0x3f: {  	[tilespmem:s2], [sflag:$0x5] =	stream.linear.gather [hbm4b:s3+s2], $0x1400, $0x38;
	[tilespmem:$0x1E800] =	vst v63  }
0x40: {  	_ =	swait.ge [sflag:s16], $0x1400  }
0x41: {  	[sflag:s16] =	ssyncset.done $0x0  }
0x42: {  	[sflag:s16] =	ssyncadd.s32 $0xFFFFEC00  }
0x43: {  	[tilespmem:s17], [sflag:$0x5] =	stream.linear.gather [hbm4b:s11+s2], $0x1400, $0x38;
	[tilespmem:$0x1E800] =	vst v63  }
0x44: {  	_ =	swait.ge [sflag:s16], $0x1400  }
0x45: {  	[sflag:s16] =	ssyncset.done $0x0  }
0x46: {  	[sflag:s16] =	ssyncadd.s32 $0xFFFFEC00  }
0x47: {  	[tilespmem:s15], [sflag:$0x1] =	stream.indirect.gather [hbm4b:s4+s18], $0x80, s2, s18, $0xb8;
	[tilespmem:$0x1E800] =	vst v63  }
0x48: {  	_ =	swait.ge [sflag:s19], $0x4000  }
0x49: {  	[sflag:s19] =	ssyncset.done $0x0  }
0x4a: {  	[sflag:s19] =	ssyncadd.s32 $0xFFFFC000  }
0x4b: {  	[spmem:s1] =	stream.indirect.scatter.add.f32 [tilespmem:s15], [sflag:$0x3], $0x80, s17, s18, $0xb8;
	[tilespmem:$0x1E800] =	vst v63  }
0x4c: {  	_ = 	snop  }
0x4d: {  	[tilespmem:s25], [sflag:$0x2] =	stream.indirect.gather [hbm4b:s4+s18], $0x80, s18, s18, $0xb8;
	[tilespmem:$0x1E800] =	vst v63  }
0x4e: {  	_ =	swait.ge [sflag:s26], $0x4000  }
0x4f: {  	[sflag:s26] =	ssyncset.done $0x0  }
0x50: {  	[sflag:s26] =	ssyncadd.s32 $0xFFFFC000  }
0x51: {  	_ =	swait.ge [sflag:s28], $0x4000  }
0x52: {  	[sflag:s28] =	ssyncset.done $0x0  }
0x53: {  	s10 =	simm.s32 $0x1480;
	[sflag:s28] =	ssyncadd.s32 $0xFFFFC000  }
0x54: {  	[spmem:s1] =	stream.indirect.scatter.add.f32 [tilespmem:s25], [sflag:$0x4], $0x80, s10, s18, $0xb8;
	[tilespmem:$0x1E800] =	vst v63  }
0x55: {  	s3 =	simm.s32 $0x100  }
0x56: {  	[tilespmem:s15], [sflag:$0x1] =	stream.indirect.gather [hbm4b:s4+s18], $0x80, s3, s18, $0xb8;
	[tilespmem:$0x1E800] =	vst v63  }
0x57: {  	_ =	swait.ge [sflag:s19], $0x4000  }
0x58: {  	[sflag:s19] =	ssyncset.done $0x0  }
0x59: {  	[sflag:s19] =	ssyncadd.s32 $0xFFFFC000  }
0x5a: {  	_ =	swait.ge [sflag:s29], $0x4000  }
0x5b: {  	s0 =	simm.s32 $0xFFFFB800;
	[sflag:s29] =	ssyncset.done $0x0  }
0x5c: {  	s10 =	simm.s32 $0x1500;
	s3 =	simm.s32 $0x180;
	[sflag:s29] =	ssyncadd.s32 $0xFFFFC000  }
0x5d: {  	[spmem:s1] =	stream.indirect.scatter.add.f32 [tilespmem:s15], [sflag:$0x3], $0x80, s10, s18, $0xb8;
	[tilespmem:$0x1E800] =	vst v63  }
.LBB2_4:
0x5e: {  	[tilespmem:s25], [sflag:$0x2] =	stream.indirect.gather [hbm4b:s4+s18], $0x80, s3, s18, $0xb8;
	[tilespmem:$0x1E800] =	vst v63  }
0x5f: {  	s3 =	smov.u32 s0  }
0x60: {  	p0 =	sne.s32 s0, $0xFFFFFC00;
	s0 =	sadd.s32 $0x400, s0;
	_ =	swait.ge [sflag:s26], $0x4000  }
0x61: {  	[sflag:s26] =	ssyncset.done $0x0  }
0x62: {  	[sflag:s26] =	ssyncadd.s32 $0xFFFFC000  }
0x63: {  	_ =	swait.ge [sflag:s28], $0x4000  }
0x64: {  	s3 =	sshra.s32 s3, $0x2;
	[sflag:s28] =	ssyncset.done $0x0  }
0x65: {  	s10 =	sadd.s32 $0x2780, s3;
	[sflag:s28] =	ssyncadd.s32 $0xFFFFC000  }
0x66: {  	[spmem:s1] =	stream.indirect.scatter.add.f32 [tilespmem:s25], [sflag:$0x4], $0x80, s10, s18, $0xb8;
	[tilespmem:$0x1E800] =	vst v63  }
0x67: {  	s10 =	sadd.s32 $0x1400, s3  }
0x68: {  	[tilespmem:s15], [sflag:$0x1] =	stream.indirect.gather [hbm4b:s4+s18], $0x80, s10, s18, $0xb8;
	[tilespmem:$0x1E800] =	vst v63  }
0x69: {  	_ =	swait.ge [sflag:s19], $0x4000  }
0x6a: {  	[sflag:s19] =	ssyncset.done $0x0  }
0x6b: {  	[sflag:s19] =	ssyncadd.s32 $0xFFFFC000  }
.Ltmp1:
0x6c: {  	_ =	swait.ge [sflag:s29], $0x4000;
	(pc) =	sbr.rel @p0 .LBB2_4-.Ltmp1, $4  }
0x6d: {  	[sflag:s29] =	ssyncset.done $0x0  }
0x6e: {  	s10 =	sadd.s32 $0x2800, s3;
	[sflag:s29] =	ssyncadd.s32 $0xFFFFC000  }
0x6f: {  	[spmem:s1] =	stream.indirect.scatter.add.f32 [tilespmem:s15], [sflag:$0x3], $0x80, s10, s18, $0xb8;
	[tilespmem:$0x1E800] =	vst v63  }
0x70: {  	s3 =	sadd.s32 $0x1480, s3  }
0x71: {  	[tilespmem:s25], [sflag:$0x2] =	stream.indirect.gather [hbm4b:s4+s18], $0x80, s3, s18, $0xb8;
	[tilespmem:$0x1E800] =	vst v63  }
0x72: {  	_ =	swait.ge [sflag:s26], $0x4000  }
0x73: {  	[sflag:s26] =	ssyncset.done $0x0  }
0x74: {  	[sflag:s26] =	ssyncadd.s32 $0xFFFFC000  }
0x75: {  	_ =	swait.ge [sflag:s28], $0x4000  }
0x76: {  	[sflag:s28] =	ssyncset.done $0x0  }
0x77: {  	[sflag:s28] =	ssyncadd.s32 $0xFFFFC000  }
0x78: {  	[spmem:s1] =	stream.indirect.scatter.add.f32 [tilespmem:s25], [sflag:$0x4], $0x80, s30, s18, $0xb8;
	[tilespmem:$0x1E800] =	vst v63  }
0x79: {  	_ =	swait.ge [sflag:s29], $0x4000  }
0x7a: {  	[sflag:s29] =	ssyncset.done $0x0  }
0x7b: {  	[sflag:s29] =	ssyncadd.s32 $0xFFFFC000  }
0x7c: {  	[tilespmem:s2], [sflag:$0x5] =	stream.linear.gather [hbm4b:s12+s2], $0x1400, $0x38;
	[tilespmem:$0x1E800] =	vst v63  }
0x7d: {  	_ =	swait.ge [sflag:s16], $0x1400  }
0x7e: {  	[sflag:s16] =	ssyncset.done $0x0  }
0x7f: {  	[sflag:s16] =	ssyncadd.s32 $0xFFFFEC00  }
0x80: {  	[tilespmem:s17], [sflag:$0x5] =	stream.linear.gather [hbm4b:s13+s2], $0x1400, $0x38;
	[tilespmem:$0x1E800] =	vst v63  }
0x81: {  	_ =	swait.ge [sflag:s16], $0x1400  }
0x82: {  	[sflag:s16] =	ssyncset.done $0x0  }
0x83: {  	[sflag:s16] =	ssyncadd.s32 $0xFFFFEC00  }
0x84: {  	[tilespmem:s15], [sflag:$0x1] =	stream.indirect.gather [hbm4b:s4+s18], $0x80, s2, s18, $0xb8;
	[tilespmem:$0x1E800] =	vst v63  }
0x85: {  	_ =	swait.ge [sflag:s19], $0x4000  }
0x86: {  	[sflag:s19] =	ssyncset.done $0x0  }
0x87: {  	[sflag:s19] =	ssyncadd.s32 $0xFFFFC000  }
0x88: {  	[spmem:s1] =	stream.indirect.scatter.add.f32 [tilespmem:s15], [sflag:$0x3], $0x80, s17, s18, $0xb8;
	[tilespmem:$0x1E800] =	vst v63  }
0x89: {  	_ = 	snop  }
0x8a: {  	[tilespmem:s25], [sflag:$0x2] =	stream.indirect.gather [hbm4b:s4+s18], $0x80, s18, s18, $0xb8;
	[tilespmem:$0x1E800] =	vst v63  }
0x8b: {  	_ =	swait.ge [sflag:s26], $0x4000  }
0x8c: {  	[sflag:s26] =	ssyncset.done $0x0  }
0x8d: {  	[sflag:s26] =	ssyncadd.s32 $0xFFFFC000  }
0x8e: {  	_ =	swait.ge [sflag:s28], $0x4000  }
0x8f: {  	[sflag:s28] =	ssyncset.done $0x0  }
0x90: {  	s0 =	simm.s32 $0x1480;
	[sflag:s28] =	ssyncadd.s32 $0xFFFFC000  }
0x91: {  	[spmem:s1] =	stream.indirect.scatter.add.f32 [tilespmem:s25], [sflag:$0x4], $0x80, s0, s18, $0xb8;
	[tilespmem:$0x1E800] =	vst v63  }
0x92: {  	s3 =	simm.s32 $0x100  }
0x93: {  	[tilespmem:s15], [sflag:$0x1] =	stream.indirect.gather [hbm4b:s4+s18], $0x80, s3, s18, $0xb8;
	[tilespmem:$0x1E800] =	vst v63  }
0x94: {  	_ =	swait.ge [sflag:s19], $0x4000  }
0x95: {  	[sflag:s19] =	ssyncset.done $0x0  }
0x96: {  	[sflag:s19] =	ssyncadd.s32 $0xFFFFC000  }
0x97: {  	_ =	swait.ge [sflag:s29], $0x4000  }
0x98: {  	s10 =	simm.s32 $0x1500;
	[sflag:s29] =	ssyncset.done $0x0  }
0x99: {  	s0 =	simm.s32 $0xFFFFB800;
	s3 =	simm.s32 $0x180;
	[sflag:s29] =	ssyncadd.s32 $0xFFFFC000  }
0x9a: {  	[spmem:s1] =	stream.indirect.scatter.add.f32 [tilespmem:s15], [sflag:$0x3], $0x80, s10, s18, $0xb8;
	[tilespmem:$0x1E800] =	vst v63  }
.LBB2_6:
0x9b: {  	[tilespmem:s25], [sflag:$0x2] =	stream.indirect.gather [hbm4b:s4+s18], $0x80, s3, s18, $0xb8;
	[tilespmem:$0x1E800] =	vst v63  }
0x9c: {  	s3 =	smov.u32 s0  }
0x9d: {  	p0 =	sne.s32 s0, $0xFFFFFC00;
	s0 =	sadd.s32 $0x400, s0;
	_ =	swait.ge [sflag:s26], $0x4000  }
0x9e: {  	[sflag:s26] =	ssyncset.done $0x0  }
0x9f: {  	[sflag:s26] =	ssyncadd.s32 $0xFFFFC000  }
0xa0: {  	_ =	swait.ge [sflag:s28], $0x4000  }
0xa1: {  	s3 =	sshra.s32 s3, $0x2;
	[sflag:s28] =	ssyncset.done $0x0  }
0xa2: {  	s10 =	sadd.s32 $0x2780, s3;
	[sflag:s28] =	ssyncadd.s32 $0xFFFFC000  }
0xa3: {  	[spmem:s1] =	stream.indirect.scatter.add.f32 [tilespmem:s25], [sflag:$0x4], $0x80, s10, s18, $0xb8;
	[tilespmem:$0x1E800] =	vst v63  }
0xa4: {  	s10 =	sadd.s32 $0x1400, s3  }
0xa5: {  	[tilespmem:s15], [sflag:$0x1] =	stream.indirect.gather [hbm4b:s4+s18], $0x80, s10, s18, $0xb8;
	[tilespmem:$0x1E800] =	vst v63  }
0xa6: {  	_ =	swait.ge [sflag:s19], $0x4000  }
0xa7: {  	[sflag:s19] =	ssyncset.done $0x0  }
0xa8: {  	[sflag:s19] =	ssyncadd.s32 $0xFFFFC000  }
.Ltmp2:
0xa9: {  	_ =	swait.ge [sflag:s29], $0x4000;
	(pc) =	sbr.rel @p0 .LBB2_6-.Ltmp2, $4  }
0xaa: {  	[sflag:s29] =	ssyncset.done $0x0  }
0xab: {  	s10 =	sadd.s32 $0x2800, s3;
	[sflag:s29] =	ssyncadd.s32 $0xFFFFC000  }
0xac: {  	[spmem:s1] =	stream.indirect.scatter.add.f32 [tilespmem:s15], [sflag:$0x3], $0x80, s10, s18, $0xb8;
	[tilespmem:$0x1E800] =	vst v63  }
0xad: {  	s3 =	sadd.s32 $0x1480, s3  }
0xae: {  	[tilespmem:s25], [sflag:$0x2] =	stream.indirect.gather [hbm4b:s4+s18], $0x80, s3, s18, $0xb8;
	[tilespmem:$0x1E800] =	vst v63  }
0xaf: {  	_ =	swait.ge [sflag:s26], $0x4000  }
0xb0: {  	[sflag:s26] =	ssyncset.done $0x0  }
0xb1: {  	[sflag:s26] =	ssyncadd.s32 $0xFFFFC000  }
0xb2: {  	_ =	swait.ge [sflag:s28], $0x4000  }
0xb3: {  	[sflag:s28] =	ssyncset.done $0x0  }
0xb4: {  	[sflag:s28] =	ssyncadd.s32 $0xFFFFC000  }
0xb5: {  	[spmem:s1] =	stream.indirect.scatter.add.f32 [tilespmem:s25], [sflag:$0x4], $0x80, s30, s18, $0xb8;
	[tilespmem:$0x1E800] =	vst v63  }
0xb6: {  	_ =	swait.ge [sflag:s29], $0x4000  }
0xb7: {  	s0 =	stileid.u32;
	[sflag:s29] =	ssyncset.done $0x0  }
0xb8: {  	s0 =	sshll.u32 s0, $0x6;
	[sflag:s29] =	ssyncadd.s32 $0xFFFFC000  }
0xb9: {  	s10 =	sshrl.u32 s5, $0x3;
	s0 =	sor.u32 $0x1C05, s0;
	[bflag:$0x0] =	sbarrier.arrive $0xFFFF  }
0xba: {  	[hbm:s20], [sflag:s0] =	dma.local [spmem:s10], $0x800  }
0xbb: {  	_ =	swait.ge [sflag:s16], $0x800  }
0xbc: {  	[sflag:s16] =	ssyncset.done $0x0  }
0xbd: {  	s10 =	sshrl.u32 s6, $0x3;
	[sflag:s16] =	ssyncadd.s32 $0xFFFFF800  }
0xbe: {  	[hbm:s21], [sflag:s0] =	dma.local [spmem:s10], $0x800  }
0xbf: {  	_ =	swait.ge [sflag:s16], $0x800  }
0xc0: {  	[sflag:s16] =	ssyncset.done $0x0  }
0xc1: {  	s10 =	sshrl.u32 s7, $0x3;
	[sflag:s16] =	ssyncadd.s32 $0xFFFFF800  }
0xc2: {  	[hbm:s22], [sflag:s0] =	dma.local [spmem:s10], $0x800  }
0xc3: {  	_ =	swait.ge [sflag:s16], $0x800  }
0xc4: {  	[sflag:s16] =	ssyncset.done $0x0  }
0xc5: {  	s10 =	sshrl.u32 s8, $0x3;
	[sflag:s16] =	ssyncadd.s32 $0xFFFFF800  }
0xc6: {  	[hbm:s23], [sflag:s0] =	dma.local [spmem:s10], $0x800  }
0xc7: {  	s31 =	sadd.s32 $0x1, s31;
	_ =	swait.ge [sflag:s16], $0x800  }
0xc8: {  	p0 =	sne.s32 s31, s14;
	[sflag:s16] =	ssyncset.done $0x0  }
.Ltmp3:
0xc9: {  	s10 =	sshrl.u32 s9, $0x3;
	[sflag:s16] =	ssyncadd.s32 $0xFFFFF800;
	(pc) =	sbr.rel @p0 .LBB2_1-.Ltmp3, $4  }
0xca: {  	[hbm:s24], [sflag:s0] =	dma.local [spmem:s10], $0x800  }
0xcb: {  	_ =	swait.ge [sflag:s16], $0x800  }
0xcc: {  	[sflag:s16] =	ssyncset.done $0x0  }
0xcd: {  	[sflag:s16] =	ssyncadd.s32 $0xFFFFF800  }
0xce: {  	_ =	sfence.sel $0x180000  }
0xcf: {  	[bflag:$0x0] =	sbarrier.arrive $0xFFFF  }
0xd0: {  	_ =	strace $0x9000004D  }
0xd1: {  	s0 =	stileid.u32;
	[bflag:$0x2] =	sbarrier.arrive $0xFFFF  }
0xd2: {  	p0 =	sne.s32 s0, $0x0;
	s0 =	rddreg [dreg:$0x2]  }
0xd3: {  	s0 =	sadd.s32 @!p0 $0x100000, s0  }
0xd4: {  	[sflag:s0] =	ssyncadd.tile.s32 @!p0 $0x1;
	_ =	shalt  }
.Lfunc_end2:
_tile_overlayer_lowered:
.L_overlay_start_2:
0xd5: {  	(tag) =	ssettag $0x2  }
0xd6: {  	s0 =	rddreg [dreg:$0x0];
	s2 =	stileid.u32  }
0xd7: {  	s1 =	rddreg [dreg:$0x1];
	p0 =	sne.s32 s2, $0x0  }
0xd8: {  	s3 =	rddreg [dreg:$0x2];
	[bflag:$0x3] =	sbarrier.arrive $0xFFFF;
	s2 =	simm.s32 @!p0 $0x1C05  }
0xd9: {  	[timem:s3], [sflag:s2] =	dma.local @!p0 [hbm:s0], s1  }
0xda: {  	s0 =	simm.s32 @!p0 $0x5  }
0xdb: {  	_ =	swait.ge @!p0 [sflag:s0], s1  }
0xdc: {  	s1 =	ssub.s32 @!p0 $0x0, s1;
	[sflag:s0] =	ssyncset.done @!p0 $0x0  }
0xdd: {  	[sflag:s0] =	ssyncadd.s32 @!p0 s1  }
0xde: {  	[bflag:$0x3] =	sbarrier.arrive $0xFFFF  }
0xdf: {  	_ =	shalt  }

// kernel: kernel.23.cloned.1.call-start
scs
__scs_entry_jumppad:
0x0: {  	(pc) =	sbr.rel $0x88, $3  }
0x1: {  	(tag) =	ssettag $0x0;
	lr =	simm.s32 $0x1  }
0x2: {  	[smem:$0x3F97] =	sst lr;
	_ =	strace $0xD0000000  }
0x3: {  	_ = 	snop  }
0x4: {  	_ = 	snop  }
0x5: {  	_ = 	snop  }
0x6: {  	_ = 	snop  }
0x7: {  	_ = 	snop  }
__scs_overlays_trampoline_lowered:
0x8: {  	[smem:$0x3FA6] =	sst s0  }
0x9: {  	[smem:$0x3FA7] =	sst s1  }
0xa: {  	[smem:$0x3FA8] =	sst s2  }
0xb: {  	[smem:$0x3FA9] =	sst s3  }
0xc: {  	[smem:$0x3FAA] =	sst s4  }
0xd: {  	[smem:$0x3FAB] =	sst s5  }
0xe: {  	[smem:$0x3FAC] =	sst s6  }
0xf: {  	[smem:$0x3FAD] =	sst s7  }
0x10: {  	[smem:$0x3FAE] =	sst s8  }
0x11: {  	[smem:$0x3FAF] =	sst s9;
	s0 =	simm.s32 @!p0 $0x0  }
0x12: {  	s1 =	sld [smem:$0x3F95];
	s0 =	simm.s32 @p0 $0x1  }
0x13: {  	[smem:$0x3FB0] =	sst s0;
	s0 =	simm.s32 @!p1 $0x0  }
0x14: {  	s2 =	sld [smem:$0x3F94];
	s0 =	simm.s32 @p1 $0x1  }
0x15: {  	[smem:$0x3FB1] =	sst s0;
	s0 =	simm.s32 @!p2 $0x0  }
0x16: {  	s3 =	sld [smem:$0x3FDB];
	s0 =	simm.s32 @p2 $0x1  }
0x17: {  	s4 =	simm.s32 $0x1BF5;
	[smem:$0x3FB3] =	sst s0  }
0x18: {  	s0 =	sld [smem:$0x3F96];
	_ =	swait.ge [sflag:s4], $0x0  }
0x19: {  	s7 =	sld [smem:$0x3F97]  }
0x1a: {  	s8 =	sadd.s32 $0xFFFFE003, lr  }
0x1b: {  	s9 =	sadd.s32 $0xFFFFFEF7, lr;
	s5 =	simm.s32 $0xFFFFFFFF;
	p2 =	slt.u32 s8, $0xFFFFF086  }
0x1c: {  	p1 =	slt.u32 s9, $0xF7A;
	s5 =	simm.s32 @!p2 $0x0  }
0x1d: {  	s5 =	simm.s32 @p1 $0x1;
	p0 =	seq.s32 s7, s2  }
0x1e: {  	s7 =	smul.u32 @!p0 $0xF7A, s2;
	p2 =	seq.s32 @!p0 s5, $0x0  }
0x1f: {  	s9 =	smul.u32 $0xF7A, s1;
	s8 =	simm.s32 @!p0 $0x1BF5;
	p2 =	por !p2, p0  }
0x20: {  	[sflag:s8] =	ssyncset.s32 @!p0 $0xFFFFF086;
	s6 =	sadd.s32 @!p0 s3, s7;
	s7 =	simm.s32 @!p0 $0x108  }
0x21: {  	s3 =	sadd.s32 s3, s9;
	s6 =	sadd.s32 @!p0 $0x88, s6;
	s7 =	simm.s32 @p2 $0x1082  }
0x22: {  	[simem:s7], [sflag:s8] =	dma.local @!p0 [hbm:s6], $0xF7A  }
0x23: {  	s9 =	sor.u32 $0xD0000000, s2;
	s6 =	simm.s32 $0x108;
	_ =	swait.ge @!p0 [sflag:s8], $0x0  }
0x24: {  	s3 =	sadd.s32 $0x88, s3;
	s6 =	simm.s32 @!p1 $0x1082;
	[sflag:s4] =	ssyncset.s32 $0xFFFFF086  }
0x25: {  	[simem:s6], [sflag:s4] =	dma.local [hbm:s3], $0xF7A  }
0x26: {  	[smem:$0x3F97] =	sst s1;
	(tag) =	ssettag s2;
	_ =	strace s9  }
0x27: {  	s1 =	sld [smem:$0x3FA7]  }
0x28: {  	s2 =	sld [smem:$0x3FA8]  }
0x29: {  	s4 =	sld [smem:$0x3FAA]  }
0x2a: {  	p0 =	seq.s32 s5, $0x0;
	s5 =	sld [smem:$0x3FAB]  }
0x2b: {  	s6 =	sld [smem:$0x3FAC]  }
0x2c: {  	s7 =	sld [smem:$0x3FAD]  }
0x2d: {  	s3 =	simm.s32 $0x108;
	s8 =	sld [smem:$0x3FAE]  }
0x2e: {  	s3 =	simm.s32 @!p0 $0x1082;
	s9 =	sld [smem:$0x3FAF]  }
0x2f: {  	lr =	sadd.s32 s0, s3;
	s0 =	sld [smem:$0x3FA6]  }
0x30: {  	s3 =	sld [smem:$0x3FA9]  }
0x31: {  	[smem:$0x3FB2] =	sst s10  }
0x32: {  	s10 =	sld [smem:$0x3FB0];
	_ =	sdelay $0x3  }
0x33: {  	p0 =	seq.s32 s10, $0x1;
	s10 =	sld [smem:$0x3FB2];
	_ =	sdelay $0x3  }
0x34: {  	[smem:$0x3FB2] =	sst s10  }
0x35: {  	s10 =	sld [smem:$0x3FB1];
	_ =	sdelay $0x3  }
0x36: {  	p1 =	seq.s32 s10, $0x1;
	s10 =	sld [smem:$0x3FB2];
	_ =	sdelay $0x3  }
0x37: {  	[smem:$0x3FB2] =	sst s10  }
0x38: {  	s10 =	sld [smem:$0x3FB3]  }
0x39: {  	_ = 	snop;
	(pc) =	sbr.ind lr, $3  }
0x3a: {  	_ = 	snop  }
0x3b: {  	_ = 	snop  }
0x3c: {  	p2 =	seq.s32 s10, $0x1;
	s10 =	sld [smem:$0x3FB2]  }
0x3d: {  	_ =	shalt  }
0x3e: {  	_ =	shalt  }
0x3f: {  	_ =	shalt  }
0x40: {  	_ =	shalt  }
0x41: {  	_ =	shalt  }
0x42: {  	_ =	shalt  }
0x43: {  	_ =	shalt  }
0x44: {  	_ =	shalt  }
0x45: {  	_ =	shalt  }
0x46: {  	_ =	shalt  }
0x47: {  	_ =	shalt  }
0x48: {  	_ =	shalt  }
0x49: {  	_ =	shalt  }
0x4a: {  	_ =	shalt  }
0x4b: {  	_ =	shalt  }
0x4c: {  	_ =	shalt  }
0x4d: {  	_ =	shalt  }
0x4e: {  	_ =	shalt  }
0x4f: {  	_ =	shalt  }
0x50: {  	_ =	shalt  }
0x51: {  	_ =	shalt  }
0x52: {  	_ =	shalt  }
0x53: {  	_ =	shalt  }
0x54: {  	_ =	shalt  }
0x55: {  	_ =	shalt  }
0x56: {  	_ =	shalt  }
0x57: {  	_ =	shalt  }
0x58: {  	_ =	shalt  }
0x59: {  	_ =	shalt  }
0x5a: {  	_ =	shalt  }
0x5b: {  	_ =	shalt  }
0x5c: {  	_ =	shalt  }
0x5d: {  	_ =	shalt  }
0x5e: {  	_ =	shalt  }
0x5f: {  	_ =	shalt  }
0x60: {  	_ =	shalt  }
0x61: {  	_ =	shalt  }
0x62: {  	_ =	shalt  }
0x63: {  	_ =	shalt  }
0x64: {  	_ =	shalt  }
0x65: {  	_ =	shalt  }
0x66: {  	_ =	shalt  }
0x67: {  	_ =	shalt  }
0x68: {  	_ =	shalt  }
0x69: {  	_ =	shalt  }
0x6a: {  	_ =	shalt  }
0x6b: {  	_ =	shalt  }
0x6c: {  	_ =	shalt  }
0x6d: {  	_ =	shalt  }
0x6e: {  	_ =	shalt  }
0x6f: {  	_ =	shalt  }
0x70: {  	_ =	shalt  }
0x71: {  	_ =	shalt  }
0x72: {  	_ =	shalt  }
0x73: {  	_ =	shalt  }
0x74: {  	_ =	shalt  }
0x75: {  	_ =	shalt  }
0x76: {  	_ =	shalt  }
0x77: {  	_ =	shalt  }
0x78: {  	_ =	shalt  }
0x79: {  	_ =	shalt  }
0x7a: {  	_ =	shalt  }
0x7b: {  	_ =	shalt  }
0x7c: {  	_ =	shalt  }
0x7d: {  	_ =	shalt  }
0x7e: {  	_ =	shalt  }
0x7f: {  	_ =	shalt  }
0x80: {  	_ =	shalt  }
0x81: {  	_ =	shalt  }
0x82: {  	_ =	shalt  }
0x83: {  	_ =	shalt  }
0x84: {  	_ =	shalt  }
0x85: {  	_ =	shalt  }
0x86: {  	_ =	shalt  }
0x87: {  	_ =	shalt  }
.Lfunc_end0:
.L_simem_size_0:
called_computation.3_lowered:
.L_overlay_start_0:
0x88: {  	s2 =	sld [smem:$0x3FD9]  }
0x89: {  	s3 =	sld [smem:$0x3FFE];
	_ =	sdelay $0x1  }
0x8a: {  	s1 =	srdreg.scid  }
0x8b: {  	s0 =	sand.u32 $0x1, s1  }
0x8c: {  	s16 =	sshll.u32 s0, $0xA;
	s2 =	sadd.s32 s3, s2  }
0x8d: {  	s2 =	sadd.s32 s2, s16  }
0x8e: {  	[smem:$0x3FBE] =	sst s2  }
0x8f: {  	_ = 	snop  }
0x90: {  	(tm) =	ssettm $0x1  }
0x91: {  	s17 =	sld [smem:$0x3FFB];
	_ =	sdelay $0x3  }
0x92: {  	_ =	strace s17  }
0x93: {  	s2 =	sld [smem:$0x3FFC];
	_ =	sdelay $0x3  }
0x94: {  	_ =	strace s2  }
0x95: {  	s2 =	sld [smem:$0x3FFD];
	_ =	sdelay $0x3  }
0x96: {  	_ =	strace s2  }
0x97: {  	_ =	strace $0x8FFFFFFF  }
0x98: {  	s18 =	sld [smem:$0x3FDB];
	_ =	sdelay $0x1  }
0x99: {  	s19 =	simm.s32 $_scs_section_size  }
0x9a: {  	s4 =	simm.s32 $_size__tile_overlayer_lowered;
	s5 =	simm.s32 $_tile_overlayer_lowered  }
0x9b: {  	s22 =	simm.s32 $0x1BFF;
	s21 =	sshll.u32 s5, $0x1;
	s2 =	sadd.s32 s19, s18  }
0x9c: {  	s6 =	simm.s32 $0x0;
	s20 =	sshll.u32 s4, $0x1;
	s4 =	sadd.s32 s21, s2  }
0x9d: {  	[timem:s6], [sflag:s22] =	dma.local [hbm:s4], s20  }
0x9e: {  	_ =	swait.ge [sflag:s22], s20  }
0x9f: {  	s3 =	ssub.s32 $0x0, s20;
	[sflag:s22] =	ssyncset.done $0x0  }
0xa0: {  	[sflag:s22] =	ssyncadd.s32 s3;
	_ =	sdelay $0x1  }
0xa1: {  	s23 =	simm.s32 $0x1B8B  }
0xa2: {  	_ =	swait.ge [sflag:s23], $0x1  }
0xa3: {  	[sflag:s23] =	ssyncset.done $0x0  }
0xa4: {  	s25 =	simm.s32 $0x1B8E;
	s24 =	sld [smem:$0x3FFE];
	[sflag:s23] =	ssyncadd.s32 $0xFFFFFFFF  }
0xa5: {  	s26 =	simm.s32 $execute0_lowered;
	[smem:$0x3FD2] =	sst s25  }
0xa6: {  	s4 =	sshll.u32 s26, $0x1;
	_ =	strace $0x8000004F;
	[dreg:$0x1] =	wrdreg $0xFFFFFFFF  }
0xa7: {  	s28 =	simm.s32 $_size_execute0_lowered;
	s2 =	sadd.s32 s2, s4;
	[dreg:$0x0] =	wrdreg $0x0  }
0xa8: {  	s4 =	sshll.u32 s28, $0x1;
	[dreg:$0x2] =	wrdreg s2  }
0xa9: {  	[dreg:$0x3] =	wrdreg s4  }
0xaa: {  	[dreg:$0x4] =	wrdreg $0xC0  }
0xab: {  	_ =	task [dreg:s6], $0x5FFFF  }
0xac: {  	[dreg:$0x1] =	wrdreg $0xFFFFFFFF  }
0xad: {  	[dreg:$0x0] =	wrdreg $0x60  }
0xae: {  	[dreg:$0x2] =	wrdreg s24  }
0xaf: {  	[dreg:$0x3] =	wrdreg $0xA8000  }
0xb0: {  	[dreg:$0x4] =	wrdreg $0x9  }
0xb1: {  	_ =	task.clear_ibuf [dreg:s6], $0x5FFFF;
	_ =	strace $0x9000004F  }
0xb2: {  	s29 =	simm.s32 $0x9;
	_ =	strace $0x80000051  }
0xb3: {  	_ =	swait.ge [sflag:s29], $0x1  }
0xb4: {  	[sflag:s29] =	ssyncadd.s32 $0xFFFFFFFF  }
0xb5: {  	_ =	strace $0x90000051  }
0xb6: {  	_ =	sfence  }
0xb7: {  	s30 =	sld [smem:$0x0];
	_ =	sdelay $0x2  }
0xb8: {  	s31 =	sshll.u32 s1, $0xD;
	s1 =	sshrl.u32 s1, $0x2  }
0xb9: {  	s3 =	sand.u32 $0x4000, s31;
	s1 =	sadd.s32 s1, s30  }
0xba: {  	s0 =	sor.u32 s3, s0;
	s1 =	sshll.u32 s1, $0x11  }
0xbb: {  	s0 =	sor.u32 s1, s0  }
0xbc: {  	s0 =	sadd.s32 $0x8F2B, s0  }
0xbd: {  	[sflag:s0] =	ssyncadd.remote.s32 $0x1  }
0xbe: {  	_ =	sfence.sel $0xFFFF  }
0xbf: {  	[dreg:$0x0] =	wrdreg $0xFFFFFFFF;
	(pc) =	sbr.abs _section_cstart, $3  }
0xc0: {  	[dreg:$0x1] =	wrdreg $0xFFFFFFFF  }
0xc1: {  	_ =	task.clear_ibuf [dreg:s6], $0x2FFFF;
	_ =	strace $0x9FFFFFFF  }
0xc2: {  	(tm) =	ssettm $0x7FFFFFFF  }
0xc3: {  	_ =	shalt  }
tec
execute0_lowered:
.L_overlay_start_1:
0x0: {  	(tag) =	ssettag $0x1  }
0x1: {  	s0 =	rddreg [dreg:$0x0]  }
0x2: {  	s1 =	rddreg [dreg:$0x1];
	s2 =	simm.s32 $0x0  }
0x3: {  	s3 =	srdreg.scid;
	s20 =	stileid.u32;
	s28 =	simm.s32 $0x3  }
0x4: {  	s29 =	simm.s32 $0x4;
	s30 =	simm.s32 $0x2780;
	s31 =	simm.s32 $0x0  }
0x5: {  	[smem:$0x7FF] =	sst s2;
	s4 =	sadd.s32 $0x18800, s0;
	s8 =	smul.u32 $0x280, s20  }
0x6: {  	s3 =	sand.u32 $0x1, s3;
	s12 =	sadd.s32 $0xE800, s0;
	s7 =	smul.u32 $0x50000, s20  }
0x7: {  	s13 =	sadd.s32 $0x4800, s0;
	s26 =	smul.u32 $0x2800, s20;
	_ =	strace $0x80000050  }
0x8: {  	s5 =	smul.u32 $0x28000, s3;
	s6 =	ssub.s32 $0x2, s3;
	s3 =	sshll.u32 s3, $0x4  }
0x9: {  	s21 =	sshrl.u32 s6, $0x1;
	s15 =	sadd.s32 $0x80, s8;
	s3 =	sor.u32 s20, s3  }
0xa: {  	s22 =	sshrl.u32 s7, $0x2;
	s16 =	sadd.s32 $0x100, s8;
	s17 =	sadd.s32 $0x180, s8  }
0xb: {  	s18 =	sadd.s32 $0x200, s8;
	s0 =	sadd.s32 s5, s0;
	s14 =	ssub.s32 s6, s21  }
0xc: {  	s23 =	sshll.u32 s15, $0x7;
	s5 =	sadd.s32 s22, s1;
	s24 =	sshll.u32 s16, $0x7  }
0xd: {  	s9 =	smul.u32 $0x2800, s3;
	s10 =	sshll.u32 s17, $0x7;
	s11 =	sshll.u32 s18, $0x7  }
0xe: {  	s3 =	smul.u32 $0x500, s3;
	s21 =	sshll.u32 s15, $0x4;
	s22 =	sshll.u32 s16, $0x4  }
0xf: {  	s15 =	simm.s32 $0x2800;
	s16 =	simm.s32 $0x5;
	s6 =	sadd.s32 s23, s1  }
0x10: {  	s7 =	sadd.s32 s24, s1;
	s8 =	sadd.s32 s10, s1;
	s0 =	sadd.s32 $0x66C00, s0  }
0x11: {  	s23 =	sshll.u32 s17, $0x4;
	s24 =	sshll.u32 s18, $0x4;
	s14 =	smax.u32 s14, $0x1  }
0x12: {  	s17 =	simm.s32 $0x1400;
	s18 =	simm.s32 $0x80;
	s19 =	sshrl.u32 s9, $0x3  }
0x13: {  	s9 =	sadd.s32 s11, s1;
	s25 =	sadd.s32 s12, s3;
	s11 =	sadd.s32 s13, s3  }
0x14: {  	s20 =	sadd.s32 s26, s0;
	s21 =	sadd.s32 s21, s0;
	s22 =	sadd.s32 s22, s0  }
0x15: {  	s23 =	sadd.s32 s23, s0;
	s24 =	sadd.s32 s24, s0;
	s26 =	simm.s32 $0x2  }
0x16: {  	s19 =	sadd.s32 $0x280, s19;
	[dreg:$0x3] =	wrdreg s25;
	s25 =	simm.s32 $0x6800  }
0x17: {  	v0 =	vimm.f32 $0.0e+00;
	s12 =	sadd.s32 s12, s19;
	s13 =	sadd.s32 s13, s19;
	s19 =	simm.s32 $0x1  }
.LBB2_1:
0x18: {  	s0 =	simm.s32 $0x0;
	s3 =	simm.s32 $0x200  }
.LBB2_2:
0x19: {  	p0 =	sne.s32 s3, $0xFE00;
	[tilespmem:s0+$0x2870] =	vst v0  }
0x1a: {  	[tilespmem:s0+$0x2800] =	vst v0  }
0x1b: {  	[tilespmem:s0+$0x2810] =	vst v0  }
.Ltmp0:
0x1c: {  	[tilespmem:s0+$0x2820] =	vst v0;
	(pc) =	sbr.rel @p0 .LBB2_2-.Ltmp0, $4  }
0x1d: {  	[tilespmem:s0+$0x2830] =	vst v0  }
0x1e: {  	[tilespmem:s0+$0x2840] =	vst v0  }
0x1f: {  	[tilespmem:s0+$0x2850] =	vst v0  }
0x20: {  	[tilespmem:s0+$0x2860] =	vst v0;
	s0 =	sshra.s32 s3, $0x2;
	s3 =	sadd.s32 $0x200, s3  }
0x21: {  	[tilespmem:s0+$0x2870] =	vst v0  }
0x22: {  	[tilespmem:s0+$0x2800] =	vst v0  }
0x23: {  	[tilespmem:s0+$0x2810] =	vst v0  }
0x24: {  	[tilespmem:s0+$0x2820] =	vst v0  }
0x25: {  	[tilespmem:s0+$0x2830] =	vst v0  }
0x26: {  	[tilespmem:s0+$0x2840] =	vst v0  }
0x27: {  	[tilespmem:s0+$0x2850] =	vst v0  }
0x28: {  	[tilespmem:s0+$0x2860] =	vst v0  }
0x29: {  	[spmem:s5] =	stream.linear.scatter [tilespmem:s15], [sflag:$0x5], $0x4000, $0x38;
	[tilespmem:$0x1E800] =	vst v63  }
0x2a: {  	_ =	swait.ge [sflag:s16], $0x4000  }
0x2b: {  	[sflag:s16] =	ssyncset.done $0x0  }
0x2c: {  	[sflag:s16] =	ssyncadd.s32 $0xFFFFC000  }
0x2d: {  	[spmem:s6] =	stream.linear.scatter [tilespmem:s15], [sflag:$0x5], $0x4000, $0x38;
	[tilespmem:$0x1E800] =	vst v63  }
0x2e: {  	_ =	swait.ge [sflag:s16], $0x4000  }
0x2f: {  	[sflag:s16] =	ssyncset.done $0x0  }
0x30: {  	[sflag:s16] =	ssyncadd.s32 $0xFFFFC000  }
0x31: {  	[spmem:s7] =	stream.linear.scatter [tilespmem:s15], [sflag:$0x5], $0x4000, $0x38;
	[tilespmem:$0x1E800] =	vst v63  }
0x32: {  	_ =	swait.ge [sflag:s16], $0x4000  }
0x33: {  	[sflag:s16] =	ssyncset.done $0x0  }
0x34: {  	[sflag:s16] =	ssyncadd.s32 $0xFFFFC000  }
0x35: {  	[spmem:s8] =	stream.linear.scatter [tilespmem:s15], [sflag:$0x5], $0x4000, $0x38;
	[tilespmem:$0x1E800] =	vst v63  }
0x36: {  	_ =	swait.ge [sflag:s16], $0x4000  }
0x37: {  	[sflag:s16] =	ssyncset.done $0x0  }
0x38: {  	[sflag:s16] =	ssyncadd.s32 $0xFFFFC000  }
0x39: {  	[spmem:s9] =	stream.linear.scatter [tilespmem:s15], [sflag:$0x5], $0x4000, $0x38;
	[tilespmem:$0x1E800] =	vst v63  }
0x3a: {  	_ =	swait.ge [sflag:s16], $0x4000  }
0x3b: {  	[sflag:s16] =	ssyncset.done $0x0  }
0x3c: {  	[sflag:s16] =	ssyncadd.s32 $0xFFFFC000  }
0x3d: {  	[bflag:$0x0] =	sbarrier.arrive $0xFFFF  }
0x3e: {  	s3 =	rddreg [dreg:$0x3]  }
0x3f: {  	[tilespmem:s2], [sflag:$0x5] =	stream.linear.gather [hbm4b:s3+s2], $0x1400, $0x38;
	[tilespmem:$0x1E800] =	vst v63  }
0x40: {  	_ =	swait.ge [sflag:s16], $0x1400  }
0x41: {  	[sflag:s16] =	ssyncset.done $0x0  }
0x42: {  	[sflag:s16] =	ssyncadd.s32 $0xFFFFEC00  }
0x43: {  	[tilespmem:s17], [sflag:$0x5] =	stream.linear.gather [hbm4b:s11+s2], $0x1400, $0x38;
	[tilespmem:$0x1E800] =	vst v63  }
0x44: {  	_ =	swait.ge [sflag:s16], $0x1400  }
0x45: {  	[sflag:s16] =	ssyncset.done $0x0  }
0x46: {  	[sflag:s16] =	ssyncadd.s32 $0xFFFFEC00  }
0x47: {  	[tilespmem:s15], [sflag:$0x1] =	stream.indirect.gather [hbm4b:s4+s18], $0x80, s2, s18, $0xb8;
	[tilespmem:$0x1E800] =	vst v63  }
0x48: {  	_ =	swait.ge [sflag:s19], $0x4000  }
0x49: {  	[sflag:s19] =	ssyncset.done $0x0  }
0x4a: {  	[sflag:s19] =	ssyncadd.s32 $0xFFFFC000  }
0x4b: {  	[spmem:s1] =	stream.indirect.scatter.add.f32 [tilespmem:s15], [sflag:$0x3], $0x80, s17, s18, $0xb8;
	[tilespmem:$0x1E800] =	vst v63  }
0x4c: {  	_ = 	snop  }
0x4d: {  	[tilespmem:s25], [sflag:$0x2] =	stream.indirect.gather [hbm4b:s4+s18], $0x80, s18, s18, $0xb8;
	[tilespmem:$0x1E800] =	vst v63  }
0x4e: {  	_ =	swait.ge [sflag:s26], $0x4000  }
0x4f: {  	[sflag:s26] =	ssyncset.done $0x0  }
0x50: {  	[sflag:s26] =	ssyncadd.s32 $0xFFFFC000  }
0x51: {  	_ =	swait.ge [sflag:s28], $0x4000  }
0x52: {  	[sflag:s28] =	ssyncset.done $0x0  }
0x53: {  	s10 =	simm.s32 $0x1480;
	[sflag:s28] =	ssyncadd.s32 $0xFFFFC000  }
0x54: {  	[spmem:s1] =	stream.indirect.scatter.add.f32 [tilespmem:s25], [sflag:$0x4], $0x80, s10, s18, $0xb8;
	[tilespmem:$0x1E800] =	vst v63  }
0x55: {  	s3 =	simm.s32 $0x100  }
0x56: {  	[tilespmem:s15], [sflag:$0x1] =	stream.indirect.gather [hbm4b:s4+s18], $0x80, s3, s18, $0xb8;
	[tilespmem:$0x1E800] =	vst v63  }
0x57: {  	_ =	swait.ge [sflag:s19], $0x4000  }
0x58: {  	[sflag:s19] =	ssyncset.done $0x0  }
0x59: {  	[sflag:s19] =	ssyncadd.s32 $0xFFFFC000  }
0x5a: {  	_ =	swait.ge [sflag:s29], $0x4000  }
0x5b: {  	s0 =	simm.s32 $0xFFFFB800;
	[sflag:s29] =	ssyncset.done $0x0  }
0x5c: {  	s10 =	simm.s32 $0x1500;
	s3 =	simm.s32 $0x180;
	[sflag:s29] =	ssyncadd.s32 $0xFFFFC000  }
0x5d: {  	[spmem:s1] =	stream.indirect.scatter.add.f32 [tilespmem:s15], [sflag:$0x3], $0x80, s10, s18, $0xb8;
	[tilespmem:$0x1E800] =	vst v63  }
.LBB2_4:
0x5e: {  	[tilespmem:s25], [sflag:$0x2] =	stream.indirect.gather [hbm4b:s4+s18], $0x80, s3, s18, $0xb8;
	[tilespmem:$0x1E800] =	vst v63  }
0x5f: {  	s3 =	smov.u32 s0  }
0x60: {  	p0 =	sne.s32 s0, $0xFFFFFC00;
	s0 =	sadd.s32 $0x400, s0;
	_ =	swait.ge [sflag:s26], $0x4000  }
0x61: {  	[sflag:s26] =	ssyncset.done $0x0  }
0x62: {  	[sflag:s26] =	ssyncadd.s32 $0xFFFFC000  }
0x63: {  	_ =	swait.ge [sflag:s28], $0x4000  }
0x64: {  	s3 =	sshra.s32 s3, $0x2;
	[sflag:s28] =	ssyncset.done $0x0  }
0x65: {  	s10 =	sadd.s32 $0x2780, s3;
	[sflag:s28] =	ssyncadd.s32 $0xFFFFC000  }
0x66: {  	[spmem:s1] =	stream.indirect.scatter.add.f32 [tilespmem:s25], [sflag:$0x4], $0x80, s10, s18, $0xb8;
	[tilespmem:$0x1E800] =	vst v63  }
0x67: {  	s10 =	sadd.s32 $0x1400, s3  }
0x68: {  	[tilespmem:s15], [sflag:$0x1] =	stream.indirect.gather [hbm4b:s4+s18], $0x80, s10, s18, $0xb8;
	[tilespmem:$0x1E800] =	vst v63  }
0x69: {  	_ =	swait.ge [sflag:s19], $0x4000  }
0x6a: {  	[sflag:s19] =	ssyncset.done $0x0  }
0x6b: {  	[sflag:s19] =	ssyncadd.s32 $0xFFFFC000  }
.Ltmp1:
0x6c: {  	_ =	swait.ge [sflag:s29], $0x4000;
	(pc) =	sbr.rel @p0 .LBB2_4-.Ltmp1, $4  }
0x6d: {  	[sflag:s29] =	ssyncset.done $0x0  }
0x6e: {  	s10 =	sadd.s32 $0x2800, s3;
	[sflag:s29] =	ssyncadd.s32 $0xFFFFC000  }
0x6f: {  	[spmem:s1] =	stream.indirect.scatter.add.f32 [tilespmem:s15], [sflag:$0x3], $0x80, s10, s18, $0xb8;
	[tilespmem:$0x1E800] =	vst v63  }
0x70: {  	s3 =	sadd.s32 $0x1480, s3  }
0x71: {  	[tilespmem:s25], [sflag:$0x2] =	stream.indirect.gather [hbm4b:s4+s18], $0x80, s3, s18, $0xb8;
	[tilespmem:$0x1E800] =	vst v63  }
0x72: {  	_ =	swait.ge [sflag:s26], $0x4000  }
0x73: {  	[sflag:s26] =	ssyncset.done $0x0  }
0x74: {  	[sflag:s26] =	ssyncadd.s32 $0xFFFFC000  }
0x75: {  	_ =	swait.ge [sflag:s28], $0x4000  }
0x76: {  	[sflag:s28] =	ssyncset.done $0x0  }
0x77: {  	[sflag:s28] =	ssyncadd.s32 $0xFFFFC000  }
0x78: {  	[spmem:s1] =	stream.indirect.scatter.add.f32 [tilespmem:s25], [sflag:$0x4], $0x80, s30, s18, $0xb8;
	[tilespmem:$0x1E800] =	vst v63  }
0x79: {  	_ =	swait.ge [sflag:s29], $0x4000  }
0x7a: {  	[sflag:s29] =	ssyncset.done $0x0  }
0x7b: {  	[sflag:s29] =	ssyncadd.s32 $0xFFFFC000  }
0x7c: {  	[tilespmem:s2], [sflag:$0x5] =	stream.linear.gather [hbm4b:s12+s2], $0x1400, $0x38;
	[tilespmem:$0x1E800] =	vst v63  }
0x7d: {  	_ =	swait.ge [sflag:s16], $0x1400  }
0x7e: {  	[sflag:s16] =	ssyncset.done $0x0  }
0x7f: {  	[sflag:s16] =	ssyncadd.s32 $0xFFFFEC00  }
0x80: {  	[tilespmem:s17], [sflag:$0x5] =	stream.linear.gather [hbm4b:s13+s2], $0x1400, $0x38;
	[tilespmem:$0x1E800] =	vst v63  }
0x81: {  	_ =	swait.ge [sflag:s16], $0x1400  }
0x82: {  	[sflag:s16] =	ssyncset.done $0x0  }
0x83: {  	[sflag:s16] =	ssyncadd.s32 $0xFFFFEC00  }
0x84: {  	[tilespmem:s15], [sflag:$0x1] =	stream.indirect.gather [hbm4b:s4+s18], $0x80, s2, s18, $0xb8;
	[tilespmem:$0x1E800] =	vst v63  }
0x85: {  	_ =	swait.ge [sflag:s19], $0x4000  }
0x86: {  	[sflag:s19] =	ssyncset.done $0x0  }
0x87: {  	[sflag:s19] =	ssyncadd.s32 $0xFFFFC000  }
0x88: {  	[spmem:s1] =	stream.indirect.scatter.add.f32 [tilespmem:s15], [sflag:$0x3], $0x80, s17, s18, $0xb8;
	[tilespmem:$0x1E800] =	vst v63  }
0x89: {  	_ = 	snop  }
0x8a: {  	[tilespmem:s25], [sflag:$0x2] =	stream.indirect.gather [hbm4b:s4+s18], $0x80, s18, s18, $0xb8;
	[tilespmem:$0x1E800] =	vst v63  }
0x8b: {  	_ =	swait.ge [sflag:s26], $0x4000  }
0x8c: {  	[sflag:s26] =	ssyncset.done $0x0  }
0x8d: {  	[sflag:s26] =	ssyncadd.s32 $0xFFFFC000  }
0x8e: {  	_ =	swait.ge [sflag:s28], $0x4000  }
0x8f: {  	[sflag:s28] =	ssyncset.done $0x0  }
0x90: {  	s0 =	simm.s32 $0x1480;
	[sflag:s28] =	ssyncadd.s32 $0xFFFFC000  }
0x91: {  	[spmem:s1] =	stream.indirect.scatter.add.f32 [tilespmem:s25], [sflag:$0x4], $0x80, s0, s18, $0xb8;
	[tilespmem:$0x1E800] =	vst v63  }
0x92: {  	s3 =	simm.s32 $0x100  }
0x93: {  	[tilespmem:s15], [sflag:$0x1] =	stream.indirect.gather [hbm4b:s4+s18], $0x80, s3, s18, $0xb8;
	[tilespmem:$0x1E800] =	vst v63  }
0x94: {  	_ =	swait.ge [sflag:s19], $0x4000  }
0x95: {  	[sflag:s19] =	ssyncset.done $0x0  }
0x96: {  	[sflag:s19] =	ssyncadd.s32 $0xFFFFC000  }
0x97: {  	_ =	swait.ge [sflag:s29], $0x4000  }
0x98: {  	s10 =	simm.s32 $0x1500;
	[sflag:s29] =	ssyncset.done $0x0  }
0x99: {  	s0 =	simm.s32 $0xFFFFB800;
	s3 =	simm.s32 $0x180;
	[sflag:s29] =	ssyncadd.s32 $0xFFFFC000  }
0x9a: {  	[spmem:s1] =	stream.indirect.scatter.add.f32 [tilespmem:s15], [sflag:$0x3], $0x80, s10, s18, $0xb8;
	[tilespmem:$0x1E800] =	vst v63  }
.LBB2_6:
0x9b: {  	[tilespmem:s25], [sflag:$0x2] =	stream.indirect.gather [hbm4b:s4+s18], $0x80, s3, s18, $0xb8;
	[tilespmem:$0x1E800] =	vst v63  }
0x9c: {  	s3 =	smov.u32 s0  }
0x9d: {  	p0 =	sne.s32 s0, $0xFFFFFC00;
	s0 =	sadd.s32 $0x400, s0;
	_ =	swait.ge [sflag:s26], $0x4000  }
0x9e: {  	[sflag:s26] =	ssyncset.done $0x0  }
0x9f: {  	[sflag:s26] =	ssyncadd.s32 $0xFFFFC000  }
0xa0: {  	_ =	swait.ge [sflag:s28], $0x4000  }
0xa1: {  	s3 =	sshra.s32 s3, $0x2;
	[sflag:s28] =	ssyncset.done $0x0  }
0xa2: {  	s10 =	sadd.s32 $0x2780, s3;
	[sflag:s28] =	ssyncadd.s32 $0xFFFFC000  }
0xa3: {  	[spmem:s1] =	stream.indirect.scatter.add.f32 [tilespmem:s25], [sflag:$0x4], $0x80, s10, s18, $0xb8;
	[tilespmem:$0x1E800] =	vst v63  }
0xa4: {  	s10 =	sadd.s32 $0x1400, s3  }
0xa5: {  	[tilespmem:s15], [sflag:$0x1] =	stream.indirect.gather [hbm4b:s4+s18], $0x80, s10, s18, $0xb8;
	[tilespmem:$0x1E800] =	vst v63  }
0xa6: {  	_ =	swait.ge [sflag:s19], $0x4000  }
0xa7: {  	[sflag:s19] =	ssyncset.done $0x0  }
0xa8: {  	[sflag:s19] =	ssyncadd.s32 $0xFFFFC000  }
.Ltmp2:
0xa9: {  	_ =	swait.ge [sflag:s29], $0x4000;
	(pc) =	sbr.rel @p0 .LBB2_6-.Ltmp2, $4  }
0xaa: {  	[sflag:s29] =	ssyncset.done $0x0  }
0xab: {  	s10 =	sadd.s32 $0x2800, s3;
	[sflag:s29] =	ssyncadd.s32 $0xFFFFC000  }
0xac: {  	[spmem:s1] =	stream.indirect.scatter.add.f32 [tilespmem:s15], [sflag:$0x3], $0x80, s10, s18, $0xb8;
	[tilespmem:$0x1E800] =	vst v63  }
0xad: {  	s3 =	sadd.s32 $0x1480, s3  }
0xae: {  	[tilespmem:s25], [sflag:$0x2] =	stream.indirect.gather [hbm4b:s4+s18], $0x80, s3, s18, $0xb8;
	[tilespmem:$0x1E800] =	vst v63  }
0xaf: {  	_ =	swait.ge [sflag:s26], $0x4000  }
0xb0: {  	[sflag:s26] =	ssyncset.done $0x0  }
0xb1: {  	[sflag:s26] =	ssyncadd.s32 $0xFFFFC000  }
0xb2: {  	_ =	swait.ge [sflag:s28], $0x4000  }
0xb3: {  	[sflag:s28] =	ssyncset.done $0x0  }
0xb4: {  	[sflag:s28] =	ssyncadd.s32 $0xFFFFC000  }
0xb5: {  	[spmem:s1] =	stream.indirect.scatter.add.f32 [tilespmem:s25], [sflag:$0x4], $0x80, s30, s18, $0xb8;
	[tilespmem:$0x1E800] =	vst v63  }
0xb6: {  	_ =	swait.ge [sflag:s29], $0x4000  }
0xb7: {  	s0 =	stileid.u32;
	[sflag:s29] =	ssyncset.done $0x0  }
0xb8: {  	s0 =	sshll.u32 s0, $0x6;
	[sflag:s29] =	ssyncadd.s32 $0xFFFFC000  }
0xb9: {  	s10 =	sshrl.u32 s5, $0x3;
	s0 =	sor.u32 $0x1C05, s0;
	[bflag:$0x0] =	sbarrier.arrive $0xFFFF  }
0xba: {  	[hbm:s20], [sflag:s0] =	dma.local [spmem:s10], $0x800  }
0xbb: {  	_ =	swait.ge [sflag:s16], $0x800  }
0xbc: {  	[sflag:s16] =	ssyncset.done $0x0  }
0xbd: {  	s10 =	sshrl.u32 s6, $0x3;
	[sflag:s16] =	ssyncadd.s32 $0xFFFFF800  }
0xbe: {  	[hbm:s21], [sflag:s0] =	dma.local [spmem:s10], $0x800  }
0xbf: {  	_ =	swait.ge [sflag:s16], $0x800  }
0xc0: {  	[sflag:s16] =	ssyncset.done $0x0  }
0xc1: {  	s10 =	sshrl.u32 s7, $0x3;
	[sflag:s16] =	ssyncadd.s32 $0xFFFFF800  }
0xc2: {  	[hbm:s22], [sflag:s0] =	dma.local [spmem:s10], $0x800  }
0xc3: {  	_ =	swait.ge [sflag:s16], $0x800  }
0xc4: {  	[sflag:s16] =	ssyncset.done $0x0  }
0xc5: {  	s10 =	sshrl.u32 s8, $0x3;
	[sflag:s16] =	ssyncadd.s32 $0xFFFFF800  }
0xc6: {  	[hbm:s23], [sflag:s0] =	dma.local [spmem:s10], $0x800  }
0xc7: {  	s31 =	sadd.s32 $0x1, s31;
	_ =	swait.ge [sflag:s16], $0x800  }
0xc8: {  	p0 =	sne.s32 s31, s14;
	[sflag:s16] =	ssyncset.done $0x0  }
.Ltmp3:
0xc9: {  	s10 =	sshrl.u32 s9, $0x3;
	[sflag:s16] =	ssyncadd.s32 $0xFFFFF800;
	(pc) =	sbr.rel @p0 .LBB2_1-.Ltmp3, $4  }
0xca: {  	[hbm:s24], [sflag:s0] =	dma.local [spmem:s10], $0x800  }
0xcb: {  	_ =	swait.ge [sflag:s16], $0x800  }
0xcc: {  	[sflag:s16] =	ssyncset.done $0x0  }
0xcd: {  	[sflag:s16] =	ssyncadd.s32 $0xFFFFF800  }
0xce: {  	_ =	sfence.sel $0x180000  }
0xcf: {  	[bflag:$0x0] =	sbarrier.arrive $0xFFFF  }
0xd0: {  	_ =	strace $0x90000050  }
0xd1: {  	s0 =	stileid.u32;
	[bflag:$0x2] =	sbarrier.arrive $0xFFFF  }
0xd2: {  	p0 =	sne.s32 s0, $0x0;
	s0 =	rddreg [dreg:$0x2]  }
0xd3: {  	s0 =	sadd.s32 @!p0 $0x100000, s0  }
0xd4: {  	[sflag:s0] =	ssyncadd.tile.s32 @!p0 $0x1;
	_ =	shalt  }
.Lfunc_end2:
_tile_overlayer_lowered:
.L_overlay_start_2:
0xd5: {  	(tag) =	ssettag $0x2  }
0xd6: {  	s0 =	rddreg [dreg:$0x0];
	s2 =	stileid.u32  }
0xd7: {  	s1 =	rddreg [dreg:$0x1];
	p0 =	sne.s32 s2, $0x0  }
0xd8: {  	s3 =	rddreg [dreg:$0x2];
	[bflag:$0x3] =	sbarrier.arrive $0xFFFF;
	s2 =	simm.s32 @!p0 $0x1C05  }
0xd9: {  	[timem:s3], [sflag:s2] =	dma.local @!p0 [hbm:s0], s1  }
0xda: {  	s0 =	simm.s32 @!p0 $0x5  }
0xdb: {  	_ =	swait.ge @!p0 [sflag:s0], s1  }
0xdc: {  	s1 =	ssub.s32 @!p0 $0x0, s1;
	[sflag:s0] =	ssyncset.done @!p0 $0x0  }
0xdd: {  	[sflag:s0] =	ssyncadd.s32 @!p0 s1  }
0xde: {  	[bflag:$0x3] =	sbarrier.arrive $0xFFFF  }
0xdf: {  	_ =	shalt  }

// kernel: kernel.26.cloned.1.call-start
scs
__scs_entry_jumppad:
0x0: {  	(pc) =	sbr.rel $0x88, $3  }
0x1: {  	(tag) =	ssettag $0x0;
	lr =	simm.s32 $0x1  }
0x2: {  	[smem:$0x3F97] =	sst lr;
	_ =	strace $0xD0000000  }
0x3: {  	_ = 	snop  }
0x4: {  	_ = 	snop  }
0x5: {  	_ = 	snop  }
0x6: {  	_ = 	snop  }
0x7: {  	_ = 	snop  }
__scs_overlays_trampoline_lowered:
0x8: {  	[smem:$0x3FA6] =	sst s0  }
0x9: {  	[smem:$0x3FA7] =	sst s1  }
0xa: {  	[smem:$0x3FA8] =	sst s2  }
0xb: {  	[smem:$0x3FA9] =	sst s3  }
0xc: {  	[smem:$0x3FAA] =	sst s4  }
0xd: {  	[smem:$0x3FAB] =	sst s5  }
0xe: {  	[smem:$0x3FAC] =	sst s6  }
0xf: {  	[smem:$0x3FAD] =	sst s7  }
0x10: {  	[smem:$0x3FAE] =	sst s8  }
0x11: {  	[smem:$0x3FAF] =	sst s9;
	s0 =	simm.s32 @!p0 $0x0  }
0x12: {  	s1 =	sld [smem:$0x3F95];
	s0 =	simm.s32 @p0 $0x1  }
0x13: {  	[smem:$0x3FB0] =	sst s0;
	s0 =	simm.s32 @!p1 $0x0  }
0x14: {  	s2 =	sld [smem:$0x3F94];
	s0 =	simm.s32 @p1 $0x1  }
0x15: {  	[smem:$0x3FB1] =	sst s0;
	s0 =	simm.s32 @!p2 $0x0  }
0x16: {  	s3 =	sld [smem:$0x3FDB];
	s0 =	simm.s32 @p2 $0x1  }
0x17: {  	s4 =	simm.s32 $0x1BF5;
	[smem:$0x3FB3] =	sst s0  }
0x18: {  	s0 =	sld [smem:$0x3F96];
	_ =	swait.ge [sflag:s4], $0x0  }
0x19: {  	s7 =	sld [smem:$0x3F97]  }
0x1a: {  	s8 =	sadd.s32 $0xFFFFE003, lr  }
0x1b: {  	s9 =	sadd.s32 $0xFFFFFEF7, lr;
	s5 =	simm.s32 $0xFFFFFFFF;
	p2 =	slt.u32 s8, $0xFFFFF086  }
0x1c: {  	p1 =	slt.u32 s9, $0xF7A;
	s5 =	simm.s32 @!p2 $0x0  }
0x1d: {  	s5 =	simm.s32 @p1 $0x1;
	p0 =	seq.s32 s7, s2  }
0x1e: {  	s7 =	smul.u32 @!p0 $0xF7A, s2;
	p2 =	seq.s32 @!p0 s5, $0x0  }
0x1f: {  	s9 =	smul.u32 $0xF7A, s1;
	s8 =	simm.s32 @!p0 $0x1BF5;
	p2 =	por !p2, p0  }
0x20: {  	[sflag:s8] =	ssyncset.s32 @!p0 $0xFFFFF086;
	s6 =	sadd.s32 @!p0 s3, s7;
	s7 =	simm.s32 @!p0 $0x108  }
0x21: {  	s3 =	sadd.s32 s3, s9;
	s6 =	sadd.s32 @!p0 $0x88, s6;
	s7 =	simm.s32 @p2 $0x1082  }
0x22: {  	[simem:s7], [sflag:s8] =	dma.local @!p0 [hbm:s6], $0xF7A  }
0x23: {  	s9 =	sor.u32 $0xD0000000, s2;
	s6 =	simm.s32 $0x108;
	_ =	swait.ge @!p0 [sflag:s8], $0x0  }
0x24: {  	s3 =	sadd.s32 $0x88, s3;
	s6 =	simm.s32 @!p1 $0x1082;
	[sflag:s4] =	ssyncset.s32 $0xFFFFF086  }
0x25: {  	[simem:s6], [sflag:s4] =	dma.local [hbm:s3], $0xF7A  }
0x26: {  	[smem:$0x3F97] =	sst s1;
	(tag) =	ssettag s2;
	_ =	strace s9  }
0x27: {  	s1 =	sld [smem:$0x3FA7]  }
0x28: {  	s2 =	sld [smem:$0x3FA8]  }
0x29: {  	s4 =	sld [smem:$0x3FAA]  }
0x2a: {  	p0 =	seq.s32 s5, $0x0;
	s5 =	sld [smem:$0x3FAB]  }
0x2b: {  	s6 =	sld [smem:$0x3FAC]  }
0x2c: {  	s7 =	sld [smem:$0x3FAD]  }
0x2d: {  	s3 =	simm.s32 $0x108;
	s8 =	sld [smem:$0x3FAE]  }
0x2e: {  	s3 =	simm.s32 @!p0 $0x1082;
	s9 =	sld [smem:$0x3FAF]  }
0x2f: {  	lr =	sadd.s32 s0, s3;
	s0 =	sld [smem:$0x3FA6]  }
0x30: {  	s3 =	sld [smem:$0x3FA9]  }
0x31: {  	[smem:$0x3FB2] =	sst s10  }
0x32: {  	s10 =	sld [smem:$0x3FB0];
	_ =	sdelay $0x3  }
0x33: {  	p0 =	seq.s32 s10, $0x1;
	s10 =	sld [smem:$0x3FB2];
	_ =	sdelay $0x3  }
0x34: {  	[smem:$0x3FB2] =	sst s10  }
0x35: {  	s10 =	sld [smem:$0x3FB1];
	_ =	sdelay $0x3  }
0x36: {  	p1 =	seq.s32 s10, $0x1;
	s10 =	sld [smem:$0x3FB2];
	_ =	sdelay $0x3  }
0x37: {  	[smem:$0x3FB2] =	sst s10  }
0x38: {  	s10 =	sld [smem:$0x3FB3]  }
0x39: {  	_ = 	snop;
	(pc) =	sbr.ind lr, $3  }
0x3a: {  	_ = 	snop  }
0x3b: {  	_ = 	snop  }
0x3c: {  	p2 =	seq.s32 s10, $0x1;
	s10 =	sld [smem:$0x3FB2]  }
0x3d: {  	_ =	shalt  }
0x3e: {  	_ =	shalt  }
0x3f: {  	_ =	shalt  }
0x40: {  	_ =	shalt  }
0x41: {  	_ =	shalt  }
0x42: {  	_ =	shalt  }
0x43: {  	_ =	shalt  }
0x44: {  	_ =	shalt  }
0x45: {  	_ =	shalt  }
0x46: {  	_ =	shalt  }
0x47: {  	_ =	shalt  }
0x48: {  	_ =	shalt  }
0x49: {  	_ =	shalt  }
0x4a: {  	_ =	shalt  }
0x4b: {  	_ =	shalt  }
0x4c: {  	_ =	shalt  }
0x4d: {  	_ =	shalt  }
0x4e: {  	_ =	shalt  }
0x4f: {  	_ =	shalt  }
0x50: {  	_ =	shalt  }
0x51: {  	_ =	shalt  }
0x52: {  	_ =	shalt  }
0x53: {  	_ =	shalt  }
0x54: {  	_ =	shalt  }
0x55: {  	_ =	shalt  }
0x56: {  	_ =	shalt  }
0x57: {  	_ =	shalt  }
0x58: {  	_ =	shalt  }
0x59: {  	_ =	shalt  }
0x5a: {  	_ =	shalt  }
0x5b: {  	_ =	shalt  }
0x5c: {  	_ =	shalt  }
0x5d: {  	_ =	shalt  }
0x5e: {  	_ =	shalt  }
0x5f: {  	_ =	shalt  }
0x60: {  	_ =	shalt  }
0x61: {  	_ =	shalt  }
0x62: {  	_ =	shalt  }
0x63: {  	_ =	shalt  }
0x64: {  	_ =	shalt  }
0x65: {  	_ =	shalt  }
0x66: {  	_ =	shalt  }
0x67: {  	_ =	shalt  }
0x68: {  	_ =	shalt  }
0x69: {  	_ =	shalt  }
0x6a: {  	_ =	shalt  }
0x6b: {  	_ =	shalt  }
0x6c: {  	_ =	shalt  }
0x6d: {  	_ =	shalt  }
0x6e: {  	_ =	shalt  }
0x6f: {  	_ =	shalt  }
0x70: {  	_ =	shalt  }
0x71: {  	_ =	shalt  }
0x72: {  	_ =	shalt  }
0x73: {  	_ =	shalt  }
0x74: {  	_ =	shalt  }
0x75: {  	_ =	shalt  }
0x76: {  	_ =	shalt  }
0x77: {  	_ =	shalt  }
0x78: {  	_ =	shalt  }
0x79: {  	_ =	shalt  }
0x7a: {  	_ =	shalt  }
0x7b: {  	_ =	shalt  }
0x7c: {  	_ =	shalt  }
0x7d: {  	_ =	shalt  }
0x7e: {  	_ =	shalt  }
0x7f: {  	_ =	shalt  }
0x80: {  	_ =	shalt  }
0x81: {  	_ =	shalt  }
0x82: {  	_ =	shalt  }
0x83: {  	_ =	shalt  }
0x84: {  	_ =	shalt  }
0x85: {  	_ =	shalt  }
0x86: {  	_ =	shalt  }
0x87: {  	_ =	shalt  }
.Lfunc_end0:
.L_simem_size_0:
called_computation.4_lowered:
.L_overlay_start_0:
0x88: {  	s2 =	sld [smem:$0x3FD9]  }
0x89: {  	s3 =	sld [smem:$0x3FFE];
	_ =	sdelay $0x1  }
0x8a: {  	s1 =	srdreg.scid  }
0x8b: {  	s0 =	sand.u32 $0x1, s1  }
0x8c: {  	s16 =	sshll.u32 s0, $0xA;
	s2 =	sadd.s32 s3, s2  }
0x8d: {  	s2 =	sadd.s32 s2, s16  }
0x8e: {  	[smem:$0x3FBE] =	sst s2  }
0x8f: {  	_ = 	snop  }
0x90: {  	(tm) =	ssettm $0x1  }
0x91: {  	s17 =	sld [smem:$0x3FFB];
	_ =	sdelay $0x3  }
0x92: {  	_ =	strace s17  }
0x93: {  	s2 =	sld [smem:$0x3FFC];
	_ =	sdelay $0x3  }
0x94: {  	_ =	strace s2  }
0x95: {  	s2 =	sld [smem:$0x3FFD];
	_ =	sdelay $0x3  }
0x96: {  	_ =	strace s2  }
0x97: {  	_ =	strace $0x8FFFFFFF  }
0x98: {  	s18 =	sld [smem:$0x3FDB];
	_ =	sdelay $0x1  }
0x99: {  	s19 =	simm.s32 $_scs_section_size  }
0x9a: {  	s4 =	simm.s32 $_size__tile_overlayer_lowered;
	s5 =	simm.s32 $_tile_overlayer_lowered  }
0x9b: {  	s22 =	simm.s32 $0x1BFF;
	s21 =	sshll.u32 s5, $0x1;
	s2 =	sadd.s32 s19, s18  }
0x9c: {  	s6 =	simm.s32 $0x0;
	s20 =	sshll.u32 s4, $0x1;
	s4 =	sadd.s32 s21, s2  }
0x9d: {  	[timem:s6], [sflag:s22] =	dma.local [hbm:s4], s20  }
0x9e: {  	_ =	swait.ge [sflag:s22], s20  }
0x9f: {  	s3 =	ssub.s32 $0x0, s20;
	[sflag:s22] =	ssyncset.done $0x0  }
0xa0: {  	[sflag:s22] =	ssyncadd.s32 s3;
	_ =	sdelay $0x1  }
0xa1: {  	s23 =	simm.s32 $0x1B8B  }
0xa2: {  	_ =	swait.ge [sflag:s23], $0x1  }
0xa3: {  	[sflag:s23] =	ssyncset.done $0x0  }
0xa4: {  	s25 =	simm.s32 $0x1B8E;
	s24 =	sld [smem:$0x3FFE];
	[sflag:s23] =	ssyncadd.s32 $0xFFFFFFFF  }
0xa5: {  	s26 =	simm.s32 $execute0_lowered;
	[smem:$0x3FD2] =	sst s25  }
0xa6: {  	s4 =	sshll.u32 s26, $0x1;
	_ =	strace $0x80000052;
	[dreg:$0x1] =	wrdreg $0xFFFFFFFF  }
0xa7: {  	s28 =	simm.s32 $_size_execute0_lowered;
	s2 =	sadd.s32 s2, s4;
	[dreg:$0x0] =	wrdreg $0x0  }
0xa8: {  	s4 =	sshll.u32 s28, $0x1;
	[dreg:$0x2] =	wrdreg s2  }
0xa9: {  	[dreg:$0x3] =	wrdreg s4  }
0xaa: {  	[dreg:$0x4] =	wrdreg $0xC0  }
0xab: {  	_ =	task [dreg:s6], $0x5FFFF  }
0xac: {  	[dreg:$0x1] =	wrdreg $0xFFFFFFFF  }
0xad: {  	[dreg:$0x0] =	wrdreg $0x60  }
0xae: {  	[dreg:$0x2] =	wrdreg s24  }
0xaf: {  	[dreg:$0x3] =	wrdreg $0xA8000  }
0xb0: {  	[dreg:$0x4] =	wrdreg $0x9  }
0xb1: {  	_ =	task.clear_ibuf [dreg:s6], $0x5FFFF;
	_ =	strace $0x90000052  }
0xb2: {  	s29 =	simm.s32 $0x9;
	_ =	strace $0x80000054  }
0xb3: {  	_ =	swait.ge [sflag:s29], $0x1  }
0xb4: {  	[sflag:s29] =	ssyncadd.s32 $0xFFFFFFFF  }
0xb5: {  	_ =	strace $0x90000054  }
0xb6: {  	_ =	sfence  }
0xb7: {  	s30 =	sld [smem:$0x0];
	_ =	sdelay $0x2  }
0xb8: {  	s31 =	sshll.u32 s1, $0xD;
	s1 =	sshrl.u32 s1, $0x2  }
0xb9: {  	s3 =	sand.u32 $0x4000, s31;
	s1 =	sadd.s32 s1, s30  }
0xba: {  	s0 =	sor.u32 s3, s0;
	s1 =	sshll.u32 s1, $0x11  }
0xbb: {  	s0 =	sor.u32 s1, s0  }
0xbc: {  	s0 =	sadd.s32 $0x8F2B, s0  }
0xbd: {  	[sflag:s0] =	ssyncadd.remote.s32 $0x1  }
0xbe: {  	_ =	sfence.sel $0xFFFF  }
0xbf: {  	[dreg:$0x0] =	wrdreg $0xFFFFFFFF;
	(pc) =	sbr.abs _section_cstart, $3  }
0xc0: {  	[dreg:$0x1] =	wrdreg $0xFFFFFFFF  }
0xc1: {  	_ =	task.clear_ibuf [dreg:s6], $0x2FFFF;
	_ =	strace $0x9FFFFFFF  }
0xc2: {  	(tm) =	ssettm $0x7FFFFFFF  }
0xc3: {  	_ =	shalt  }
tec
execute0_lowered:
.L_overlay_start_1:
0x0: {  	(tag) =	ssettag $0x1  }
0x1: {  	s0 =	rddreg [dreg:$0x0]  }
0x2: {  	s1 =	rddreg [dreg:$0x1];
	s2 =	simm.s32 $0x0  }
0x3: {  	s3 =	srdreg.scid;
	s20 =	stileid.u32;
	s28 =	simm.s32 $0x3  }
0x4: {  	s29 =	simm.s32 $0x4;
	s30 =	simm.s32 $0x2780;
	s31 =	simm.s32 $0x0  }
0x5: {  	[smem:$0x7FF] =	sst s2;
	s4 =	sadd.s32 $0x18800, s0;
	s8 =	smul.u32 $0x280, s20  }
0x6: {  	s3 =	sand.u32 $0x1, s3;
	s12 =	sadd.s32 $0xE800, s0;
	s7 =	smul.u32 $0x50000, s20  }
0x7: {  	s13 =	sadd.s32 $0x4800, s0;
	s26 =	smul.u32 $0x2800, s20;
	_ =	strace $0x80000053  }
0x8: {  	s5 =	smul.u32 $0x28000, s3;
	s6 =	ssub.s32 $0x2, s3;
	s3 =	sshll.u32 s3, $0x4  }
0x9: {  	s21 =	sshrl.u32 s6, $0x1;
	s15 =	sadd.s32 $0x80, s8;
	s3 =	sor.u32 s20, s3  }
0xa: {  	s22 =	sshrl.u32 s7, $0x2;
	s16 =	sadd.s32 $0x100, s8;
	s17 =	sadd.s32 $0x180, s8  }
0xb: {  	s18 =	sadd.s32 $0x200, s8;
	s0 =	sadd.s32 s5, s0;
	s14 =	ssub.s32 s6, s21  }
0xc: {  	s23 =	sshll.u32 s15, $0x7;
	s5 =	sadd.s32 s22, s1;
	s24 =	sshll.u32 s16, $0x7  }
0xd: {  	s9 =	smul.u32 $0x2800, s3;
	s10 =	sshll.u32 s17, $0x7;
	s11 =	sshll.u32 s18, $0x7  }
0xe: {  	s3 =	smul.u32 $0x500, s3;
	s21 =	sshll.u32 s15, $0x4;
	s22 =	sshll.u32 s16, $0x4  }
0xf: {  	s15 =	simm.s32 $0x2800;
	s16 =	simm.s32 $0x5;
	s6 =	sadd.s32 s23, s1  }
0x10: {  	s7 =	sadd.s32 s24, s1;
	s8 =	sadd.s32 s10, s1;
	s0 =	sadd.s32 $0x66C00, s0  }
0x11: {  	s23 =	sshll.u32 s17, $0x4;
	s24 =	sshll.u32 s18, $0x4;
	s14 =	smax.u32 s14, $0x1  }
0x12: {  	s17 =	simm.s32 $0x1400;
	s18 =	simm.s32 $0x80;
	s19 =	sshrl.u32 s9, $0x3  }
0x13: {  	s9 =	sadd.s32 s11, s1;
	s25 =	sadd.s32 s12, s3;
	s11 =	sadd.s32 s13, s3  }
0x14: {  	s20 =	sadd.s32 s26, s0;
	s21 =	sadd.s32 s21, s0;
	s22 =	sadd.s32 s22, s0  }
0x15: {  	s23 =	sadd.s32 s23, s0;
	s24 =	sadd.s32 s24, s0;
	s26 =	simm.s32 $0x2  }
0x16: {  	s19 =	sadd.s32 $0x280, s19;
	[dreg:$0x3] =	wrdreg s25;
	s25 =	simm.s32 $0x6800  }
0x17: {  	v0 =	vimm.f32 $0.0e+00;
	s12 =	sadd.s32 s12, s19;
	s13 =	sadd.s32 s13, s19;
	s19 =	simm.s32 $0x1  }
.LBB2_1:
0x18: {  	s0 =	simm.s32 $0x0;
	s3 =	simm.s32 $0x200  }
.LBB2_2:
0x19: {  	p0 =	sne.s32 s3, $0xFE00;
	[tilespmem:s0+$0x2870] =	vst v0  }
0x1a: {  	[tilespmem:s0+$0x2800] =	vst v0  }
0x1b: {  	[tilespmem:s0+$0x2810] =	vst v0  }
.Ltmp0:
0x1c: {  	[tilespmem:s0+$0x2820] =	vst v0;
	(pc) =	sbr.rel @p0 .LBB2_2-.Ltmp0, $4  }
0x1d: {  	[tilespmem:s0+$0x2830] =	vst v0  }
0x1e: {  	[tilespmem:s0+$0x2840] =	vst v0  }
0x1f: {  	[tilespmem:s0+$0x2850] =	vst v0  }
0x20: {  	[tilespmem:s0+$0x2860] =	vst v0;
	s0 =	sshra.s32 s3, $0x2;
	s3 =	sadd.s32 $0x200, s3  }
0x21: {  	[tilespmem:s0+$0x2870] =	vst v0  }
0x22: {  	[tilespmem:s0+$0x2800] =	vst v0  }
0x23: {  	[tilespmem:s0+$0x2810] =	vst v0  }
0x24: {  	[tilespmem:s0+$0x2820] =	vst v0  }
0x25: {  	[tilespmem:s0+$0x2830] =	vst v0  }
0x26: {  	[tilespmem:s0+$0x2840] =	vst v0  }
0x27: {  	[tilespmem:s0+$0x2850] =	vst v0  }
0x28: {  	[tilespmem:s0+$0x2860] =	vst v0  }
0x29: {  	[spmem:s5] =	stream.linear.scatter [tilespmem:s15], [sflag:$0x5], $0x4000, $0x38;
	[tilespmem:$0x1E800] =	vst v63  }
0x2a: {  	_ =	swait.ge [sflag:s16], $0x4000  }
0x2b: {  	[sflag:s16] =	ssyncset.done $0x0  }
0x2c: {  	[sflag:s16] =	ssyncadd.s32 $0xFFFFC000  }
0x2d: {  	[spmem:s6] =	stream.linear.scatter [tilespmem:s15], [sflag:$0x5], $0x4000, $0x38;
	[tilespmem:$0x1E800] =	vst v63  }
0x2e: {  	_ =	swait.ge [sflag:s16], $0x4000  }
0x2f: {  	[sflag:s16] =	ssyncset.done $0x0  }
0x30: {  	[sflag:s16] =	ssyncadd.s32 $0xFFFFC000  }
0x31: {  	[spmem:s7] =	stream.linear.scatter [tilespmem:s15], [sflag:$0x5], $0x4000, $0x38;
	[tilespmem:$0x1E800] =	vst v63  }
0x32: {  	_ =	swait.ge [sflag:s16], $0x4000  }
0x33: {  	[sflag:s16] =	ssyncset.done $0x0  }
0x34: {  	[sflag:s16] =	ssyncadd.s32 $0xFFFFC000  }
0x35: {  	[spmem:s8] =	stream.linear.scatter [tilespmem:s15], [sflag:$0x5], $0x4000, $0x38;
	[tilespmem:$0x1E800] =	vst v63  }
0x36: {  	_ =	swait.ge [sflag:s16], $0x4000  }
0x37: {  	[sflag:s16] =	ssyncset.done $0x0  }
0x38: {  	[sflag:s16] =	ssyncadd.s32 $0xFFFFC000  }
0x39: {  	[spmem:s9] =	stream.linear.scatter [tilespmem:s15], [sflag:$0x5], $0x4000, $0x38;
	[tilespmem:$0x1E800] =	vst v63  }
0x3a: {  	_ =	swait.ge [sflag:s16], $0x4000  }
0x3b: {  	[sflag:s16] =	ssyncset.done $0x0  }
0x3c: {  	[sflag:s16] =	ssyncadd.s32 $0xFFFFC000  }
0x3d: {  	[bflag:$0x0] =	sbarrier.arrive $0xFFFF  }
0x3e: {  	s3 =	rddreg [dreg:$0x3]  }
0x3f: {  	[tilespmem:s2], [sflag:$0x5] =	stream.linear.gather [hbm4b:s3+s2], $0x1400, $0x38;
	[tilespmem:$0x1E800] =	vst v63  }
0x40: {  	_ =	swait.ge [sflag:s16], $0x1400  }
0x41: {  	[sflag:s16] =	ssyncset.done $0x0  }
0x42: {  	[sflag:s16] =	ssyncadd.s32 $0xFFFFEC00  }
0x43: {  	[tilespmem:s17], [sflag:$0x5] =	stream.linear.gather [hbm4b:s11+s2], $0x1400, $0x38;
	[tilespmem:$0x1E800] =	vst v63  }
0x44: {  	_ =	swait.ge [sflag:s16], $0x1400  }
0x45: {  	[sflag:s16] =	ssyncset.done $0x0  }
0x46: {  	[sflag:s16] =	ssyncadd.s32 $0xFFFFEC00  }
0x47: {  	[tilespmem:s15], [sflag:$0x1] =	stream.indirect.gather [hbm4b:s4+s18], $0x80, s2, s18, $0xb8;
	[tilespmem:$0x1E800] =	vst v63  }
0x48: {  	_ =	swait.ge [sflag:s19], $0x4000  }
0x49: {  	[sflag:s19] =	ssyncset.done $0x0  }
0x4a: {  	[sflag:s19] =	ssyncadd.s32 $0xFFFFC000  }
0x4b: {  	[spmem:s1] =	stream.indirect.scatter.add.f32 [tilespmem:s15], [sflag:$0x3], $0x80, s17, s18, $0xb8;
	[tilespmem:$0x1E800] =	vst v63  }
0x4c: {  	_ = 	snop  }
0x4d: {  	[tilespmem:s25], [sflag:$0x2] =	stream.indirect.gather [hbm4b:s4+s18], $0x80, s18, s18, $0xb8;
	[tilespmem:$0x1E800] =	vst v63  }
0x4e: {  	_ =	swait.ge [sflag:s26], $0x4000  }
0x4f: {  	[sflag:s26] =	ssyncset.done $0x0  }
0x50: {  	[sflag:s26] =	ssyncadd.s32 $0xFFFFC000  }
0x51: {  	_ =	swait.ge [sflag:s28], $0x4000  }
0x52: {  	[sflag:s28] =	ssyncset.done $0x0  }
0x53: {  	s10 =	simm.s32 $0x1480;
	[sflag:s28] =	ssyncadd.s32 $0xFFFFC000  }
0x54: {  	[spmem:s1] =	stream.indirect.scatter.add.f32 [tilespmem:s25], [sflag:$0x4], $0x80, s10, s18, $0xb8;
	[tilespmem:$0x1E800] =	vst v63  }
0x55: {  	s3 =	simm.s32 $0x100  }
0x56: {  	[tilespmem:s15], [sflag:$0x1] =	stream.indirect.gather [hbm4b:s4+s18], $0x80, s3, s18, $0xb8;
	[tilespmem:$0x1E800] =	vst v63  }
0x57: {  	_ =	swait.ge [sflag:s19], $0x4000  }
0x58: {  	[sflag:s19] =	ssyncset.done $0x0  }
0x59: {  	[sflag:s19] =	ssyncadd.s32 $0xFFFFC000  }
0x5a: {  	_ =	swait.ge [sflag:s29], $0x4000  }
0x5b: {  	s0 =	simm.s32 $0xFFFFB800;
	[sflag:s29] =	ssyncset.done $0x0  }
0x5c: {  	s10 =	simm.s32 $0x1500;
	s3 =	simm.s32 $0x180;
	[sflag:s29] =	ssyncadd.s32 $0xFFFFC000  }
0x5d: {  	[spmem:s1] =	stream.indirect.scatter.add.f32 [tilespmem:s15], [sflag:$0x3], $0x80, s10, s18, $0xb8;
	[tilespmem:$0x1E800] =	vst v63  }
.LBB2_4:
0x5e: {  	[tilespmem:s25], [sflag:$0x2] =	stream.indirect.gather [hbm4b:s4+s18], $0x80, s3, s18, $0xb8;
	[tilespmem:$0x1E800] =	vst v63  }
0x5f: {  	s3 =	smov.u32 s0  }
0x60: {  	p0 =	sne.s32 s0, $0xFFFFFC00;
	s0 =	sadd.s32 $0x400, s0;
	_ =	swait.ge [sflag:s26], $0x4000  }
0x61: {  	[sflag:s26] =	ssyncset.done $0x0  }
0x62: {  	[sflag:s26] =	ssyncadd.s32 $0xFFFFC000  }
0x63: {  	_ =	swait.ge [sflag:s28], $0x4000  }
0x64: {  	s3 =	sshra.s32 s3, $0x2;
	[sflag:s28] =	ssyncset.done $0x0  }
0x65: {  	s10 =	sadd.s32 $0x2780, s3;
	[sflag:s28] =	ssyncadd.s32 $0xFFFFC000  }
0x66: {  	[spmem:s1] =	stream.indirect.scatter.add.f32 [tilespmem:s25], [sflag:$0x4], $0x80, s10, s18, $0xb8;
	[tilespmem:$0x1E800] =	vst v63  }
0x67: {  	s10 =	sadd.s32 $0x1400, s3  }
0x68: {  	[tilespmem:s15], [sflag:$0x1] =	stream.indirect.gather [hbm4b:s4+s18], $0x80, s10, s18, $0xb8;
	[tilespmem:$0x1E800] =	vst v63  }
0x69: {  	_ =	swait.ge [sflag:s19], $0x4000  }
0x6a: {  	[sflag:s19] =	ssyncset.done $0x0  }
0x6b: {  	[sflag:s19] =	ssyncadd.s32 $0xFFFFC000  }
.Ltmp1:
0x6c: {  	_ =	swait.ge [sflag:s29], $0x4000;
	(pc) =	sbr.rel @p0 .LBB2_4-.Ltmp1, $4  }
0x6d: {  	[sflag:s29] =	ssyncset.done $0x0  }
0x6e: {  	s10 =	sadd.s32 $0x2800, s3;
	[sflag:s29] =	ssyncadd.s32 $0xFFFFC000  }
0x6f: {  	[spmem:s1] =	stream.indirect.scatter.add.f32 [tilespmem:s15], [sflag:$0x3], $0x80, s10, s18, $0xb8;
	[tilespmem:$0x1E800] =	vst v63  }
0x70: {  	s3 =	sadd.s32 $0x1480, s3  }
0x71: {  	[tilespmem:s25], [sflag:$0x2] =	stream.indirect.gather [hbm4b:s4+s18], $0x80, s3, s18, $0xb8;
	[tilespmem:$0x1E800] =	vst v63  }
0x72: {  	_ =	swait.ge [sflag:s26], $0x4000  }
0x73: {  	[sflag:s26] =	ssyncset.done $0x0  }
0x74: {  	[sflag:s26] =	ssyncadd.s32 $0xFFFFC000  }
0x75: {  	_ =	swait.ge [sflag:s28], $0x4000  }
0x76: {  	[sflag:s28] =	ssyncset.done $0x0  }
0x77: {  	[sflag:s28] =	ssyncadd.s32 $0xFFFFC000  }
0x78: {  	[spmem:s1] =	stream.indirect.scatter.add.f32 [tilespmem:s25], [sflag:$0x4], $0x80, s30, s18, $0xb8;
	[tilespmem:$0x1E800] =	vst v63  }
0x79: {  	_ =	swait.ge [sflag:s29], $0x4000  }
0x7a: {  	[sflag:s29] =	ssyncset.done $0x0  }
0x7b: {  	[sflag:s29] =	ssyncadd.s32 $0xFFFFC000  }
0x7c: {  	[tilespmem:s2], [sflag:$0x5] =	stream.linear.gather [hbm4b:s12+s2], $0x1400, $0x38;
	[tilespmem:$0x1E800] =	vst v63  }
0x7d: {  	_ =	swait.ge [sflag:s16], $0x1400  }
0x7e: {  	[sflag:s16] =	ssyncset.done $0x0  }
0x7f: {  	[sflag:s16] =	ssyncadd.s32 $0xFFFFEC00  }
0x80: {  	[tilespmem:s17], [sflag:$0x5] =	stream.linear.gather [hbm4b:s13+s2], $0x1400, $0x38;
	[tilespmem:$0x1E800] =	vst v63  }
0x81: {  	_ =	swait.ge [sflag:s16], $0x1400  }
0x82: {  	[sflag:s16] =	ssyncset.done $0x0  }
0x83: {  	[sflag:s16] =	ssyncadd.s32 $0xFFFFEC00  }
0x84: {  	[tilespmem:s15], [sflag:$0x1] =	stream.indirect.gather [hbm4b:s4+s18], $0x80, s2, s18, $0xb8;
	[tilespmem:$0x1E800] =	vst v63  }
0x85: {  	_ =	swait.ge [sflag:s19], $0x4000  }
0x86: {  	[sflag:s19] =	ssyncset.done $0x0  }
0x87: {  	[sflag:s19] =	ssyncadd.s32 $0xFFFFC000  }
0x88: {  	[spmem:s1] =	stream.indirect.scatter.add.f32 [tilespmem:s15], [sflag:$0x3], $0x80, s17, s18, $0xb8;
	[tilespmem:$0x1E800] =	vst v63  }
0x89: {  	_ = 	snop  }
0x8a: {  	[tilespmem:s25], [sflag:$0x2] =	stream.indirect.gather [hbm4b:s4+s18], $0x80, s18, s18, $0xb8;
	[tilespmem:$0x1E800] =	vst v63  }
0x8b: {  	_ =	swait.ge [sflag:s26], $0x4000  }
0x8c: {  	[sflag:s26] =	ssyncset.done $0x0  }
0x8d: {  	[sflag:s26] =	ssyncadd.s32 $0xFFFFC000  }
0x8e: {  	_ =	swait.ge [sflag:s28], $0x4000  }
0x8f: {  	[sflag:s28] =	ssyncset.done $0x0  }
0x90: {  	s0 =	simm.s32 $0x1480;
	[sflag:s28] =	ssyncadd.s32 $0xFFFFC000  }
0x91: {  	[spmem:s1] =	stream.indirect.scatter.add.f32 [tilespmem:s25], [sflag:$0x4], $0x80, s0, s18, $0xb8;
	[tilespmem:$0x1E800] =	vst v63  }
0x92: {  	s3 =	simm.s32 $0x100  }
0x93: {  	[tilespmem:s15], [sflag:$0x1] =	stream.indirect.gather [hbm4b:s4+s18], $0x80, s3, s18, $0xb8;
	[tilespmem:$0x1E800] =	vst v63  }
0x94: {  	_ =	swait.ge [sflag:s19], $0x4000  }
0x95: {  	[sflag:s19] =	ssyncset.done $0x0  }
0x96: {  	[sflag:s19] =	ssyncadd.s32 $0xFFFFC000  }
0x97: {  	_ =	swait.ge [sflag:s29], $0x4000  }
0x98: {  	s10 =	simm.s32 $0x1500;
	[sflag:s29] =	ssyncset.done $0x0  }
0x99: {  	s0 =	simm.s32 $0xFFFFB800;
	s3 =	simm.s32 $0x180;
	[sflag:s29] =	ssyncadd.s32 $0xFFFFC000  }
0x9a: {  	[spmem:s1] =	stream.indirect.scatter.add.f32 [tilespmem:s15], [sflag:$0x3], $0x80, s10, s18, $0xb8;
	[tilespmem:$0x1E800] =	vst v63  }
.LBB2_6:
0x9b: {  	[tilespmem:s25], [sflag:$0x2] =	stream.indirect.gather [hbm4b:s4+s18], $0x80, s3, s18, $0xb8;
	[tilespmem:$0x1E800] =	vst v63  }
0x9c: {  	s3 =	smov.u32 s0  }
0x9d: {  	p0 =	sne.s32 s0, $0xFFFFFC00;
	s0 =	sadd.s32 $0x400, s0;
	_ =	swait.ge [sflag:s26], $0x4000  }
0x9e: {  	[sflag:s26] =	ssyncset.done $0x0  }
0x9f: {  	[sflag:s26] =	ssyncadd.s32 $0xFFFFC000  }
0xa0: {  	_ =	swait.ge [sflag:s28], $0x4000  }
0xa1: {  	s3 =	sshra.s32 s3, $0x2;
	[sflag:s28] =	ssyncset.done $0x0  }
0xa2: {  	s10 =	sadd.s32 $0x2780, s3;
	[sflag:s28] =	ssyncadd.s32 $0xFFFFC000  }
0xa3: {  	[spmem:s1] =	stream.indirect.scatter.add.f32 [tilespmem:s25], [sflag:$0x4], $0x80, s10, s18, $0xb8;
	[tilespmem:$0x1E800] =	vst v63  }
0xa4: {  	s10 =	sadd.s32 $0x1400, s3  }
0xa5: {  	[tilespmem:s15], [sflag:$0x1] =	stream.indirect.gather [hbm4b:s4+s18], $0x80, s10, s18, $0xb8;
	[tilespmem:$0x1E800] =	vst v63  }
0xa6: {  	_ =	swait.ge [sflag:s19], $0x4000  }
0xa7: {  	[sflag:s19] =	ssyncset.done $0x0  }
0xa8: {  	[sflag:s19] =	ssyncadd.s32 $0xFFFFC000  }
.Ltmp2:
0xa9: {  	_ =	swait.ge [sflag:s29], $0x4000;
	(pc) =	sbr.rel @p0 .LBB2_6-.Ltmp2, $4  }
0xaa: {  	[sflag:s29] =	ssyncset.done $0x0  }
0xab: {  	s10 =	sadd.s32 $0x2800, s3;
	[sflag:s29] =	ssyncadd.s32 $0xFFFFC000  }
0xac: {  	[spmem:s1] =	stream.indirect.scatter.add.f32 [tilespmem:s15], [sflag:$0x3], $0x80, s10, s18, $0xb8;
	[tilespmem:$0x1E800] =	vst v63  }
0xad: {  	s3 =	sadd.s32 $0x1480, s3  }
0xae: {  	[tilespmem:s25], [sflag:$0x2] =	stream.indirect.gather [hbm4b:s4+s18], $0x80, s3, s18, $0xb8;
	[tilespmem:$0x1E800] =	vst v63  }
0xaf: {  	_ =	swait.ge [sflag:s26], $0x4000  }
0xb0: {  	[sflag:s26] =	ssyncset.done $0x0  }
0xb1: {  	[sflag:s26] =	ssyncadd.s32 $0xFFFFC000  }
0xb2: {  	_ =	swait.ge [sflag:s28], $0x4000  }
0xb3: {  	[sflag:s28] =	ssyncset.done $0x0  }
0xb4: {  	[sflag:s28] =	ssyncadd.s32 $0xFFFFC000  }
0xb5: {  	[spmem:s1] =	stream.indirect.scatter.add.f32 [tilespmem:s25], [sflag:$0x4], $0x80, s30, s18, $0xb8;
	[tilespmem:$0x1E800] =	vst v63  }
0xb6: {  	_ =	swait.ge [sflag:s29], $0x4000  }
0xb7: {  	s0 =	stileid.u32;
	[sflag:s29] =	ssyncset.done $0x0  }
0xb8: {  	s0 =	sshll.u32 s0, $0x6;
	[sflag:s29] =	ssyncadd.s32 $0xFFFFC000  }
0xb9: {  	s10 =	sshrl.u32 s5, $0x3;
	s0 =	sor.u32 $0x1C05, s0;
	[bflag:$0x0] =	sbarrier.arrive $0xFFFF  }
0xba: {  	[hbm:s20], [sflag:s0] =	dma.local [spmem:s10], $0x800  }
0xbb: {  	_ =	swait.ge [sflag:s16], $0x800  }
0xbc: {  	[sflag:s16] =	ssyncset.done $0x0  }
0xbd: {  	s10 =	sshrl.u32 s6, $0x3;
	[sflag:s16] =	ssyncadd.s32 $0xFFFFF800  }
0xbe: {  	[hbm:s21], [sflag:s0] =	dma.local [spmem:s10], $0x800  }
0xbf: {  	_ =	swait.ge [sflag:s16], $0x800  }
0xc0: {  	[sflag:s16] =	ssyncset.done $0x0  }
0xc1: {  	s10 =	sshrl.u32 s7, $0x3;
	[sflag:s16] =	ssyncadd.s32 $0xFFFFF800  }
0xc2: {  	[hbm:s22], [sflag:s0] =	dma.local [spmem:s10], $0x800  }
0xc3: {  	_ =	swait.ge [sflag:s16], $0x800  }
0xc4: {  	[sflag:s16] =	ssyncset.done $0x0  }
0xc5: {  	s10 =	sshrl.u32 s8, $0x3;
	[sflag:s16] =	ssyncadd.s32 $0xFFFFF800  }
0xc6: {  	[hbm:s23], [sflag:s0] =	dma.local [spmem:s10], $0x800  }
0xc7: {  	s31 =	sadd.s32 $0x1, s31;
	_ =	swait.ge [sflag:s16], $0x800  }
0xc8: {  	p0 =	sne.s32 s31, s14;
	[sflag:s16] =	ssyncset.done $0x0  }
.Ltmp3:
0xc9: {  	s10 =	sshrl.u32 s9, $0x3;
	[sflag:s16] =	ssyncadd.s32 $0xFFFFF800;
	(pc) =	sbr.rel @p0 .LBB2_1-.Ltmp3, $4  }
0xca: {  	[hbm:s24], [sflag:s0] =	dma.local [spmem:s10], $0x800  }
0xcb: {  	_ =	swait.ge [sflag:s16], $0x800  }
0xcc: {  	[sflag:s16] =	ssyncset.done $0x0  }
0xcd: {  	[sflag:s16] =	ssyncadd.s32 $0xFFFFF800  }
0xce: {  	_ =	sfence.sel $0x180000  }
0xcf: {  	[bflag:$0x0] =	sbarrier.arrive $0xFFFF  }
0xd0: {  	_ =	strace $0x90000053  }
0xd1: {  	s0 =	stileid.u32;
	[bflag:$0x2] =	sbarrier.arrive $0xFFFF  }
0xd2: {  	p0 =	sne.s32 s0, $0x0;
	s0 =	rddreg [dreg:$0x2]  }
0xd3: {  	s0 =	sadd.s32 @!p0 $0x100000, s0  }
0xd4: {  	[sflag:s0] =	ssyncadd.tile.s32 @!p0 $0x1;
	_ =	shalt  }
.Lfunc_end2:
_tile_overlayer_lowered:
.L_overlay_start_2:
0xd5: {  	(tag) =	ssettag $0x2  }
0xd6: {  	s0 =	rddreg [dreg:$0x0];
	s2 =	stileid.u32  }
0xd7: {  	s1 =	rddreg [dreg:$0x1];
	p0 =	sne.s32 s2, $0x0  }
0xd8: {  	s3 =	rddreg [dreg:$0x2];
	[bflag:$0x3] =	sbarrier.arrive $0xFFFF;
	s2 =	simm.s32 @!p0 $0x1C05  }
0xd9: {  	[timem:s3], [sflag:s2] =	dma.local @!p0 [hbm:s0], s1  }
0xda: {  	s0 =	simm.s32 @!p0 $0x5  }
0xdb: {  	_ =	swait.ge @!p0 [sflag:s0], s1  }
0xdc: {  	s1 =	ssub.s32 @!p0 $0x0, s1;
	[sflag:s0] =	ssyncset.done @!p0 $0x0  }
0xdd: {  	[sflag:s0] =	ssyncadd.s32 @!p0 s1  }
0xde: {  	[bflag:$0x3] =	sbarrier.arrive $0xFFFF  }
0xdf: {  	_ =	shalt  }

</sc_bundles>
